<compile_context>
chip_gen: v7x
topology: tpu7x:2x2x1
jax: 0.10.2.dev20260603
libtpu: 0.0.44.dev20260713+nightly
codegen_flags: <defaults>
</compile_context>

<pallas_src>
import jax
import jax.numpy as jnp
from jax import lax
from jax.experimental import pallas as pl
from jax.experimental.pallas import tpu as pltpu
from jax.experimental.pallas import tpu_sc as plsc

N_NODES = 10000
N_PAD = 10240
N_CORES = 2
N_SUB = 16
N_TILES = N_CORES * N_SUB
CHUNK = 128
GRP = 8
N_GRP = 10
T_CHUNKS = GRP * N_GRP
E_PAD = N_TILES * T_CHUNKS * CHUNK
RPT = N_PAD // N_SUB


def _make_segsum():
  mesh = plsc.VectorSubcoreMesh(core_axis_name="c", subcore_axis_name="s")
  out_type = [jax.ShapeDtypeStruct((N_CORES, N_PAD, 128), jnp.float32)]
  scratch = [
      pltpu.VMEM((GRP, CHUNK), jnp.int32),
      pltpu.VMEM((GRP, CHUNK), jnp.int32),
      pltpu.VMEM((CHUNK, 128), jnp.float32),
      pltpu.VMEM((16, 128), jnp.float32),
      pltpu.VMEM_SHARED((N_PAD, 128), jnp.float32),
  ]

  def body(feat, srcg, dstg, out, sidx, didx, rows, zbuf, acc):
    c = lax.axis_index("c")
    s = lax.axis_index("s")
    wid = c * N_SUB + s

    z16 = jnp.zeros((16,), jnp.float32)
    for i in range(16):
      for j in range(128 // 16):
        zbuf[i, pl.ds(j * 16, 16)] = z16

    base = s * RPT

    def zbody(i, carry):
      pltpu.sync_copy(zbuf, acc.at[pl.ds(base + i * 16, 16)])
      return carry

    lax.fori_loop(0, RPT // 16, zbody, 0)
    plsc.subcore_barrier()

    def gbody(g, carry):
      pltpu.sync_copy(srcg.at[wid, pl.ds(g * GRP, GRP)], sidx)
      pltpu.sync_copy(dstg.at[wid, pl.ds(g * GRP, GRP)], didx)
      for j in range(GRP):
        pltpu.sync_copy(feat.at[sidx.at[j]], rows)
        pltpu.sync_copy(rows, acc.at[didx.at[j]], add=True)
      return carry

    lax.fori_loop(0, N_GRP, gbody, 0)
    plsc.subcore_barrier()

    pltpu.sync_copy(acc.at[pl.ds(base, RPT)], out.at[c, pl.ds(base, RPT)])

  return pl.kernel(body, out_type=out_type, mesh=mesh, scratch_types=scratch)


def _make_deghist():
  mesh = plsc.VectorSubcoreMesh(core_axis_name="c", subcore_axis_name="s")

  def body(dstg, dego, didx, hist):
    c = lax.axis_index("c")
    s = lax.axis_index("s")
    wid = c * N_SUB + s
    z16 = jnp.zeros((16,), jnp.float32)
    o16 = jnp.ones((16,), jnp.float32)

    def zb(i, carry):
      hist[pl.ds(i * 16, 16)] = z16
      return carry

    lax.fori_loop(0, N_PAD // 16, zb, 0)

    def eb(t, carry):
      pltpu.sync_copy(dstg.at[wid, t], didx)
      for k in range(CHUNK // 16):
        plsc.addupdate_scatter(hist, [didx[pl.ds(k * 16, 16)]], o16)
      return carry

    lax.fori_loop(0, T_CHUNKS, eb, 0)
    pltpu.sync_copy(hist, dego.at[wid])

  return pl.kernel(
      body,
      out_type=[jax.ShapeDtypeStruct((N_TILES, N_PAD), jnp.float32)],
      mesh=mesh,
      compiler_params=pltpu.CompilerParams(needs_layout_passes=False),
      scratch_types=[pltpu.VMEM((CHUNK,), jnp.int32),
                     pltpu.VMEM((N_PAD,), jnp.float32)])


_segsum = _make_segsum()
_deghist = _make_deghist()

_R = 1024


def _tc1_body(p0, p1, dg, xb, w1l, b1, w1r, w2l, w2r, b2, g_out, r_out):
  deg = jnp.sum(dg[...], axis=1, keepdims=True)
  rdeg = 1.0 / jnp.maximum(deg, 1.0)
  mean = (p0[...] + p1[...]) * rdeg
  h = jnp.dot(mean, w1l[...], preferred_element_type=jnp.float32)
  h = h + jnp.dot(xb[...], w1r[...], preferred_element_type=jnp.float32)
  h = jnp.maximum(h + b1[...], 0.0)
  g_out[...] = jnp.dot(h, w2l[...], preferred_element_type=jnp.float32)
  r_out[...] = jnp.dot(h, w2r[...], preferred_element_type=jnp.float32) + b2[...]


def _tc2_body(q0, q1, dg, r, o):
  deg = jnp.sum(dg[...], axis=1, keepdims=True)
  rdeg = 1.0 / jnp.maximum(deg, 1.0)
  o[...] = (q0[...] + q1[...]) * rdeg + r[...]


_tc1 = pl.pallas_call(
    _tc1_body,
    grid=(N_PAD // _R,),
    in_specs=[
        pl.BlockSpec((_R, 128), lambda i: (i, 0)),
        pl.BlockSpec((_R, 128), lambda i: (i, 0)),
        pl.BlockSpec((_R, N_TILES), lambda i: (i, 0)),
        pl.BlockSpec((_R, 128), lambda i: (i, 0)),
        pl.BlockSpec((128, 256), lambda i: (0, 0)),
        pl.BlockSpec((1, 256), lambda i: (0, 0)),
        pl.BlockSpec((128, 256), lambda i: (0, 0)),
        pl.BlockSpec((256, 128), lambda i: (0, 0)),
        pl.BlockSpec((256, 128), lambda i: (0, 0)),
        pl.BlockSpec((1, 128), lambda i: (0, 0)),
    ],
    out_specs=[
        pl.BlockSpec((_R, 128), lambda i: (i, 0)),
        pl.BlockSpec((_R, 128), lambda i: (i, 0)),
    ],
    out_shape=[
        jax.ShapeDtypeStruct((N_PAD, 128), jnp.float32),
        jax.ShapeDtypeStruct((N_PAD, 128), jnp.float32),
    ],
)

_tc2 = pl.pallas_call(
    _tc2_body,
    grid=(N_PAD // _R,),
    in_specs=[
        pl.BlockSpec((_R, 128), lambda i: (i, 0)),
        pl.BlockSpec((_R, 128), lambda i: (i, 0)),
        pl.BlockSpec((_R, N_TILES), lambda i: (i, 0)),
        pl.BlockSpec((_R, 128), lambda i: (i, 0)),
    ],
    out_specs=pl.BlockSpec((_R, 128), lambda i: (i, 0)),
    out_shape=jax.ShapeDtypeStruct((N_PAD, 128), jnp.float32),
)


def kernel(x, edge_index, W1l, b1, W1r, W2l, b2, W2r):
  src = edge_index[0].astype(jnp.int32)
  dst = edge_index[1].astype(jnp.int32)
  e = src.shape[0]
  pad = E_PAD - e
  srcg = jnp.concatenate([src, jnp.zeros((pad,), jnp.int32)]).reshape(
      N_TILES, T_CHUNKS, CHUNK)
  dstg = jnp.concatenate([dst, jnp.full((pad,), N_NODES, jnp.int32)]).reshape(
      N_TILES, T_CHUNKS, CHUNK)
  xp = jnp.pad(x, ((0, N_PAD - x.shape[0]), (0, 0)))
  (p,) = _segsum(xp, srcg, dstg)
  (dego,) = _deghist(dstg)
  degs = dego.T
  g, r = _tc1(p[0], p[1], degs, xp, W1l.T, b1.reshape(1, -1), W1r.T,
              W2l.T, W2r.T, b2.reshape(1, -1))
  (q,) = _segsum(g, srcg, dstg)
  out = _tc2(q[0], q[1], degs, r)
  return out[:N_NODES]

# --- scband reference (transcript-rebuilt; emitter-appended) ---
"""Pipeline reference for scband-gnnexperimental-65704409694311 (READ-ONLY COPY).

The authoritative reference and input builder live on the scoring server;
editing this copy changes nothing except your own understanding.
"""

import jax, jax.numpy as jnp
import numpy as np

N_NODES = 10000
N_EDGES = 320000
IN_CH = 128
HID_CH = 256
OUT_CH = 128


def _glorot(key, shape):
    fan_in, fan_out = shape[1], shape[0]
    limit = np.sqrt(6.0 / (fan_in + fan_out))
    return jax.random.uniform(key, shape, dtype=jnp.float32, minval=-limit, maxval=limit)


def setup_inputs(seed: int = 0) -> dict:
    key = jax.random.key(seed)
    ks = jax.random.split(key, 8)
    x = jax.random.normal(ks[0], (N_NODES, IN_CH), dtype=jnp.float32)
    edge_index = jax.random.randint(ks[1], (2, N_EDGES), 0, N_NODES, dtype=jnp.int64)
    # SAGEConv layer 1: in=128 -> hidden=256. lin_l has bias, lin_r has no bias (PyG default)
    W1l = _glorot(ks[2], (HID_CH, IN_CH))
    b1 = jnp.zeros((HID_CH,), dtype=jnp.float32)
    W1r = _glorot(ks[3], (HID_CH, IN_CH))
    # SAGEConv layer 2: hidden=256 -> out=128
    W2l = _glorot(ks[4], (OUT_CH, HID_CH))
    b2 = jnp.zeros((OUT_CH,), dtype=jnp.float32)
    W2r = _glorot(ks[5], (OUT_CH, HID_CH))
    return {"x": x, "edge_index": edge_index, "W1l": W1l, "b1": b1, "W1r": W1r,
            "W2l": W2l, "b2": b2, "W2r": W2r}


def _sage_conv(x, edge_index, Wl, bl, Wr):
    # PyG SAGEConv with mean aggregation:
    # out = lin_l(mean_{j in N(i)} x_j) + lin_r(x_i)
    src = edge_index[0]
    dst = edge_index[1]
    msgs = jnp.take(x, src, axis=0)                      # gather
    n = x.shape[0]
    summed = jax.ops.segment_sum(msgs, dst, num_segments=n)   # scatter-add
    deg = jax.ops.segment_sum(jnp.ones((src.shape[0],), dtype=x.dtype), dst, num_segments=n)
    mean = summed / jnp.maximum(deg, 1.0)[:, None]
    return mean @ Wl.T + bl + x @ Wr.T


def reference(x, edge_index, W1l, b1, W1r, W2l, b2, W2r):
    # Layer 1 + ReLU (dropout is identity in eval mode)
    h = _sage_conv(x, edge_index, W1l, b1, W1r)
    h = jax.nn.relu(h)
    # Layer 2 (final layer: no activation)
    out = _sage_conv(h, edge_index, W2l, b2, W2r)
    return out

if __name__ == "__main__":
    import jax
    _d = setup_inputs()
    print(jax.jit(kernel)(*tuple(_d.values())))

</pallas_src>

<mosaic_0001>
#map = affine_map<(d0, d1) -> (0, 0, 0)>
#map1 = affine_map<(d0, d1) -> (0, 0)>
module attributes {stable_mosaic.version = 14 : i64} {
  func.func @body(%arg0: i32, %arg1: i32, %arg2: memref<32x80x128xi32, #tpu.memory_space<hbm>>, %arg3: memref<32x10240xf32, #tpu.memory_space<hbm>>, %arg4: memref<128xi32, #tpu.memory_space<vmem>>, %arg5: memref<10240xf32, #tpu.memory_space<vmem>>) attributes {dimension_semantics = [#tpu.dimension_semantics<core_parallel>, #tpu.dimension_semantics<subcore_parallel>], iteration_bounds = array<i64: 2, 16>, scalar_prefetch = 0 : i64, scratch_operands = 2 : i64, tpu.core_type = #tpu.core_type<sc_vector_subcore>, window_params = [{transform_indices = #map}, {transform_indices = #map1}]} {
    %mul3A = arith.constant 16 : i32
    %mul3A_0 = arith.muli %arg0, %mul3A : i32
    %add3A = arith.addi %mul3A_0, %arg1 : i32
    %broadcast_in_dim3A = arith.constant 0.000000e+00 : f32
    %broadcast_in_dim3A_1 = vector.broadcast %broadcast_in_dim3A : f32 to vector<16xf32>
    %broadcast_in_dim3A_2 = arith.constant 1.000000e+00 : f32
    %broadcast_in_dim3A_3 = vector.broadcast %broadcast_in_dim3A_2 : f32 to vector<16xf32>
    %scan3A = arith.constant 0 : i32
    %scan3A_4 = arith.constant 0 : i32
    %scan3A_5 = arith.constant 640 : i32
    %scan3A_6 = arith.addi %scan3A_4, %scan3A_5 : i32
    %scan3A_7 = arith.constant 1 : i32
    scf.for %scan3A_15 = %scan3A_4 to %scan3A_6 step %scan3A_7  : i32 {
      %mul3A_16 = arith.constant 16 : i32
      %mul3A_17 = arith.muli %scan3A_15, %mul3A_16 : i32
      %swap3A = arith.index_cast %mul3A_17 : i32 to index
      %swap3A_18 = tpu.vector_load %arg5[%swap3A] {strides = array<i32>} : memref<10240xf32, #tpu.memory_space<vmem>>, vector<16xf32>,
      tpu.vector_store %arg5[%swap3A], %broadcast_in_dim3A_1 {strides = array<i32>} : memref<10240xf32, #tpu.memory_space<vmem>>, vector<16xf32>,
    }
    %scan3A_8 = arith.constant 640 : i32
    %scan3A_9 = arith.constant 0 : i32
    %scan3A_10 = arith.constant 0 : i32
    %scan3A_11 = arith.constant 80 : i32
    %scan3A_12 = arith.addi %scan3A_10, %scan3A_11 : i32
    %scan3A_13 = arith.constant 1 : i32
    scf.for %scan3A_15 = %scan3A_10 to %scan3A_12 step %scan3A_13  : i32 {
      "tpu.region"() ({
        %run_scoped3A = tpu.sem_alloc : memref<!tpu.dma_semaphore, #tpu.memory_space<semaphore_mem>>
        %dma_start3A = arith.constant 0 : i32
        %dma_start3A_31 = tpu.memref_slice %arg2[%add3A, %scan3A_15, %dma_start3A] : memref<32x80x128xi32, #tpu.memory_space<hbm>> -> memref<1x1x128xi32, #tpu.memory_space<hbm>>
        %dma_start3A_32 = tpu.memref_squeeze %dma_start3A_31 : memref<1x1x128xi32, #tpu.memory_space<hbm>> -> memref<128xi32, #tpu.memory_space<hbm>>
        %dma_start3A_33 = arith.constant 0 : i32
        %dma_start3A_34 = tpu.memref_slice %arg2[%add3A, %scan3A_15, %dma_start3A_33] : memref<32x80x128xi32, #tpu.memory_space<hbm>> -> memref<1x1x128xi32, #tpu.memory_space<hbm>>
        %dma_start3A_35 = tpu.memref_squeeze %dma_start3A_34 : memref<1x1x128xi32, #tpu.memory_space<hbm>> -> memref<128xi32, #tpu.memory_space<hbm>>
        tpu.enqueue_dma source(%dma_start3A_35 : memref<128xi32, #tpu.memory_space<hbm>>) target(%arg4 : memref<128xi32, #tpu.memory_space<vmem>>) target_semaphore(%run_scoped3A : memref<!tpu.dma_semaphore, #tpu.memory_space<semaphore_mem>>)
        %dma_wait3A = arith.constant 0 : i32
        %dma_wait3A_36 = tpu.memref_slice %arg2[%add3A, %scan3A_15, %dma_wait3A] : memref<32x80x128xi32, #tpu.memory_space<hbm>> -> memref<1x1x128xi32, #tpu.memory_space<hbm>>
        %dma_wait3A_37 = tpu.memref_squeeze %dma_wait3A_36 : memref<1x1x128xi32, #tpu.memory_space<hbm>> -> memref<128xi32, #tpu.memory_space<hbm>>
        %dma_wait3A_38 = arith.constant 0 : i32
        %dma_wait3A_39 = tpu.memref_slice %arg2[%add3A, %scan3A_15, %dma_wait3A_38] : memref<32x80x128xi32, #tpu.memory_space<hbm>> -> memref<1x1x128xi32, #tpu.memory_space<hbm>>
        %dma_wait3A_40 = tpu.memref_squeeze %dma_wait3A_39 : memref<1x1x128xi32, #tpu.memory_space<hbm>> -> memref<128xi32, #tpu.memory_space<hbm>>
        tpu.wait_dma2 semaphore(%run_scoped3A : memref<!tpu.dma_semaphore, #tpu.memory_space<semaphore_mem>>) src(%dma_wait3A_40 : memref<128xi32, #tpu.memory_space<hbm>>) dst(%arg4 : memref<128xi32, #tpu.memory_space<vmem>>)
        tpu.yield
      }) : () -> ()
      %get3A = arith.constant 0 : index
      %get3A_16 = tpu.vector_load %arg4[%get3A] {strides = array<i32>} : memref<128xi32, #tpu.memory_space<vmem>>, vector<16xi32>,
      tpu.vector_store_idx %arg5[%get3A_16], %broadcast_in_dim3A_3 {add = true} : memref<10240xf32, #tpu.memory_space<vmem>>[vector<16xi32>], vector<16xf32>,
      %get3A_17 = arith.constant 16 : index
      %get3A_18 = tpu.vector_load %arg4[%get3A_17] {strides = array<i32>} : memref<128xi32, #tpu.memory_space<vmem>>, vector<16xi32>,
      tpu.vector_store_idx %arg5[%get3A_18], %broadcast_in_dim3A_3 {add = true} : memref<10240xf32, #tpu.memory_space<vmem>>[vector<16xi32>], vector<16xf32>,
      %get3A_19 = arith.constant 32 : index
      %get3A_20 = tpu.vector_load %arg4[%get3A_19] {strides = array<i32>} : memref<128xi32, #tpu.memory_space<vmem>>, vector<16xi32>,
      tpu.vector_store_idx %arg5[%get3A_20], %broadcast_in_dim3A_3 {add = true} : memref<10240xf32, #tpu.memory_space<vmem>>[vector<16xi32>], vector<16xf32>,
      %get3A_21 = arith.constant 48 : index
      %get3A_22 = tpu.vector_load %arg4[%get3A_21] {strides = array<i32>} : memref<128xi32, #tpu.memory_space<vmem>>, vector<16xi32>,
      tpu.vector_store_idx %arg5[%get3A_22], %broadcast_in_dim3A_3 {add = true} : memref<10240xf32, #tpu.memory_space<vmem>>[vector<16xi32>], vector<16xf32>,
      %get3A_23 = arith.constant 64 : index
      %get3A_24 = tpu.vector_load %arg4[%get3A_23] {strides = array<i32>} : memref<128xi32, #tpu.memory_space<vmem>>, vector<16xi32>,
      tpu.vector_store_idx %arg5[%get3A_24], %broadcast_in_dim3A_3 {add = true} : memref<10240xf32, #tpu.memory_space<vmem>>[vector<16xi32>], vector<16xf32>,
      %get3A_25 = arith.constant 80 : index
      %get3A_26 = tpu.vector_load %arg4[%get3A_25] {strides = array<i32>} : memref<128xi32, #tpu.memory_space<vmem>>, vector<16xi32>,
      tpu.vector_store_idx %arg5[%get3A_26], %broadcast_in_dim3A_3 {add = true} : memref<10240xf32, #tpu.memory_space<vmem>>[vector<16xi32>], vector<16xf32>,
      %get3A_27 = arith.constant 96 : index
      %get3A_28 = tpu.vector_load %arg4[%get3A_27] {strides = array<i32>} : memref<128xi32, #tpu.memory_space<vmem>>, vector<16xi32>,
      tpu.vector_store_idx %arg5[%get3A_28], %broadcast_in_dim3A_3 {add = true} : memref<10240xf32, #tpu.memory_space<vmem>>[vector<16xi32>], vector<16xf32>,
      %get3A_29 = arith.constant 112 : index
      %get3A_30 = tpu.vector_load %arg4[%get3A_29] {strides = array<i32>} : memref<128xi32, #tpu.memory_space<vmem>>, vector<16xi32>,
      tpu.vector_store_idx %arg5[%get3A_30], %broadcast_in_dim3A_3 {add = true} : memref<10240xf32, #tpu.memory_space<vmem>>[vector<16xi32>], vector<16xf32>,
    }
    %scan3A_14 = arith.constant 80 : i32
    "tpu.region"() ({
      %run_scoped3A = tpu.sem_alloc : memref<!tpu.dma_semaphore, #tpu.memory_space<semaphore_mem>>
      %dma_start3A = arith.constant 0 : i32
      %dma_start3A_15 = tpu.memref_slice %arg3[%add3A, %dma_start3A] : memref<32x10240xf32, #tpu.memory_space<hbm>> -> memref<1x10240xf32, #tpu.memory_space<hbm>>
      %dma_start3A_16 = tpu.memref_squeeze %dma_start3A_15 : memref<1x10240xf32, #tpu.memory_space<hbm>> -> memref<10240xf32, #tpu.memory_space<hbm>>
      %dma_start3A_17 = arith.constant 0 : i32
      %dma_start3A_18 = tpu.memref_slice %arg3[%add3A, %dma_start3A_17] : memref<32x10240xf32, #tpu.memory_space<hbm>> -> memref<1x10240xf32, #tpu.memory_space<hbm>>
      %dma_start3A_19 = tpu.memref_squeeze %dma_start3A_18 : memref<1x10240xf32, #tpu.memory_space<hbm>> -> memref<10240xf32, #tpu.memory_space<hbm>>
      tpu.enqueue_dma source(%arg5 : memref<10240xf32, #tpu.memory_space<vmem>>) target(%dma_start3A_19 : memref<10240xf32, #tpu.memory_space<hbm>>) target_semaphore(%run_scoped3A : memref<!tpu.dma_semaphore, #tpu.memory_space<semaphore_mem>>)
      %dma_wait3A = arith.constant 0 : i32
      %dma_wait3A_20 = tpu.memref_slice %arg3[%add3A, %dma_wait3A] : memref<32x10240xf32, #tpu.memory_space<hbm>> -> memref<1x10240xf32, #tpu.memory_space<hbm>>
      %dma_wait3A_21 = tpu.memref_squeeze %dma_wait3A_20 : memref<1x10240xf32, #tpu.memory_space<hbm>> -> memref<10240xf32, #tpu.memory_space<hbm>>
      %dma_wait3A_22 = arith.constant 0 : i32
      %dma_wait3A_23 = tpu.memref_slice %arg3[%add3A, %dma_wait3A_22] : memref<32x10240xf32, #tpu.memory_space<hbm>> -> memref<1x10240xf32, #tpu.memory_space<hbm>>
      %dma_wait3A_24 = tpu.memref_squeeze %dma_wait3A_23 : memref<1x10240xf32, #tpu.memory_space<hbm>> -> memref<10240xf32, #tpu.memory_space<hbm>>
      tpu.wait_dma2 semaphore(%run_scoped3A : memref<!tpu.dma_semaphore, #tpu.memory_space<semaphore_mem>>) src(%arg5 : memref<10240xf32, #tpu.memory_space<vmem>>) dst(%dma_wait3A_24 : memref<10240xf32, #tpu.memory_space<hbm>>)
      tpu.yield
    }) : () -> ()
    return
  }
}

#map = affine_map<(d0, d1) -> (0, 0)>
#map1 = affine_map<(d0, d1) -> (0, 0, 0)>
module attributes {stable_mosaic.version = 14 : i64} {
  func.func @body(%arg0: i32, %arg1: i32, %arg2: memref<10240x128xf32, #tpu.memory_space<hbm>>, %arg3: memref<32x80x128xi32, #tpu.memory_space<hbm>>, %arg4: memref<32x80x128xi32, #tpu.memory_space<hbm>>, %arg5: memref<2x10240x128xf32, #tpu.memory_space<hbm>>, %arg6: memref<8x128xi32, #tpu.memory_space<vmem>>, %arg7: memref<8x128xi32, #tpu.memory_space<vmem>>, %arg8: memref<128x128xf32, #tpu.memory_space<vmem>>, %arg9: memref<16x128xf32, #tpu.memory_space<vmem>>, %arg10: memref<10240x128xf32, #tpu.memory_space<vmem_shared>>) attributes {dimension_semantics = [#tpu.dimension_semantics<core_parallel>, #tpu.dimension_semantics<subcore_parallel>], iteration_bounds = array<i64: 2, 16>, scalar_prefetch = 0 : i64, scratch_operands = 5 : i64, tpu.core_type = #tpu.core_type<sc_vector_subcore>, window_params = [{transform_indices = #map}, {transform_indices = #map1}, {transform_indices = #map1}, {transform_indices = #map1}]} {
    %mul3A = arith.constant 16 : i32
    %mul3A_0 = arith.muli %arg0, %mul3A : i32
    %add3A = arith.addi %mul3A_0, %arg1 : i32
    %broadcast_in_dim3A = arith.constant 0.000000e+00 : f32
    %broadcast_in_dim3A_1 = vector.broadcast %broadcast_in_dim3A : f32 to vector<16xf32>
    %swap3A = arith.constant 0 : i32
    %swap3A_2 = arith.index_cast %swap3A : i32 to index
    %swap3A_3 = arith.constant 0 : index
    %swap3A_4 = tpu.vector_load %arg9[%swap3A_2, %swap3A_3] {strides = array<i32>} : memref<16x128xf32, #tpu.memory_space<vmem>>, vector<1x16xf32>,
    %swap3A_5 = vector.shape_cast %swap3A_4 : vector<1x16xf32> to vector<16xf32>
    %swap3A_6 = vector.shape_cast %broadcast_in_dim3A_1 : vector<16xf32> to vector<1x16xf32>
    tpu.vector_store %arg9[%swap3A_2, %swap3A_3], %swap3A_6 {strides = array<i32>} : memref<16x128xf32, #tpu.memory_space<vmem>>, vector<1x16xf32>,
    %swap3A_7 = arith.constant 0 : i32
    %swap3A_8 = arith.index_cast %swap3A_7 : i32 to index
    %swap3A_9 = arith.constant 16 : index
    %swap3A_10 = tpu.vector_load %arg9[%swap3A_8, %swap3A_9] {strides = array<i32>} : memref<16x128xf32, #tpu.memory_space<vmem>>, vector<1x16xf32>,
    %swap3A_11 = vector.shape_cast %swap3A_10 : vector<1x16xf32> to vector<16xf32>
    %swap3A_12 = vector.shape_cast %broadcast_in_dim3A_1 : vector<16xf32> to vector<1x16xf32>
    tpu.vector_store %arg9[%swap3A_8, %swap3A_9], %swap3A_12 {strides = array<i32>} : memref<16x128xf32, #tpu.memory_space<vmem>>, vector<1x16xf32>,
    %swap3A_13 = arith.constant 0 : i32
    %swap3A_14 = arith.index_cast %swap3A_13 : i32 to index
    %swap3A_15 = arith.constant 32 : index
    %swap3A_16 = tpu.vector_load %arg9[%swap3A_14, %swap3A_15] {strides = array<i32>} : memref<16x128xf32, #tpu.memory_space<vmem>>, vector<1x16xf32>,
    %swap3A_17 = vector.shape_cast %swap3A_16 : vector<1x16xf32> to vector<16xf32>
    %swap3A_18 = vector.shape_cast %broadcast_in_dim3A_1 : vector<16xf32> to vector<1x16xf32>
    tpu.vector_store %arg9[%swap3A_14, %swap3A_15], %swap3A_18 {strides = array<i32>} : memref<16x128xf32, #tpu.memory_space<vmem>>, vector<1x16xf32>,
    %swap3A_19 = arith.constant 0 : i32
    %swap3A_20 = arith.index_cast %swap3A_19 : i32 to index
    %swap3A_21 = arith.constant 48 : index
    %swap3A_22 = tpu.vector_load %arg9[%swap3A_20, %swap3A_21] {strides = array<i32>} : memref<16x128xf32, #tpu.memory_space<vmem>>, vector<1x16xf32>,
    %swap3A_23 = vector.shape_cast %swap3A_22 : vector<1x16xf32> to vector<16xf32>
    %swap3A_24 = vector.shape_cast %broadcast_in_dim3A_1 : vector<16xf32> to vector<1x16xf32>
    tpu.vector_store %arg9[%swap3A_20, %swap3A_21], %swap3A_24 {strides = array<i32>} : memref<16x128xf32, #tpu.memory_space<vmem>>, vector<1x16xf32>,
    %swap3A_25 = arith.constant 0 : i32
    %swap3A_26 = arith.index_cast %swap3A_25 : i32 to index
    %swap3A_27 = arith.constant 64 : index
    %swap3A_28 = tpu.vector_load %arg9[%swap3A_26, %swap3A_27] {strides = array<i32>} : memref<16x128xf32, #tpu.memory_space<vmem>>, vector<1x16xf32>,
    %swap3A_29 = vector.shape_cast %swap3A_28 : vector<1x16xf32> to vector<16xf32>
    %swap3A_30 = vector.shape_cast %broadcast_in_dim3A_1 : vector<16xf32> to vector<1x16xf32>
    tpu.vector_store %arg9[%swap3A_26, %swap3A_27], %swap3A_30 {strides = array<i32>} : memref<16x128xf32, #tpu.memory_space<vmem>>, vector<1x16xf32>,
    %swap3A_31 = arith.constant 0 : i32
    %swap3A_32 = arith.index_cast %swap3A_31 : i32 to index
    %swap3A_33 = arith.constant 80 : index
    %swap3A_34 = tpu.vector_load %arg9[%swap3A_32, %swap3A_33] {strides = array<i32>} : memref<16x128xf32, #tpu.memory_space<vmem>>, vector<1x16xf32>,
    %swap3A_35 = vector.shape_cast %swap3A_34 : vector<1x16xf32> to vector<16xf32>
    %swap3A_36 = vector.shape_cast %broadcast_in_dim3A_1 : vector<16xf32> to vector<1x16xf32>
    tpu.vector_store %arg9[%swap3A_32, %swap3A_33], %swap3A_36 {strides = array<i32>} : memref<16x128xf32, #tpu.memory_space<vmem>>, vector<1x16xf32>,
    %swap3A_37 = arith.constant 0 : i32
    %swap3A_38 = arith.index_cast %swap3A_37 : i32 to index
    %swap3A_39 = arith.constant 96 : index
    %swap3A_40 = tpu.vector_load %arg9[%swap3A_38, %swap3A_39] {strides = array<i32>} : memref<16x128xf32, #tpu.memory_space<vmem>>, vector<1x16xf32>,
    %swap3A_41 = vector.shape_cast %swap3A_40 : vector<1x16xf32> to vector<16xf32>
    %swap3A_42 = vector.shape_cast %broadcast_in_dim3A_1 : vector<16xf32> to vector<1x16xf32>
    tpu.vector_store %arg9[%swap3A_38, %swap3A_39], %swap3A_42 {strides = array<i32>} : memref<16x128xf32, #tpu.memory_space<vmem>>, vector<1x16xf32>,
    %swap3A_43 = arith.constant 0 : i32
    %swap3A_44 = arith.index_cast %swap3A_43 : i32 to index
    %swap3A_45 = arith.constant 112 : index
    %swap3A_46 = tpu.vector_load %arg9[%swap3A_44, %swap3A_45] {strides = array<i32>} : memref<16x128xf32, #tpu.memory_space<vmem>>, vector<1x16xf32>,
    %swap3A_47 = vector.shape_cast %swap3A_46 : vector<1x16xf32> to vector<16xf32>
    %swap3A_48 = vector.shape_cast %broadcast_in_dim3A_1 : vector<16xf32> to vector<1x16xf32>
    tpu.vector_store %arg9[%swap3A_44, %swap3A_45], %swap3A_48 {strides = array<i32>} : memref<16x128xf32, #tpu.memory_space<vmem>>, vector<1x16xf32>,
    %swap3A_49 = arith.constant 1 : i32
    %swap3A_50 = arith.index_cast %swap3A_49 : i32 to index
    %swap3A_51 = arith.constant 0 : index
    %swap3A_52 = tpu.vector_load %arg9[%swap3A_50, %swap3A_51] {strides = array<i32>} : memref<16x128xf32, #tpu.memory_space<vmem>>, vector<1x16xf32>,
    %swap3A_53 = vector.shape_cast %swap3A_52 : vector<1x16xf32> to vector<16xf32>
    %swap3A_54 = vector.shape_cast %broadcast_in_dim3A_1 : vector<16xf32> to vector<1x16xf32>
    tpu.vector_store %arg9[%swap3A_50, %swap3A_51], %swap3A_54 {strides = array<i32>} : memref<16x128xf32, #tpu.memory_space<vmem>>, vector<1x16xf32>,
    %swap3A_55 = arith.constant 1 : i32
    %swap3A_56 = arith.index_cast %swap3A_55 : i32 to index
    %swap3A_57 = arith.constant 16 : index
    %swap3A_58 = tpu.vector_load %arg9[%swap3A_56, %swap3A_57] {strides = array<i32>} : memref<16x128xf32, #tpu.memory_space<vmem>>, vector<1x16xf32>,
    %swap3A_59 = vector.shape_cast %swap3A_58 : vector<1x16xf32> to vector<16xf32>
    %swap3A_60 = vector.shape_cast %broadcast_in_dim3A_1 : vector<16xf32> to vector<1x16xf32>
    tpu.vector_store %arg9[%swap3A_56, %swap3A_57], %swap3A_60 {strides = array<i32>} : memref<16x128xf32, #tpu.memory_space<vmem>>, vector<1x16xf32>,
    %swap3A_61 = arith.constant 1 : i32
    %swap3A_62 = arith.index_cast %swap3A_61 : i32 to index
    %swap3A_63 = arith.constant 32 : index
    %swap3A_64 = tpu.vector_load %arg9[%swap3A_62, %swap3A_63] {strides = array<i32>} : memref<16x128xf32, #tpu.memory_space<vmem>>, vector<1x16xf32>,
    %swap3A_65 = vector.shape_cast %swap3A_64 : vector<1x16xf32> to vector<16xf32>
    %swap3A_66 = vector.shape_cast %broadcast_in_dim3A_1 : vector<16xf32> to vector<1x16xf32>
    tpu.vector_store %arg9[%swap3A_62, %swap3A_63], %swap3A_66 {strides = array<i32>} : memref<16x128xf32, #tpu.memory_space<vmem>>, vector<1x16xf32>,
    %swap3A_67 = arith.constant 1 : i32
    %swap3A_68 = arith.index_cast %swap3A_67 : i32 to index
    %swap3A_69 = arith.constant 48 : index
    %swap3A_70 = tpu.vector_load %arg9[%swap3A_68, %swap3A_69] {strides = array<i32>} : memref<16x128xf32, #tpu.memory_space<vmem>>, vector<1x16xf32>,
    %swap3A_71 = vector.shape_cast %swap3A_70 : vector<1x16xf32> to vector<16xf32>
    %swap3A_72 = vector.shape_cast %broadcast_in_dim3A_1 : vector<16xf32> to vector<1x16xf32>
    tpu.vector_store %arg9[%swap3A_68, %swap3A_69], %swap3A_72 {strides = array<i32>} : memref<16x128xf32, #tpu.memory_space<vmem>>, vector<1x16xf32>,
    %swap3A_73 = arith.constant 1 : i32
    %swap3A_74 = arith.index_cast %swap3A_73 : i32 to index
    %swap3A_75 = arith.constant 64 : index
    %swap3A_76 = tpu.vector_load %arg9[%swap3A_74, %swap3A_75] {strides = array<i32>} : memref<16x128xf32, #tpu.memory_space<vmem>>, vector<1x16xf32>,
    %swap3A_77 = vector.shape_cast %swap3A_76 : vector<1x16xf32> to vector<16xf32>
    %swap3A_78 = vector.shape_cast %broadcast_in_dim3A_1 : vector<16xf32> to vector<1x16xf32>
    tpu.vector_store %arg9[%swap3A_74, %swap3A_75], %swap3A_78 {strides = array<i32>} : memref<16x128xf32, #tpu.memory_space<vmem>>, vector<1x16xf32>,
    %swap3A_79 = arith.constant 1 : i32
    %swap3A_80 = arith.index_cast %swap3A_79 : i32 to index
    %swap3A_81 = arith.constant 80 : index
    %swap3A_82 = tpu.vector_load %arg9[%swap3A_80, %swap3A_81] {strides = array<i32>} : memref<16x128xf32, #tpu.memory_space<vmem>>, vector<1x16xf32>,
    %swap3A_83 = vector.shape_cast %swap3A_82 : vector<1x16xf32> to vector<16xf32>
    %swap3A_84 = vector.shape_cast %broadcast_in_dim3A_1 : vector<16xf32> to vector<1x16xf32>
    tpu.vector_store %arg9[%swap3A_80, %swap3A_81], %swap3A_84 {strides = array<i32>} : memref<16x128xf32, #tpu.memory_space<vmem>>, vector<1x16xf32>,
    %swap3A_85 = arith.constant 1 : i32
    %swap3A_86 = arith.index_cast %swap3A_85 : i32 to index
    %swap3A_87 = arith.constant 96 : index
    %swap3A_88 = tpu.vector_load %arg9[%swap3A_86, %swap3A_87] {strides = array<i32>} : memref<16x128xf32, #tpu.memory_space<vmem>>, vector<1x16xf32>,
    %swap3A_89 = vector.shape_cast %swap3A_88 : vector<1x16xf32> to vector<16xf32>
    %swap3A_90 = vector.shape_cast %broadcast_in_dim3A_1 : vector<16xf32> to vector<1x16xf32>
    tpu.vector_store %arg9[%swap3A_86, %swap3A_87], %swap3A_90 {strides = array<i32>} : memref<16x128xf32, #tpu.memory_space<vmem>>, vector<1x16xf32>,
    %swap3A_91 = arith.constant 1 : i32
    %swap3A_92 = arith.index_cast %swap3A_91 : i32 to index
    %swap3A_93 = arith.constant 112 : index
    %swap3A_94 = tpu.vector_load %arg9[%swap3A_92, %swap3A_93] {strides = array<i32>} : memref<16x128xf32, #tpu.memory_space<vmem>>, vector<1x16xf32>,
    %swap3A_95 = vector.shape_cast %swap3A_94 : vector<1x16xf32> to vector<16xf32>
    %swap3A_96 = vector.shape_cast %broadcast_in_dim3A_1 : vector<16xf32> to vector<1x16xf32>
    tpu.vector_store %arg9[%swap3A_92, %swap3A_93], %swap3A_96 {strides = array<i32>} : memref<16x128xf32, #tpu.memory_space<vmem>>, vector<1x16xf32>,
    %swap3A_97 = arith.constant 2 : i32
    %swap3A_98 = arith.index_cast %swap3A_97 : i32 to index
    %swap3A_99 = arith.constant 0 : index
    %swap3A_100 = tpu.vector_load %arg9[%swap3A_98, %swap3A_99] {strides = array<i32>} : memref<16x128xf32, #tpu.memory_space<vmem>>, vector<1x16xf32>,
    %swap3A_101 = vector.shape_cast %swap3A_100 : vector<1x16xf32> to vector<16xf32>
    %swap3A_102 = vector.shape_cast %broadcast_in_dim3A_1 : vector<16xf32> to vector<1x16xf32>
    tpu.vector_store %arg9[%swap3A_98, %swap3A_99], %swap3A_102 {strides = array<i32>} : memref<16x128xf32, #tpu.memory_space<vmem>>, vector<1x16xf32>,
    %swap3A_103 = arith.constant 2 : i32
    %swap3A_104 = arith.index_cast %swap3A_103 : i32 to index
    %swap3A_105 = arith.constant 16 : index
    %swap3A_106 = tpu.vector_load %arg9[%swap3A_104, %swap3A_105] {strides = array<i32>} : memref<16x128xf32, #tpu.memory_space<vmem>>, vector<1x16xf32>,
    %swap3A_107 = vector.shape_cast %swap3A_106 : vector<1x16xf32> to vector<16xf32>
    %swap3A_108 = vector.shape_cast %broadcast_in_dim3A_1 : vector<16xf32> to vector<1x16xf32>
    tpu.vector_store %arg9[%swap3A_104, %swap3A_105], %swap3A_108 {strides = array<i32>} : memref<16x128xf32, #tpu.memory_space<vmem>>, vector<1x16xf32>,
    %swap3A_109 = arith.constant 2 : i32
    %swap3A_110 = arith.index_cast %swap3A_109 : i32 to index
    %swap3A_111 = arith.constant 32 : index
    %swap3A_112 = tpu.vector_load %arg9[%swap3A_110, %swap3A_111] {strides = array<i32>} : memref<16x128xf32, #tpu.memory_space<vmem>>, vector<1x16xf32>,
    %swap3A_113 = vector.shape_cast %swap3A_112 : vector<1x16xf32> to vector<16xf32>
    %swap3A_114 = vector.shape_cast %broadcast_in_dim3A_1 : vector<16xf32> to vector<1x16xf32>
    tpu.vector_store %arg9[%swap3A_110, %swap3A_111], %swap3A_114 {strides = array<i32>} : memref<16x128xf32, #tpu.memory_space<vmem>>, vector<1x16xf32>,
    %swap3A_115 = arith.constant 2 : i32
    %swap3A_116 = arith.index_cast %swap3A_115 : i32 to index
    %swap3A_117 = arith.constant 48 : index
    %swap3A_118 = tpu.vector_load %arg9[%swap3A_116, %swap3A_117] {strides = array<i32>} : memref<16x128xf32, #tpu.memory_space<vmem>>, vector<1x16xf32>,
    %swap3A_119 = vector.shape_cast %swap3A_118 : vector<1x16xf32> to vector<16xf32>
    %swap3A_120 = vector.shape_cast %broadcast_in_dim3A_1 : vector<16xf32> to vector<1x16xf32>
    tpu.vector_store %arg9[%swap3A_116, %swap3A_117], %swap3A_120 {strides = array<i32>} : memref<16x128xf32, #tpu.memory_space<vmem>>, vector<1x16xf32>,
    %swap3A_121 = arith.constant 2 : i32
    %swap3A_122 = arith.index_cast %swap3A_121 : i32 to index
    %swap3A_123 = arith.constant 64 : index
    %swap3A_124 = tpu.vector_load %arg9[%swap3A_122, %swap3A_123] {strides = array<i32>} : memref<16x128xf32, #tpu.memory_space<vmem>>, vector<1x16xf32>,
    %swap3A_125 = vector.shape_cast %swap3A_124 : vector<1x16xf32> to vector<16xf32>
    %swap3A_126 = vector.shape_cast %broadcast_in_dim3A_1 : vector<16xf32> to vector<1x16xf32>
    tpu.vector_store %arg9[%swap3A_122, %swap3A_123], %swap3A_126 {strides = array<i32>} : memref<16x128xf32, #tpu.memory_space<vmem>>, vector<1x16xf32>,
    %swap3A_127 = arith.constant 2 : i32
    %swap3A_128 = arith.index_cast %swap3A_127 : i32 to index
    %swap3A_129 = arith.constant 80 : index
    %swap3A_130 = tpu.vector_load %arg9[%swap3A_128, %swap3A_129] {strides = array<i32>} : memref<16x128xf32, #tpu.memory_space<vmem>>, vector<1x16xf32>,
    %swap3A_131 = vector.shape_cast %swap3A_130 : vector<1x16xf32> to vector<16xf32>
    %swap3A_132 = vector.shape_cast %broadcast_in_dim3A_1 : vector<16xf32> to vector<1x16xf32>
    tpu.vector_store %arg9[%swap3A_128, %swap3A_129], %swap3A_132 {strides = array<i32>} : memref<16x128xf32, #tpu.memory_space<vmem>>, vector<1x16xf32>,
    %swap3A_133 = arith.constant 2 : i32
    %swap3A_134 = arith.index_cast %swap3A_133 : i32 to index
    %swap3A_135 = arith.constant 96 : index
    %swap3A_136 = tpu.vector_load %arg9[%swap3A_134, %swap3A_135] {strides = array<i32>} : memref<16x128xf32, #tpu.memory_space<vmem>>, vector<1x16xf32>,
    %swap3A_137 = vector.shape_cast %swap3A_136 : vector<1x16xf32> to vector<16xf32>
    %swap3A_138 = vector.shape_cast %broadcast_in_dim3A_1 : vector<16xf32> to vector<1x16xf32>
    tpu.vector_store %arg9[%swap3A_134, %swap3A_135], %swap3A_138 {strides = array<i32>} : memref<16x128xf32, #tpu.memory_space<vmem>>, vector<1x16xf32>,
    %swap3A_139 = arith.constant 2 : i32
    %swap3A_140 = arith.index_cast %swap3A_139 : i32 to index
    %swap3A_141 = arith.constant 112 : index
    %swap3A_142 = tpu.vector_load %arg9[%swap3A_140, %swap3A_141] {strides = array<i32>} : memref<16x128xf32, #tpu.memory_space<vmem>>, vector<1x16xf32>,
    %swap3A_143 = vector.shape_cast %swap3A_142 : vector<1x16xf32> to vector<16xf32>
    %swap3A_144 = vector.shape_cast %broadcast_in_dim3A_1 : vector<16xf32> to vector<1x16xf32>
    tpu.vector_store %arg9[%swap3A_140, %swap3A_141], %swap3A_144 {strides = array<i32>} : memref<16x128xf32, #tpu.memory_space<vmem>>, vector<1x16xf32>,
    %swap3A_145 = arith.constant 3 : i32
    %swap3A_146 = arith.index_cast %swap3A_145 : i32 to index
    %swap3A_147 = arith.constant 0 : index
    %swap3A_148 = tpu.vector_load %arg9[%swap3A_146, %swap3A_147] {strides = array<i32>} : memref<16x128xf32, #tpu.memory_space<vmem>>, vector<1x16xf32>,
    %swap3A_149 = vector.shape_cast %swap3A_148 : vector<1x16xf32> to vector<16xf32>
    %swap3A_150 = vector.shape_cast %broadcast_in_dim3A_1 : vector<16xf32> to vector<1x16xf32>
    tpu.vector_store %arg9[%swap3A_146, %swap3A_147], %swap3A_150 {strides = array<i32>} : memref<16x128xf32, #tpu.memory_space<vmem>>, vector<1x16xf32>,
    %swap3A_151 = arith.constant 3 : i32
    %swap3A_152 = arith.index_cast %swap3A_151 : i32 to index
    %swap3A_153 = arith.constant 16 : index
    %swap3A_154 = tpu.vector_load %arg9[%swap3A_152, %swap3A_153] {strides = array<i32>} : memref<16x128xf32, #tpu.memory_space<vmem>>, vector<1x16xf32>,
    %swap3A_155 = vector.shape_cast %swap3A_154 : vector<1x16xf32> to vector<16xf32>
    %swap3A_156 = vector.shape_cast %broadcast_in_dim3A_1 : vector<16xf32> to vector<1x16xf32>
    tpu.vector_store %arg9[%swap3A_152, %swap3A_153], %swap3A_156 {strides = array<i32>} : memref<16x128xf32, #tpu.memory_space<vmem>>, vector<1x16xf32>,
    %swap3A_157 = arith.constant 3 : i32
    %swap3A_158 = arith.index_cast %swap3A_157 : i32 to index
    %swap3A_159 = arith.constant 32 : index
    %swap3A_160 = tpu.vector_load %arg9[%swap3A_158, %swap3A_159] {strides = array<i32>} : memref<16x128xf32, #tpu.memory_space<vmem>>, vector<1x16xf32>,
    %swap3A_161 = vector.shape_cast %swap3A_160 : vector<1x16xf32> to vector<16xf32>
    %swap3A_162 = vector.shape_cast %broadcast_in_dim3A_1 : vector<16xf32> to vector<1x16xf32>
    tpu.vector_store %arg9[%swap3A_158, %swap3A_159], %swap3A_162 {strides = array<i32>} : memref<16x128xf32, #tpu.memory_space<vmem>>, vector<1x16xf32>,
    %swap3A_163 = arith.constant 3 : i32
    %swap3A_164 = arith.index_cast %swap3A_163 : i32 to index
    %swap3A_165 = arith.constant 48 : index
    %swap3A_166 = tpu.vector_load %arg9[%swap3A_164, %swap3A_165] {strides = array<i32>} : memref<16x128xf32, #tpu.memory_space<vmem>>, vector<1x16xf32>,
    %swap3A_167 = vector.shape_cast %swap3A_166 : vector<1x16xf32> to vector<16xf32>
    %swap3A_168 = vector.shape_cast %broadcast_in_dim3A_1 : vector<16xf32> to vector<1x16xf32>
    tpu.vector_store %arg9[%swap3A_164, %swap3A_165], %swap3A_168 {strides = array<i32>} : memref<16x128xf32, #tpu.memory_space<vmem>>, vector<1x16xf32>,
    %swap3A_169 = arith.constant 3 : i32
    %swap3A_170 = arith.index_cast %swap3A_169 : i32 to index
    %swap3A_171 = arith.constant 64 : index
    %swap3A_172 = tpu.vector_load %arg9[%swap3A_170, %swap3A_171] {strides = array<i32>} : memref<16x128xf32, #tpu.memory_space<vmem>>, vector<1x16xf32>,
    %swap3A_173 = vector.shape_cast %swap3A_172 : vector<1x16xf32> to vector<16xf32>
    %swap3A_174 = vector.shape_cast %broadcast_in_dim3A_1 : vector<16xf32> to vector<1x16xf32>
    tpu.vector_store %arg9[%swap3A_170, %swap3A_171], %swap3A_174 {strides = array<i32>} : memref<16x128xf32, #tpu.memory_space<vmem>>, vector<1x16xf32>,
    %swap3A_175 = arith.constant 3 : i32
    %swap3A_176 = arith.index_cast %swap3A_175 : i32 to index
    %swap3A_177 = arith.constant 80 : index
    %swap3A_178 = tpu.vector_load %arg9[%swap3A_176, %swap3A_177] {strides = array<i32>} : memref<16x128xf32, #tpu.memory_space<vmem>>, vector<1x16xf32>,
    %swap3A_179 = vector.shape_cast %swap3A_178 : vector<1x16xf32> to vector<16xf32>
    %swap3A_180 = vector.shape_cast %broadcast_in_dim3A_1 : vector<16xf32> to vector<1x16xf32>
    tpu.vector_store %arg9[%swap3A_176, %swap3A_177], %swap3A_180 {strides = array<i32>} : memref<16x128xf32, #tpu.memory_space<vmem>>, vector<1x16xf32>,
    %swap3A_181 = arith.constant 3 : i32
    %swap3A_182 = arith.index_cast %swap3A_181 : i32 to index
    %swap3A_183 = arith.constant 96 : index
    %swap3A_184 = tpu.vector_load %arg9[%swap3A_182, %swap3A_183] {strides = array<i32>} : memref<16x128xf32, #tpu.memory_space<vmem>>, vector<1x16xf32>,
    %swap3A_185 = vector.shape_cast %swap3A_184 : vector<1x16xf32> to vector<16xf32>
    %swap3A_186 = vector.shape_cast %broadcast_in_dim3A_1 : vector<16xf32> to vector<1x16xf32>
    tpu.vector_store %arg9[%swap3A_182, %swap3A_183], %swap3A_186 {strides = array<i32>} : memref<16x128xf32, #tpu.memory_space<vmem>>, vector<1x16xf32>,
    %swap3A_187 = arith.constant 3 : i32
    %swap3A_188 = arith.index_cast %swap3A_187 : i32 to index
    %swap3A_189 = arith.constant 112 : index
    %swap3A_190 = tpu.vector_load %arg9[%swap3A_188, %swap3A_189] {strides = array<i32>} : memref<16x128xf32, #tpu.memory_space<vmem>>, vector<1x16xf32>,
    %swap3A_191 = vector.shape_cast %swap3A_190 : vector<1x16xf32> to vector<16xf32>
    %swap3A_192 = vector.shape_cast %broadcast_in_dim3A_1 : vector<16xf32> to vector<1x16xf32>
    tpu.vector_store %arg9[%swap3A_188, %swap3A_189], %swap3A_192 {strides = array<i32>} : memref<16x128xf32, #tpu.memory_space<vmem>>, vector<1x16xf32>,
    %swap3A_193 = arith.constant 4 : i32
    %swap3A_194 = arith.index_cast %swap3A_193 : i32 to index
    %swap3A_195 = arith.constant 0 : index
    %swap3A_196 = tpu.vector_load %arg9[%swap3A_194, %swap3A_195] {strides = array<i32>} : memref<16x128xf32, #tpu.memory_space<vmem>>, vector<1x16xf32>,
    %swap3A_197 = vector.shape_cast %swap3A_196 : vector<1x16xf32> to vector<16xf32>
    %swap3A_198 = vector.shape_cast %broadcast_in_dim3A_1 : vector<16xf32> to vector<1x16xf32>
    tpu.vector_store %arg9[%swap3A_194, %swap3A_195], %swap3A_198 {strides = array<i32>} : memref<16x128xf32, #tpu.memory_space<vmem>>, vector<1x16xf32>,
    %swap3A_199 = arith.constant 4 : i32
    %swap3A_200 = arith.index_cast %swap3A_199 : i32 to index
    %swap3A_201 = arith.constant 16 : index
    %swap3A_202 = tpu.vector_load %arg9[%swap3A_200, %swap3A_201] {strides = array<i32>} : memref<16x128xf32, #tpu.memory_space<vmem>>, vector<1x16xf32>,
    %swap3A_203 = vector.shape_cast %swap3A_202 : vector<1x16xf32> to vector<16xf32>
    %swap3A_204 = vector.shape_cast %broadcast_in_dim3A_1 : vector<16xf32> to vector<1x16xf32>
    tpu.vector_store %arg9[%swap3A_200, %swap3A_201], %swap3A_204 {strides = array<i32>} : memref<16x128xf32, #tpu.memory_space<vmem>>, vector<1x16xf32>,
    %swap3A_205 = arith.constant 4 : i32
    %swap3A_206 = arith.index_cast %swap3A_205 : i32 to index
    %swap3A_207 = arith.constant 32 : index
    %swap3A_208 = tpu.vector_load %arg9[%swap3A_206, %swap3A_207] {strides = array<i32>} : memref<16x128xf32, #tpu.memory_space<vmem>>, vector<1x16xf32>,
    %swap3A_209 = vector.shape_cast %swap3A_208 : vector<1x16xf32> to vector<16xf32>
    %swap3A_210 = vector.shape_cast %broadcast_in_dim3A_1 : vector<16xf32> to vector<1x16xf32>
    tpu.vector_store %arg9[%swap3A_206, %swap3A_207], %swap3A_210 {strides = array<i32>} : memref<16x128xf32, #tpu.memory_space<vmem>>, vector<1x16xf32>,
    %swap3A_211 = arith.constant 4 : i32
    %swap3A_212 = arith.index_cast %swap3A_211 : i32 to index
    %swap3A_213 = arith.constant 48 : index
    %swap3A_214 = tpu.vector_load %arg9[%swap3A_212, %swap3A_213] {strides = array<i32>} : memref<16x128xf32, #tpu.memory_space<vmem>>, vector<1x16xf32>,
    %swap3A_215 = vector.shape_cast %swap3A_214 : vector<1x16xf32> to vector<16xf32>
    %swap3A_216 = vector.shape_cast %broadcast_in_dim3A_1 : vector<16xf32> to vector<1x16xf32>
    tpu.vector_store %arg9[%swap3A_212, %swap3A_213], %swap3A_216 {strides = array<i32>} : memref<16x128xf32, #tpu.memory_space<vmem>>, vector<1x16xf32>,
    %swap3A_217 = arith.constant 4 : i32
    %swap3A_218 = arith.index_cast %swap3A_217 : i32 to index
    %swap3A_219 = arith.constant 64 : index
    %swap3A_220 = tpu.vector_load %arg9[%swap3A_218, %swap3A_219] {strides = array<i32>} : memref<16x128xf32, #tpu.memory_space<vmem>>, vector<1x16xf32>,
    %swap3A_221 = vector.shape_cast %swap3A_220 : vector<1x16xf32> to vector<16xf32>
    %swap3A_222 = vector.shape_cast %broadcast_in_dim3A_1 : vector<16xf32> to vector<1x16xf32>
    tpu.vector_store %arg9[%swap3A_218, %swap3A_219], %swap3A_222 {strides = array<i32>} : memref<16x128xf32, #tpu.memory_space<vmem>>, vector<1x16xf32>,
    %swap3A_223 = arith.constant 4 : i32
    %swap3A_224 = arith.index_cast %swap3A_223 : i32 to index
    %swap3A_225 = arith.constant 80 : index
    %swap3A_226 = tpu.vector_load %arg9[%swap3A_224, %swap3A_225] {strides = array<i32>} : memref<16x128xf32, #tpu.memory_space<vmem>>, vector<1x16xf32>,
    %swap3A_227 = vector.shape_cast %swap3A_226 : vector<1x16xf32> to vector<16xf32>
    %swap3A_228 = vector.shape_cast %broadcast_in_dim3A_1 : vector<16xf32> to vector<1x16xf32>
    tpu.vector_store %arg9[%swap3A_224, %swap3A_225], %swap3A_228 {strides = array<i32>} : memref<16x128xf32, #tpu.memory_space<vmem>>, vector<1x16xf32>,
    %swap3A_229 = arith.constant 4 : i32
    %swap3A_230 = arith.index_cast %swap3A_229 : i32 to index
    %swap3A_231 = arith.constant 96 : index
    %swap3A_232 = tpu.vector_load %arg9[%swap3A_230, %swap3A_231] {strides = array<i32>} : memref<16x128xf32, #tpu.memory_space<vmem>>, vector<1x16xf32>,
    %swap3A_233 = vector.shape_cast %swap3A_232 : vector<1x16xf32> to vector<16xf32>
    %swap3A_234 = vector.shape_cast %broadcast_in_dim3A_1 : vector<16xf32> to vector<1x16xf32>
    tpu.vector_store %arg9[%swap3A_230, %swap3A_231], %swap3A_234 {strides = array<i32>} : memref<16x128xf32, #tpu.memory_space<vmem>>, vector<1x16xf32>,
    %swap3A_235 = arith.constant 4 : i32
    %swap3A_236 = arith.index_cast %swap3A_235 : i32 to index
    %swap3A_237 = arith.constant 112 : index
    %swap3A_238 = tpu.vector_load %arg9[%swap3A_236, %swap3A_237] {strides = array<i32>} : memref<16x128xf32, #tpu.memory_space<vmem>>, vector<1x16xf32>,
    %swap3A_239 = vector.shape_cast %swap3A_238 : vector<1x16xf32> to vector<16xf32>
    %swap3A_240 = vector.shape_cast %broadcast_in_dim3A_1 : vector<16xf32> to vector<1x16xf32>
    tpu.vector_store %arg9[%swap3A_236, %swap3A_237], %swap3A_240 {strides = array<i32>} : memref<16x128xf32, #tpu.memory_space<vmem>>, vector<1x16xf32>,
    %swap3A_241 = arith.constant 5 : i32
    %swap3A_242 = arith.index_cast %swap3A_241 : i32 to index
    %swap3A_243 = arith.constant 0 : index
    %swap3A_244 = tpu.vector_load %arg9[%swap3A_242, %swap3A_243] {strides = array<i32>} : memref<16x128xf32, #tpu.memory_space<vmem>>, vector<1x16xf32>,
    %swap3A_245 = vector.shape_cast %swap3A_244 : vector<1x16xf32> to vector<16xf32>
    %swap3A_246 = vector.shape_cast %broadcast_in_dim3A_1 : vector<16xf32> to vector<1x16xf32>
    tpu.vector_store %arg9[%swap3A_242, %swap3A_243], %swap3A_246 {strides = array<i32>} : memref<16x128xf32, #tpu.memory_space<vmem>>, vector<1x16xf32>,
    %swap3A_247 = arith.constant 5 : i32
    %swap3A_248 = arith.index_cast %swap3A_247 : i32 to index
    %swap3A_249 = arith.constant 16 : index
    %swap3A_250 = tpu.vector_load %arg9[%swap3A_248, %swap3A_249] {strides = array<i32>} : memref<16x128xf32, #tpu.memory_space<vmem>>, vector<1x16xf32>,
    %swap3A_251 = vector.shape_cast %swap3A_250 : vector<1x16xf32> to vector<16xf32>
    %swap3A_252 = vector.shape_cast %broadcast_in_dim3A_1 : vector<16xf32> to vector<1x16xf32>
    tpu.vector_store %arg9[%swap3A_248, %swap3A_249], %swap3A_252 {strides = array<i32>} : memref<16x128xf32, #tpu.memory_space<vmem>>, vector<1x16xf32>,
    %swap3A_253 = arith.constant 5 : i32
    %swap3A_254 = arith.index_cast %swap3A_253 : i32 to index
    %swap3A_255 = arith.constant 32 : index
    %swap3A_256 = tpu.vector_load %arg9[%swap3A_254, %swap3A_255] {strides = array<i32>} : memref<16x128xf32, #tpu.memory_space<vmem>>, vector<1x16xf32>,
    %swap3A_257 = vector.shape_cast %swap3A_256 : vector<1x16xf32> to vector<16xf32>
    %swap3A_258 = vector.shape_cast %broadcast_in_dim3A_1 : vector<16xf32> to vector<1x16xf32>
    tpu.vector_store %arg9[%swap3A_254, %swap3A_255], %swap3A_258 {strides = array<i32>} : memref<16x128xf32, #tpu.memory_space<vmem>>, vector<1x16xf32>,
    %swap3A_259 = arith.constant 5 : i32
    %swap3A_260 = arith.index_cast %swap3A_259 : i32 to index
    %swap3A_261 = arith.constant 48 : index
    %swap3A_262 = tpu.vector_load %arg9[%swap3A_260, %swap3A_261] {strides = array<i32>} : memref<16x128xf32, #tpu.memory_space<vmem>>, vector<1x16xf32>,
    %swap3A_263 = vector.shape_cast %swap3A_262 : vector<1x16xf32> to vector<16xf32>
    %swap3A_264 = vector.shape_cast %broadcast_in_dim3A_1 : vector<16xf32> to vector<1x16xf32>
    tpu.vector_store %arg9[%swap3A_260, %swap3A_261], %swap3A_264 {strides = array<i32>} : memref<16x128xf32, #tpu.memory_space<vmem>>, vector<1x16xf32>,
    %swap3A_265 = arith.constant 5 : i32
    %swap3A_266 = arith.index_cast %swap3A_265 : i32 to index
    %swap3A_267 = arith.constant 64 : index
    %swap3A_268 = tpu.vector_load %arg9[%swap3A_266, %swap3A_267] {strides = array<i32>} : memref<16x128xf32, #tpu.memory_space<vmem>>, vector<1x16xf32>,
    %swap3A_269 = vector.shape_cast %swap3A_268 : vector<1x16xf32> to vector<16xf32>
    %swap3A_270 = vector.shape_cast %broadcast_in_dim3A_1 : vector<16xf32> to vector<1x16xf32>
    tpu.vector_store %arg9[%swap3A_266, %swap3A_267], %swap3A_270 {strides = array<i32>} : memref<16x128xf32, #tpu.memory_space<vmem>>, vector<1x16xf32>,
    %swap3A_271 = arith.constant 5 : i32
    %swap3A_272 = arith.index_cast %swap3A_271 : i32 to index
    %swap3A_273 = arith.constant 80 : index
    %swap3A_274 = tpu.vector_load %arg9[%swap3A_272, %swap3A_273] {strides = array<i32>} : memref<16x128xf32, #tpu.memory_space<vmem>>, vector<1x16xf32>,
    %swap3A_275 = vector.shape_cast %swap3A_274 : vector<1x16xf32> to vector<16xf32>
    %swap3A_276 = vector.shape_cast %broadcast_in_dim3A_1 : vector<16xf32> to vector<1x16xf32>
    tpu.vector_store %arg9[%swap3A_272, %swap3A_273], %swap3A_276 {strides = array<i32>} : memref<16x128xf32, #tpu.memory_space<vmem>>, vector<1x16xf32>,
    %swap3A_277 = arith.constant 5 : i32
    %swap3A_278 = arith.index_cast %swap3A_277 : i32 to index
    %swap3A_279 = arith.constant 96 : index
    %swap3A_280 = tpu.vector_load %arg9[%swap3A_278, %swap3A_279] {strides = array<i32>} : memref<16x128xf32, #tpu.memory_space<vmem>>, vector<1x16xf32>,
    %swap3A_281 = vector.shape_cast %swap3A_280 : vector<1x16xf32> to vector<16xf32>
    %swap3A_282 = vector.shape_cast %broadcast_in_dim3A_1 : vector<16xf32> to vector<1x16xf32>
    tpu.vector_store %arg9[%swap3A_278, %swap3A_279], %swap3A_282 {strides = array<i32>} : memref<16x128xf32, #tpu.memory_space<vmem>>, vector<1x16xf32>,
    %swap3A_283 = arith.constant 5 : i32
    %swap3A_284 = arith.index_cast %swap3A_283 : i32 to index
    %swap3A_285 = arith.constant 112 : index
    %swap3A_286 = tpu.vector_load %arg9[%swap3A_284, %swap3A_285] {strides = array<i32>} : memref<16x128xf32, #tpu.memory_space<vmem>>, vector<1x16xf32>,
    %swap3A_287 = vector.shape_cast %swap3A_286 : vector<1x16xf32> to vector<16xf32>
    %swap3A_288 = vector.shape_cast %broadcast_in_dim3A_1 : vector<16xf32> to vector<1x16xf32>
    tpu.vector_store %arg9[%swap3A_284, %swap3A_285], %swap3A_288 {strides = array<i32>} : memref<16x128xf32, #tpu.memory_space<vmem>>, vector<1x16xf32>,
    %swap3A_289 = arith.constant 6 : i32
    %swap3A_290 = arith.index_cast %swap3A_289 : i32 to index
    %swap3A_291 = arith.constant 0 : index
    %swap3A_292 = tpu.vector_load %arg9[%swap3A_290, %swap3A_291] {strides = array<i32>} : memref<16x128xf32, #tpu.memory_space<vmem>>, vector<1x16xf32>,
    %swap3A_293 = vector.shape_cast %swap3A_292 : vector<1x16xf32> to vector<16xf32>
    %swap3A_294 = vector.shape_cast %broadcast_in_dim3A_1 : vector<16xf32> to vector<1x16xf32>
    tpu.vector_store %arg9[%swap3A_290, %swap3A_291], %swap3A_294 {strides = array<i32>} : memref<16x128xf32, #tpu.memory_space<vmem>>, vector<1x16xf32>,
    %swap3A_295 = arith.constant 6 : i32
    %swap3A_296 = arith.index_cast %swap3A_295 : i32 to index
    %swap3A_297 = arith.constant 16 : index
    %swap3A_298 = tpu.vector_load %arg9[%swap3A_296, %swap3A_297] {strides = array<i32>} : memref<16x128xf32, #tpu.memory_space<vmem>>, vector<1x16xf32>,
    %swap3A_299 = vector.shape_cast %swap3A_298 : vector<1x16xf32> to vector<16xf32>
    %swap3A_300 = vector.shape_cast %broadcast_in_dim3A_1 : vector<16xf32> to vector<1x16xf32>
    tpu.vector_store %arg9[%swap3A_296, %swap3A_297], %swap3A_300 {strides = array<i32>} : memref<16x128xf32, #tpu.memory_space<vmem>>, vector<1x16xf32>,
    %swap3A_301 = arith.constant 6 : i32
    %swap3A_302 = arith.index_cast %swap3A_301 : i32 to index
    %swap3A_303 = arith.constant 32 : index
    %swap3A_304 = tpu.vector_load %arg9[%swap3A_302, %swap3A_303] {strides = array<i32>} : memref<16x128xf32, #tpu.memory_space<vmem>>, vector<1x16xf32>,
    %swap3A_305 = vector.shape_cast %swap3A_304 : vector<1x16xf32> to vector<16xf32>
    %swap3A_306 = vector.shape_cast %broadcast_in_dim3A_1 : vector<16xf32> to vector<1x16xf32>
    tpu.vector_store %arg9[%swap3A_302, %swap3A_303], %swap3A_306 {strides = array<i32>} : memref<16x128xf32, #tpu.memory_space<vmem>>, vector<1x16xf32>,
    %swap3A_307 = arith.constant 6 : i32
    %swap3A_308 = arith.index_cast %swap3A_307 : i32 to index
    %swap3A_309 = arith.constant 48 : index
    %swap3A_310 = tpu.vector_load %arg9[%swap3A_308, %swap3A_309] {strides = array<i32>} : memref<16x128xf32, #tpu.memory_space<vmem>>, vector<1x16xf32>,
    %swap3A_311 = vector.shape_cast %swap3A_310 : vector<1x16xf32> to vector<16xf32>
    %swap3A_312 = vector.shape_cast %broadcast_in_dim3A_1 : vector<16xf32> to vector<1x16xf32>
    tpu.vector_store %arg9[%swap3A_308, %swap3A_309], %swap3A_312 {strides = array<i32>} : memref<16x128xf32, #tpu.memory_space<vmem>>, vector<1x16xf32>,
    %swap3A_313 = arith.constant 6 : i32
    %swap3A_314 = arith.index_cast %swap3A_313 : i32 to index
    %swap3A_315 = arith.constant 64 : index
    %swap3A_316 = tpu.vector_load %arg9[%swap3A_314, %swap3A_315] {strides = array<i32>} : memref<16x128xf32, #tpu.memory_space<vmem>>, vector<1x16xf32>,
    %swap3A_317 = vector.shape_cast %swap3A_316 : vector<1x16xf32> to vector<16xf32>
    %swap3A_318 = vector.shape_cast %broadcast_in_dim3A_1 : vector<16xf32> to vector<1x16xf32>
    tpu.vector_store %arg9[%swap3A_314, %swap3A_315], %swap3A_318 {strides = array<i32>} : memref<16x128xf32, #tpu.memory_space<vmem>>, vector<1x16xf32>,
    %swap3A_319 = arith.constant 6 : i32
    %swap3A_320 = arith.index_cast %swap3A_319 : i32 to index
    %swap3A_321 = arith.constant 80 : index
    %swap3A_322 = tpu.vector_load %arg9[%swap3A_320, %swap3A_321] {strides = array<i32>} : memref<16x128xf32, #tpu.memory_space<vmem>>, vector<1x16xf32>,
    %swap3A_323 = vector.shape_cast %swap3A_322 : vector<1x16xf32> to vector<16xf32>
    %swap3A_324 = vector.shape_cast %broadcast_in_dim3A_1 : vector<16xf32> to vector<1x16xf32>
    tpu.vector_store %arg9[%swap3A_320, %swap3A_321], %swap3A_324 {strides = array<i32>} : memref<16x128xf32, #tpu.memory_space<vmem>>, vector<1x16xf32>,
    %swap3A_325 = arith.constant 6 : i32
    %swap3A_326 = arith.index_cast %swap3A_325 : i32 to index
    %swap3A_327 = arith.constant 96 : index
    %swap3A_328 = tpu.vector_load %arg9[%swap3A_326, %swap3A_327] {strides = array<i32>} : memref<16x128xf32, #tpu.memory_space<vmem>>, vector<1x16xf32>,
    %swap3A_329 = vector.shape_cast %swap3A_328 : vector<1x16xf32> to vector<16xf32>
    %swap3A_330 = vector.shape_cast %broadcast_in_dim3A_1 : vector<16xf32> to vector<1x16xf32>
    tpu.vector_store %arg9[%swap3A_326, %swap3A_327], %swap3A_330 {strides = array<i32>} : memref<16x128xf32, #tpu.memory_space<vmem>>, vector<1x16xf32>,
    %swap3A_331 = arith.constant 6 : i32
    %swap3A_332 = arith.index_cast %swap3A_331 : i32 to index
    %swap3A_333 = arith.constant 112 : index
    %swap3A_334 = tpu.vector_load %arg9[%swap3A_332, %swap3A_333] {strides = array<i32>} : memref<16x128xf32, #tpu.memory_space<vmem>>, vector<1x16xf32>,
    %swap3A_335 = vector.shape_cast %swap3A_334 : vector<1x16xf32> to vector<16xf32>
    %swap3A_336 = vector.shape_cast %broadcast_in_dim3A_1 : vector<16xf32> to vector<1x16xf32>
    tpu.vector_store %arg9[%swap3A_332, %swap3A_333], %swap3A_336 {strides = array<i32>} : memref<16x128xf32, #tpu.memory_space<vmem>>, vector<1x16xf32>,
    %swap3A_337 = arith.constant 7 : i32
    %swap3A_338 = arith.index_cast %swap3A_337 : i32 to index
    %swap3A_339 = arith.constant 0 : index
    %swap3A_340 = tpu.vector_load %arg9[%swap3A_338, %swap3A_339] {strides = array<i32>} : memref<16x128xf32, #tpu.memory_space<vmem>>, vector<1x16xf32>,
    %swap3A_341 = vector.shape_cast %swap3A_340 : vector<1x16xf32> to vector<16xf32>
    %swap3A_342 = vector.shape_cast %broadcast_in_dim3A_1 : vector<16xf32> to vector<1x16xf32>
    tpu.vector_store %arg9[%swap3A_338, %swap3A_339], %swap3A_342 {strides = array<i32>} : memref<16x128xf32, #tpu.memory_space<vmem>>, vector<1x16xf32>,
    %swap3A_343 = arith.constant 7 : i32
    %swap3A_344 = arith.index_cast %swap3A_343 : i32 to index
    %swap3A_345 = arith.constant 16 : index
    %swap3A_346 = tpu.vector_load %arg9[%swap3A_344, %swap3A_345] {strides = array<i32>} : memref<16x128xf32, #tpu.memory_space<vmem>>, vector<1x16xf32>,
    %swap3A_347 = vector.shape_cast %swap3A_346 : vector<1x16xf32> to vector<16xf32>
    %swap3A_348 = vector.shape_cast %broadcast_in_dim3A_1 : vector<16xf32> to vector<1x16xf32>
    tpu.vector_store %arg9[%swap3A_344, %swap3A_345], %swap3A_348 {strides = array<i32>} : memref<16x128xf32, #tpu.memory_space<vmem>>, vector<1x16xf32>,
    %swap3A_349 = arith.constant 7 : i32
    %swap3A_350 = arith.index_cast %swap3A_349 : i32 to index
    %swap3A_351 = arith.constant 32 : index
    %swap3A_352 = tpu.vector_load %arg9[%swap3A_350, %swap3A_351] {strides = array<i32>} : memref<16x128xf32, #tpu.memory_space<vmem>>, vector<1x16xf32>,
    %swap3A_353 = vector.shape_cast %swap3A_352 : vector<1x16xf32> to vector<16xf32>
    %swap3A_354 = vector.shape_cast %broadcast_in_dim3A_1 : vector<16xf32> to vector<1x16xf32>
    tpu.vector_store %arg9[%swap3A_350, %swap3A_351], %swap3A_354 {strides = array<i32>} : memref<16x128xf32, #tpu.memory_space<vmem>>, vector<1x16xf32>,
    %swap3A_355 = arith.constant 7 : i32
    %swap3A_356 = arith.index_cast %swap3A_355 : i32 to index
    %swap3A_357 = arith.constant 48 : index
    %swap3A_358 = tpu.vector_load %arg9[%swap3A_356, %swap3A_357] {strides = array<i32>} : memref<16x128xf32, #tpu.memory_space<vmem>>, vector<1x16xf32>,
    %swap3A_359 = vector.shape_cast %swap3A_358 : vector<1x16xf32> to vector<16xf32>
    %swap3A_360 = vector.shape_cast %broadcast_in_dim3A_1 : vector<16xf32> to vector<1x16xf32>
    tpu.vector_store %arg9[%swap3A_356, %swap3A_357], %swap3A_360 {strides = array<i32>} : memref<16x128xf32, #tpu.memory_space<vmem>>, vector<1x16xf32>,
    %swap3A_361 = arith.constant 7 : i32
    %swap3A_362 = arith.index_cast %swap3A_361 : i32 to index
    %swap3A_363 = arith.constant 64 : index
    %swap3A_364 = tpu.vector_load %arg9[%swap3A_362, %swap3A_363] {strides = array<i32>} : memref<16x128xf32, #tpu.memory_space<vmem>>, vector<1x16xf32>,
    %swap3A_365 = vector.shape_cast %swap3A_364 : vector<1x16xf32> to vector<16xf32>
    %swap3A_366 = vector.shape_cast %broadcast_in_dim3A_1 : vector<16xf32> to vector<1x16xf32>
    tpu.vector_store %arg9[%swap3A_362, %swap3A_363], %swap3A_366 {strides = array<i32>} : memref<16x128xf32, #tpu.memory_space<vmem>>, vector<1x16xf32>,
    %swap3A_367 = arith.constant 7 : i32
    %swap3A_368 = arith.index_cast %swap3A_367 : i32 to index
    %swap3A_369 = arith.constant 80 : index
    %swap3A_370 = tpu.vector_load %arg9[%swap3A_368, %swap3A_369] {strides = array<i32>} : memref<16x128xf32, #tpu.memory_space<vmem>>, vector<1x16xf32>,
    %swap3A_371 = vector.shape_cast %swap3A_370 : vector<1x16xf32> to vector<16xf32>
    %swap3A_372 = vector.shape_cast %broadcast_in_dim3A_1 : vector<16xf32> to vector<1x16xf32>
    tpu.vector_store %arg9[%swap3A_368, %swap3A_369], %swap3A_372 {strides = array<i32>} : memref<16x128xf32, #tpu.memory_space<vmem>>, vector<1x16xf32>,
    %swap3A_373 = arith.constant 7 : i32
    %swap3A_374 = arith.index_cast %swap3A_373 : i32 to index
    %swap3A_375 = arith.constant 96 : index
    %swap3A_376 = tpu.vector_load %arg9[%swap3A_374, %swap3A_375] {strides = array<i32>} : memref<16x128xf32, #tpu.memory_space<vmem>>, vector<1x16xf32>,
    %swap3A_377 = vector.shape_cast %swap3A_376 : vector<1x16xf32> to vector<16xf32>
    %swap3A_378 = vector.shape_cast %broadcast_in_dim3A_1 : vector<16xf32> to vector<1x16xf32>
    tpu.vector_store %arg9[%swap3A_374, %swap3A_375], %swap3A_378 {strides = array<i32>} : memref<16x128xf32, #tpu.memory_space<vmem>>, vector<1x16xf32>,
    %swap3A_379 = arith.constant 7 : i32
    %swap3A_380 = arith.index_cast %swap3A_379 : i32 to index
    %swap3A_381 = arith.constant 112 : index
    %swap3A_382 = tpu.vector_load %arg9[%swap3A_380, %swap3A_381] {strides = array<i32>} : memref<16x128xf32, #tpu.memory_space<vmem>>, vector<1x16xf32>,
    %swap3A_383 = vector.shape_cast %swap3A_382 : vector<1x16xf32> to vector<16xf32>
    %swap3A_384 = vector.shape_cast %broadcast_in_dim3A_1 : vector<16xf32> to vector<1x16xf32>
    tpu.vector_store %arg9[%swap3A_380, %swap3A_381], %swap3A_384 {strides = array<i32>} : memref<16x128xf32, #tpu.memory_space<vmem>>, vector<1x16xf32>,
    %swap3A_385 = arith.constant 8 : i32
    %swap3A_386 = arith.index_cast %swap3A_385 : i32 to index
    %swap3A_387 = arith.constant 0 : index
    %swap3A_388 = tpu.vector_load %arg9[%swap3A_386, %swap3A_387] {strides = array<i32>} : memref<16x128xf32, #tpu.memory_space<vmem>>, vector<1x16xf32>,
    %swap3A_389 = vector.shape_cast %swap3A_388 : vector<1x16xf32> to vector<16xf32>
    %swap3A_390 = vector.shape_cast %broadcast_in_dim3A_1 : vector<16xf32> to vector<1x16xf32>
    tpu.vector_store %arg9[%swap3A_386, %swap3A_387], %swap3A_390 {strides = array<i32>} : memref<16x128xf32, #tpu.memory_space<vmem>>, vector<1x16xf32>,
    %swap3A_391 = arith.constant 8 : i32
    %swap3A_392 = arith.index_cast %swap3A_391 : i32 to index
    %swap3A_393 = arith.constant 16 : index
    %swap3A_394 = tpu.vector_load %arg9[%swap3A_392, %swap3A_393] {strides = array<i32>} : memref<16x128xf32, #tpu.memory_space<vmem>>, vector<1x16xf32>,
    %swap3A_395 = vector.shape_cast %swap3A_394 : vector<1x16xf32> to vector<16xf32>
    %swap3A_396 = vector.shape_cast %broadcast_in_dim3A_1 : vector<16xf32> to vector<1x16xf32>
    tpu.vector_store %arg9[%swap3A_392, %swap3A_393], %swap3A_396 {strides = array<i32>} : memref<16x128xf32, #tpu.memory_space<vmem>>, vector<1x16xf32>,
    %swap3A_397 = arith.constant 8 : i32
    %swap3A_398 = arith.index_cast %swap3A_397 : i32 to index
    %swap3A_399 = arith.constant 32 : index
    %swap3A_400 = tpu.vector_load %arg9[%swap3A_398, %swap3A_399] {strides = array<i32>} : memref<16x128xf32, #tpu.memory_space<vmem>>, vector<1x16xf32>,
    %swap3A_401 = vector.shape_cast %swap3A_400 : vector<1x16xf32> to vector<16xf32>
    %swap3A_402 = vector.shape_cast %broadcast_in_dim3A_1 : vector<16xf32> to vector<1x16xf32>
    tpu.vector_store %arg9[%swap3A_398, %swap3A_399], %swap3A_402 {strides = array<i32>} : memref<16x128xf32, #tpu.memory_space<vmem>>, vector<1x16xf32>,
    %swap3A_403 = arith.constant 8 : i32
    %swap3A_404 = arith.index_cast %swap3A_403 : i32 to index
    %swap3A_405 = arith.constant 48 : index
    %swap3A_406 = tpu.vector_load %arg9[%swap3A_404, %swap3A_405] {strides = array<i32>} : memref<16x128xf32, #tpu.memory_space<vmem>>, vector<1x16xf32>,
    %swap3A_407 = vector.shape_cast %swap3A_406 : vector<1x16xf32> to vector<16xf32>
    %swap3A_408 = vector.shape_cast %broadcast_in_dim3A_1 : vector<16xf32> to vector<1x16xf32>
    tpu.vector_store %arg9[%swap3A_404, %swap3A_405], %swap3A_408 {strides = array<i32>} : memref<16x128xf32, #tpu.memory_space<vmem>>, vector<1x16xf32>,
    %swap3A_409 = arith.constant 8 : i32
    %swap3A_410 = arith.index_cast %swap3A_409 : i32 to index
    %swap3A_411 = arith.constant 64 : index
    %swap3A_412 = tpu.vector_load %arg9[%swap3A_410, %swap3A_411] {strides = array<i32>} : memref<16x128xf32, #tpu.memory_space<vmem>>, vector<1x16xf32>,
    %swap3A_413 = vector.shape_cast %swap3A_412 : vector<1x16xf32> to vector<16xf32>
    %swap3A_414 = vector.shape_cast %broadcast_in_dim3A_1 : vector<16xf32> to vector<1x16xf32>
    tpu.vector_store %arg9[%swap3A_410, %swap3A_411], %swap3A_414 {strides = array<i32>} : memref<16x128xf32, #tpu.memory_space<vmem>>, vector<1x16xf32>,
    %swap3A_415 = arith.constant 8 : i32
    %swap3A_416 = arith.index_cast %swap3A_415 : i32 to index
    %swap3A_417 = arith.constant 80 : index
    %swap3A_418 = tpu.vector_load %arg9[%swap3A_416, %swap3A_417] {strides = array<i32>} : memref<16x128xf32, #tpu.memory_space<vmem>>, vector<1x16xf32>,
    %swap3A_419 = vector.shape_cast %swap3A_418 : vector<1x16xf32> to vector<16xf32>
    %swap3A_420 = vector.shape_cast %broadcast_in_dim3A_1 : vector<16xf32> to vector<1x16xf32>
    tpu.vector_store %arg9[%swap3A_416, %swap3A_417], %swap3A_420 {strides = array<i32>} : memref<16x128xf32, #tpu.memory_space<vmem>>, vector<1x16xf32>,
    %swap3A_421 = arith.constant 8 : i32
    %swap3A_422 = arith.index_cast %swap3A_421 : i32 to index
    %swap3A_423 = arith.constant 96 : index
    %swap3A_424 = tpu.vector_load %arg9[%swap3A_422, %swap3A_423] {strides = array<i32>} : memref<16x128xf32, #tpu.memory_space<vmem>>, vector<1x16xf32>,
    %swap3A_425 = vector.shape_cast %swap3A_424 : vector<1x16xf32> to vector<16xf32>
    %swap3A_426 = vector.shape_cast %broadcast_in_dim3A_1 : vector<16xf32> to vector<1x16xf32>
    tpu.vector_store %arg9[%swap3A_422, %swap3A_423], %swap3A_426 {strides = array<i32>} : memref<16x128xf32, #tpu.memory_space<vmem>>, vector<1x16xf32>,
    %swap3A_427 = arith.constant 8 : i32
    %swap3A_428 = arith.index_cast %swap3A_427 : i32 to index
    %swap3A_429 = arith.constant 112 : index
    %swap3A_430 = tpu.vector_load %arg9[%swap3A_428, %swap3A_429] {strides = array<i32>} : memref<16x128xf32, #tpu.memory_space<vmem>>, vector<1x16xf32>,
    %swap3A_431 = vector.shape_cast %swap3A_430 : vector<1x16xf32> to vector<16xf32>
    %swap3A_432 = vector.shape_cast %broadcast_in_dim3A_1 : vector<16xf32> to vector<1x16xf32>
    tpu.vector_store %arg9[%swap3A_428, %swap3A_429], %swap3A_432 {strides = array<i32>} : memref<16x128xf32, #tpu.memory_space<vmem>>, vector<1x16xf32>,
    %swap3A_433 = arith.constant 9 : i32
    %swap3A_434 = arith.index_cast %swap3A_433 : i32 to index
    %swap3A_435 = arith.constant 0 : index
    %swap3A_436 = tpu.vector_load %arg9[%swap3A_434, %swap3A_435] {strides = array<i32>} : memref<16x128xf32, #tpu.memory_space<vmem>>, vector<1x16xf32>,
    %swap3A_437 = vector.shape_cast %swap3A_436 : vector<1x16xf32> to vector<16xf32>
    %swap3A_438 = vector.shape_cast %broadcast_in_dim3A_1 : vector<16xf32> to vector<1x16xf32>
    tpu.vector_store %arg9[%swap3A_434, %swap3A_435], %swap3A_438 {strides = array<i32>} : memref<16x128xf32, #tpu.memory_space<vmem>>, vector<1x16xf32>,
    %swap3A_439 = arith.constant 9 : i32
    %swap3A_440 = arith.index_cast %swap3A_439 : i32 to index
    %swap3A_441 = arith.constant 16 : index
    %swap3A_442 = tpu.vector_load %arg9[%swap3A_440, %swap3A_441] {strides = array<i32>} : memref<16x128xf32, #tpu.memory_space<vmem>>, vector<1x16xf32>,
    %swap3A_443 = vector.shape_cast %swap3A_442 : vector<1x16xf32> to vector<16xf32>
    %swap3A_444 = vector.shape_cast %broadcast_in_dim3A_1 : vector<16xf32> to vector<1x16xf32>
    tpu.vector_store %arg9[%swap3A_440, %swap3A_441], %swap3A_444 {strides = array<i32>} : memref<16x128xf32, #tpu.memory_space<vmem>>, vector<1x16xf32>,
    %swap3A_445 = arith.constant 9 : i32
    %swap3A_446 = arith.index_cast %swap3A_445 : i32 to index
    %swap3A_447 = arith.constant 32 : index
    %swap3A_448 = tpu.vector_load %arg9[%swap3A_446, %swap3A_447] {strides = array<i32>} : memref<16x128xf32, #tpu.memory_space<vmem>>, vector<1x16xf32>,
    %swap3A_449 = vector.shape_cast %swap3A_448 : vector<1x16xf32> to vector<16xf32>
    %swap3A_450 = vector.shape_cast %broadcast_in_dim3A_1 : vector<16xf32> to vector<1x16xf32>
    tpu.vector_store %arg9[%swap3A_446, %swap3A_447], %swap3A_450 {strides = array<i32>} : memref<16x128xf32, #tpu.memory_space<vmem>>, vector<1x16xf32>,
    %swap3A_451 = arith.constant 9 : i32
    %swap3A_452 = arith.index_cast %swap3A_451 : i32 to index
    %swap3A_453 = arith.constant 48 : index
    %swap3A_454 = tpu.vector_load %arg9[%swap3A_452, %swap3A_453] {strides = array<i32>} : memref<16x128xf32, #tpu.memory_space<vmem>>, vector<1x16xf32>,
    %swap3A_455 = vector.shape_cast %swap3A_454 : vector<1x16xf32> to vector<16xf32>
    %swap3A_456 = vector.shape_cast %broadcast_in_dim3A_1 : vector<16xf32> to vector<1x16xf32>
    tpu.vector_store %arg9[%swap3A_452, %swap3A_453], %swap3A_456 {strides = array<i32>} : memref<16x128xf32, #tpu.memory_space<vmem>>, vector<1x16xf32>,
    %swap3A_457 = arith.constant 9 : i32
    %swap3A_458 = arith.index_cast %swap3A_457 : i32 to index
    %swap3A_459 = arith.constant 64 : index
    %swap3A_460 = tpu.vector_load %arg9[%swap3A_458, %swap3A_459] {strides = array<i32>} : memref<16x128xf32, #tpu.memory_space<vmem>>, vector<1x16xf32>,
    %swap3A_461 = vector.shape_cast %swap3A_460 : vector<1x16xf32> to vector<16xf32>
    %swap3A_462 = vector.shape_cast %broadcast_in_dim3A_1 : vector<16xf32> to vector<1x16xf32>
    tpu.vector_store %arg9[%swap3A_458, %swap3A_459], %swap3A_462 {strides = array<i32>} : memref<16x128xf32, #tpu.memory_space<vmem>>, vector<1x16xf32>,
    %swap3A_463 = arith.constant 9 : i32
    %swap3A_464 = arith.index_cast %swap3A_463 : i32 to index
    %swap3A_465 = arith.constant 80 : index
    %swap3A_466 = tpu.vector_load %arg9[%swap3A_464, %swap3A_465] {strides = array<i32>} : memref<16x128xf32, #tpu.memory_space<vmem>>, vector<1x16xf32>,
    %swap3A_467 = vector.shape_cast %swap3A_466 : vector<1x16xf32> to vector<16xf32>
    %swap3A_468 = vector.shape_cast %broadcast_in_dim3A_1 : vector<16xf32> to vector<1x16xf32>
    tpu.vector_store %arg9[%swap3A_464, %swap3A_465], %swap3A_468 {strides = array<i32>} : memref<16x128xf32, #tpu.memory_space<vmem>>, vector<1x16xf32>,
    %swap3A_469 = arith.constant 9 : i32
    %swap3A_470 = arith.index_cast %swap3A_469 : i32 to index
    %swap3A_471 = arith.constant 96 : index
    %swap3A_472 = tpu.vector_load %arg9[%swap3A_470, %swap3A_471] {strides = array<i32>} : memref<16x128xf32, #tpu.memory_space<vmem>>, vector<1x16xf32>,
    %swap3A_473 = vector.shape_cast %swap3A_472 : vector<1x16xf32> to vector<16xf32>
    %swap3A_474 = vector.shape_cast %broadcast_in_dim3A_1 : vector<16xf32> to vector<1x16xf32>
    tpu.vector_store %arg9[%swap3A_470, %swap3A_471], %swap3A_474 {strides = array<i32>} : memref<16x128xf32, #tpu.memory_space<vmem>>, vector<1x16xf32>,
    %swap3A_475 = arith.constant 9 : i32
    %swap3A_476 = arith.index_cast %swap3A_475 : i32 to index
    %swap3A_477 = arith.constant 112 : index
    %swap3A_478 = tpu.vector_load %arg9[%swap3A_476, %swap3A_477] {strides = array<i32>} : memref<16x128xf32, #tpu.memory_space<vmem>>, vector<1x16xf32>,
    %swap3A_479 = vector.shape_cast %swap3A_478 : vector<1x16xf32> to vector<16xf32>
    %swap3A_480 = vector.shape_cast %broadcast_in_dim3A_1 : vector<16xf32> to vector<1x16xf32>
    tpu.vector_store %arg9[%swap3A_476, %swap3A_477], %swap3A_480 {strides = array<i32>} : memref<16x128xf32, #tpu.memory_space<vmem>>, vector<1x16xf32>,
    %swap3A_481 = arith.constant 10 : i32
    %swap3A_482 = arith.index_cast %swap3A_481 : i32 to index
    %swap3A_483 = arith.constant 0 : index
    %swap3A_484 = tpu.vector_load %arg9[%swap3A_482, %swap3A_483] {strides = array<i32>} : memref<16x128xf32, #tpu.memory_space<vmem>>, vector<1x16xf32>,
    %swap3A_485 = vector.shape_cast %swap3A_484 : vector<1x16xf32> to vector<16xf32>
    %swap3A_486 = vector.shape_cast %broadcast_in_dim3A_1 : vector<16xf32> to vector<1x16xf32>
    tpu.vector_store %arg9[%swap3A_482, %swap3A_483], %swap3A_486 {strides = array<i32>} : memref<16x128xf32, #tpu.memory_space<vmem>>, vector<1x16xf32>,
    %swap3A_487 = arith.constant 10 : i32
    %swap3A_488 = arith.index_cast %swap3A_487 : i32 to index
    %swap3A_489 = arith.constant 16 : index
    %swap3A_490 = tpu.vector_load %arg9[%swap3A_488, %swap3A_489] {strides = array<i32>} : memref<16x128xf32, #tpu.memory_space<vmem>>, vector<1x16xf32>,
    %swap3A_491 = vector.shape_cast %swap3A_490 : vector<1x16xf32> to vector<16xf32>
    %swap3A_492 = vector.shape_cast %broadcast_in_dim3A_1 : vector<16xf32> to vector<1x16xf32>
    tpu.vector_store %arg9[%swap3A_488, %swap3A_489], %swap3A_492 {strides = array<i32>} : memref<16x128xf32, #tpu.memory_space<vmem>>, vector<1x16xf32>,
    %swap3A_493 = arith.constant 10 : i32
    %swap3A_494 = arith.index_cast %swap3A_493 : i32 to index
    %swap3A_495 = arith.constant 32 : index
    %swap3A_496 = tpu.vector_load %arg9[%swap3A_494, %swap3A_495] {strides = array<i32>} : memref<16x128xf32, #tpu.memory_space<vmem>>, vector<1x16xf32>,
    %swap3A_497 = vector.shape_cast %swap3A_496 : vector<1x16xf32> to vector<16xf32>
    %swap3A_498 = vector.shape_cast %broadcast_in_dim3A_1 : vector<16xf32> to vector<1x16xf32>
    tpu.vector_store %arg9[%swap3A_494, %swap3A_495], %swap3A_498 {strides = array<i32>} : memref<16x128xf32, #tpu.memory_space<vmem>>, vector<1x16xf32>,
    %swap3A_499 = arith.constant 10 : i32
    %swap3A_500 = arith.index_cast %swap3A_499 : i32 to index
    %swap3A_501 = arith.constant 48 : index
    %swap3A_502 = tpu.vector_load %arg9[%swap3A_500, %swap3A_501] {strides = array<i32>} : memref<16x128xf32, #tpu.memory_space<vmem>>, vector<1x16xf32>,
    %swap3A_503 = vector.shape_cast %swap3A_502 : vector<1x16xf32> to vector<16xf32>
    %swap3A_504 = vector.shape_cast %broadcast_in_dim3A_1 : vector<16xf32> to vector<1x16xf32>
    tpu.vector_store %arg9[%swap3A_500, %swap3A_501], %swap3A_504 {strides = array<i32>} : memref<16x128xf32, #tpu.memory_space<vmem>>, vector<1x16xf32>,
    %swap3A_505 = arith.constant 10 : i32
    %swap3A_506 = arith.index_cast %swap3A_505 : i32 to index
    %swap3A_507 = arith.constant 64 : index
    %swap3A_508 = tpu.vector_load %arg9[%swap3A_506, %swap3A_507] {strides = array<i32>} : memref<16x128xf32, #tpu.memory_space<vmem>>, vector<1x16xf32>,
    %swap3A_509 = vector.shape_cast %swap3A_508 : vector<1x16xf32> to vector<16xf32>
    %swap3A_510 = vector.shape_cast %broadcast_in_dim3A_1 : vector<16xf32> to vector<1x16xf32>
    tpu.vector_store %arg9[%swap3A_506, %swap3A_507], %swap3A_510 {strides = array<i32>} : memref<16x128xf32, #tpu.memory_space<vmem>>, vector<1x16xf32>,
    %swap3A_511 = arith.constant 10 : i32
    %swap3A_512 = arith.index_cast %swap3A_511 : i32 to index
    %swap3A_513 = arith.constant 80 : index
    %swap3A_514 = tpu.vector_load %arg9[%swap3A_512, %swap3A_513] {strides = array<i32>} : memref<16x128xf32, #tpu.memory_space<vmem>>, vector<1x16xf32>,
    %swap3A_515 = vector.shape_cast %swap3A_514 : vector<1x16xf32> to vector<16xf32>
    %swap3A_516 = vector.shape_cast %broadcast_in_dim3A_1 : vector<16xf32> to vector<1x16xf32>
    tpu.vector_store %arg9[%swap3A_512, %swap3A_513], %swap3A_516 {strides = array<i32>} : memref<16x128xf32, #tpu.memory_space<vmem>>, vector<1x16xf32>,
    %swap3A_517 = arith.constant 10 : i32
    %swap3A_518 = arith.index_cast %swap3A_517 : i32 to index
    %swap3A_519 = arith.constant 96 : index
    %swap3A_520 = tpu.vector_load %arg9[%swap3A_518, %swap3A_519] {strides = array<i32>} : memref<16x128xf32, #tpu.memory_space<vmem>>, vector<1x16xf32>,
    %swap3A_521 = vector.shape_cast %swap3A_520 : vector<1x16xf32> to vector<16xf32>
    %swap3A_522 = vector.shape_cast %broadcast_in_dim3A_1 : vector<16xf32> to vector<1x16xf32>
    tpu.vector_store %arg9[%swap3A_518, %swap3A_519], %swap3A_522 {strides = array<i32>} : memref<16x128xf32, #tpu.memory_space<vmem>>, vector<1x16xf32>,
    %swap3A_523 = arith.constant 10 : i32
    %swap3A_524 = arith.index_cast %swap3A_523 : i32 to index
    %swap3A_525 = arith.constant 112 : index
    %swap3A_526 = tpu.vector_load %arg9[%swap3A_524, %swap3A_525] {strides = array<i32>} : memref<16x128xf32, #tpu.memory_space<vmem>>, vector<1x16xf32>,
    %swap3A_527 = vector.shape_cast %swap3A_526 : vector<1x16xf32> to vector<16xf32>
    %swap3A_528 = vector.shape_cast %broadcast_in_dim3A_1 : vector<16xf32> to vector<1x16xf32>
    tpu.vector_store %arg9[%swap3A_524, %swap3A_525], %swap3A_528 {strides = array<i32>} : memref<16x128xf32, #tpu.memory_space<vmem>>, vector<1x16xf32>,
    %swap3A_529 = arith.constant 11 : i32
    %swap3A_530 = arith.index_cast %swap3A_529 : i32 to index
    %swap3A_531 = arith.constant 0 : index
    %swap3A_532 = tpu.vector_load %arg9[%swap3A_530, %swap3A_531] {strides = array<i32>} : memref<16x128xf32, #tpu.memory_space<vmem>>, vector<1x16xf32>,
    %swap3A_533 = vector.shape_cast %swap3A_532 : vector<1x16xf32> to vector<16xf32>
    %swap3A_534 = vector.shape_cast %broadcast_in_dim3A_1 : vector<16xf32> to vector<1x16xf32>
    tpu.vector_store %arg9[%swap3A_530, %swap3A_531], %swap3A_534 {strides = array<i32>} : memref<16x128xf32, #tpu.memory_space<vmem>>, vector<1x16xf32>,
    %swap3A_535 = arith.constant 11 : i32
    %swap3A_536 = arith.index_cast %swap3A_535 : i32 to index
    %swap3A_537 = arith.constant 16 : index
    %swap3A_538 = tpu.vector_load %arg9[%swap3A_536, %swap3A_537] {strides = array<i32>} : memref<16x128xf32, #tpu.memory_space<vmem>>, vector<1x16xf32>,
    %swap3A_539 = vector.shape_cast %swap3A_538 : vector<1x16xf32> to vector<16xf32>
    %swap3A_540 = vector.shape_cast %broadcast_in_dim3A_1 : vector<16xf32> to vector<1x16xf32>
    tpu.vector_store %arg9[%swap3A_536, %swap3A_537], %swap3A_540 {strides = array<i32>} : memref<16x128xf32, #tpu.memory_space<vmem>>, vector<1x16xf32>,
    %swap3A_541 = arith.constant 11 : i32
    %swap3A_542 = arith.index_cast %swap3A_541 : i32 to index
    %swap3A_543 = arith.constant 32 : index
    %swap3A_544 = tpu.vector_load %arg9[%swap3A_542, %swap3A_543] {strides = array<i32>} : memref<16x128xf32, #tpu.memory_space<vmem>>, vector<1x16xf32>,
    %swap3A_545 = vector.shape_cast %swap3A_544 : vector<1x16xf32> to vector<16xf32>
    %swap3A_546 = vector.shape_cast %broadcast_in_dim3A_1 : vector<16xf32> to vector<1x16xf32>
    tpu.vector_store %arg9[%swap3A_542, %swap3A_543], %swap3A_546 {strides = array<i32>} : memref<16x128xf32, #tpu.memory_space<vmem>>, vector<1x16xf32>,
    %swap3A_547 = arith.constant 11 : i32
    %swap3A_548 = arith.index_cast %swap3A_547 : i32 to index
    %swap3A_549 = arith.constant 48 : index
    %swap3A_550 = tpu.vector_load %arg9[%swap3A_548, %swap3A_549] {strides = array<i32>} : memref<16x128xf32, #tpu.memory_space<vmem>>, vector<1x16xf32>,
    %swap3A_551 = vector.shape_cast %swap3A_550 : vector<1x16xf32> to vector<16xf32>
    %swap3A_552 = vector.shape_cast %broadcast_in_dim3A_1 : vector<16xf32> to vector<1x16xf32>
    tpu.vector_store %arg9[%swap3A_548, %swap3A_549], %swap3A_552 {strides = array<i32>} : memref<16x128xf32, #tpu.memory_space<vmem>>, vector<1x16xf32>,
    %swap3A_553 = arith.constant 11 : i32
    %swap3A_554 = arith.index_cast %swap3A_553 : i32 to index
    %swap3A_555 = arith.constant 64 : index
    %swap3A_556 = tpu.vector_load %arg9[%swap3A_554, %swap3A_555] {strides = array<i32>} : memref<16x128xf32, #tpu.memory_space<vmem>>, vector<1x16xf32>,
    %swap3A_557 = vector.shape_cast %swap3A_556 : vector<1x16xf32> to vector<16xf32>
    %swap3A_558 = vector.shape_cast %broadcast_in_dim3A_1 : vector<16xf32> to vector<1x16xf32>
    tpu.vector_store %arg9[%swap3A_554, %swap3A_555], %swap3A_558 {strides = array<i32>} : memref<16x128xf32, #tpu.memory_space<vmem>>, vector<1x16xf32>,
    %swap3A_559 = arith.constant 11 : i32
    %swap3A_560 = arith.index_cast %swap3A_559 : i32 to index
    %swap3A_561 = arith.constant 80 : index
    %swap3A_562 = tpu.vector_load %arg9[%swap3A_560, %swap3A_561] {strides = array<i32>} : memref<16x128xf32, #tpu.memory_space<vmem>>, vector<1x16xf32>,
    %swap3A_563 = vector.shape_cast %swap3A_562 : vector<1x16xf32> to vector<16xf32>
    %swap3A_564 = vector.shape_cast %broadcast_in_dim3A_1 : vector<16xf32> to vector<1x16xf32>
    tpu.vector_store %arg9[%swap3A_560, %swap3A_561], %swap3A_564 {strides = array<i32>} : memref<16x128xf32, #tpu.memory_space<vmem>>, vector<1x16xf32>,
    %swap3A_565 = arith.constant 11 : i32
    %swap3A_566 = arith.index_cast %swap3A_565 : i32 to index
    %swap3A_567 = arith.constant 96 : index
    %swap3A_568 = tpu.vector_load %arg9[%swap3A_566, %swap3A_567] {strides = array<i32>} : memref<16x128xf32, #tpu.memory_space<vmem>>, vector<1x16xf32>,
    %swap3A_569 = vector.shape_cast %swap3A_568 : vector<1x16xf32> to vector<16xf32>
    %swap3A_570 = vector.shape_cast %broadcast_in_dim3A_1 : vector<16xf32> to vector<1x16xf32>
    tpu.vector_store %arg9[%swap3A_566, %swap3A_567], %swap3A_570 {strides = array<i32>} : memref<16x128xf32, #tpu.memory_space<vmem>>, vector<1x16xf32>,
    %swap3A_571 = arith.constant 11 : i32
    %swap3A_572 = arith.index_cast %swap3A_571 : i32 to index
    %swap3A_573 = arith.constant 112 : index
    %swap3A_574 = tpu.vector_load %arg9[%swap3A_572, %swap3A_573] {strides = array<i32>} : memref<16x128xf32, #tpu.memory_space<vmem>>, vector<1x16xf32>,
    %swap3A_575 = vector.shape_cast %swap3A_574 : vector<1x16xf32> to vector<16xf32>
    %swap3A_576 = vector.shape_cast %broadcast_in_dim3A_1 : vector<16xf32> to vector<1x16xf32>
    tpu.vector_store %arg9[%swap3A_572, %swap3A_573], %swap3A_576 {strides = array<i32>} : memref<16x128xf32, #tpu.memory_space<vmem>>, vector<1x16xf32>,
    %swap3A_577 = arith.constant 12 : i32
    %swap3A_578 = arith.index_cast %swap3A_577 : i32 to index
    %swap3A_579 = arith.constant 0 : index
    %swap3A_580 = tpu.vector_load %arg9[%swap3A_578, %swap3A_579] {strides = array<i32>} : memref<16x128xf32, #tpu.memory_space<vmem>>, vector<1x16xf32>,
    %swap3A_581 = vector.shape_cast %swap3A_580 : vector<1x16xf32> to vector<16xf32>
    %swap3A_582 = vector.shape_cast %broadcast_in_dim3A_1 : vector<16xf32> to vector<1x16xf32>
    tpu.vector_store %arg9[%swap3A_578, %swap3A_579], %swap3A_582 {strides = array<i32>} : memref<16x128xf32, #tpu.memory_space<vmem>>, vector<1x16xf32>,
    %swap3A_583 = arith.constant 12 : i32
    %swap3A_584 = arith.index_cast %swap3A_583 : i32 to index
    %swap3A_585 = arith.constant 16 : index
    %swap3A_586 = tpu.vector_load %arg9[%swap3A_584, %swap3A_585] {strides = array<i32>} : memref<16x128xf32, #tpu.memory_space<vmem>>, vector<1x16xf32>,
    %swap3A_587 = vector.shape_cast %swap3A_586 : vector<1x16xf32> to vector<16xf32>
    %swap3A_588 = vector.shape_cast %broadcast_in_dim3A_1 : vector<16xf32> to vector<1x16xf32>
    tpu.vector_store %arg9[%swap3A_584, %swap3A_585], %swap3A_588 {strides = array<i32>} : memref<16x128xf32, #tpu.memory_space<vmem>>, vector<1x16xf32>,
    %swap3A_589 = arith.constant 12 : i32
    %swap3A_590 = arith.index_cast %swap3A_589 : i32 to index
    %swap3A_591 = arith.constant 32 : index
    %swap3A_592 = tpu.vector_load %arg9[%swap3A_590, %swap3A_591] {strides = array<i32>} : memref<16x128xf32, #tpu.memory_space<vmem>>, vector<1x16xf32>,
    %swap3A_593 = vector.shape_cast %swap3A_592 : vector<1x16xf32> to vector<16xf32>
    %swap3A_594 = vector.shape_cast %broadcast_in_dim3A_1 : vector<16xf32> to vector<1x16xf32>
    tpu.vector_store %arg9[%swap3A_590, %swap3A_591], %swap3A_594 {strides = array<i32>} : memref<16x128xf32, #tpu.memory_space<vmem>>, vector<1x16xf32>,
    %swap3A_595 = arith.constant 12 : i32
    %swap3A_596 = arith.index_cast %swap3A_595 : i32 to index
    %swap3A_597 = arith.constant 48 : index
    %swap3A_598 = tpu.vector_load %arg9[%swap3A_596, %swap3A_597] {strides = array<i32>} : memref<16x128xf32, #tpu.memory_space<vmem>>, vector<1x16xf32>,
    %swap3A_599 = vector.shape_cast %swap3A_598 : vector<1x16xf32> to vector<16xf32>
    %swap3A_600 = vector.shape_cast %broadcast_in_dim3A_1 : vector<16xf32> to vector<1x16xf32>
    tpu.vector_store %arg9[%swap3A_596, %swap3A_597], %swap3A_600 {strides = array<i32>} : memref<16x128xf32, #tpu.memory_space<vmem>>, vector<1x16xf32>,
    %swap3A_601 = arith.constant 12 : i32
    %swap3A_602 = arith.index_cast %swap3A_601 : i32 to index
    %swap3A_603 = arith.constant 64 : index
    %swap3A_604 = tpu.vector_load %arg9[%swap3A_602, %swap3A_603] {strides = array<i32>} : memref<16x128xf32, #tpu.memory_space<vmem>>, vector<1x16xf32>,
    %swap3A_605 = vector.shape_cast %swap3A_604 : vector<1x16xf32> to vector<16xf32>
    %swap3A_606 = vector.shape_cast %broadcast_in_dim3A_1 : vector<16xf32> to vector<1x16xf32>
    tpu.vector_store %arg9[%swap3A_602, %swap3A_603], %swap3A_606 {strides = array<i32>} : memref<16x128xf32, #tpu.memory_space<vmem>>, vector<1x16xf32>,
    %swap3A_607 = arith.constant 12 : i32
    %swap3A_608 = arith.index_cast %swap3A_607 : i32 to index
    %swap3A_609 = arith.constant 80 : index
    %swap3A_610 = tpu.vector_load %arg9[%swap3A_608, %swap3A_609] {strides = array<i32>} : memref<16x128xf32, #tpu.memory_space<vmem>>, vector<1x16xf32>,
    %swap3A_611 = vector.shape_cast %swap3A_610 : vector<1x16xf32> to vector<16xf32>
    %swap3A_612 = vector.shape_cast %broadcast_in_dim3A_1 : vector<16xf32> to vector<1x16xf32>
    tpu.vector_store %arg9[%swap3A_608, %swap3A_609], %swap3A_612 {strides = array<i32>} : memref<16x128xf32, #tpu.memory_space<vmem>>, vector<1x16xf32>,
    %swap3A_613 = arith.constant 12 : i32
    %swap3A_614 = arith.index_cast %swap3A_613 : i32 to index
    %swap3A_615 = arith.constant 96 : index
    %swap3A_616 = tpu.vector_load %arg9[%swap3A_614, %swap3A_615] {strides = array<i32>} : memref<16x128xf32, #tpu.memory_space<vmem>>, vector<1x16xf32>,
    %swap3A_617 = vector.shape_cast %swap3A_616 : vector<1x16xf32> to vector<16xf32>
    %swap3A_618 = vector.shape_cast %broadcast_in_dim3A_1 : vector<16xf32> to vector<1x16xf32>
    tpu.vector_store %arg9[%swap3A_614, %swap3A_615], %swap3A_618 {strides = array<i32>} : memref<16x128xf32, #tpu.memory_space<vmem>>, vector<1x16xf32>,
    %swap3A_619 = arith.constant 12 : i32
    %swap3A_620 = arith.index_cast %swap3A_619 : i32 to index
    %swap3A_621 = arith.constant 112 : index
    %swap3A_622 = tpu.vector_load %arg9[%swap3A_620, %swap3A_621] {strides = array<i32>} : memref<16x128xf32, #tpu.memory_space<vmem>>, vector<1x16xf32>,
    %swap3A_623 = vector.shape_cast %swap3A_622 : vector<1x16xf32> to vector<16xf32>
    %swap3A_624 = vector.shape_cast %broadcast_in_dim3A_1 : vector<16xf32> to vector<1x16xf32>
    tpu.vector_store %arg9[%swap3A_620, %swap3A_621], %swap3A_624 {strides = array<i32>} : memref<16x128xf32, #tpu.memory_space<vmem>>, vector<1x16xf32>,
    %swap3A_625 = arith.constant 13 : i32
    %swap3A_626 = arith.index_cast %swap3A_625 : i32 to index
    %swap3A_627 = arith.constant 0 : index
    %swap3A_628 = tpu.vector_load %arg9[%swap3A_626, %swap3A_627] {strides = array<i32>} : memref<16x128xf32, #tpu.memory_space<vmem>>, vector<1x16xf32>,
    %swap3A_629 = vector.shape_cast %swap3A_628 : vector<1x16xf32> to vector<16xf32>
    %swap3A_630 = vector.shape_cast %broadcast_in_dim3A_1 : vector<16xf32> to vector<1x16xf32>
    tpu.vector_store %arg9[%swap3A_626, %swap3A_627], %swap3A_630 {strides = array<i32>} : memref<16x128xf32, #tpu.memory_space<vmem>>, vector<1x16xf32>,
    %swap3A_631 = arith.constant 13 : i32
    %swap3A_632 = arith.index_cast %swap3A_631 : i32 to index
    %swap3A_633 = arith.constant 16 : index
    %swap3A_634 = tpu.vector_load %arg9[%swap3A_632, %swap3A_633] {strides = array<i32>} : memref<16x128xf32, #tpu.memory_space<vmem>>, vector<1x16xf32>,
    %swap3A_635 = vector.shape_cast %swap3A_634 : vector<1x16xf32> to vector<16xf32>
    %swap3A_636 = vector.shape_cast %broadcast_in_dim3A_1 : vector<16xf32> to vector<1x16xf32>
    tpu.vector_store %arg9[%swap3A_632, %swap3A_633], %swap3A_636 {strides = array<i32>} : memref<16x128xf32, #tpu.memory_space<vmem>>, vector<1x16xf32>,
    %swap3A_637 = arith.constant 13 : i32
    %swap3A_638 = arith.index_cast %swap3A_637 : i32 to index
    %swap3A_639 = arith.constant 32 : index
    %swap3A_640 = tpu.vector_load %arg9[%swap3A_638, %swap3A_639] {strides = array<i32>} : memref<16x128xf32, #tpu.memory_space<vmem>>, vector<1x16xf32>,
    %swap3A_641 = vector.shape_cast %swap3A_640 : vector<1x16xf32> to vector<16xf32>
    %swap3A_642 = vector.shape_cast %broadcast_in_dim3A_1 : vector<16xf32> to vector<1x16xf32>
    tpu.vector_store %arg9[%swap3A_638, %swap3A_639], %swap3A_642 {strides = array<i32>} : memref<16x128xf32, #tpu.memory_space<vmem>>, vector<1x16xf32>,
    %swap3A_643 = arith.constant 13 : i32
    %swap3A_644 = arith.index_cast %swap3A_643 : i32 to index
    %swap3A_645 = arith.constant 48 : index
    %swap3A_646 = tpu.vector_load %arg9[%swap3A_644, %swap3A_645] {strides = array<i32>} : memref<16x128xf32, #tpu.memory_space<vmem>>, vector<1x16xf32>,
    %swap3A_647 = vector.shape_cast %swap3A_646 : vector<1x16xf32> to vector<16xf32>
    %swap3A_648 = vector.shape_cast %broadcast_in_dim3A_1 : vector<16xf32> to vector<1x16xf32>
    tpu.vector_store %arg9[%swap3A_644, %swap3A_645], %swap3A_648 {strides = array<i32>} : memref<16x128xf32, #tpu.memory_space<vmem>>, vector<1x16xf32>,
    %swap3A_649 = arith.constant 13 : i32
    %swap3A_650 = arith.index_cast %swap3A_649 : i32 to index
    %swap3A_651 = arith.constant 64 : index
    %swap3A_652 = tpu.vector_load %arg9[%swap3A_650, %swap3A_651] {strides = array<i32>} : memref<16x128xf32, #tpu.memory_space<vmem>>, vector<1x16xf32>,
    %swap3A_653 = vector.shape_cast %swap3A_652 : vector<1x16xf32> to vector<16xf32>
    %swap3A_654 = vector.shape_cast %broadcast_in_dim3A_1 : vector<16xf32> to vector<1x16xf32>
    tpu.vector_store %arg9[%swap3A_650, %swap3A_651], %swap3A_654 {strides = array<i32>} : memref<16x128xf32, #tpu.memory_space<vmem>>, vector<1x16xf32>,
    %swap3A_655 = arith.constant 13 : i32
    %swap3A_656 = arith.index_cast %swap3A_655 : i32 to index
    %swap3A_657 = arith.constant 80 : index
    %swap3A_658 = tpu.vector_load %arg9[%swap3A_656, %swap3A_657] {strides = array<i32>} : memref<16x128xf32, #tpu.memory_space<vmem>>, vector<1x16xf32>,
    %swap3A_659 = vector.shape_cast %swap3A_658 : vector<1x16xf32> to vector<16xf32>
    %swap3A_660 = vector.shape_cast %broadcast_in_dim3A_1 : vector<16xf32> to vector<1x16xf32>
    tpu.vector_store %arg9[%swap3A_656, %swap3A_657], %swap3A_660 {strides = array<i32>} : memref<16x128xf32, #tpu.memory_space<vmem>>, vector<1x16xf32>,
    %swap3A_661 = arith.constant 13 : i32
    %swap3A_662 = arith.index_cast %swap3A_661 : i32 to index
    %swap3A_663 = arith.constant 96 : index
    %swap3A_664 = tpu.vector_load %arg9[%swap3A_662, %swap3A_663] {strides = array<i32>} : memref<16x128xf32, #tpu.memory_space<vmem>>, vector<1x16xf32>,
    %swap3A_665 = vector.shape_cast %swap3A_664 : vector<1x16xf32> to vector<16xf32>
    %swap3A_666 = vector.shape_cast %broadcast_in_dim3A_1 : vector<16xf32> to vector<1x16xf32>
    tpu.vector_store %arg9[%swap3A_662, %swap3A_663], %swap3A_666 {strides = array<i32>} : memref<16x128xf32, #tpu.memory_space<vmem>>, vector<1x16xf32>,
    %swap3A_667 = arith.constant 13 : i32
    %swap3A_668 = arith.index_cast %swap3A_667 : i32 to index
    %swap3A_669 = arith.constant 112 : index
    %swap3A_670 = tpu.vector_load %arg9[%swap3A_668, %swap3A_669] {strides = array<i32>} : memref<16x128xf32, #tpu.memory_space<vmem>>, vector<1x16xf32>,
    %swap3A_671 = vector.shape_cast %swap3A_670 : vector<1x16xf32> to vector<16xf32>
    %swap3A_672 = vector.shape_cast %broadcast_in_dim3A_1 : vector<16xf32> to vector<1x16xf32>
    tpu.vector_store %arg9[%swap3A_668, %swap3A_669], %swap3A_672 {strides = array<i32>} : memref<16x128xf32, #tpu.memory_space<vmem>>, vector<1x16xf32>,
    %swap3A_673 = arith.constant 14 : i32
    %swap3A_674 = arith.index_cast %swap3A_673 : i32 to index
    %swap3A_675 = arith.constant 0 : index
    %swap3A_676 = tpu.vector_load %arg9[%swap3A_674, %swap3A_675] {strides = array<i32>} : memref<16x128xf32, #tpu.memory_space<vmem>>, vector<1x16xf32>,
    %swap3A_677 = vector.shape_cast %swap3A_676 : vector<1x16xf32> to vector<16xf32>
    %swap3A_678 = vector.shape_cast %broadcast_in_dim3A_1 : vector<16xf32> to vector<1x16xf32>
    tpu.vector_store %arg9[%swap3A_674, %swap3A_675], %swap3A_678 {strides = array<i32>} : memref<16x128xf32, #tpu.memory_space<vmem>>, vector<1x16xf32>,
    %swap3A_679 = arith.constant 14 : i32
    %swap3A_680 = arith.index_cast %swap3A_679 : i32 to index
    %swap3A_681 = arith.constant 16 : index
    %swap3A_682 = tpu.vector_load %arg9[%swap3A_680, %swap3A_681] {strides = array<i32>} : memref<16x128xf32, #tpu.memory_space<vmem>>, vector<1x16xf32>,
    %swap3A_683 = vector.shape_cast %swap3A_682 : vector<1x16xf32> to vector<16xf32>
    %swap3A_684 = vector.shape_cast %broadcast_in_dim3A_1 : vector<16xf32> to vector<1x16xf32>
    tpu.vector_store %arg9[%swap3A_680, %swap3A_681], %swap3A_684 {strides = array<i32>} : memref<16x128xf32, #tpu.memory_space<vmem>>, vector<1x16xf32>,
    %swap3A_685 = arith.constant 14 : i32
    %swap3A_686 = arith.index_cast %swap3A_685 : i32 to index
    %swap3A_687 = arith.constant 32 : index
    %swap3A_688 = tpu.vector_load %arg9[%swap3A_686, %swap3A_687] {strides = array<i32>} : memref<16x128xf32, #tpu.memory_space<vmem>>, vector<1x16xf32>,
    %swap3A_689 = vector.shape_cast %swap3A_688 : vector<1x16xf32> to vector<16xf32>
    %swap3A_690 = vector.shape_cast %broadcast_in_dim3A_1 : vector<16xf32> to vector<1x16xf32>
    tpu.vector_store %arg9[%swap3A_686, %swap3A_687], %swap3A_690 {strides = array<i32>} : memref<16x128xf32, #tpu.memory_space<vmem>>, vector<1x16xf32>,
    %swap3A_691 = arith.constant 14 : i32
    %swap3A_692 = arith.index_cast %swap3A_691 : i32 to index
    %swap3A_693 = arith.constant 48 : index
    %swap3A_694 = tpu.vector_load %arg9[%swap3A_692, %swap3A_693] {strides = array<i32>} : memref<16x128xf32, #tpu.memory_space<vmem>>, vector<1x16xf32>,
    %swap3A_695 = vector.shape_cast %swap3A_694 : vector<1x16xf32> to vector<16xf32>
    %swap3A_696 = vector.shape_cast %broadcast_in_dim3A_1 : vector<16xf32> to vector<1x16xf32>
    tpu.vector_store %arg9[%swap3A_692, %swap3A_693], %swap3A_696 {strides = array<i32>} : memref<16x128xf32, #tpu.memory_space<vmem>>, vector<1x16xf32>,
    %swap3A_697 = arith.constant 14 : i32
    %swap3A_698 = arith.index_cast %swap3A_697 : i32 to index
    %swap3A_699 = arith.constant 64 : index
    %swap3A_700 = tpu.vector_load %arg9[%swap3A_698, %swap3A_699] {strides = array<i32>} : memref<16x128xf32, #tpu.memory_space<vmem>>, vector<1x16xf32>,
    %swap3A_701 = vector.shape_cast %swap3A_700 : vector<1x16xf32> to vector<16xf32>
    %swap3A_702 = vector.shape_cast %broadcast_in_dim3A_1 : vector<16xf32> to vector<1x16xf32>
    tpu.vector_store %arg9[%swap3A_698, %swap3A_699], %swap3A_702 {strides = array<i32>} : memref<16x128xf32, #tpu.memory_space<vmem>>, vector<1x16xf32>,
    %swap3A_703 = arith.constant 14 : i32
    %swap3A_704 = arith.index_cast %swap3A_703 : i32 to index
    %swap3A_705 = arith.constant 80 : index
    %swap3A_706 = tpu.vector_load %arg9[%swap3A_704, %swap3A_705] {strides = array<i32>} : memref<16x128xf32, #tpu.memory_space<vmem>>, vector<1x16xf32>,
    %swap3A_707 = vector.shape_cast %swap3A_706 : vector<1x16xf32> to vector<16xf32>
    %swap3A_708 = vector.shape_cast %broadcast_in_dim3A_1 : vector<16xf32> to vector<1x16xf32>
    tpu.vector_store %arg9[%swap3A_704, %swap3A_705], %swap3A_708 {strides = array<i32>} : memref<16x128xf32, #tpu.memory_space<vmem>>, vector<1x16xf32>,
    %swap3A_709 = arith.constant 14 : i32
    %swap3A_710 = arith.index_cast %swap3A_709 : i32 to index
    %swap3A_711 = arith.constant 96 : index
    %swap3A_712 = tpu.vector_load %arg9[%swap3A_710, %swap3A_711] {strides = array<i32>} : memref<16x128xf32, #tpu.memory_space<vmem>>, vector<1x16xf32>,
    %swap3A_713 = vector.shape_cast %swap3A_712 : vector<1x16xf32> to vector<16xf32>
    %swap3A_714 = vector.shape_cast %broadcast_in_dim3A_1 : vector<16xf32> to vector<1x16xf32>
    tpu.vector_store %arg9[%swap3A_710, %swap3A_711], %swap3A_714 {strides = array<i32>} : memref<16x128xf32, #tpu.memory_space<vmem>>, vector<1x16xf32>,
    %swap3A_715 = arith.constant 14 : i32
    %swap3A_716 = arith.index_cast %swap3A_715 : i32 to index
    %swap3A_717 = arith.constant 112 : index
    %swap3A_718 = tpu.vector_load %arg9[%swap3A_716, %swap3A_717] {strides = array<i32>} : memref<16x128xf32, #tpu.memory_space<vmem>>, vector<1x16xf32>,
    %swap3A_719 = vector.shape_cast %swap3A_718 : vector<1x16xf32> to vector<16xf32>
    %swap3A_720 = vector.shape_cast %broadcast_in_dim3A_1 : vector<16xf32> to vector<1x16xf32>
    tpu.vector_store %arg9[%swap3A_716, %swap3A_717], %swap3A_720 {strides = array<i32>} : memref<16x128xf32, #tpu.memory_space<vmem>>, vector<1x16xf32>,
    %swap3A_721 = arith.constant 15 : i32
    %swap3A_722 = arith.index_cast %swap3A_721 : i32 to index
    %swap3A_723 = arith.constant 0 : index
    %swap3A_724 = tpu.vector_load %arg9[%swap3A_722, %swap3A_723] {strides = array<i32>} : memref<16x128xf32, #tpu.memory_space<vmem>>, vector<1x16xf32>,
    %swap3A_725 = vector.shape_cast %swap3A_724 : vector<1x16xf32> to vector<16xf32>
    %swap3A_726 = vector.shape_cast %broadcast_in_dim3A_1 : vector<16xf32> to vector<1x16xf32>
    tpu.vector_store %arg9[%swap3A_722, %swap3A_723], %swap3A_726 {strides = array<i32>} : memref<16x128xf32, #tpu.memory_space<vmem>>, vector<1x16xf32>,
    %swap3A_727 = arith.constant 15 : i32
    %swap3A_728 = arith.index_cast %swap3A_727 : i32 to index
    %swap3A_729 = arith.constant 16 : index
    %swap3A_730 = tpu.vector_load %arg9[%swap3A_728, %swap3A_729] {strides = array<i32>} : memref<16x128xf32, #tpu.memory_space<vmem>>, vector<1x16xf32>,
    %swap3A_731 = vector.shape_cast %swap3A_730 : vector<1x16xf32> to vector<16xf32>
    %swap3A_732 = vector.shape_cast %broadcast_in_dim3A_1 : vector<16xf32> to vector<1x16xf32>
    tpu.vector_store %arg9[%swap3A_728, %swap3A_729], %swap3A_732 {strides = array<i32>} : memref<16x128xf32, #tpu.memory_space<vmem>>, vector<1x16xf32>,
    %swap3A_733 = arith.constant 15 : i32
    %swap3A_734 = arith.index_cast %swap3A_733 : i32 to index
    %swap3A_735 = arith.constant 32 : index
    %swap3A_736 = tpu.vector_load %arg9[%swap3A_734, %swap3A_735] {strides = array<i32>} : memref<16x128xf32, #tpu.memory_space<vmem>>, vector<1x16xf32>,
    %swap3A_737 = vector.shape_cast %swap3A_736 : vector<1x16xf32> to vector<16xf32>
    %swap3A_738 = vector.shape_cast %broadcast_in_dim3A_1 : vector<16xf32> to vector<1x16xf32>
    tpu.vector_store %arg9[%swap3A_734, %swap3A_735], %swap3A_738 {strides = array<i32>} : memref<16x128xf32, #tpu.memory_space<vmem>>, vector<1x16xf32>,
    %swap3A_739 = arith.constant 15 : i32
    %swap3A_740 = arith.index_cast %swap3A_739 : i32 to index
    %swap3A_741 = arith.constant 48 : index
    %swap3A_742 = tpu.vector_load %arg9[%swap3A_740, %swap3A_741] {strides = array<i32>} : memref<16x128xf32, #tpu.memory_space<vmem>>, vector<1x16xf32>,
    %swap3A_743 = vector.shape_cast %swap3A_742 : vector<1x16xf32> to vector<16xf32>
    %swap3A_744 = vector.shape_cast %broadcast_in_dim3A_1 : vector<16xf32> to vector<1x16xf32>
    tpu.vector_store %arg9[%swap3A_740, %swap3A_741], %swap3A_744 {strides = array<i32>} : memref<16x128xf32, #tpu.memory_space<vmem>>, vector<1x16xf32>,
    %swap3A_745 = arith.constant 15 : i32
    %swap3A_746 = arith.index_cast %swap3A_745 : i32 to index
    %swap3A_747 = arith.constant 64 : index
    %swap3A_748 = tpu.vector_load %arg9[%swap3A_746, %swap3A_747] {strides = array<i32>} : memref<16x128xf32, #tpu.memory_space<vmem>>, vector<1x16xf32>,
    %swap3A_749 = vector.shape_cast %swap3A_748 : vector<1x16xf32> to vector<16xf32>
    %swap3A_750 = vector.shape_cast %broadcast_in_dim3A_1 : vector<16xf32> to vector<1x16xf32>
    tpu.vector_store %arg9[%swap3A_746, %swap3A_747], %swap3A_750 {strides = array<i32>} : memref<16x128xf32, #tpu.memory_space<vmem>>, vector<1x16xf32>,
    %swap3A_751 = arith.constant 15 : i32
    %swap3A_752 = arith.index_cast %swap3A_751 : i32 to index
    %swap3A_753 = arith.constant 80 : index
    %swap3A_754 = tpu.vector_load %arg9[%swap3A_752, %swap3A_753] {strides = array<i32>} : memref<16x128xf32, #tpu.memory_space<vmem>>, vector<1x16xf32>,
    %swap3A_755 = vector.shape_cast %swap3A_754 : vector<1x16xf32> to vector<16xf32>
    %swap3A_756 = vector.shape_cast %broadcast_in_dim3A_1 : vector<16xf32> to vector<1x16xf32>
    tpu.vector_store %arg9[%swap3A_752, %swap3A_753], %swap3A_756 {strides = array<i32>} : memref<16x128xf32, #tpu.memory_space<vmem>>, vector<1x16xf32>,
    %swap3A_757 = arith.constant 15 : i32
    %swap3A_758 = arith.index_cast %swap3A_757 : i32 to index
    %swap3A_759 = arith.constant 96 : index
    %swap3A_760 = tpu.vector_load %arg9[%swap3A_758, %swap3A_759] {strides = array<i32>} : memref<16x128xf32, #tpu.memory_space<vmem>>, vector<1x16xf32>,
    %swap3A_761 = vector.shape_cast %swap3A_760 : vector<1x16xf32> to vector<16xf32>
    %swap3A_762 = vector.shape_cast %broadcast_in_dim3A_1 : vector<16xf32> to vector<1x16xf32>
    tpu.vector_store %arg9[%swap3A_758, %swap3A_759], %swap3A_762 {strides = array<i32>} : memref<16x128xf32, #tpu.memory_space<vmem>>, vector<1x16xf32>,
    %swap3A_763 = arith.constant 15 : i32
    %swap3A_764 = arith.index_cast %swap3A_763 : i32 to index
    %swap3A_765 = arith.constant 112 : index
    %swap3A_766 = tpu.vector_load %arg9[%swap3A_764, %swap3A_765] {strides = array<i32>} : memref<16x128xf32, #tpu.memory_space<vmem>>, vector<1x16xf32>,
    %swap3A_767 = vector.shape_cast %swap3A_766 : vector<1x16xf32> to vector<16xf32>
    %swap3A_768 = vector.shape_cast %broadcast_in_dim3A_1 : vector<16xf32> to vector<1x16xf32>
    tpu.vector_store %arg9[%swap3A_764, %swap3A_765], %swap3A_768 {strides = array<i32>} : memref<16x128xf32, #tpu.memory_space<vmem>>, vector<1x16xf32>,
    %mul3A_769 = arith.constant 640 : i32
    %mul3A_770 = arith.muli %arg1, %mul3A_769 : i32
    %scan3A = arith.constant 0 : i32
    %scan3A_771 = arith.constant 0 : i32
    %scan3A_772 = arith.constant 40 : i32
    %scan3A_773 = arith.addi %scan3A_771, %scan3A_772 : i32
    %scan3A_774 = arith.constant 1 : i32
    scf.for %scan3A_783 = %scan3A_771 to %scan3A_773 step %scan3A_774  : i32 {
      %mul3A_784 = arith.constant 16 : i32
      %mul3A_785 = arith.muli %scan3A_783, %mul3A_784 : i32
      %add3A_786 = arith.addi %mul3A_770, %mul3A_785 : i32
      "tpu.region"() ({
        %run_scoped3A = tpu.sem_alloc : memref<!tpu.dma_semaphore, #tpu.memory_space<semaphore_mem>>
        %dma_start3A = arith.constant 0 : i32
        %dma_start3A_787 = tpu.memref_slice %arg10[%add3A_786, %dma_start3A] : memref<10240x128xf32, #tpu.memory_space<vmem_shared>> -> memref<16x128xf32, #tpu.memory_space<vmem_shared>>
        %dma_start3A_788 = arith.constant 0 : i32
        %dma_start3A_789 = tpu.memref_slice %arg10[%add3A_786, %dma_start3A_788] : memref<10240x128xf32, #tpu.memory_space<vmem_shared>> -> memref<16x128xf32, #tpu.memory_space<vmem_shared>>
        tpu.enqueue_dma source(%arg9 : memref<16x128xf32, #tpu.memory_space<vmem>>) target(%dma_start3A_789 : memref<16x128xf32, #tpu.memory_space<vmem_shared>>) target_semaphore(%run_scoped3A : memref<!tpu.dma_semaphore, #tpu.memory_space<semaphore_mem>>)
        %dma_wait3A = arith.constant 0 : i32
        %dma_wait3A_790 = tpu.memref_slice %arg10[%add3A_786, %dma_wait3A] : memref<10240x128xf32, #tpu.memory_space<vmem_shared>> -> memref<16x128xf32, #tpu.memory_space<vmem_shared>>
        %dma_wait3A_791 = arith.constant 0 : i32
        %dma_wait3A_792 = tpu.memref_slice %arg10[%add3A_786, %dma_wait3A_791] : memref<10240x128xf32, #tpu.memory_space<vmem_shared>> -> memref<16x128xf32, #tpu.memory_space<vmem_shared>>
        tpu.wait_dma2 semaphore(%run_scoped3A : memref<!tpu.dma_semaphore, #tpu.memory_space<semaphore_mem>>) src(%arg9 : memref<16x128xf32, #tpu.memory_space<vmem>>) dst(%dma_wait3A_792 : memref<16x128xf32, #tpu.memory_space<vmem_shared>>)
        tpu.yield
      }) : () -> ()
    }
    %scan3A_775 = arith.constant 40 : i32
    %barrier3A = arith.constant 0 : index
    tpu.barrier barrier_id(%barrier3A)
    %scan3A_776 = arith.constant 0 : i32
    %scan3A_777 = arith.constant 0 : i32
    %scan3A_778 = arith.constant 10 : i32
    %scan3A_779 = arith.addi %scan3A_777, %scan3A_778 : i32
    %scan3A_780 = arith.constant 1 : i32
    scf.for %scan3A_783 = %scan3A_777 to %scan3A_779 step %scan3A_780  : i32 {
      %mul3A_784 = arith.constant 8 : i32
      %mul3A_785 = arith.muli %scan3A_783, %mul3A_784 : i32
      "tpu.region"() ({
        %run_scoped3A_803 = tpu.sem_alloc : memref<!tpu.dma_semaphore, #tpu.memory_space<semaphore_mem>>
        %dma_start3A = arith.constant 0 : i32
        %dma_start3A_804 = tpu.memref_slice %arg3[%add3A, %mul3A_785, %dma_start3A] : memref<32x80x128xi32, #tpu.memory_space<hbm>> -> memref<1x8x128xi32, #tpu.memory_space<hbm>>
        %dma_start3A_805 = tpu.memref_squeeze %dma_start3A_804 : memref<1x8x128xi32, #tpu.memory_space<hbm>> -> memref<8x128xi32, #tpu.memory_space<hbm>>
        %dma_start3A_806 = arith.constant 0 : i32
        %dma_start3A_807 = tpu.memref_slice %arg3[%add3A, %mul3A_785, %dma_start3A_806] : memref<32x80x128xi32, #tpu.memory_space<hbm>> -> memref<1x8x128xi32, #tpu.memory_space<hbm>>
        %dma_start3A_808 = tpu.memref_squeeze %dma_start3A_807 : memref<1x8x128xi32, #tpu.memory_space<hbm>> -> memref<8x128xi32, #tpu.memory_space<hbm>>
        tpu.enqueue_dma source(%dma_start3A_808 : memref<8x128xi32, #tpu.memory_space<hbm>>) target(%arg6 : memref<8x128xi32, #tpu.memory_space<vmem>>) target_semaphore(%run_scoped3A_803 : memref<!tpu.dma_semaphore, #tpu.memory_space<semaphore_mem>>)
        %dma_wait3A = arith.constant 0 : i32
        %dma_wait3A_809 = tpu.memref_slice %arg3[%add3A, %mul3A_785, %dma_wait3A] : memref<32x80x128xi32, #tpu.memory_space<hbm>> -> memref<1x8x128xi32, #tpu.memory_space<hbm>>
        %dma_wait3A_810 = tpu.memref_squeeze %dma_wait3A_809 : memref<1x8x128xi32, #tpu.memory_space<hbm>> -> memref<8x128xi32, #tpu.memory_space<hbm>>
        %dma_wait3A_811 = arith.constant 0 : i32
        %dma_wait3A_812 = tpu.memref_slice %arg3[%add3A, %mul3A_785, %dma_wait3A_811] : memref<32x80x128xi32, #tpu.memory_space<hbm>> -> memref<1x8x128xi32, #tpu.memory_space<hbm>>
        %dma_wait3A_813 = tpu.memref_squeeze %dma_wait3A_812 : memref<1x8x128xi32, #tpu.memory_space<hbm>> -> memref<8x128xi32, #tpu.memory_space<hbm>>
        tpu.wait_dma2 semaphore(%run_scoped3A_803 : memref<!tpu.dma_semaphore, #tpu.memory_space<semaphore_mem>>) src(%dma_wait3A_813 : memref<8x128xi32, #tpu.memory_space<hbm>>) dst(%arg6 : memref<8x128xi32, #tpu.memory_space<vmem>>)
        tpu.yield
      }) : () -> ()
      %mul3A_786 = arith.constant 8 : i32
      %mul3A_787 = arith.muli %scan3A_783, %mul3A_786 : i32
      "tpu.region"() ({
        %run_scoped3A_803 = tpu.sem_alloc : memref<!tpu.dma_semaphore, #tpu.memory_space<semaphore_mem>>
        %dma_start3A = arith.constant 0 : i32
        %dma_start3A_804 = tpu.memref_slice %arg4[%add3A, %mul3A_787, %dma_start3A] : memref<32x80x128xi32, #tpu.memory_space<hbm>> -> memref<1x8x128xi32, #tpu.memory_space<hbm>>
        %dma_start3A_805 = tpu.memref_squeeze %dma_start3A_804 : memref<1x8x128xi32, #tpu.memory_space<hbm>> -> memref<8x128xi32, #tpu.memory_space<hbm>>
        %dma_start3A_806 = arith.constant 0 : i32
        %dma_start3A_807 = tpu.memref_slice %arg4[%add3A, %mul3A_787, %dma_start3A_806] : memref<32x80x128xi32, #tpu.memory_space<hbm>> -> memref<1x8x128xi32, #tpu.memory_space<hbm>>
        %dma_start3A_808 = tpu.memref_squeeze %dma_start3A_807 : memref<1x8x128xi32, #tpu.memory_space<hbm>> -> memref<8x128xi32, #tpu.memory_space<hbm>>
        tpu.enqueue_dma source(%dma_start3A_808 : memref<8x128xi32, #tpu.memory_space<hbm>>) target(%arg7 : memref<8x128xi32, #tpu.memory_space<vmem>>) target_semaphore(%run_scoped3A_803 : memref<!tpu.dma_semaphore, #tpu.memory_space<semaphore_mem>>)
        %dma_wait3A = arith.constant 0 : i32
        %dma_wait3A_809 = tpu.memref_slice %arg4[%add3A, %mul3A_787, %dma_wait3A] : memref<32x80x128xi32, #tpu.memory_space<hbm>> -> memref<1x8x128xi32, #tpu.memory_space<hbm>>
        %dma_wait3A_810 = tpu.memref_squeeze %dma_wait3A_809 : memref<1x8x128xi32, #tpu.memory_space<hbm>> -> memref<8x128xi32, #tpu.memory_space<hbm>>
        %dma_wait3A_811 = arith.constant 0 : i32
        %dma_wait3A_812 = tpu.memref_slice %arg4[%add3A, %mul3A_787, %dma_wait3A_811] : memref<32x80x128xi32, #tpu.memory_space<hbm>> -> memref<1x8x128xi32, #tpu.memory_space<hbm>>
        %dma_wait3A_813 = tpu.memref_squeeze %dma_wait3A_812 : memref<1x8x128xi32, #tpu.memory_space<hbm>> -> memref<8x128xi32, #tpu.memory_space<hbm>>
        tpu.wait_dma2 semaphore(%run_scoped3A_803 : memref<!tpu.dma_semaphore, #tpu.memory_space<semaphore_mem>>) src(%dma_wait3A_813 : memref<8x128xi32, #tpu.memory_space<hbm>>) dst(%arg7 : memref<8x128xi32, #tpu.memory_space<vmem>>)
        tpu.yield
      }) : () -> ()
      %run_scoped3A = arith.constant 0 : i32
      "tpu.region"() ({
        %run_scoped3A_803 = tpu.sem_alloc : memref<!tpu.dma_semaphore, #tpu.memory_space<semaphore_mem>>
        %dma_start3A = arith.constant 0 : i32
        %dma_start3A_804 = tpu.memref_slice %arg6[%run_scoped3A, %dma_start3A] : memref<8x128xi32, #tpu.memory_space<vmem>> -> memref<1x128xi32, #tpu.memory_space<vmem>>
        %dma_start3A_805 = tpu.memref_squeeze %dma_start3A_804 : memref<1x128xi32, #tpu.memory_space<vmem>> -> memref<128xi32, #tpu.memory_space<vmem>>
        %dma_start3A_806 = arith.constant 0 : i32
        %dma_start3A_807 = arith.constant 0 : i32
        %dma_start3A_808 = tpu.memref_slice %arg2[%dma_start3A_806, %dma_start3A_807] : memref<10240x128xf32, #tpu.memory_space<hbm>> -> memref<10240x128xf32, #tpu.memory_space<hbm>>
        tpu.enqueue_indirect_dma source(%dma_start3A_808 : memref<10240x128xf32, #tpu.memory_space<hbm>>) target(%arg8 : memref<128x128xf32, #tpu.memory_space<vmem>>) offsets(%dma_start3A_805 : memref<128xi32, #tpu.memory_space<vmem>>) semaphore(%run_scoped3A_803 : memref<!tpu.dma_semaphore, #tpu.memory_space<semaphore_mem>>)
        %dma_wait3A = arith.constant 0 : i32
        %dma_wait3A_809 = tpu.memref_slice %arg6[%run_scoped3A, %dma_wait3A] : memref<8x128xi32, #tpu.memory_space<vmem>> -> memref<1x128xi32, #tpu.memory_space<vmem>>
        %dma_wait3A_810 = tpu.memref_squeeze %dma_wait3A_809 : memref<1x128xi32, #tpu.memory_space<vmem>> -> memref<128xi32, #tpu.memory_space<vmem>>
        %dma_wait3A_811 = arith.constant 0 : i32
        %dma_wait3A_812 = arith.constant 0 : i32
        %dma_wait3A_813 = tpu.memref_slice %arg2[%dma_wait3A_811, %dma_wait3A_812] : memref<10240x128xf32, #tpu.memory_space<hbm>> -> memref<10240x128xf32, #tpu.memory_space<hbm>>
        tpu.wait_indirect_dma semaphore(%run_scoped3A_803 : memref<!tpu.dma_semaphore, #tpu.memory_space<semaphore_mem>>) src(%dma_wait3A_813 : memref<10240x128xf32, #tpu.memory_space<hbm>>) dst(%arg8 : memref<128x128xf32, #tpu.memory_space<vmem>>)
        tpu.yield
      }) : () -> ()
      %run_scoped3A_788 = arith.constant 0 : i32
      "tpu.region"() ({
        %run_scoped3A_803 = tpu.sem_alloc : memref<!tpu.dma_semaphore, #tpu.memory_space<semaphore_mem>>
        %dma_start3A = arith.constant 0 : i32
        %dma_start3A_804 = tpu.memref_slice %arg7[%run_scoped3A_788, %dma_start3A] : memref<8x128xi32, #tpu.memory_space<vmem>> -> memref<1x128xi32, #tpu.memory_space<vmem>>
        %dma_start3A_805 = tpu.memref_squeeze %dma_start3A_804 : memref<1x128xi32, #tpu.memory_space<vmem>> -> memref<128xi32, #tpu.memory_space<vmem>>
        %dma_start3A_806 = arith.constant 0 : i32
        %dma_start3A_807 = arith.constant 0 : i32
        %dma_start3A_808 = tpu.memref_slice %arg10[%dma_start3A_806, %dma_start3A_807] : memref<10240x128xf32, #tpu.memory_space<vmem_shared>> -> memref<10240x128xf32, #tpu.memory_space<vmem_shared>>
        tpu.enqueue_indirect_dma source(%arg8 : memref<128x128xf32, #tpu.memory_space<vmem>>) target(%dma_start3A_808 : memref<10240x128xf32, #tpu.memory_space<vmem_shared>>) offsets(%dma_start3A_805 : memref<128xi32, #tpu.memory_space<vmem>>) semaphore(%run_scoped3A_803 : memref<!tpu.dma_semaphore, #tpu.memory_space<semaphore_mem>>) {add = true}
        %dma_wait3A = arith.constant 0 : i32
        %dma_wait3A_809 = tpu.memref_slice %arg7[%run_scoped3A_788, %dma_wait3A] : memref<8x128xi32, #tpu.memory_space<vmem>> -> memref<1x128xi32, #tpu.memory_space<vmem>>
        %dma_wait3A_810 = tpu.memref_squeeze %dma_wait3A_809 : memref<1x128xi32, #tpu.memory_space<vmem>> -> memref<128xi32, #tpu.memory_space<vmem>>
        %dma_wait3A_811 = arith.constant 0 : i32
        %dma_wait3A_812 = arith.constant 0 : i32
        %dma_wait3A_813 = tpu.memref_slice %arg10[%dma_wait3A_811, %dma_wait3A_812] : memref<10240x128xf32, #tpu.memory_space<vmem_shared>> -> memref<10240x128xf32, #tpu.memory_space<vmem_shared>>
        tpu.wait_indirect_dma semaphore(%run_scoped3A_803 : memref<!tpu.dma_semaphore, #tpu.memory_space<semaphore_mem>>) src(%arg8 : memref<128x128xf32, #tpu.memory_space<vmem>>) dst(%dma_wait3A_813 : memref<10240x128xf32, #tpu.memory_space<vmem_shared>>)
        tpu.yield
      }) : () -> ()
      %run_scoped3A_789 = arith.constant 1 : i32
      "tpu.region"() ({
        %run_scoped3A_803 = tpu.sem_alloc : memref<!tpu.dma_semaphore, #tpu.memory_space<semaphore_mem>>
        %dma_start3A = arith.constant 0 : i32
        %dma_start3A_804 = tpu.memref_slice %arg6[%run_scoped3A_789, %dma_start3A] : memref<8x128xi32, #tpu.memory_space<vmem>> -> memref<1x128xi32, #tpu.memory_space<vmem>>
        %dma_start3A_805 = tpu.memref_squeeze %dma_start3A_804 : memref<1x128xi32, #tpu.memory_space<vmem>> -> memref<128xi32, #tpu.memory_space<vmem>>
        %dma_start3A_806 = arith.constant 0 : i32
        %dma_start3A_807 = arith.constant 0 : i32
        %dma_start3A_808 = tpu.memref_slice %arg2[%dma_start3A_806, %dma_start3A_807] : memref<10240x128xf32, #tpu.memory_space<hbm>> -> memref<10240x128xf32, #tpu.memory_space<hbm>>
        tpu.enqueue_indirect_dma source(%dma_start3A_808 : memref<10240x128xf32, #tpu.memory_space<hbm>>) target(%arg8 : memref<128x128xf32, #tpu.memory_space<vmem>>) offsets(%dma_start3A_805 : memref<128xi32, #tpu.memory_space<vmem>>) semaphore(%run_scoped3A_803 : memref<!tpu.dma_semaphore, #tpu.memory_space<semaphore_mem>>)
        %dma_wait3A = arith.constant 0 : i32
        %dma_wait3A_809 = tpu.memref_slice %arg6[%run_scoped3A_789, %dma_wait3A] : memref<8x128xi32, #tpu.memory_space<vmem>> -> memref<1x128xi32, #tpu.memory_space<vmem>>
        %dma_wait3A_810 = tpu.memref_squeeze %dma_wait3A_809 : memref<1x128xi32, #tpu.memory_space<vmem>> -> memref<128xi32, #tpu.memory_space<vmem>>
        %dma_wait3A_811 = arith.constant 0 : i32
        %dma_wait3A_812 = arith.constant 0 : i32
        %dma_wait3A_813 = tpu.memref_slice %arg2[%dma_wait3A_811, %dma_wait3A_812] : memref<10240x128xf32, #tpu.memory_space<hbm>> -> memref<10240x128xf32, #tpu.memory_space<hbm>>
        tpu.wait_indirect_dma semaphore(%run_scoped3A_803 : memref<!tpu.dma_semaphore, #tpu.memory_space<semaphore_mem>>) src(%dma_wait3A_813 : memref<10240x128xf32, #tpu.memory_space<hbm>>) dst(%arg8 : memref<128x128xf32, #tpu.memory_space<vmem>>)
        tpu.yield
      }) : () -> ()
      %run_scoped3A_790 = arith.constant 1 : i32
      "tpu.region"() ({
        %run_scoped3A_803 = tpu.sem_alloc : memref<!tpu.dma_semaphore, #tpu.memory_space<semaphore_mem>>
        %dma_start3A = arith.constant 0 : i32
        %dma_start3A_804 = tpu.memref_slice %arg7[%run_scoped3A_790, %dma_start3A] : memref<8x128xi32, #tpu.memory_space<vmem>> -> memref<1x128xi32, #tpu.memory_space<vmem>>
        %dma_start3A_805 = tpu.memref_squeeze %dma_start3A_804 : memref<1x128xi32, #tpu.memory_space<vmem>> -> memref<128xi32, #tpu.memory_space<vmem>>
        %dma_start3A_806 = arith.constant 0 : i32
        %dma_start3A_807 = arith.constant 0 : i32
        %dma_start3A_808 = tpu.memref_slice %arg10[%dma_start3A_806, %dma_start3A_807] : memref<10240x128xf32, #tpu.memory_space<vmem_shared>> -> memref<10240x128xf32, #tpu.memory_space<vmem_shared>>
        tpu.enqueue_indirect_dma source(%arg8 : memref<128x128xf32, #tpu.memory_space<vmem>>) target(%dma_start3A_808 : memref<10240x128xf32, #tpu.memory_space<vmem_shared>>) offsets(%dma_start3A_805 : memref<128xi32, #tpu.memory_space<vmem>>) semaphore(%run_scoped3A_803 : memref<!tpu.dma_semaphore, #tpu.memory_space<semaphore_mem>>) {add = true}
        %dma_wait3A = arith.constant 0 : i32
        %dma_wait3A_809 = tpu.memref_slice %arg7[%run_scoped3A_790, %dma_wait3A] : memref<8x128xi32, #tpu.memory_space<vmem>> -> memref<1x128xi32, #tpu.memory_space<vmem>>
        %dma_wait3A_810 = tpu.memref_squeeze %dma_wait3A_809 : memref<1x128xi32, #tpu.memory_space<vmem>> -> memref<128xi32, #tpu.memory_space<vmem>>
        %dma_wait3A_811 = arith.constant 0 : i32
        %dma_wait3A_812 = arith.constant 0 : i32
        %dma_wait3A_813 = tpu.memref_slice %arg10[%dma_wait3A_811, %dma_wait3A_812] : memref<10240x128xf32, #tpu.memory_space<vmem_shared>> -> memref<10240x128xf32, #tpu.memory_space<vmem_shared>>
        tpu.wait_indirect_dma semaphore(%run_scoped3A_803 : memref<!tpu.dma_semaphore, #tpu.memory_space<semaphore_mem>>) src(%arg8 : memref<128x128xf32, #tpu.memory_space<vmem>>) dst(%dma_wait3A_813 : memref<10240x128xf32, #tpu.memory_space<vmem_shared>>)
        tpu.yield
      }) : () -> ()
      %run_scoped3A_791 = arith.constant 2 : i32
      "tpu.region"() ({
        %run_scoped3A_803 = tpu.sem_alloc : memref<!tpu.dma_semaphore, #tpu.memory_space<semaphore_mem>>
        %dma_start3A = arith.constant 0 : i32
        %dma_start3A_804 = tpu.memref_slice %arg6[%run_scoped3A_791, %dma_start3A] : memref<8x128xi32, #tpu.memory_space<vmem>> -> memref<1x128xi32, #tpu.memory_space<vmem>>
        %dma_start3A_805 = tpu.memref_squeeze %dma_start3A_804 : memref<1x128xi32, #tpu.memory_space<vmem>> -> memref<128xi32, #tpu.memory_space<vmem>>
        %dma_start3A_806 = arith.constant 0 : i32
        %dma_start3A_807 = arith.constant 0 : i32
        %dma_start3A_808 = tpu.memref_slice %arg2[%dma_start3A_806, %dma_start3A_807] : memref<10240x128xf32, #tpu.memory_space<hbm>> -> memref<10240x128xf32, #tpu.memory_space<hbm>>
        tpu.enqueue_indirect_dma source(%dma_start3A_808 : memref<10240x128xf32, #tpu.memory_space<hbm>>) target(%arg8 : memref<128x128xf32, #tpu.memory_space<vmem>>) offsets(%dma_start3A_805 : memref<128xi32, #tpu.memory_space<vmem>>) semaphore(%run_scoped3A_803 : memref<!tpu.dma_semaphore, #tpu.memory_space<semaphore_mem>>)
        %dma_wait3A = arith.constant 0 : i32
        %dma_wait3A_809 = tpu.memref_slice %arg6[%run_scoped3A_791, %dma_wait3A] : memref<8x128xi32, #tpu.memory_space<vmem>> -> memref<1x128xi32, #tpu.memory_space<vmem>>
        %dma_wait3A_810 = tpu.memref_squeeze %dma_wait3A_809 : memref<1x128xi32, #tpu.memory_space<vmem>> -> memref<128xi32, #tpu.memory_space<vmem>>
        %dma_wait3A_811 = arith.constant 0 : i32
        %dma_wait3A_812 = arith.constant 0 : i32
        %dma_wait3A_813 = tpu.memref_slice %arg2[%dma_wait3A_811, %dma_wait3A_812] : memref<10240x128xf32, #tpu.memory_space<hbm>> -> memref<10240x128xf32, #tpu.memory_space<hbm>>
        tpu.wait_indirect_dma semaphore(%run_scoped3A_803 : memref<!tpu.dma_semaphore, #tpu.memory_space<semaphore_mem>>) src(%dma_wait3A_813 : memref<10240x128xf32, #tpu.memory_space<hbm>>) dst(%arg8 : memref<128x128xf32, #tpu.memory_space<vmem>>)
        tpu.yield
      }) : () -> ()
      %run_scoped3A_792 = arith.constant 2 : i32
      "tpu.region"() ({
        %run_scoped3A_803 = tpu.sem_alloc : memref<!tpu.dma_semaphore, #tpu.memory_space<semaphore_mem>>
        %dma_start3A = arith.constant 0 : i32
        %dma_start3A_804 = tpu.memref_slice %arg7[%run_scoped3A_792, %dma_start3A] : memref<8x128xi32, #tpu.memory_space<vmem>> -> memref<1x128xi32, #tpu.memory_space<vmem>>
        %dma_start3A_805 = tpu.memref_squeeze %dma_start3A_804 : memref<1x128xi32, #tpu.memory_space<vmem>> -> memref<128xi32, #tpu.memory_space<vmem>>
        %dma_start3A_806 = arith.constant 0 : i32
        %dma_start3A_807 = arith.constant 0 : i32
        %dma_start3A_808 = tpu.memref_slice %arg10[%dma_start3A_806, %dma_start3A_807] : memref<10240x128xf32, #tpu.memory_space<vmem_shared>> -> memref<10240x128xf32, #tpu.memory_space<vmem_shared>>
        tpu.enqueue_indirect_dma source(%arg8 : memref<128x128xf32, #tpu.memory_space<vmem>>) target(%dma_start3A_808 : memref<10240x128xf32, #tpu.memory_space<vmem_shared>>) offsets(%dma_start3A_805 : memref<128xi32, #tpu.memory_space<vmem>>) semaphore(%run_scoped3A_803 : memref<!tpu.dma_semaphore, #tpu.memory_space<semaphore_mem>>) {add = true}
        %dma_wait3A = arith.constant 0 : i32
        %dma_wait3A_809 = tpu.memref_slice %arg7[%run_scoped3A_792, %dma_wait3A] : memref<8x128xi32, #tpu.memory_space<vmem>> -> memref<1x128xi32, #tpu.memory_space<vmem>>
        %dma_wait3A_810 = tpu.memref_squeeze %dma_wait3A_809 : memref<1x128xi32, #tpu.memory_space<vmem>> -> memref<128xi32, #tpu.memory_space<vmem>>
        %dma_wait3A_811 = arith.constant 0 : i32
        %dma_wait3A_812 = arith.constant 0 : i32
        %dma_wait3A_813 = tpu.memref_slice %arg10[%dma_wait3A_811, %dma_wait3A_812] : memref<10240x128xf32, #tpu.memory_space<vmem_shared>> -> memref<10240x128xf32, #tpu.memory_space<vmem_shared>>
        tpu.wait_indirect_dma semaphore(%run_scoped3A_803 : memref<!tpu.dma_semaphore, #tpu.memory_space<semaphore_mem>>) src(%arg8 : memref<128x128xf32, #tpu.memory_space<vmem>>) dst(%dma_wait3A_813 : memref<10240x128xf32, #tpu.memory_space<vmem_shared>>)
        tpu.yield
      }) : () -> ()
      %run_scoped3A_793 = arith.constant 3 : i32
      "tpu.region"() ({
        %run_scoped3A_803 = tpu.sem_alloc : memref<!tpu.dma_semaphore, #tpu.memory_space<semaphore_mem>>
        %dma_start3A = arith.constant 0 : i32
        %dma_start3A_804 = tpu.memref_slice %arg6[%run_scoped3A_793, %dma_start3A] : memref<8x128xi32, #tpu.memory_space<vmem>> -> memref<1x128xi32, #tpu.memory_space<vmem>>
        %dma_start3A_805 = tpu.memref_squeeze %dma_start3A_804 : memref<1x128xi32, #tpu.memory_space<vmem>> -> memref<128xi32, #tpu.memory_space<vmem>>
        %dma_start3A_806 = arith.constant 0 : i32
        %dma_start3A_807 = arith.constant 0 : i32
        %dma_start3A_808 = tpu.memref_slice %arg2[%dma_start3A_806, %dma_start3A_807] : memref<10240x128xf32, #tpu.memory_space<hbm>> -> memref<10240x128xf32, #tpu.memory_space<hbm>>
        tpu.enqueue_indirect_dma source(%dma_start3A_808 : memref<10240x128xf32, #tpu.memory_space<hbm>>) target(%arg8 : memref<128x128xf32, #tpu.memory_space<vmem>>) offsets(%dma_start3A_805 : memref<128xi32, #tpu.memory_space<vmem>>) semaphore(%run_scoped3A_803 : memref<!tpu.dma_semaphore, #tpu.memory_space<semaphore_mem>>)
        %dma_wait3A = arith.constant 0 : i32
        %dma_wait3A_809 = tpu.memref_slice %arg6[%run_scoped3A_793, %dma_wait3A] : memref<8x128xi32, #tpu.memory_space<vmem>> -> memref<1x128xi32, #tpu.memory_space<vmem>>
        %dma_wait3A_810 = tpu.memref_squeeze %dma_wait3A_809 : memref<1x128xi32, #tpu.memory_space<vmem>> -> memref<128xi32, #tpu.memory_space<vmem>>
        %dma_wait3A_811 = arith.constant 0 : i32
        %dma_wait3A_812 = arith.constant 0 : i32
        %dma_wait3A_813 = tpu.memref_slice %arg2[%dma_wait3A_811, %dma_wait3A_812] : memref<10240x128xf32, #tpu.memory_space<hbm>> -> memref<10240x128xf32, #tpu.memory_space<hbm>>
        tpu.wait_indirect_dma semaphore(%run_scoped3A_803 : memref<!tpu.dma_semaphore, #tpu.memory_space<semaphore_mem>>) src(%dma_wait3A_813 : memref<10240x128xf32, #tpu.memory_space<hbm>>) dst(%arg8 : memref<128x128xf32, #tpu.memory_space<vmem>>)
        tpu.yield
      }) : () -> ()
      %run_scoped3A_794 = arith.constant 3 : i32
      "tpu.region"() ({
        %run_scoped3A_803 = tpu.sem_alloc : memref<!tpu.dma_semaphore, #tpu.memory_space<semaphore_mem>>
        %dma_start3A = arith.constant 0 : i32
        %dma_start3A_804 = tpu.memref_slice %arg7[%run_scoped3A_794, %dma_start3A] : memref<8x128xi32, #tpu.memory_space<vmem>> -> memref<1x128xi32, #tpu.memory_space<vmem>>
        %dma_start3A_805 = tpu.memref_squeeze %dma_start3A_804 : memref<1x128xi32, #tpu.memory_space<vmem>> -> memref<128xi32, #tpu.memory_space<vmem>>
        %dma_start3A_806 = arith.constant 0 : i32
        %dma_start3A_807 = arith.constant 0 : i32
        %dma_start3A_808 = tpu.memref_slice %arg10[%dma_start3A_806, %dma_start3A_807] : memref<10240x128xf32, #tpu.memory_space<vmem_shared>> -> memref<10240x128xf32, #tpu.memory_space<vmem_shared>>
        tpu.enqueue_indirect_dma source(%arg8 : memref<128x128xf32, #tpu.memory_space<vmem>>) target(%dma_start3A_808 : memref<10240x128xf32, #tpu.memory_space<vmem_shared>>) offsets(%dma_start3A_805 : memref<128xi32, #tpu.memory_space<vmem>>) semaphore(%run_scoped3A_803 : memref<!tpu.dma_semaphore, #tpu.memory_space<semaphore_mem>>) {add = true}
        %dma_wait3A = arith.constant 0 : i32
        %dma_wait3A_809 = tpu.memref_slice %arg7[%run_scoped3A_794, %dma_wait3A] : memref<8x128xi32, #tpu.memory_space<vmem>> -> memref<1x128xi32, #tpu.memory_space<vmem>>
        %dma_wait3A_810 = tpu.memref_squeeze %dma_wait3A_809 : memref<1x128xi32, #tpu.memory_space<vmem>> -> memref<128xi32, #tpu.memory_space<vmem>>
        %dma_wait3A_811 = arith.constant 0 : i32
        %dma_wait3A_812 = arith.constant 0 : i32
        %dma_wait3A_813 = tpu.memref_slice %arg10[%dma_wait3A_811, %dma_wait3A_812] : memref<10240x128xf32, #tpu.memory_space<vmem_shared>> -> memref<10240x128xf32, #tpu.memory_space<vmem_shared>>
        tpu.wait_indirect_dma semaphore(%run_scoped3A_803 : memref<!tpu.dma_semaphore, #tpu.memory_space<semaphore_mem>>) src(%arg8 : memref<128x128xf32, #tpu.memory_space<vmem>>) dst(%dma_wait3A_813 : memref<10240x128xf32, #tpu.memory_space<vmem_shared>>)
        tpu.yield
      }) : () -> ()
      %run_scoped3A_795 = arith.constant 4 : i32
      "tpu.region"() ({
        %run_scoped3A_803 = tpu.sem_alloc : memref<!tpu.dma_semaphore, #tpu.memory_space<semaphore_mem>>
        %dma_start3A = arith.constant 0 : i32
        %dma_start3A_804 = tpu.memref_slice %arg6[%run_scoped3A_795, %dma_start3A] : memref<8x128xi32, #tpu.memory_space<vmem>> -> memref<1x128xi32, #tpu.memory_space<vmem>>
        %dma_start3A_805 = tpu.memref_squeeze %dma_start3A_804 : memref<1x128xi32, #tpu.memory_space<vmem>> -> memref<128xi32, #tpu.memory_space<vmem>>
        %dma_start3A_806 = arith.constant 0 : i32
        %dma_start3A_807 = arith.constant 0 : i32
        %dma_start3A_808 = tpu.memref_slice %arg2[%dma_start3A_806, %dma_start3A_807] : memref<10240x128xf32, #tpu.memory_space<hbm>> -> memref<10240x128xf32, #tpu.memory_space<hbm>>
        tpu.enqueue_indirect_dma source(%dma_start3A_808 : memref<10240x128xf32, #tpu.memory_space<hbm>>) target(%arg8 : memref<128x128xf32, #tpu.memory_space<vmem>>) offsets(%dma_start3A_805 : memref<128xi32, #tpu.memory_space<vmem>>) semaphore(%run_scoped3A_803 : memref<!tpu.dma_semaphore, #tpu.memory_space<semaphore_mem>>)
        %dma_wait3A = arith.constant 0 : i32
        %dma_wait3A_809 = tpu.memref_slice %arg6[%run_scoped3A_795, %dma_wait3A] : memref<8x128xi32, #tpu.memory_space<vmem>> -> memref<1x128xi32, #tpu.memory_space<vmem>>
        %dma_wait3A_810 = tpu.memref_squeeze %dma_wait3A_809 : memref<1x128xi32, #tpu.memory_space<vmem>> -> memref<128xi32, #tpu.memory_space<vmem>>
        %dma_wait3A_811 = arith.constant 0 : i32
        %dma_wait3A_812 = arith.constant 0 : i32
        %dma_wait3A_813 = tpu.memref_slice %arg2[%dma_wait3A_811, %dma_wait3A_812] : memref<10240x128xf32, #tpu.memory_space<hbm>> -> memref<10240x128xf32, #tpu.memory_space<hbm>>
        tpu.wait_indirect_dma semaphore(%run_scoped3A_803 : memref<!tpu.dma_semaphore, #tpu.memory_space<semaphore_mem>>) src(%dma_wait3A_813 : memref<10240x128xf32, #tpu.memory_space<hbm>>) dst(%arg8 : memref<128x128xf32, #tpu.memory_space<vmem>>)
        tpu.yield
      }) : () -> ()
      %run_scoped3A_796 = arith.constant 4 : i32
      "tpu.region"() ({
        %run_scoped3A_803 = tpu.sem_alloc : memref<!tpu.dma_semaphore, #tpu.memory_space<semaphore_mem>>
        %dma_start3A = arith.constant 0 : i32
        %dma_start3A_804 = tpu.memref_slice %arg7[%run_scoped3A_796, %dma_start3A] : memref<8x128xi32, #tpu.memory_space<vmem>> -> memref<1x128xi32, #tpu.memory_space<vmem>>
        %dma_start3A_805 = tpu.memref_squeeze %dma_start3A_804 : memref<1x128xi32, #tpu.memory_space<vmem>> -> memref<128xi32, #tpu.memory_space<vmem>>
        %dma_start3A_806 = arith.constant 0 : i32
        %dma_start3A_807 = arith.constant 0 : i32
        %dma_start3A_808 = tpu.memref_slice %arg10[%dma_start3A_806, %dma_start3A_807] : memref<10240x128xf32, #tpu.memory_space<vmem_shared>> -> memref<10240x128xf32, #tpu.memory_space<vmem_shared>>
        tpu.enqueue_indirect_dma source(%arg8 : memref<128x128xf32, #tpu.memory_space<vmem>>) target(%dma_start3A_808 : memref<10240x128xf32, #tpu.memory_space<vmem_shared>>) offsets(%dma_start3A_805 : memref<128xi32, #tpu.memory_space<vmem>>) semaphore(%run_scoped3A_803 : memref<!tpu.dma_semaphore, #tpu.memory_space<semaphore_mem>>) {add = true}
        %dma_wait3A = arith.constant 0 : i32
        %dma_wait3A_809 = tpu.memref_slice %arg7[%run_scoped3A_796, %dma_wait3A] : memref<8x128xi32, #tpu.memory_space<vmem>> -> memref<1x128xi32, #tpu.memory_space<vmem>>
        %dma_wait3A_810 = tpu.memref_squeeze %dma_wait3A_809 : memref<1x128xi32, #tpu.memory_space<vmem>> -> memref<128xi32, #tpu.memory_space<vmem>>
        %dma_wait3A_811 = arith.constant 0 : i32
        %dma_wait3A_812 = arith.constant 0 : i32
        %dma_wait3A_813 = tpu.memref_slice %arg10[%dma_wait3A_811, %dma_wait3A_812] : memref<10240x128xf32, #tpu.memory_space<vmem_shared>> -> memref<10240x128xf32, #tpu.memory_space<vmem_shared>>
        tpu.wait_indirect_dma semaphore(%run_scoped3A_803 : memref<!tpu.dma_semaphore, #tpu.memory_space<semaphore_mem>>) src(%arg8 : memref<128x128xf32, #tpu.memory_space<vmem>>) dst(%dma_wait3A_813 : memref<10240x128xf32, #tpu.memory_space<vmem_shared>>)
        tpu.yield
      }) : () -> ()
      %run_scoped3A_797 = arith.constant 5 : i32
      "tpu.region"() ({
        %run_scoped3A_803 = tpu.sem_alloc : memref<!tpu.dma_semaphore, #tpu.memory_space<semaphore_mem>>
        %dma_start3A = arith.constant 0 : i32
        %dma_start3A_804 = tpu.memref_slice %arg6[%run_scoped3A_797, %dma_start3A] : memref<8x128xi32, #tpu.memory_space<vmem>> -> memref<1x128xi32, #tpu.memory_space<vmem>>
        %dma_start3A_805 = tpu.memref_squeeze %dma_start3A_804 : memref<1x128xi32, #tpu.memory_space<vmem>> -> memref<128xi32, #tpu.memory_space<vmem>>
        %dma_start3A_806 = arith.constant 0 : i32
        %dma_start3A_807 = arith.constant 0 : i32
        %dma_start3A_808 = tpu.memref_slice %arg2[%dma_start3A_806, %dma_start3A_807] : memref<10240x128xf32, #tpu.memory_space<hbm>> -> memref<10240x128xf32, #tpu.memory_space<hbm>>
        tpu.enqueue_indirect_dma source(%dma_start3A_808 : memref<10240x128xf32, #tpu.memory_space<hbm>>) target(%arg8 : memref<128x128xf32, #tpu.memory_space<vmem>>) offsets(%dma_start3A_805 : memref<128xi32, #tpu.memory_space<vmem>>) semaphore(%run_scoped3A_803 : memref<!tpu.dma_semaphore, #tpu.memory_space<semaphore_mem>>)
        %dma_wait3A = arith.constant 0 : i32
        %dma_wait3A_809 = tpu.memref_slice %arg6[%run_scoped3A_797, %dma_wait3A] : memref<8x128xi32, #tpu.memory_space<vmem>> -> memref<1x128xi32, #tpu.memory_space<vmem>>
        %dma_wait3A_810 = tpu.memref_squeeze %dma_wait3A_809 : memref<1x128xi32, #tpu.memory_space<vmem>> -> memref<128xi32, #tpu.memory_space<vmem>>
        %dma_wait3A_811 = arith.constant 0 : i32
        %dma_wait3A_812 = arith.constant 0 : i32
        %dma_wait3A_813 = tpu.memref_slice %arg2[%dma_wait3A_811, %dma_wait3A_812] : memref<10240x128xf32, #tpu.memory_space<hbm>> -> memref<10240x128xf32, #tpu.memory_space<hbm>>
        tpu.wait_indirect_dma semaphore(%run_scoped3A_803 : memref<!tpu.dma_semaphore, #tpu.memory_space<semaphore_mem>>) src(%dma_wait3A_813 : memref<10240x128xf32, #tpu.memory_space<hbm>>) dst(%arg8 : memref<128x128xf32, #tpu.memory_space<vmem>>)
        tpu.yield
      }) : () -> ()
      %run_scoped3A_798 = arith.constant 5 : i32
      "tpu.region"() ({
        %run_scoped3A_803 = tpu.sem_alloc : memref<!tpu.dma_semaphore, #tpu.memory_space<semaphore_mem>>
        %dma_start3A = arith.constant 0 : i32
        %dma_start3A_804 = tpu.memref_slice %arg7[%run_scoped3A_798, %dma_start3A] : memref<8x128xi32, #tpu.memory_space<vmem>> -> memref<1x128xi32, #tpu.memory_space<vmem>>
        %dma_start3A_805 = tpu.memref_squeeze %dma_start3A_804 : memref<1x128xi32, #tpu.memory_space<vmem>> -> memref<128xi32, #tpu.memory_space<vmem>>
        %dma_start3A_806 = arith.constant 0 : i32
        %dma_start3A_807 = arith.constant 0 : i32
        %dma_start3A_808 = tpu.memref_slice %arg10[%dma_start3A_806, %dma_start3A_807] : memref<10240x128xf32, #tpu.memory_space<vmem_shared>> -> memref<10240x128xf32, #tpu.memory_space<vmem_shared>>
        tpu.enqueue_indirect_dma source(%arg8 : memref<128x128xf32, #tpu.memory_space<vmem>>) target(%dma_start3A_808 : memref<10240x128xf32, #tpu.memory_space<vmem_shared>>) offsets(%dma_start3A_805 : memref<128xi32, #tpu.memory_space<vmem>>) semaphore(%run_scoped3A_803 : memref<!tpu.dma_semaphore, #tpu.memory_space<semaphore_mem>>) {add = true}
        %dma_wait3A = arith.constant 0 : i32
        %dma_wait3A_809 = tpu.memref_slice %arg7[%run_scoped3A_798, %dma_wait3A] : memref<8x128xi32, #tpu.memory_space<vmem>> -> memref<1x128xi32, #tpu.memory_space<vmem>>
        %dma_wait3A_810 = tpu.memref_squeeze %dma_wait3A_809 : memref<1x128xi32, #tpu.memory_space<vmem>> -> memref<128xi32, #tpu.memory_space<vmem>>
        %dma_wait3A_811 = arith.constant 0 : i32
        %dma_wait3A_812 = arith.constant 0 : i32
        %dma_wait3A_813 = tpu.memref_slice %arg10[%dma_wait3A_811, %dma_wait3A_812] : memref<10240x128xf32, #tpu.memory_space<vmem_shared>> -> memref<10240x128xf32, #tpu.memory_space<vmem_shared>>
        tpu.wait_indirect_dma semaphore(%run_scoped3A_803 : memref<!tpu.dma_semaphore, #tpu.memory_space<semaphore_mem>>) src(%arg8 : memref<128x128xf32, #tpu.memory_space<vmem>>) dst(%dma_wait3A_813 : memref<10240x128xf32, #tpu.memory_space<vmem_shared>>)
        tpu.yield
      }) : () -> ()
      %run_scoped3A_799 = arith.constant 6 : i32
      "tpu.region"() ({
        %run_scoped3A_803 = tpu.sem_alloc : memref<!tpu.dma_semaphore, #tpu.memory_space<semaphore_mem>>
        %dma_start3A = arith.constant 0 : i32
        %dma_start3A_804 = tpu.memref_slice %arg6[%run_scoped3A_799, %dma_start3A] : memref<8x128xi32, #tpu.memory_space<vmem>> -> memref<1x128xi32, #tpu.memory_space<vmem>>
        %dma_start3A_805 = tpu.memref_squeeze %dma_start3A_804 : memref<1x128xi32, #tpu.memory_space<vmem>> -> memref<128xi32, #tpu.memory_space<vmem>>
        %dma_start3A_806 = arith.constant 0 : i32
        %dma_start3A_807 = arith.constant 0 : i32
        %dma_start3A_808 = tpu.memref_slice %arg2[%dma_start3A_806, %dma_start3A_807] : memref<10240x128xf32, #tpu.memory_space<hbm>> -> memref<10240x128xf32, #tpu.memory_space<hbm>>
        tpu.enqueue_indirect_dma source(%dma_start3A_808 : memref<10240x128xf32, #tpu.memory_space<hbm>>) target(%arg8 : memref<128x128xf32, #tpu.memory_space<vmem>>) offsets(%dma_start3A_805 : memref<128xi32, #tpu.memory_space<vmem>>) semaphore(%run_scoped3A_803 : memref<!tpu.dma_semaphore, #tpu.memory_space<semaphore_mem>>)
        %dma_wait3A = arith.constant 0 : i32
        %dma_wait3A_809 = tpu.memref_slice %arg6[%run_scoped3A_799, %dma_wait3A] : memref<8x128xi32, #tpu.memory_space<vmem>> -> memref<1x128xi32, #tpu.memory_space<vmem>>
        %dma_wait3A_810 = tpu.memref_squeeze %dma_wait3A_809 : memref<1x128xi32, #tpu.memory_space<vmem>> -> memref<128xi32, #tpu.memory_space<vmem>>
        %dma_wait3A_811 = arith.constant 0 : i32
        %dma_wait3A_812 = arith.constant 0 : i32
        %dma_wait3A_813 = tpu.memref_slice %arg2[%dma_wait3A_811, %dma_wait3A_812] : memref<10240x128xf32, #tpu.memory_space<hbm>> -> memref<10240x128xf32, #tpu.memory_space<hbm>>
        tpu.wait_indirect_dma semaphore(%run_scoped3A_803 : memref<!tpu.dma_semaphore, #tpu.memory_space<semaphore_mem>>) src(%dma_wait3A_813 : memref<10240x128xf32, #tpu.memory_space<hbm>>) dst(%arg8 : memref<128x128xf32, #tpu.memory_space<vmem>>)
        tpu.yield
      }) : () -> ()
      %run_scoped3A_800 = arith.constant 6 : i32
      "tpu.region"() ({
        %run_scoped3A_803 = tpu.sem_alloc : memref<!tpu.dma_semaphore, #tpu.memory_space<semaphore_mem>>
        %dma_start3A = arith.constant 0 : i32
        %dma_start3A_804 = tpu.memref_slice %arg7[%run_scoped3A_800, %dma_start3A] : memref<8x128xi32, #tpu.memory_space<vmem>> -> memref<1x128xi32, #tpu.memory_space<vmem>>
        %dma_start3A_805 = tpu.memref_squeeze %dma_start3A_804 : memref<1x128xi32, #tpu.memory_space<vmem>> -> memref<128xi32, #tpu.memory_space<vmem>>
        %dma_start3A_806 = arith.constant 0 : i32
        %dma_start3A_807 = arith.constant 0 : i32
        %dma_start3A_808 = tpu.memref_slice %arg10[%dma_start3A_806, %dma_start3A_807] : memref<10240x128xf32, #tpu.memory_space<vmem_shared>> -> memref<10240x128xf32, #tpu.memory_space<vmem_shared>>
        tpu.enqueue_indirect_dma source(%arg8 : memref<128x128xf32, #tpu.memory_space<vmem>>) target(%dma_start3A_808 : memref<10240x128xf32, #tpu.memory_space<vmem_shared>>) offsets(%dma_start3A_805 : memref<128xi32, #tpu.memory_space<vmem>>) semaphore(%run_scoped3A_803 : memref<!tpu.dma_semaphore, #tpu.memory_space<semaphore_mem>>) {add = true}
        %dma_wait3A = arith.constant 0 : i32
        %dma_wait3A_809 = tpu.memref_slice %arg7[%run_scoped3A_800, %dma_wait3A] : memref<8x128xi32, #tpu.memory_space<vmem>> -> memref<1x128xi32, #tpu.memory_space<vmem>>
        %dma_wait3A_810 = tpu.memref_squeeze %dma_wait3A_809 : memref<1x128xi32, #tpu.memory_space<vmem>> -> memref<128xi32, #tpu.memory_space<vmem>>
        %dma_wait3A_811 = arith.constant 0 : i32
        %dma_wait3A_812 = arith.constant 0 : i32
        %dma_wait3A_813 = tpu.memref_slice %arg10[%dma_wait3A_811, %dma_wait3A_812] : memref<10240x128xf32, #tpu.memory_space<vmem_shared>> -> memref<10240x128xf32, #tpu.memory_space<vmem_shared>>
        tpu.wait_indirect_dma semaphore(%run_scoped3A_803 : memref<!tpu.dma_semaphore, #tpu.memory_space<semaphore_mem>>) src(%arg8 : memref<128x128xf32, #tpu.memory_space<vmem>>) dst(%dma_wait3A_813 : memref<10240x128xf32, #tpu.memory_space<vmem_shared>>)
        tpu.yield
      }) : () -> ()
      %run_scoped3A_801 = arith.constant 7 : i32
      "tpu.region"() ({
        %run_scoped3A_803 = tpu.sem_alloc : memref<!tpu.dma_semaphore, #tpu.memory_space<semaphore_mem>>
        %dma_start3A = arith.constant 0 : i32
        %dma_start3A_804 = tpu.memref_slice %arg6[%run_scoped3A_801, %dma_start3A] : memref<8x128xi32, #tpu.memory_space<vmem>> -> memref<1x128xi32, #tpu.memory_space<vmem>>
        %dma_start3A_805 = tpu.memref_squeeze %dma_start3A_804 : memref<1x128xi32, #tpu.memory_space<vmem>> -> memref<128xi32, #tpu.memory_space<vmem>>
        %dma_start3A_806 = arith.constant 0 : i32
        %dma_start3A_807 = arith.constant 0 : i32
        %dma_start3A_808 = tpu.memref_slice %arg2[%dma_start3A_806, %dma_start3A_807] : memref<10240x128xf32, #tpu.memory_space<hbm>> -> memref<10240x128xf32, #tpu.memory_space<hbm>>
        tpu.enqueue_indirect_dma source(%dma_start3A_808 : memref<10240x128xf32, #tpu.memory_space<hbm>>) target(%arg8 : memref<128x128xf32, #tpu.memory_space<vmem>>) offsets(%dma_start3A_805 : memref<128xi32, #tpu.memory_space<vmem>>) semaphore(%run_scoped3A_803 : memref<!tpu.dma_semaphore, #tpu.memory_space<semaphore_mem>>)
        %dma_wait3A = arith.constant 0 : i32
        %dma_wait3A_809 = tpu.memref_slice %arg6[%run_scoped3A_801, %dma_wait3A] : memref<8x128xi32, #tpu.memory_space<vmem>> -> memref<1x128xi32, #tpu.memory_space<vmem>>
        %dma_wait3A_810 = tpu.memref_squeeze %dma_wait3A_809 : memref<1x128xi32, #tpu.memory_space<vmem>> -> memref<128xi32, #tpu.memory_space<vmem>>
        %dma_wait3A_811 = arith.constant 0 : i32
        %dma_wait3A_812 = arith.constant 0 : i32
        %dma_wait3A_813 = tpu.memref_slice %arg2[%dma_wait3A_811, %dma_wait3A_812] : memref<10240x128xf32, #tpu.memory_space<hbm>> -> memref<10240x128xf32, #tpu.memory_space<hbm>>
        tpu.wait_indirect_dma semaphore(%run_scoped3A_803 : memref<!tpu.dma_semaphore, #tpu.memory_space<semaphore_mem>>) src(%dma_wait3A_813 : memref<10240x128xf32, #tpu.memory_space<hbm>>) dst(%arg8 : memref<128x128xf32, #tpu.memory_space<vmem>>)
        tpu.yield
      }) : () -> ()
      %run_scoped3A_802 = arith.constant 7 : i32
      "tpu.region"() ({
        %run_scoped3A_803 = tpu.sem_alloc : memref<!tpu.dma_semaphore, #tpu.memory_space<semaphore_mem>>
        %dma_start3A = arith.constant 0 : i32
        %dma_start3A_804 = tpu.memref_slice %arg7[%run_scoped3A_802, %dma_start3A] : memref<8x128xi32, #tpu.memory_space<vmem>> -> memref<1x128xi32, #tpu.memory_space<vmem>>
        %dma_start3A_805 = tpu.memref_squeeze %dma_start3A_804 : memref<1x128xi32, #tpu.memory_space<vmem>> -> memref<128xi32, #tpu.memory_space<vmem>>
        %dma_start3A_806 = arith.constant 0 : i32
        %dma_start3A_807 = arith.constant 0 : i32
        %dma_start3A_808 = tpu.memref_slice %arg10[%dma_start3A_806, %dma_start3A_807] : memref<10240x128xf32, #tpu.memory_space<vmem_shared>> -> memref<10240x128xf32, #tpu.memory_space<vmem_shared>>
        tpu.enqueue_indirect_dma source(%arg8 : memref<128x128xf32, #tpu.memory_space<vmem>>) target(%dma_start3A_808 : memref<10240x128xf32, #tpu.memory_space<vmem_shared>>) offsets(%dma_start3A_805 : memref<128xi32, #tpu.memory_space<vmem>>) semaphore(%run_scoped3A_803 : memref<!tpu.dma_semaphore, #tpu.memory_space<semaphore_mem>>) {add = true}
        %dma_wait3A = arith.constant 0 : i32
        %dma_wait3A_809 = tpu.memref_slice %arg7[%run_scoped3A_802, %dma_wait3A] : memref<8x128xi32, #tpu.memory_space<vmem>> -> memref<1x128xi32, #tpu.memory_space<vmem>>
        %dma_wait3A_810 = tpu.memref_squeeze %dma_wait3A_809 : memref<1x128xi32, #tpu.memory_space<vmem>> -> memref<128xi32, #tpu.memory_space<vmem>>
        %dma_wait3A_811 = arith.constant 0 : i32
        %dma_wait3A_812 = arith.constant 0 : i32
        %dma_wait3A_813 = tpu.memref_slice %arg10[%dma_wait3A_811, %dma_wait3A_812] : memref<10240x128xf32, #tpu.memory_space<vmem_shared>> -> memref<10240x128xf32, #tpu.memory_space<vmem_shared>>
        tpu.wait_indirect_dma semaphore(%run_scoped3A_803 : memref<!tpu.dma_semaphore, #tpu.memory_space<semaphore_mem>>) src(%arg8 : memref<128x128xf32, #tpu.memory_space<vmem>>) dst(%dma_wait3A_813 : memref<10240x128xf32, #tpu.memory_space<vmem_shared>>)
        tpu.yield
      }) : () -> ()
    }
    %scan3A_781 = arith.constant 10 : i32
    %barrier3A_782 = arith.constant 0 : index
    tpu.barrier barrier_id(%barrier3A_782)
    "tpu.region"() ({
      %run_scoped3A = tpu.sem_alloc : memref<!tpu.dma_semaphore, #tpu.memory_space<semaphore_mem>>
      %dma_start3A = arith.constant 0 : i32
      %dma_start3A_783 = tpu.memref_slice %arg5[%arg0, %mul3A_770, %dma_start3A] : memref<2x10240x128xf32, #tpu.memory_space<hbm>> -> memref<1x640x128xf32, #tpu.memory_space<hbm>>
      %dma_start3A_784 = tpu.memref_squeeze %dma_start3A_783 : memref<1x640x128xf32, #tpu.memory_space<hbm>> -> memref<640x128xf32, #tpu.memory_space<hbm>>
      %dma_start3A_785 = arith.constant 0 : i32
      %dma_start3A_786 = tpu.memref_slice %arg10[%mul3A_770, %dma_start3A_785] : memref<10240x128xf32, #tpu.memory_space<vmem_shared>> -> memref<640x128xf32, #tpu.memory_space<vmem_shared>>
      tpu.enqueue_dma source(%dma_start3A_786 : memref<640x128xf32, #tpu.memory_space<vmem_shared>>) target(%dma_start3A_784 : memref<640x128xf32, #tpu.memory_space<hbm>>) target_semaphore(%run_scoped3A : memref<!tpu.dma_semaphore, #tpu.memory_space<semaphore_mem>>)
      %dma_wait3A = arith.constant 0 : i32
      %dma_wait3A_787 = tpu.memref_slice %arg5[%arg0, %mul3A_770, %dma_wait3A] : memref<2x10240x128xf32, #tpu.memory_space<hbm>> -> memref<1x640x128xf32, #tpu.memory_space<hbm>>
      %dma_wait3A_788 = tpu.memref_squeeze %dma_wait3A_787 : memref<1x640x128xf32, #tpu.memory_space<hbm>> -> memref<640x128xf32, #tpu.memory_space<hbm>>
      %dma_wait3A_789 = arith.constant 0 : i32
      %dma_wait3A_790 = tpu.memref_slice %arg10[%mul3A_770, %dma_wait3A_789] : memref<10240x128xf32, #tpu.memory_space<vmem_shared>> -> memref<640x128xf32, #tpu.memory_space<vmem_shared>>
      tpu.wait_dma2 semaphore(%run_scoped3A : memref<!tpu.dma_semaphore, #tpu.memory_space<semaphore_mem>>) src(%dma_wait3A_790 : memref<640x128xf32, #tpu.memory_space<vmem_shared>>) dst(%dma_wait3A_788 : memref<640x128xf32, #tpu.memory_space<hbm>>)
      tpu.yield
    }) : () -> ()
    return
  }
}

#map = affine_map<(d0, d1) -> (0, 0)>
#map1 = affine_map<(d0, d1) -> (0, 0, 0)>
module attributes {stable_mosaic.version = 14 : i64} {
  func.func @body(%arg0: i32, %arg1: i32, %arg2: memref<10240x128xf32, #tpu.memory_space<hbm>>, %arg3: memref<32x80x128xi32, #tpu.memory_space<hbm>>, %arg4: memref<32x80x128xi32, #tpu.memory_space<hbm>>, %arg5: memref<2x10240x128xf32, #tpu.memory_space<hbm>>, %arg6: memref<8x128xi32, #tpu.memory_space<vmem>>, %arg7: memref<8x128xi32, #tpu.memory_space<vmem>>, %arg8: memref<128x128xf32, #tpu.memory_space<vmem>>, %arg9: memref<16x128xf32, #tpu.memory_space<vmem>>, %arg10: memref<10240x128xf32, #tpu.memory_space<vmem_shared>>) attributes {dimension_semantics = [#tpu.dimension_semantics<core_parallel>, #tpu.dimension_semantics<subcore_parallel>], iteration_bounds = array<i64: 2, 16>, scalar_prefetch = 0 : i64, scratch_operands = 5 : i64, tpu.core_type = #tpu.core_type<sc_vector_subcore>, window_params = [{transform_indices = #map}, {transform_indices = #map1}, {transform_indices = #map1}, {transform_indices = #map1}]} {
    %mul3A = arith.constant 16 : i32
    %mul3A_0 = arith.muli %arg0, %mul3A : i32
    %add3A = arith.addi %mul3A_0, %arg1 : i32
    %broadcast_in_dim3A = arith.constant 0.000000e+00 : f32
    %broadcast_in_dim3A_1 = vector.broadcast %broadcast_in_dim3A : f32 to vector<16xf32>
    %swap3A = arith.constant 0 : i32
    %swap3A_2 = arith.index_cast %swap3A : i32 to index
    %swap3A_3 = arith.constant 0 : index
    %swap3A_4 = tpu.vector_load %arg9[%swap3A_2, %swap3A_3] {strides = array<i32>} : memref<16x128xf32, #tpu.memory_space<vmem>>, vector<1x16xf32>,
    %swap3A_5 = vector.shape_cast %swap3A_4 : vector<1x16xf32> to vector<16xf32>
    %swap3A_6 = vector.shape_cast %broadcast_in_dim3A_1 : vector<16xf32> to vector<1x16xf32>
    tpu.vector_store %arg9[%swap3A_2, %swap3A_3], %swap3A_6 {strides = array<i32>} : memref<16x128xf32, #tpu.memory_space<vmem>>, vector<1x16xf32>,
    %swap3A_7 = arith.constant 0 : i32
    %swap3A_8 = arith.index_cast %swap3A_7 : i32 to index
    %swap3A_9 = arith.constant 16 : index
    %swap3A_10 = tpu.vector_load %arg9[%swap3A_8, %swap3A_9] {strides = array<i32>} : memref<16x128xf32, #tpu.memory_space<vmem>>, vector<1x16xf32>,
    %swap3A_11 = vector.shape_cast %swap3A_10 : vector<1x16xf32> to vector<16xf32>
    %swap3A_12 = vector.shape_cast %broadcast_in_dim3A_1 : vector<16xf32> to vector<1x16xf32>
    tpu.vector_store %arg9[%swap3A_8, %swap3A_9], %swap3A_12 {strides = array<i32>} : memref<16x128xf32, #tpu.memory_space<vmem>>, vector<1x16xf32>,
    %swap3A_13 = arith.constant 0 : i32
    %swap3A_14 = arith.index_cast %swap3A_13 : i32 to index
    %swap3A_15 = arith.constant 32 : index
    %swap3A_16 = tpu.vector_load %arg9[%swap3A_14, %swap3A_15] {strides = array<i32>} : memref<16x128xf32, #tpu.memory_space<vmem>>, vector<1x16xf32>,
    %swap3A_17 = vector.shape_cast %swap3A_16 : vector<1x16xf32> to vector<16xf32>
    %swap3A_18 = vector.shape_cast %broadcast_in_dim3A_1 : vector<16xf32> to vector<1x16xf32>
    tpu.vector_store %arg9[%swap3A_14, %swap3A_15], %swap3A_18 {strides = array<i32>} : memref<16x128xf32, #tpu.memory_space<vmem>>, vector<1x16xf32>,
    %swap3A_19 = arith.constant 0 : i32
    %swap3A_20 = arith.index_cast %swap3A_19 : i32 to index
    %swap3A_21 = arith.constant 48 : index
    %swap3A_22 = tpu.vector_load %arg9[%swap3A_20, %swap3A_21] {strides = array<i32>} : memref<16x128xf32, #tpu.memory_space<vmem>>, vector<1x16xf32>,
    %swap3A_23 = vector.shape_cast %swap3A_22 : vector<1x16xf32> to vector<16xf32>
    %swap3A_24 = vector.shape_cast %broadcast_in_dim3A_1 : vector<16xf32> to vector<1x16xf32>
    tpu.vector_store %arg9[%swap3A_20, %swap3A_21], %swap3A_24 {strides = array<i32>} : memref<16x128xf32, #tpu.memory_space<vmem>>, vector<1x16xf32>,
    %swap3A_25 = arith.constant 0 : i32
    %swap3A_26 = arith.index_cast %swap3A_25 : i32 to index
    %swap3A_27 = arith.constant 64 : index
    %swap3A_28 = tpu.vector_load %arg9[%swap3A_26, %swap3A_27] {strides = array<i32>} : memref<16x128xf32, #tpu.memory_space<vmem>>, vector<1x16xf32>,
    %swap3A_29 = vector.shape_cast %swap3A_28 : vector<1x16xf32> to vector<16xf32>
    %swap3A_30 = vector.shape_cast %broadcast_in_dim3A_1 : vector<16xf32> to vector<1x16xf32>
    tpu.vector_store %arg9[%swap3A_26, %swap3A_27], %swap3A_30 {strides = array<i32>} : memref<16x128xf32, #tpu.memory_space<vmem>>, vector<1x16xf32>,
    %swap3A_31 = arith.constant 0 : i32
    %swap3A_32 = arith.index_cast %swap3A_31 : i32 to index
    %swap3A_33 = arith.constant 80 : index
    %swap3A_34 = tpu.vector_load %arg9[%swap3A_32, %swap3A_33] {strides = array<i32>} : memref<16x128xf32, #tpu.memory_space<vmem>>, vector<1x16xf32>,
    %swap3A_35 = vector.shape_cast %swap3A_34 : vector<1x16xf32> to vector<16xf32>
    %swap3A_36 = vector.shape_cast %broadcast_in_dim3A_1 : vector<16xf32> to vector<1x16xf32>
    tpu.vector_store %arg9[%swap3A_32, %swap3A_33], %swap3A_36 {strides = array<i32>} : memref<16x128xf32, #tpu.memory_space<vmem>>, vector<1x16xf32>,
    %swap3A_37 = arith.constant 0 : i32
    %swap3A_38 = arith.index_cast %swap3A_37 : i32 to index
    %swap3A_39 = arith.constant 96 : index
    %swap3A_40 = tpu.vector_load %arg9[%swap3A_38, %swap3A_39] {strides = array<i32>} : memref<16x128xf32, #tpu.memory_space<vmem>>, vector<1x16xf32>,
    %swap3A_41 = vector.shape_cast %swap3A_40 : vector<1x16xf32> to vector<16xf32>
    %swap3A_42 = vector.shape_cast %broadcast_in_dim3A_1 : vector<16xf32> to vector<1x16xf32>
    tpu.vector_store %arg9[%swap3A_38, %swap3A_39], %swap3A_42 {strides = array<i32>} : memref<16x128xf32, #tpu.memory_space<vmem>>, vector<1x16xf32>,
    %swap3A_43 = arith.constant 0 : i32
    %swap3A_44 = arith.index_cast %swap3A_43 : i32 to index
    %swap3A_45 = arith.constant 112 : index
    %swap3A_46 = tpu.vector_load %arg9[%swap3A_44, %swap3A_45] {strides = array<i32>} : memref<16x128xf32, #tpu.memory_space<vmem>>, vector<1x16xf32>,
    %swap3A_47 = vector.shape_cast %swap3A_46 : vector<1x16xf32> to vector<16xf32>
    %swap3A_48 = vector.shape_cast %broadcast_in_dim3A_1 : vector<16xf32> to vector<1x16xf32>
    tpu.vector_store %arg9[%swap3A_44, %swap3A_45], %swap3A_48 {strides = array<i32>} : memref<16x128xf32, #tpu.memory_space<vmem>>, vector<1x16xf32>,
    %swap3A_49 = arith.constant 1 : i32
    %swap3A_50 = arith.index_cast %swap3A_49 : i32 to index
    %swap3A_51 = arith.constant 0 : index
    %swap3A_52 = tpu.vector_load %arg9[%swap3A_50, %swap3A_51] {strides = array<i32>} : memref<16x128xf32, #tpu.memory_space<vmem>>, vector<1x16xf32>,
    %swap3A_53 = vector.shape_cast %swap3A_52 : vector<1x16xf32> to vector<16xf32>
    %swap3A_54 = vector.shape_cast %broadcast_in_dim3A_1 : vector<16xf32> to vector<1x16xf32>
    tpu.vector_store %arg9[%swap3A_50, %swap3A_51], %swap3A_54 {strides = array<i32>} : memref<16x128xf32, #tpu.memory_space<vmem>>, vector<1x16xf32>,
    %swap3A_55 = arith.constant 1 : i32
    %swap3A_56 = arith.index_cast %swap3A_55 : i32 to index
    %swap3A_57 = arith.constant 16 : index
    %swap3A_58 = tpu.vector_load %arg9[%swap3A_56, %swap3A_57] {strides = array<i32>} : memref<16x128xf32, #tpu.memory_space<vmem>>, vector<1x16xf32>,
    %swap3A_59 = vector.shape_cast %swap3A_58 : vector<1x16xf32> to vector<16xf32>
    %swap3A_60 = vector.shape_cast %broadcast_in_dim3A_1 : vector<16xf32> to vector<1x16xf32>
    tpu.vector_store %arg9[%swap3A_56, %swap3A_57], %swap3A_60 {strides = array<i32>} : memref<16x128xf32, #tpu.memory_space<vmem>>, vector<1x16xf32>,
    %swap3A_61 = arith.constant 1 : i32
    %swap3A_62 = arith.index_cast %swap3A_61 : i32 to index
    %swap3A_63 = arith.constant 32 : index
    %swap3A_64 = tpu.vector_load %arg9[%swap3A_62, %swap3A_63] {strides = array<i32>} : memref<16x128xf32, #tpu.memory_space<vmem>>, vector<1x16xf32>,
    %swap3A_65 = vector.shape_cast %swap3A_64 : vector<1x16xf32> to vector<16xf32>
    %swap3A_66 = vector.shape_cast %broadcast_in_dim3A_1 : vector<16xf32> to vector<1x16xf32>
    tpu.vector_store %arg9[%swap3A_62, %swap3A_63], %swap3A_66 {strides = array<i32>} : memref<16x128xf32, #tpu.memory_space<vmem>>, vector<1x16xf32>,
    %swap3A_67 = arith.constant 1 : i32
    %swap3A_68 = arith.index_cast %swap3A_67 : i32 to index
    %swap3A_69 = arith.constant 48 : index
    %swap3A_70 = tpu.vector_load %arg9[%swap3A_68, %swap3A_69] {strides = array<i32>} : memref<16x128xf32, #tpu.memory_space<vmem>>, vector<1x16xf32>,
    %swap3A_71 = vector.shape_cast %swap3A_70 : vector<1x16xf32> to vector<16xf32>
    %swap3A_72 = vector.shape_cast %broadcast_in_dim3A_1 : vector<16xf32> to vector<1x16xf32>
    tpu.vector_store %arg9[%swap3A_68, %swap3A_69], %swap3A_72 {strides = array<i32>} : memref<16x128xf32, #tpu.memory_space<vmem>>, vector<1x16xf32>,
    %swap3A_73 = arith.constant 1 : i32
    %swap3A_74 = arith.index_cast %swap3A_73 : i32 to index
    %swap3A_75 = arith.constant 64 : index
    %swap3A_76 = tpu.vector_load %arg9[%swap3A_74, %swap3A_75] {strides = array<i32>} : memref<16x128xf32, #tpu.memory_space<vmem>>, vector<1x16xf32>,
    %swap3A_77 = vector.shape_cast %swap3A_76 : vector<1x16xf32> to vector<16xf32>
    %swap3A_78 = vector.shape_cast %broadcast_in_dim3A_1 : vector<16xf32> to vector<1x16xf32>
    tpu.vector_store %arg9[%swap3A_74, %swap3A_75], %swap3A_78 {strides = array<i32>} : memref<16x128xf32, #tpu.memory_space<vmem>>, vector<1x16xf32>,
    %swap3A_79 = arith.constant 1 : i32
    %swap3A_80 = arith.index_cast %swap3A_79 : i32 to index
    %swap3A_81 = arith.constant 80 : index
    %swap3A_82 = tpu.vector_load %arg9[%swap3A_80, %swap3A_81] {strides = array<i32>} : memref<16x128xf32, #tpu.memory_space<vmem>>, vector<1x16xf32>,
    %swap3A_83 = vector.shape_cast %swap3A_82 : vector<1x16xf32> to vector<16xf32>
    %swap3A_84 = vector.shape_cast %broadcast_in_dim3A_1 : vector<16xf32> to vector<1x16xf32>
    tpu.vector_store %arg9[%swap3A_80, %swap3A_81], %swap3A_84 {strides = array<i32>} : memref<16x128xf32, #tpu.memory_space<vmem>>, vector<1x16xf32>,
    %swap3A_85 = arith.constant 1 : i32
    %swap3A_86 = arith.index_cast %swap3A_85 : i32 to index
    %swap3A_87 = arith.constant 96 : index
    %swap3A_88 = tpu.vector_load %arg9[%swap3A_86, %swap3A_87] {strides = array<i32>} : memref<16x128xf32, #tpu.memory_space<vmem>>, vector<1x16xf32>,
    %swap3A_89 = vector.shape_cast %swap3A_88 : vector<1x16xf32> to vector<16xf32>
    %swap3A_90 = vector.shape_cast %broadcast_in_dim3A_1 : vector<16xf32> to vector<1x16xf32>
    tpu.vector_store %arg9[%swap3A_86, %swap3A_87], %swap3A_90 {strides = array<i32>} : memref<16x128xf32, #tpu.memory_space<vmem>>, vector<1x16xf32>,
    %swap3A_91 = arith.constant 1 : i32
    %swap3A_92 = arith.index_cast %swap3A_91 : i32 to index
    %swap3A_93 = arith.constant 112 : index
    %swap3A_94 = tpu.vector_load %arg9[%swap3A_92, %swap3A_93] {strides = array<i32>} : memref<16x128xf32, #tpu.memory_space<vmem>>, vector<1x16xf32>,
    %swap3A_95 = vector.shape_cast %swap3A_94 : vector<1x16xf32> to vector<16xf32>
    %swap3A_96 = vector.shape_cast %broadcast_in_dim3A_1 : vector<16xf32> to vector<1x16xf32>
    tpu.vector_store %arg9[%swap3A_92, %swap3A_93], %swap3A_96 {strides = array<i32>} : memref<16x128xf32, #tpu.memory_space<vmem>>, vector<1x16xf32>,
    %swap3A_97 = arith.constant 2 : i32
    %swap3A_98 = arith.index_cast %swap3A_97 : i32 to index
    %swap3A_99 = arith.constant 0 : index
    %swap3A_100 = tpu.vector_load %arg9[%swap3A_98, %swap3A_99] {strides = array<i32>} : memref<16x128xf32, #tpu.memory_space<vmem>>, vector<1x16xf32>,
    %swap3A_101 = vector.shape_cast %swap3A_100 : vector<1x16xf32> to vector<16xf32>
    %swap3A_102 = vector.shape_cast %broadcast_in_dim3A_1 : vector<16xf32> to vector<1x16xf32>
    tpu.vector_store %arg9[%swap3A_98, %swap3A_99], %swap3A_102 {strides = array<i32>} : memref<16x128xf32, #tpu.memory_space<vmem>>, vector<1x16xf32>,
    %swap3A_103 = arith.constant 2 : i32
    %swap3A_104 = arith.index_cast %swap3A_103 : i32 to index
    %swap3A_105 = arith.constant 16 : index
    %swap3A_106 = tpu.vector_load %arg9[%swap3A_104, %swap3A_105] {strides = array<i32>} : memref<16x128xf32, #tpu.memory_space<vmem>>, vector<1x16xf32>,
    %swap3A_107 = vector.shape_cast %swap3A_106 : vector<1x16xf32> to vector<16xf32>
    %swap3A_108 = vector.shape_cast %broadcast_in_dim3A_1 : vector<16xf32> to vector<1x16xf32>
    tpu.vector_store %arg9[%swap3A_104, %swap3A_105], %swap3A_108 {strides = array<i32>} : memref<16x128xf32, #tpu.memory_space<vmem>>, vector<1x16xf32>,
    %swap3A_109 = arith.constant 2 : i32
    %swap3A_110 = arith.index_cast %swap3A_109 : i32 to index
    %swap3A_111 = arith.constant 32 : index
    %swap3A_112 = tpu.vector_load %arg9[%swap3A_110, %swap3A_111] {strides = array<i32>} : memref<16x128xf32, #tpu.memory_space<vmem>>, vector<1x16xf32>,
    %swap3A_113 = vector.shape_cast %swap3A_112 : vector<1x16xf32> to vector<16xf32>
    %swap3A_114 = vector.shape_cast %broadcast_in_dim3A_1 : vector<16xf32> to vector<1x16xf32>
    tpu.vector_store %arg9[%swap3A_110, %swap3A_111], %swap3A_114 {strides = array<i32>} : memref<16x128xf32, #tpu.memory_space<vmem>>, vector<1x16xf32>,
    %swap3A_115 = arith.constant 2 : i32
    %swap3A_116 = arith.index_cast %swap3A_115 : i32 to index
    %swap3A_117 = arith.constant 48 : index
    %swap3A_118 = tpu.vector_load %arg9[%swap3A_116, %swap3A_117] {strides = array<i32>} : memref<16x128xf32, #tpu.memory_space<vmem>>, vector<1x16xf32>,
    %swap3A_119 = vector.shape_cast %swap3A_118 : vector<1x16xf32> to vector<16xf32>
    %swap3A_120 = vector.shape_cast %broadcast_in_dim3A_1 : vector<16xf32> to vector<1x16xf32>
    tpu.vector_store %arg9[%swap3A_116, %swap3A_117], %swap3A_120 {strides = array<i32>} : memref<16x128xf32, #tpu.memory_space<vmem>>, vector<1x16xf32>,
    %swap3A_121 = arith.constant 2 : i32
    %swap3A_122 = arith.index_cast %swap3A_121 : i32 to index
    %swap3A_123 = arith.constant 64 : index
    %swap3A_124 = tpu.vector_load %arg9[%swap3A_122, %swap3A_123] {strides = array<i32>} : memref<16x128xf32, #tpu.memory_space<vmem>>, vector<1x16xf32>,
    %swap3A_125 = vector.shape_cast %swap3A_124 : vector<1x16xf32> to vector<16xf32>
    %swap3A_126 = vector.shape_cast %broadcast_in_dim3A_1 : vector<16xf32> to vector<1x16xf32>
    tpu.vector_store %arg9[%swap3A_122, %swap3A_123], %swap3A_126 {strides = array<i32>} : memref<16x128xf32, #tpu.memory_space<vmem>>, vector<1x16xf32>,
    %swap3A_127 = arith.constant 2 : i32
    %swap3A_128 = arith.index_cast %swap3A_127 : i32 to index
    %swap3A_129 = arith.constant 80 : index
    %swap3A_130 = tpu.vector_load %arg9[%swap3A_128, %swap3A_129] {strides = array<i32>} : memref<16x128xf32, #tpu.memory_space<vmem>>, vector<1x16xf32>,
    %swap3A_131 = vector.shape_cast %swap3A_130 : vector<1x16xf32> to vector<16xf32>
    %swap3A_132 = vector.shape_cast %broadcast_in_dim3A_1 : vector<16xf32> to vector<1x16xf32>
    tpu.vector_store %arg9[%swap3A_128, %swap3A_129], %swap3A_132 {strides = array<i32>} : memref<16x128xf32, #tpu.memory_space<vmem>>, vector<1x16xf32>,
    %swap3A_133 = arith.constant 2 : i32
    %swap3A_134 = arith.index_cast %swap3A_133 : i32 to index
    %swap3A_135 = arith.constant 96 : index
    %swap3A_136 = tpu.vector_load %arg9[%swap3A_134, %swap3A_135] {strides = array<i32>} : memref<16x128xf32, #tpu.memory_space<vmem>>, vector<1x16xf32>,
    %swap3A_137 = vector.shape_cast %swap3A_136 : vector<1x16xf32> to vector<16xf32>
    %swap3A_138 = vector.shape_cast %broadcast_in_dim3A_1 : vector<16xf32> to vector<1x16xf32>
    tpu.vector_store %arg9[%swap3A_134, %swap3A_135], %swap3A_138 {strides = array<i32>} : memref<16x128xf32, #tpu.memory_space<vmem>>, vector<1x16xf32>,
    %swap3A_139 = arith.constant 2 : i32
    %swap3A_140 = arith.index_cast %swap3A_139 : i32 to index
    %swap3A_141 = arith.constant 112 : index
    %swap3A_142 = tpu.vector_load %arg9[%swap3A_140, %swap3A_141] {strides = array<i32>} : memref<16x128xf32, #tpu.memory_space<vmem>>, vector<1x16xf32>,
    %swap3A_143 = vector.shape_cast %swap3A_142 : vector<1x16xf32> to vector<16xf32>
    %swap3A_144 = vector.shape_cast %broadcast_in_dim3A_1 : vector<16xf32> to vector<1x16xf32>
    tpu.vector_store %arg9[%swap3A_140, %swap3A_141], %swap3A_144 {strides = array<i32>} : memref<16x128xf32, #tpu.memory_space<vmem>>, vector<1x16xf32>,
    %swap3A_145 = arith.constant 3 : i32
    %swap3A_146 = arith.index_cast %swap3A_145 : i32 to index
    %swap3A_147 = arith.constant 0 : index
    %swap3A_148 = tpu.vector_load %arg9[%swap3A_146, %swap3A_147] {strides = array<i32>} : memref<16x128xf32, #tpu.memory_space<vmem>>, vector<1x16xf32>,
    %swap3A_149 = vector.shape_cast %swap3A_148 : vector<1x16xf32> to vector<16xf32>
    %swap3A_150 = vector.shape_cast %broadcast_in_dim3A_1 : vector<16xf32> to vector<1x16xf32>
    tpu.vector_store %arg9[%swap3A_146, %swap3A_147], %swap3A_150 {strides = array<i32>} : memref<16x128xf32, #tpu.memory_space<vmem>>, vector<1x16xf32>,
    %swap3A_151 = arith.constant 3 : i32
    %swap3A_152 = arith.index_cast %swap3A_151 : i32 to index
    %swap3A_153 = arith.constant 16 : index
    %swap3A_154 = tpu.vector_load %arg9[%swap3A_152, %swap3A_153] {strides = array<i32>} : memref<16x128xf32, #tpu.memory_space<vmem>>, vector<1x16xf32>,
    %swap3A_155 = vector.shape_cast %swap3A_154 : vector<1x16xf32> to vector<16xf32>
    %swap3A_156 = vector.shape_cast %broadcast_in_dim3A_1 : vector<16xf32> to vector<1x16xf32>
    tpu.vector_store %arg9[%swap3A_152, %swap3A_153], %swap3A_156 {strides = array<i32>} : memref<16x128xf32, #tpu.memory_space<vmem>>, vector<1x16xf32>,
    %swap3A_157 = arith.constant 3 : i32
    %swap3A_158 = arith.index_cast %swap3A_157 : i32 to index
    %swap3A_159 = arith.constant 32 : index
    %swap3A_160 = tpu.vector_load %arg9[%swap3A_158, %swap3A_159] {strides = array<i32>} : memref<16x128xf32, #tpu.memory_space<vmem>>, vector<1x16xf32>,
    %swap3A_161 = vector.shape_cast %swap3A_160 : vector<1x16xf32> to vector<16xf32>
    %swap3A_162 = vector.shape_cast %broadcast_in_dim3A_1 : vector<16xf32> to vector<1x16xf32>
    tpu.vector_store %arg9[%swap3A_158, %swap3A_159], %swap3A_162 {strides = array<i32>} : memref<16x128xf32, #tpu.memory_space<vmem>>, vector<1x16xf32>,
    %swap3A_163 = arith.constant 3 : i32
    %swap3A_164 = arith.index_cast %swap3A_163 : i32 to index
    %swap3A_165 = arith.constant 48 : index
    %swap3A_166 = tpu.vector_load %arg9[%swap3A_164, %swap3A_165] {strides = array<i32>} : memref<16x128xf32, #tpu.memory_space<vmem>>, vector<1x16xf32>,
    %swap3A_167 = vector.shape_cast %swap3A_166 : vector<1x16xf32> to vector<16xf32>
    %swap3A_168 = vector.shape_cast %broadcast_in_dim3A_1 : vector<16xf32> to vector<1x16xf32>
    tpu.vector_store %arg9[%swap3A_164, %swap3A_165], %swap3A_168 {strides = array<i32>} : memref<16x128xf32, #tpu.memory_space<vmem>>, vector<1x16xf32>,
    %swap3A_169 = arith.constant 3 : i32
    %swap3A_170 = arith.index_cast %swap3A_169 : i32 to index
    %swap3A_171 = arith.constant 64 : index
    %swap3A_172 = tpu.vector_load %arg9[%swap3A_170, %swap3A_171] {strides = array<i32>} : memref<16x128xf32, #tpu.memory_space<vmem>>, vector<1x16xf32>,
    %swap3A_173 = vector.shape_cast %swap3A_172 : vector<1x16xf32> to vector<16xf32>
    %swap3A_174 = vector.shape_cast %broadcast_in_dim3A_1 : vector<16xf32> to vector<1x16xf32>
    tpu.vector_store %arg9[%swap3A_170, %swap3A_171], %swap3A_174 {strides = array<i32>} : memref<16x128xf32, #tpu.memory_space<vmem>>, vector<1x16xf32>,
    %swap3A_175 = arith.constant 3 : i32
    %swap3A_176 = arith.index_cast %swap3A_175 : i32 to index
    %swap3A_177 = arith.constant 80 : index
    %swap3A_178 = tpu.vector_load %arg9[%swap3A_176, %swap3A_177] {strides = array<i32>} : memref<16x128xf32, #tpu.memory_space<vmem>>, vector<1x16xf32>,
    %swap3A_179 = vector.shape_cast %swap3A_178 : vector<1x16xf32> to vector<16xf32>
    %swap3A_180 = vector.shape_cast %broadcast_in_dim3A_1 : vector<16xf32> to vector<1x16xf32>
    tpu.vector_store %arg9[%swap3A_176, %swap3A_177], %swap3A_180 {strides = array<i32>} : memref<16x128xf32, #tpu.memory_space<vmem>>, vector<1x16xf32>,
    %swap3A_181 = arith.constant 3 : i32
    %swap3A_182 = arith.index_cast %swap3A_181 : i32 to index
    %swap3A_183 = arith.constant 96 : index
    %swap3A_184 = tpu.vector_load %arg9[%swap3A_182, %swap3A_183] {strides = array<i32>} : memref<16x128xf32, #tpu.memory_space<vmem>>, vector<1x16xf32>,
    %swap3A_185 = vector.shape_cast %swap3A_184 : vector<1x16xf32> to vector<16xf32>
    %swap3A_186 = vector.shape_cast %broadcast_in_dim3A_1 : vector<16xf32> to vector<1x16xf32>
    tpu.vector_store %arg9[%swap3A_182, %swap3A_183], %swap3A_186 {strides = array<i32>} : memref<16x128xf32, #tpu.memory_space<vmem>>, vector<1x16xf32>,
    %swap3A_187 = arith.constant 3 : i32
    %swap3A_188 = arith.index_cast %swap3A_187 : i32 to index
    %swap3A_189 = arith.constant 112 : index
    %swap3A_190 = tpu.vector_load %arg9[%swap3A_188, %swap3A_189] {strides = array<i32>} : memref<16x128xf32, #tpu.memory_space<vmem>>, vector<1x16xf32>,
    %swap3A_191 = vector.shape_cast %swap3A_190 : vector<1x16xf32> to vector<16xf32>
    %swap3A_192 = vector.shape_cast %broadcast_in_dim3A_1 : vector<16xf32> to vector<1x16xf32>
    tpu.vector_store %arg9[%swap3A_188, %swap3A_189], %swap3A_192 {strides = array<i32>} : memref<16x128xf32, #tpu.memory_space<vmem>>, vector<1x16xf32>,
    %swap3A_193 = arith.constant 4 : i32
    %swap3A_194 = arith.index_cast %swap3A_193 : i32 to index
    %swap3A_195 = arith.constant 0 : index
    %swap3A_196 = tpu.vector_load %arg9[%swap3A_194, %swap3A_195] {strides = array<i32>} : memref<16x128xf32, #tpu.memory_space<vmem>>, vector<1x16xf32>,
    %swap3A_197 = vector.shape_cast %swap3A_196 : vector<1x16xf32> to vector<16xf32>
    %swap3A_198 = vector.shape_cast %broadcast_in_dim3A_1 : vector<16xf32> to vector<1x16xf32>
    tpu.vector_store %arg9[%swap3A_194, %swap3A_195], %swap3A_198 {strides = array<i32>} : memref<16x128xf32, #tpu.memory_space<vmem>>, vector<1x16xf32>,
    %swap3A_199 = arith.constant 4 : i32
    %swap3A_200 = arith.index_cast %swap3A_199 : i32 to index
    %swap3A_201 = arith.constant 16 : index
    %swap3A_202 = tpu.vector_load %arg9[%swap3A_200, %swap3A_201] {strides = array<i32>} : memref<16x128xf32, #tpu.memory_space<vmem>>, vector<1x16xf32>,
    %swap3A_203 = vector.shape_cast %swap3A_202 : vector<1x16xf32> to vector<16xf32>
    %swap3A_204 = vector.shape_cast %broadcast_in_dim3A_1 : vector<16xf32> to vector<1x16xf32>
    tpu.vector_store %arg9[%swap3A_200, %swap3A_201], %swap3A_204 {strides = array<i32>} : memref<16x128xf32, #tpu.memory_space<vmem>>, vector<1x16xf32>,
    %swap3A_205 = arith.constant 4 : i32
    %swap3A_206 = arith.index_cast %swap3A_205 : i32 to index
    %swap3A_207 = arith.constant 32 : index
    %swap3A_208 = tpu.vector_load %arg9[%swap3A_206, %swap3A_207] {strides = array<i32>} : memref<16x128xf32, #tpu.memory_space<vmem>>, vector<1x16xf32>,
    %swap3A_209 = vector.shape_cast %swap3A_208 : vector<1x16xf32> to vector<16xf32>
    %swap3A_210 = vector.shape_cast %broadcast_in_dim3A_1 : vector<16xf32> to vector<1x16xf32>
    tpu.vector_store %arg9[%swap3A_206, %swap3A_207], %swap3A_210 {strides = array<i32>} : memref<16x128xf32, #tpu.memory_space<vmem>>, vector<1x16xf32>,
    %swap3A_211 = arith.constant 4 : i32
    %swap3A_212 = arith.index_cast %swap3A_211 : i32 to index
    %swap3A_213 = arith.constant 48 : index
    %swap3A_214 = tpu.vector_load %arg9[%swap3A_212, %swap3A_213] {strides = array<i32>} : memref<16x128xf32, #tpu.memory_space<vmem>>, vector<1x16xf32>,
    %swap3A_215 = vector.shape_cast %swap3A_214 : vector<1x16xf32> to vector<16xf32>
    %swap3A_216 = vector.shape_cast %broadcast_in_dim3A_1 : vector<16xf32> to vector<1x16xf32>
    tpu.vector_store %arg9[%swap3A_212, %swap3A_213], %swap3A_216 {strides = array<i32>} : memref<16x128xf32, #tpu.memory_space<vmem>>, vector<1x16xf32>,
    %swap3A_217 = arith.constant 4 : i32
    %swap3A_218 = arith.index_cast %swap3A_217 : i32 to index
    %swap3A_219 = arith.constant 64 : index
    %swap3A_220 = tpu.vector_load %arg9[%swap3A_218, %swap3A_219] {strides = array<i32>} : memref<16x128xf32, #tpu.memory_space<vmem>>, vector<1x16xf32>,
    %swap3A_221 = vector.shape_cast %swap3A_220 : vector<1x16xf32> to vector<16xf32>
    %swap3A_222 = vector.shape_cast %broadcast_in_dim3A_1 : vector<16xf32> to vector<1x16xf32>
    tpu.vector_store %arg9[%swap3A_218, %swap3A_219], %swap3A_222 {strides = array<i32>} : memref<16x128xf32, #tpu.memory_space<vmem>>, vector<1x16xf32>,
    %swap3A_223 = arith.constant 4 : i32
    %swap3A_224 = arith.index_cast %swap3A_223 : i32 to index
    %swap3A_225 = arith.constant 80 : index
    %swap3A_226 = tpu.vector_load %arg9[%swap3A_224, %swap3A_225] {strides = array<i32>} : memref<16x128xf32, #tpu.memory_space<vmem>>, vector<1x16xf32>,
    %swap3A_227 = vector.shape_cast %swap3A_226 : vector<1x16xf32> to vector<16xf32>
    %swap3A_228 = vector.shape_cast %broadcast_in_dim3A_1 : vector<16xf32> to vector<1x16xf32>
    tpu.vector_store %arg9[%swap3A_224, %swap3A_225], %swap3A_228 {strides = array<i32>} : memref<16x128xf32, #tpu.memory_space<vmem>>, vector<1x16xf32>,
    %swap3A_229 = arith.constant 4 : i32
    %swap3A_230 = arith.index_cast %swap3A_229 : i32 to index
    %swap3A_231 = arith.constant 96 : index
    %swap3A_232 = tpu.vector_load %arg9[%swap3A_230, %swap3A_231] {strides = array<i32>} : memref<16x128xf32, #tpu.memory_space<vmem>>, vector<1x16xf32>,
    %swap3A_233 = vector.shape_cast %swap3A_232 : vector<1x16xf32> to vector<16xf32>
    %swap3A_234 = vector.shape_cast %broadcast_in_dim3A_1 : vector<16xf32> to vector<1x16xf32>
    tpu.vector_store %arg9[%swap3A_230, %swap3A_231], %swap3A_234 {strides = array<i32>} : memref<16x128xf32, #tpu.memory_space<vmem>>, vector<1x16xf32>,
    %swap3A_235 = arith.constant 4 : i32
    %swap3A_236 = arith.index_cast %swap3A_235 : i32 to index
    %swap3A_237 = arith.constant 112 : index
    %swap3A_238 = tpu.vector_load %arg9[%swap3A_236, %swap3A_237] {strides = array<i32>} : memref<16x128xf32, #tpu.memory_space<vmem>>, vector<1x16xf32>,
    %swap3A_239 = vector.shape_cast %swap3A_238 : vector<1x16xf32> to vector<16xf32>
    %swap3A_240 = vector.shape_cast %broadcast_in_dim3A_1 : vector<16xf32> to vector<1x16xf32>
    tpu.vector_store %arg9[%swap3A_236, %swap3A_237], %swap3A_240 {strides = array<i32>} : memref<16x128xf32, #tpu.memory_space<vmem>>, vector<1x16xf32>,
    %swap3A_241 = arith.constant 5 : i32
    %swap3A_242 = arith.index_cast %swap3A_241 : i32 to index
    %swap3A_243 = arith.constant 0 : index
    %swap3A_244 = tpu.vector_load %arg9[%swap3A_242, %swap3A_243] {strides = array<i32>} : memref<16x128xf32, #tpu.memory_space<vmem>>, vector<1x16xf32>,
    %swap3A_245 = vector.shape_cast %swap3A_244 : vector<1x16xf32> to vector<16xf32>
    %swap3A_246 = vector.shape_cast %broadcast_in_dim3A_1 : vector<16xf32> to vector<1x16xf32>
    tpu.vector_store %arg9[%swap3A_242, %swap3A_243], %swap3A_246 {strides = array<i32>} : memref<16x128xf32, #tpu.memory_space<vmem>>, vector<1x16xf32>,
    %swap3A_247 = arith.constant 5 : i32
    %swap3A_248 = arith.index_cast %swap3A_247 : i32 to index
    %swap3A_249 = arith.constant 16 : index
    %swap3A_250 = tpu.vector_load %arg9[%swap3A_248, %swap3A_249] {strides = array<i32>} : memref<16x128xf32, #tpu.memory_space<vmem>>, vector<1x16xf32>,
    %swap3A_251 = vector.shape_cast %swap3A_250 : vector<1x16xf32> to vector<16xf32>
    %swap3A_252 = vector.shape_cast %broadcast_in_dim3A_1 : vector<16xf32> to vector<1x16xf32>
    tpu.vector_store %arg9[%swap3A_248, %swap3A_249], %swap3A_252 {strides = array<i32>} : memref<16x128xf32, #tpu.memory_space<vmem>>, vector<1x16xf32>,
    %swap3A_253 = arith.constant 5 : i32
    %swap3A_254 = arith.index_cast %swap3A_253 : i32 to index
    %swap3A_255 = arith.constant 32 : index
    %swap3A_256 = tpu.vector_load %arg9[%swap3A_254, %swap3A_255] {strides = array<i32>} : memref<16x128xf32, #tpu.memory_space<vmem>>, vector<1x16xf32>,
    %swap3A_257 = vector.shape_cast %swap3A_256 : vector<1x16xf32> to vector<16xf32>
    %swap3A_258 = vector.shape_cast %broadcast_in_dim3A_1 : vector<16xf32> to vector<1x16xf32>
    tpu.vector_store %arg9[%swap3A_254, %swap3A_255], %swap3A_258 {strides = array<i32>} : memref<16x128xf32, #tpu.memory_space<vmem>>, vector<1x16xf32>,
    %swap3A_259 = arith.constant 5 : i32
    %swap3A_260 = arith.index_cast %swap3A_259 : i32 to index
    %swap3A_261 = arith.constant 48 : index
    %swap3A_262 = tpu.vector_load %arg9[%swap3A_260, %swap3A_261] {strides = array<i32>} : memref<16x128xf32, #tpu.memory_space<vmem>>, vector<1x16xf32>,
    %swap3A_263 = vector.shape_cast %swap3A_262 : vector<1x16xf32> to vector<16xf32>
    %swap3A_264 = vector.shape_cast %broadcast_in_dim3A_1 : vector<16xf32> to vector<1x16xf32>
    tpu.vector_store %arg9[%swap3A_260, %swap3A_261], %swap3A_264 {strides = array<i32>} : memref<16x128xf32, #tpu.memory_space<vmem>>, vector<1x16xf32>,
    %swap3A_265 = arith.constant 5 : i32
    %swap3A_266 = arith.index_cast %swap3A_265 : i32 to index
    %swap3A_267 = arith.constant 64 : index
    %swap3A_268 = tpu.vector_load %arg9[%swap3A_266, %swap3A_267] {strides = array<i32>} : memref<16x128xf32, #tpu.memory_space<vmem>>, vector<1x16xf32>,
    %swap3A_269 = vector.shape_cast %swap3A_268 : vector<1x16xf32> to vector<16xf32>
    %swap3A_270 = vector.shape_cast %broadcast_in_dim3A_1 : vector<16xf32> to vector<1x16xf32>
    tpu.vector_store %arg9[%swap3A_266, %swap3A_267], %swap3A_270 {strides = array<i32>} : memref<16x128xf32, #tpu.memory_space<vmem>>, vector<1x16xf32>,
    %swap3A_271 = arith.constant 5 : i32
    %swap3A_272 = arith.index_cast %swap3A_271 : i32 to index
    %swap3A_273 = arith.constant 80 : index
    %swap3A_274 = tpu.vector_load %arg9[%swap3A_272, %swap3A_273] {strides = array<i32>} : memref<16x128xf32, #tpu.memory_space<vmem>>, vector<1x16xf32>,
    %swap3A_275 = vector.shape_cast %swap3A_274 : vector<1x16xf32> to vector<16xf32>
    %swap3A_276 = vector.shape_cast %broadcast_in_dim3A_1 : vector<16xf32> to vector<1x16xf32>
    tpu.vector_store %arg9[%swap3A_272, %swap3A_273], %swap3A_276 {strides = array<i32>} : memref<16x128xf32, #tpu.memory_space<vmem>>, vector<1x16xf32>,
    %swap3A_277 = arith.constant 5 : i32
    %swap3A_278 = arith.index_cast %swap3A_277 : i32 to index
    %swap3A_279 = arith.constant 96 : index
    %swap3A_280 = tpu.vector_load %arg9[%swap3A_278, %swap3A_279] {strides = array<i32>} : memref<16x128xf32, #tpu.memory_space<vmem>>, vector<1x16xf32>,
    %swap3A_281 = vector.shape_cast %swap3A_280 : vector<1x16xf32> to vector<16xf32>
    %swap3A_282 = vector.shape_cast %broadcast_in_dim3A_1 : vector<16xf32> to vector<1x16xf32>
    tpu.vector_store %arg9[%swap3A_278, %swap3A_279], %swap3A_282 {strides = array<i32>} : memref<16x128xf32, #tpu.memory_space<vmem>>, vector<1x16xf32>,
    %swap3A_283 = arith.constant 5 : i32
    %swap3A_284 = arith.index_cast %swap3A_283 : i32 to index
    %swap3A_285 = arith.constant 112 : index
    %swap3A_286 = tpu.vector_load %arg9[%swap3A_284, %swap3A_285] {strides = array<i32>} : memref<16x128xf32, #tpu.memory_space<vmem>>, vector<1x16xf32>,
    %swap3A_287 = vector.shape_cast %swap3A_286 : vector<1x16xf32> to vector<16xf32>
    %swap3A_288 = vector.shape_cast %broadcast_in_dim3A_1 : vector<16xf32> to vector<1x16xf32>
    tpu.vector_store %arg9[%swap3A_284, %swap3A_285], %swap3A_288 {strides = array<i32>} : memref<16x128xf32, #tpu.memory_space<vmem>>, vector<1x16xf32>,
    %swap3A_289 = arith.constant 6 : i32
    %swap3A_290 = arith.index_cast %swap3A_289 : i32 to index
    %swap3A_291 = arith.constant 0 : index
    %swap3A_292 = tpu.vector_load %arg9[%swap3A_290, %swap3A_291] {strides = array<i32>} : memref<16x128xf32, #tpu.memory_space<vmem>>, vector<1x16xf32>,
    %swap3A_293 = vector.shape_cast %swap3A_292 : vector<1x16xf32> to vector<16xf32>
    %swap3A_294 = vector.shape_cast %broadcast_in_dim3A_1 : vector<16xf32> to vector<1x16xf32>
    tpu.vector_store %arg9[%swap3A_290, %swap3A_291], %swap3A_294 {strides = array<i32>} : memref<16x128xf32, #tpu.memory_space<vmem>>, vector<1x16xf32>,
    %swap3A_295 = arith.constant 6 : i32
    %swap3A_296 = arith.index_cast %swap3A_295 : i32 to index
    %swap3A_297 = arith.constant 16 : index
    %swap3A_298 = tpu.vector_load %arg9[%swap3A_296, %swap3A_297] {strides = array<i32>} : memref<16x128xf32, #tpu.memory_space<vmem>>, vector<1x16xf32>,
    %swap3A_299 = vector.shape_cast %swap3A_298 : vector<1x16xf32> to vector<16xf32>
    %swap3A_300 = vector.shape_cast %broadcast_in_dim3A_1 : vector<16xf32> to vector<1x16xf32>
    tpu.vector_store %arg9[%swap3A_296, %swap3A_297], %swap3A_300 {strides = array<i32>} : memref<16x128xf32, #tpu.memory_space<vmem>>, vector<1x16xf32>,
    %swap3A_301 = arith.constant 6 : i32
    %swap3A_302 = arith.index_cast %swap3A_301 : i32 to index
    %swap3A_303 = arith.constant 32 : index
    %swap3A_304 = tpu.vector_load %arg9[%swap3A_302, %swap3A_303] {strides = array<i32>} : memref<16x128xf32, #tpu.memory_space<vmem>>, vector<1x16xf32>,
    %swap3A_305 = vector.shape_cast %swap3A_304 : vector<1x16xf32> to vector<16xf32>
    %swap3A_306 = vector.shape_cast %broadcast_in_dim3A_1 : vector<16xf32> to vector<1x16xf32>
    tpu.vector_store %arg9[%swap3A_302, %swap3A_303], %swap3A_306 {strides = array<i32>} : memref<16x128xf32, #tpu.memory_space<vmem>>, vector<1x16xf32>,
    %swap3A_307 = arith.constant 6 : i32
    %swap3A_308 = arith.index_cast %swap3A_307 : i32 to index
    %swap3A_309 = arith.constant 48 : index
    %swap3A_310 = tpu.vector_load %arg9[%swap3A_308, %swap3A_309] {strides = array<i32>} : memref<16x128xf32, #tpu.memory_space<vmem>>, vector<1x16xf32>,
    %swap3A_311 = vector.shape_cast %swap3A_310 : vector<1x16xf32> to vector<16xf32>
    %swap3A_312 = vector.shape_cast %broadcast_in_dim3A_1 : vector<16xf32> to vector<1x16xf32>
    tpu.vector_store %arg9[%swap3A_308, %swap3A_309], %swap3A_312 {strides = array<i32>} : memref<16x128xf32, #tpu.memory_space<vmem>>, vector<1x16xf32>,
    %swap3A_313 = arith.constant 6 : i32
    %swap3A_314 = arith.index_cast %swap3A_313 : i32 to index
    %swap3A_315 = arith.constant 64 : index
    %swap3A_316 = tpu.vector_load %arg9[%swap3A_314, %swap3A_315] {strides = array<i32>} : memref<16x128xf32, #tpu.memory_space<vmem>>, vector<1x16xf32>,
    %swap3A_317 = vector.shape_cast %swap3A_316 : vector<1x16xf32> to vector<16xf32>
    %swap3A_318 = vector.shape_cast %broadcast_in_dim3A_1 : vector<16xf32> to vector<1x16xf32>
    tpu.vector_store %arg9[%swap3A_314, %swap3A_315], %swap3A_318 {strides = array<i32>} : memref<16x128xf32, #tpu.memory_space<vmem>>, vector<1x16xf32>,
    %swap3A_319 = arith.constant 6 : i32
    %swap3A_320 = arith.index_cast %swap3A_319 : i32 to index
    %swap3A_321 = arith.constant 80 : index
    %swap3A_322 = tpu.vector_load %arg9[%swap3A_320, %swap3A_321] {strides = array<i32>} : memref<16x128xf32, #tpu.memory_space<vmem>>, vector<1x16xf32>,
    %swap3A_323 = vector.shape_cast %swap3A_322 : vector<1x16xf32> to vector<16xf32>
    %swap3A_324 = vector.shape_cast %broadcast_in_dim3A_1 : vector<16xf32> to vector<1x16xf32>
    tpu.vector_store %arg9[%swap3A_320, %swap3A_321], %swap3A_324 {strides = array<i32>} : memref<16x128xf32, #tpu.memory_space<vmem>>, vector<1x16xf32>,
    %swap3A_325 = arith.constant 6 : i32
    %swap3A_326 = arith.index_cast %swap3A_325 : i32 to index
    %swap3A_327 = arith.constant 96 : index
    %swap3A_328 = tpu.vector_load %arg9[%swap3A_326, %swap3A_327] {strides = array<i32>} : memref<16x128xf32, #tpu.memory_space<vmem>>, vector<1x16xf32>,
    %swap3A_329 = vector.shape_cast %swap3A_328 : vector<1x16xf32> to vector<16xf32>
    %swap3A_330 = vector.shape_cast %broadcast_in_dim3A_1 : vector<16xf32> to vector<1x16xf32>
    tpu.vector_store %arg9[%swap3A_326, %swap3A_327], %swap3A_330 {strides = array<i32>} : memref<16x128xf32, #tpu.memory_space<vmem>>, vector<1x16xf32>,
    %swap3A_331 = arith.constant 6 : i32
    %swap3A_332 = arith.index_cast %swap3A_331 : i32 to index
    %swap3A_333 = arith.constant 112 : index
    %swap3A_334 = tpu.vector_load %arg9[%swap3A_332, %swap3A_333] {strides = array<i32>} : memref<16x128xf32, #tpu.memory_space<vmem>>, vector<1x16xf32>,
    %swap3A_335 = vector.shape_cast %swap3A_334 : vector<1x16xf32> to vector<16xf32>
    %swap3A_336 = vector.shape_cast %broadcast_in_dim3A_1 : vector<16xf32> to vector<1x16xf32>
    tpu.vector_store %arg9[%swap3A_332, %swap3A_333], %swap3A_336 {strides = array<i32>} : memref<16x128xf32, #tpu.memory_space<vmem>>, vector<1x16xf32>,
    %swap3A_337 = arith.constant 7 : i32
    %swap3A_338 = arith.index_cast %swap3A_337 : i32 to index
    %swap3A_339 = arith.constant 0 : index
    %swap3A_340 = tpu.vector_load %arg9[%swap3A_338, %swap3A_339] {strides = array<i32>} : memref<16x128xf32, #tpu.memory_space<vmem>>, vector<1x16xf32>,
    %swap3A_341 = vector.shape_cast %swap3A_340 : vector<1x16xf32> to vector<16xf32>
    %swap3A_342 = vector.shape_cast %broadcast_in_dim3A_1 : vector<16xf32> to vector<1x16xf32>
    tpu.vector_store %arg9[%swap3A_338, %swap3A_339], %swap3A_342 {strides = array<i32>} : memref<16x128xf32, #tpu.memory_space<vmem>>, vector<1x16xf32>,
    %swap3A_343 = arith.constant 7 : i32
    %swap3A_344 = arith.index_cast %swap3A_343 : i32 to index
    %swap3A_345 = arith.constant 16 : index
    %swap3A_346 = tpu.vector_load %arg9[%swap3A_344, %swap3A_345] {strides = array<i32>} : memref<16x128xf32, #tpu.memory_space<vmem>>, vector<1x16xf32>,
    %swap3A_347 = vector.shape_cast %swap3A_346 : vector<1x16xf32> to vector<16xf32>
    %swap3A_348 = vector.shape_cast %broadcast_in_dim3A_1 : vector<16xf32> to vector<1x16xf32>
    tpu.vector_store %arg9[%swap3A_344, %swap3A_345], %swap3A_348 {strides = array<i32>} : memref<16x128xf32, #tpu.memory_space<vmem>>, vector<1x16xf32>,
    %swap3A_349 = arith.constant 7 : i32
    %swap3A_350 = arith.index_cast %swap3A_349 : i32 to index
    %swap3A_351 = arith.constant 32 : index
    %swap3A_352 = tpu.vector_load %arg9[%swap3A_350, %swap3A_351] {strides = array<i32>} : memref<16x128xf32, #tpu.memory_space<vmem>>, vector<1x16xf32>,
    %swap3A_353 = vector.shape_cast %swap3A_352 : vector<1x16xf32> to vector<16xf32>
    %swap3A_354 = vector.shape_cast %broadcast_in_dim3A_1 : vector<16xf32> to vector<1x16xf32>
    tpu.vector_store %arg9[%swap3A_350, %swap3A_351], %swap3A_354 {strides = array<i32>} : memref<16x128xf32, #tpu.memory_space<vmem>>, vector<1x16xf32>,
    %swap3A_355 = arith.constant 7 : i32
    %swap3A_356 = arith.index_cast %swap3A_355 : i32 to index
    %swap3A_357 = arith.constant 48 : index
    %swap3A_358 = tpu.vector_load %arg9[%swap3A_356, %swap3A_357] {strides = array<i32>} : memref<16x128xf32, #tpu.memory_space<vmem>>, vector<1x16xf32>,
    %swap3A_359 = vector.shape_cast %swap3A_358 : vector<1x16xf32> to vector<16xf32>
    %swap3A_360 = vector.shape_cast %broadcast_in_dim3A_1 : vector<16xf32> to vector<1x16xf32>
    tpu.vector_store %arg9[%swap3A_356, %swap3A_357], %swap3A_360 {strides = array<i32>} : memref<16x128xf32, #tpu.memory_space<vmem>>, vector<1x16xf32>,
    %swap3A_361 = arith.constant 7 : i32
    %swap3A_362 = arith.index_cast %swap3A_361 : i32 to index
    %swap3A_363 = arith.constant 64 : index
    %swap3A_364 = tpu.vector_load %arg9[%swap3A_362, %swap3A_363] {strides = array<i32>} : memref<16x128xf32, #tpu.memory_space<vmem>>, vector<1x16xf32>,
    %swap3A_365 = vector.shape_cast %swap3A_364 : vector<1x16xf32> to vector<16xf32>
    %swap3A_366 = vector.shape_cast %broadcast_in_dim3A_1 : vector<16xf32> to vector<1x16xf32>
    tpu.vector_store %arg9[%swap3A_362, %swap3A_363], %swap3A_366 {strides = array<i32>} : memref<16x128xf32, #tpu.memory_space<vmem>>, vector<1x16xf32>,
    %swap3A_367 = arith.constant 7 : i32
    %swap3A_368 = arith.index_cast %swap3A_367 : i32 to index
    %swap3A_369 = arith.constant 80 : index
    %swap3A_370 = tpu.vector_load %arg9[%swap3A_368, %swap3A_369] {strides = array<i32>} : memref<16x128xf32, #tpu.memory_space<vmem>>, vector<1x16xf32>,
    %swap3A_371 = vector.shape_cast %swap3A_370 : vector<1x16xf32> to vector<16xf32>
    %swap3A_372 = vector.shape_cast %broadcast_in_dim3A_1 : vector<16xf32> to vector<1x16xf32>
    tpu.vector_store %arg9[%swap3A_368, %swap3A_369], %swap3A_372 {strides = array<i32>} : memref<16x128xf32, #tpu.memory_space<vmem>>, vector<1x16xf32>,
    %swap3A_373 = arith.constant 7 : i32
    %swap3A_374 = arith.index_cast %swap3A_373 : i32 to index
    %swap3A_375 = arith.constant 96 : index
    %swap3A_376 = tpu.vector_load %arg9[%swap3A_374, %swap3A_375] {strides = array<i32>} : memref<16x128xf32, #tpu.memory_space<vmem>>, vector<1x16xf32>,
    %swap3A_377 = vector.shape_cast %swap3A_376 : vector<1x16xf32> to vector<16xf32>
    %swap3A_378 = vector.shape_cast %broadcast_in_dim3A_1 : vector<16xf32> to vector<1x16xf32>
    tpu.vector_store %arg9[%swap3A_374, %swap3A_375], %swap3A_378 {strides = array<i32>} : memref<16x128xf32, #tpu.memory_space<vmem>>, vector<1x16xf32>,
    %swap3A_379 = arith.constant 7 : i32
    %swap3A_380 = arith.index_cast %swap3A_379 : i32 to index
    %swap3A_381 = arith.constant 112 : index
    %swap3A_382 = tpu.vector_load %arg9[%swap3A_380, %swap3A_381] {strides = array<i32>} : memref<16x128xf32, #tpu.memory_space<vmem>>, vector<1x16xf32>,
    %swap3A_383 = vector.shape_cast %swap3A_382 : vector<1x16xf32> to vector<16xf32>
    %swap3A_384 = vector.shape_cast %broadcast_in_dim3A_1 : vector<16xf32> to vector<1x16xf32>
    tpu.vector_store %arg9[%swap3A_380, %swap3A_381], %swap3A_384 {strides = array<i32>} : memref<16x128xf32, #tpu.memory_space<vmem>>, vector<1x16xf32>,
    %swap3A_385 = arith.constant 8 : i32
    %swap3A_386 = arith.index_cast %swap3A_385 : i32 to index
    %swap3A_387 = arith.constant 0 : index
    %swap3A_388 = tpu.vector_load %arg9[%swap3A_386, %swap3A_387] {strides = array<i32>} : memref<16x128xf32, #tpu.memory_space<vmem>>, vector<1x16xf32>,
    %swap3A_389 = vector.shape_cast %swap3A_388 : vector<1x16xf32> to vector<16xf32>
    %swap3A_390 = vector.shape_cast %broadcast_in_dim3A_1 : vector<16xf32> to vector<1x16xf32>
    tpu.vector_store %arg9[%swap3A_386, %swap3A_387], %swap3A_390 {strides = array<i32>} : memref<16x128xf32, #tpu.memory_space<vmem>>, vector<1x16xf32>,
    %swap3A_391 = arith.constant 8 : i32
    %swap3A_392 = arith.index_cast %swap3A_391 : i32 to index
    %swap3A_393 = arith.constant 16 : index
    %swap3A_394 = tpu.vector_load %arg9[%swap3A_392, %swap3A_393] {strides = array<i32>} : memref<16x128xf32, #tpu.memory_space<vmem>>, vector<1x16xf32>,
    %swap3A_395 = vector.shape_cast %swap3A_394 : vector<1x16xf32> to vector<16xf32>
    %swap3A_396 = vector.shape_cast %broadcast_in_dim3A_1 : vector<16xf32> to vector<1x16xf32>
    tpu.vector_store %arg9[%swap3A_392, %swap3A_393], %swap3A_396 {strides = array<i32>} : memref<16x128xf32, #tpu.memory_space<vmem>>, vector<1x16xf32>,
    %swap3A_397 = arith.constant 8 : i32
    %swap3A_398 = arith.index_cast %swap3A_397 : i32 to index
    %swap3A_399 = arith.constant 32 : index
    %swap3A_400 = tpu.vector_load %arg9[%swap3A_398, %swap3A_399] {strides = array<i32>} : memref<16x128xf32, #tpu.memory_space<vmem>>, vector<1x16xf32>,
    %swap3A_401 = vector.shape_cast %swap3A_400 : vector<1x16xf32> to vector<16xf32>
    %swap3A_402 = vector.shape_cast %broadcast_in_dim3A_1 : vector<16xf32> to vector<1x16xf32>
    tpu.vector_store %arg9[%swap3A_398, %swap3A_399], %swap3A_402 {strides = array<i32>} : memref<16x128xf32, #tpu.memory_space<vmem>>, vector<1x16xf32>,
    %swap3A_403 = arith.constant 8 : i32
    %swap3A_404 = arith.index_cast %swap3A_403 : i32 to index
    %swap3A_405 = arith.constant 48 : index
    %swap3A_406 = tpu.vector_load %arg9[%swap3A_404, %swap3A_405] {strides = array<i32>} : memref<16x128xf32, #tpu.memory_space<vmem>>, vector<1x16xf32>,
    %swap3A_407 = vector.shape_cast %swap3A_406 : vector<1x16xf32> to vector<16xf32>
    %swap3A_408 = vector.shape_cast %broadcast_in_dim3A_1 : vector<16xf32> to vector<1x16xf32>
    tpu.vector_store %arg9[%swap3A_404, %swap3A_405], %swap3A_408 {strides = array<i32>} : memref<16x128xf32, #tpu.memory_space<vmem>>, vector<1x16xf32>,
    %swap3A_409 = arith.constant 8 : i32
    %swap3A_410 = arith.index_cast %swap3A_409 : i32 to index
    %swap3A_411 = arith.constant 64 : index
    %swap3A_412 = tpu.vector_load %arg9[%swap3A_410, %swap3A_411] {strides = array<i32>} : memref<16x128xf32, #tpu.memory_space<vmem>>, vector<1x16xf32>,
    %swap3A_413 = vector.shape_cast %swap3A_412 : vector<1x16xf32> to vector<16xf32>
    %swap3A_414 = vector.shape_cast %broadcast_in_dim3A_1 : vector<16xf32> to vector<1x16xf32>
    tpu.vector_store %arg9[%swap3A_410, %swap3A_411], %swap3A_414 {strides = array<i32>} : memref<16x128xf32, #tpu.memory_space<vmem>>, vector<1x16xf32>,
    %swap3A_415 = arith.constant 8 : i32
    %swap3A_416 = arith.index_cast %swap3A_415 : i32 to index
    %swap3A_417 = arith.constant 80 : index
    %swap3A_418 = tpu.vector_load %arg9[%swap3A_416, %swap3A_417] {strides = array<i32>} : memref<16x128xf32, #tpu.memory_space<vmem>>, vector<1x16xf32>,
    %swap3A_419 = vector.shape_cast %swap3A_418 : vector<1x16xf32> to vector<16xf32>
    %swap3A_420 = vector.shape_cast %broadcast_in_dim3A_1 : vector<16xf32> to vector<1x16xf32>
    tpu.vector_store %arg9[%swap3A_416, %swap3A_417], %swap3A_420 {strides = array<i32>} : memref<16x128xf32, #tpu.memory_space<vmem>>, vector<1x16xf32>,
    %swap3A_421 = arith.constant 8 : i32
    %swap3A_422 = arith.index_cast %swap3A_421 : i32 to index
    %swap3A_423 = arith.constant 96 : index
    %swap3A_424 = tpu.vector_load %arg9[%swap3A_422, %swap3A_423] {strides = array<i32>} : memref<16x128xf32, #tpu.memory_space<vmem>>, vector<1x16xf32>,
    %swap3A_425 = vector.shape_cast %swap3A_424 : vector<1x16xf32> to vector<16xf32>
    %swap3A_426 = vector.shape_cast %broadcast_in_dim3A_1 : vector<16xf32> to vector<1x16xf32>
    tpu.vector_store %arg9[%swap3A_422, %swap3A_423], %swap3A_426 {strides = array<i32>} : memref<16x128xf32, #tpu.memory_space<vmem>>, vector<1x16xf32>,
    %swap3A_427 = arith.constant 8 : i32
    %swap3A_428 = arith.index_cast %swap3A_427 : i32 to index
    %swap3A_429 = arith.constant 112 : index
    %swap3A_430 = tpu.vector_load %arg9[%swap3A_428, %swap3A_429] {strides = array<i32>} : memref<16x128xf32, #tpu.memory_space<vmem>>, vector<1x16xf32>,
    %swap3A_431 = vector.shape_cast %swap3A_430 : vector<1x16xf32> to vector<16xf32>
    %swap3A_432 = vector.shape_cast %broadcast_in_dim3A_1 : vector<16xf32> to vector<1x16xf32>
    tpu.vector_store %arg9[%swap3A_428, %swap3A_429], %swap3A_432 {strides = array<i32>} : memref<16x128xf32, #tpu.memory_space<vmem>>, vector<1x16xf32>,
    %swap3A_433 = arith.constant 9 : i32
    %swap3A_434 = arith.index_cast %swap3A_433 : i32 to index
    %swap3A_435 = arith.constant 0 : index
    %swap3A_436 = tpu.vector_load %arg9[%swap3A_434, %swap3A_435] {strides = array<i32>} : memref<16x128xf32, #tpu.memory_space<vmem>>, vector<1x16xf32>,
    %swap3A_437 = vector.shape_cast %swap3A_436 : vector<1x16xf32> to vector<16xf32>
    %swap3A_438 = vector.shape_cast %broadcast_in_dim3A_1 : vector<16xf32> to vector<1x16xf32>
    tpu.vector_store %arg9[%swap3A_434, %swap3A_435], %swap3A_438 {strides = array<i32>} : memref<16x128xf32, #tpu.memory_space<vmem>>, vector<1x16xf32>,
    %swap3A_439 = arith.constant 9 : i32
    %swap3A_440 = arith.index_cast %swap3A_439 : i32 to index
    %swap3A_441 = arith.constant 16 : index
    %swap3A_442 = tpu.vector_load %arg9[%swap3A_440, %swap3A_441] {strides = array<i32>} : memref<16x128xf32, #tpu.memory_space<vmem>>, vector<1x16xf32>,
    %swap3A_443 = vector.shape_cast %swap3A_442 : vector<1x16xf32> to vector<16xf32>
    %swap3A_444 = vector.shape_cast %broadcast_in_dim3A_1 : vector<16xf32> to vector<1x16xf32>
    tpu.vector_store %arg9[%swap3A_440, %swap3A_441], %swap3A_444 {strides = array<i32>} : memref<16x128xf32, #tpu.memory_space<vmem>>, vector<1x16xf32>,
    %swap3A_445 = arith.constant 9 : i32
    %swap3A_446 = arith.index_cast %swap3A_445 : i32 to index
    %swap3A_447 = arith.constant 32 : index
    %swap3A_448 = tpu.vector_load %arg9[%swap3A_446, %swap3A_447] {strides = array<i32>} : memref<16x128xf32, #tpu.memory_space<vmem>>, vector<1x16xf32>,
    %swap3A_449 = vector.shape_cast %swap3A_448 : vector<1x16xf32> to vector<16xf32>
    %swap3A_450 = vector.shape_cast %broadcast_in_dim3A_1 : vector<16xf32> to vector<1x16xf32>
    tpu.vector_store %arg9[%swap3A_446, %swap3A_447], %swap3A_450 {strides = array<i32>} : memref<16x128xf32, #tpu.memory_space<vmem>>, vector<1x16xf32>,
    %swap3A_451 = arith.constant 9 : i32
    %swap3A_452 = arith.index_cast %swap3A_451 : i32 to index
    %swap3A_453 = arith.constant 48 : index
    %swap3A_454 = tpu.vector_load %arg9[%swap3A_452, %swap3A_453] {strides = array<i32>} : memref<16x128xf32, #tpu.memory_space<vmem>>, vector<1x16xf32>,
    %swap3A_455 = vector.shape_cast %swap3A_454 : vector<1x16xf32> to vector<16xf32>
    %swap3A_456 = vector.shape_cast %broadcast_in_dim3A_1 : vector<16xf32> to vector<1x16xf32>
    tpu.vector_store %arg9[%swap3A_452, %swap3A_453], %swap3A_456 {strides = array<i32>} : memref<16x128xf32, #tpu.memory_space<vmem>>, vector<1x16xf32>,
    %swap3A_457 = arith.constant 9 : i32
    %swap3A_458 = arith.index_cast %swap3A_457 : i32 to index
    %swap3A_459 = arith.constant 64 : index
    %swap3A_460 = tpu.vector_load %arg9[%swap3A_458, %swap3A_459] {strides = array<i32>} : memref<16x128xf32, #tpu.memory_space<vmem>>, vector<1x16xf32>,
    %swap3A_461 = vector.shape_cast %swap3A_460 : vector<1x16xf32> to vector<16xf32>
    %swap3A_462 = vector.shape_cast %broadcast_in_dim3A_1 : vector<16xf32> to vector<1x16xf32>
    tpu.vector_store %arg9[%swap3A_458, %swap3A_459], %swap3A_462 {strides = array<i32>} : memref<16x128xf32, #tpu.memory_space<vmem>>, vector<1x16xf32>,
    %swap3A_463 = arith.constant 9 : i32
    %swap3A_464 = arith.index_cast %swap3A_463 : i32 to index
    %swap3A_465 = arith.constant 80 : index
    %swap3A_466 = tpu.vector_load %arg9[%swap3A_464, %swap3A_465] {strides = array<i32>} : memref<16x128xf32, #tpu.memory_space<vmem>>, vector<1x16xf32>,
    %swap3A_467 = vector.shape_cast %swap3A_466 : vector<1x16xf32> to vector<16xf32>
    %swap3A_468 = vector.shape_cast %broadcast_in_dim3A_1 : vector<16xf32> to vector<1x16xf32>
    tpu.vector_store %arg9[%swap3A_464, %swap3A_465], %swap3A_468 {strides = array<i32>} : memref<16x128xf32, #tpu.memory_space<vmem>>, vector<1x16xf32>,
    %swap3A_469 = arith.constant 9 : i32
    %swap3A_470 = arith.index_cast %swap3A_469 : i32 to index
    %swap3A_471 = arith.constant 96 : index
    %swap3A_472 = tpu.vector_load %arg9[%swap3A_470, %swap3A_471] {strides = array<i32>} : memref<16x128xf32, #tpu.memory_space<vmem>>, vector<1x16xf32>,
    %swap3A_473 = vector.shape_cast %swap3A_472 : vector<1x16xf32> to vector<16xf32>
    %swap3A_474 = vector.shape_cast %broadcast_in_dim3A_1 : vector<16xf32> to vector<1x16xf32>
    tpu.vector_store %arg9[%swap3A_470, %swap3A_471], %swap3A_474 {strides = array<i32>} : memref<16x128xf32, #tpu.memory_space<vmem>>, vector<1x16xf32>,
    %swap3A_475 = arith.constant 9 : i32
    %swap3A_476 = arith.index_cast %swap3A_475 : i32 to index
    %swap3A_477 = arith.constant 112 : index
    %swap3A_478 = tpu.vector_load %arg9[%swap3A_476, %swap3A_477] {strides = array<i32>} : memref<16x128xf32, #tpu.memory_space<vmem>>, vector<1x16xf32>,
    %swap3A_479 = vector.shape_cast %swap3A_478 : vector<1x16xf32> to vector<16xf32>
    %swap3A_480 = vector.shape_cast %broadcast_in_dim3A_1 : vector<16xf32> to vector<1x16xf32>
    tpu.vector_store %arg9[%swap3A_476, %swap3A_477], %swap3A_480 {strides = array<i32>} : memref<16x128xf32, #tpu.memory_space<vmem>>, vector<1x16xf32>,
    %swap3A_481 = arith.constant 10 : i32
    %swap3A_482 = arith.index_cast %swap3A_481 : i32 to index
    %swap3A_483 = arith.constant 0 : index
    %swap3A_484 = tpu.vector_load %arg9[%swap3A_482, %swap3A_483] {strides = array<i32>} : memref<16x128xf32, #tpu.memory_space<vmem>>, vector<1x16xf32>,
    %swap3A_485 = vector.shape_cast %swap3A_484 : vector<1x16xf32> to vector<16xf32>
    %swap3A_486 = vector.shape_cast %broadcast_in_dim3A_1 : vector<16xf32> to vector<1x16xf32>
    tpu.vector_store %arg9[%swap3A_482, %swap3A_483], %swap3A_486 {strides = array<i32>} : memref<16x128xf32, #tpu.memory_space<vmem>>, vector<1x16xf32>,
    %swap3A_487 = arith.constant 10 : i32
    %swap3A_488 = arith.index_cast %swap3A_487 : i32 to index
    %swap3A_489 = arith.constant 16 : index
    %swap3A_490 = tpu.vector_load %arg9[%swap3A_488, %swap3A_489] {strides = array<i32>} : memref<16x128xf32, #tpu.memory_space<vmem>>, vector<1x16xf32>,
    %swap3A_491 = vector.shape_cast %swap3A_490 : vector<1x16xf32> to vector<16xf32>
    %swap3A_492 = vector.shape_cast %broadcast_in_dim3A_1 : vector<16xf32> to vector<1x16xf32>
    tpu.vector_store %arg9[%swap3A_488, %swap3A_489], %swap3A_492 {strides = array<i32>} : memref<16x128xf32, #tpu.memory_space<vmem>>, vector<1x16xf32>,
    %swap3A_493 = arith.constant 10 : i32
    %swap3A_494 = arith.index_cast %swap3A_493 : i32 to index
    %swap3A_495 = arith.constant 32 : index
    %swap3A_496 = tpu.vector_load %arg9[%swap3A_494, %swap3A_495] {strides = array<i32>} : memref<16x128xf32, #tpu.memory_space<vmem>>, vector<1x16xf32>,
    %swap3A_497 = vector.shape_cast %swap3A_496 : vector<1x16xf32> to vector<16xf32>
    %swap3A_498 = vector.shape_cast %broadcast_in_dim3A_1 : vector<16xf32> to vector<1x16xf32>
    tpu.vector_store %arg9[%swap3A_494, %swap3A_495], %swap3A_498 {strides = array<i32>} : memref<16x128xf32, #tpu.memory_space<vmem>>, vector<1x16xf32>,
    %swap3A_499 = arith.constant 10 : i32
    %swap3A_500 = arith.index_cast %swap3A_499 : i32 to index
    %swap3A_501 = arith.constant 48 : index
    %swap3A_502 = tpu.vector_load %arg9[%swap3A_500, %swap3A_501] {strides = array<i32>} : memref<16x128xf32, #tpu.memory_space<vmem>>, vector<1x16xf32>,
    %swap3A_503 = vector.shape_cast %swap3A_502 : vector<1x16xf32> to vector<16xf32>
    %swap3A_504 = vector.shape_cast %broadcast_in_dim3A_1 : vector<16xf32> to vector<1x16xf32>
    tpu.vector_store %arg9[%swap3A_500, %swap3A_501], %swap3A_504 {strides = array<i32>} : memref<16x128xf32, #tpu.memory_space<vmem>>, vector<1x16xf32>,
    %swap3A_505 = arith.constant 10 : i32
    %swap3A_506 = arith.index_cast %swap3A_505 : i32 to index
    %swap3A_507 = arith.constant 64 : index
    %swap3A_508 = tpu.vector_load %arg9[%swap3A_506, %swap3A_507] {strides = array<i32>} : memref<16x128xf32, #tpu.memory_space<vmem>>, vector<1x16xf32>,
    %swap3A_509 = vector.shape_cast %swap3A_508 : vector<1x16xf32> to vector<16xf32>
    %swap3A_510 = vector.shape_cast %broadcast_in_dim3A_1 : vector<16xf32> to vector<1x16xf32>
    tpu.vector_store %arg9[%swap3A_506, %swap3A_507], %swap3A_510 {strides = array<i32>} : memref<16x128xf32, #tpu.memory_space<vmem>>, vector<1x16xf32>,
    %swap3A_511 = arith.constant 10 : i32
    %swap3A_512 = arith.index_cast %swap3A_511 : i32 to index
    %swap3A_513 = arith.constant 80 : index
    %swap3A_514 = tpu.vector_load %arg9[%swap3A_512, %swap3A_513] {strides = array<i32>} : memref<16x128xf32, #tpu.memory_space<vmem>>, vector<1x16xf32>,
    %swap3A_515 = vector.shape_cast %swap3A_514 : vector<1x16xf32> to vector<16xf32>
    %swap3A_516 = vector.shape_cast %broadcast_in_dim3A_1 : vector<16xf32> to vector<1x16xf32>
    tpu.vector_store %arg9[%swap3A_512, %swap3A_513], %swap3A_516 {strides = array<i32>} : memref<16x128xf32, #tpu.memory_space<vmem>>, vector<1x16xf32>,
    %swap3A_517 = arith.constant 10 : i32
    %swap3A_518 = arith.index_cast %swap3A_517 : i32 to index
    %swap3A_519 = arith.constant 96 : index
    %swap3A_520 = tpu.vector_load %arg9[%swap3A_518, %swap3A_519] {strides = array<i32>} : memref<16x128xf32, #tpu.memory_space<vmem>>, vector<1x16xf32>,
    %swap3A_521 = vector.shape_cast %swap3A_520 : vector<1x16xf32> to vector<16xf32>
    %swap3A_522 = vector.shape_cast %broadcast_in_dim3A_1 : vector<16xf32> to vector<1x16xf32>
    tpu.vector_store %arg9[%swap3A_518, %swap3A_519], %swap3A_522 {strides = array<i32>} : memref<16x128xf32, #tpu.memory_space<vmem>>, vector<1x16xf32>,
    %swap3A_523 = arith.constant 10 : i32
    %swap3A_524 = arith.index_cast %swap3A_523 : i32 to index
    %swap3A_525 = arith.constant 112 : index
    %swap3A_526 = tpu.vector_load %arg9[%swap3A_524, %swap3A_525] {strides = array<i32>} : memref<16x128xf32, #tpu.memory_space<vmem>>, vector<1x16xf32>,
    %swap3A_527 = vector.shape_cast %swap3A_526 : vector<1x16xf32> to vector<16xf32>
    %swap3A_528 = vector.shape_cast %broadcast_in_dim3A_1 : vector<16xf32> to vector<1x16xf32>
    tpu.vector_store %arg9[%swap3A_524, %swap3A_525], %swap3A_528 {strides = array<i32>} : memref<16x128xf32, #tpu.memory_space<vmem>>, vector<1x16xf32>,
    %swap3A_529 = arith.constant 11 : i32
    %swap3A_530 = arith.index_cast %swap3A_529 : i32 to index
    %swap3A_531 = arith.constant 0 : index
    %swap3A_532 = tpu.vector_load %arg9[%swap3A_530, %swap3A_531] {strides = array<i32>} : memref<16x128xf32, #tpu.memory_space<vmem>>, vector<1x16xf32>,
    %swap3A_533 = vector.shape_cast %swap3A_532 : vector<1x16xf32> to vector<16xf32>
    %swap3A_534 = vector.shape_cast %broadcast_in_dim3A_1 : vector<16xf32> to vector<1x16xf32>
    tpu.vector_store %arg9[%swap3A_530, %swap3A_531], %swap3A_534 {strides = array<i32>} : memref<16x128xf32, #tpu.memory_space<vmem>>, vector<1x16xf32>,
    %swap3A_535 = arith.constant 11 : i32
    %swap3A_536 = arith.index_cast %swap3A_535 : i32 to index
    %swap3A_537 = arith.constant 16 : index
    %swap3A_538 = tpu.vector_load %arg9[%swap3A_536, %swap3A_537] {strides = array<i32>} : memref<16x128xf32, #tpu.memory_space<vmem>>, vector<1x16xf32>,
    %swap3A_539 = vector.shape_cast %swap3A_538 : vector<1x16xf32> to vector<16xf32>
    %swap3A_540 = vector.shape_cast %broadcast_in_dim3A_1 : vector<16xf32> to vector<1x16xf32>
    tpu.vector_store %arg9[%swap3A_536, %swap3A_537], %swap3A_540 {strides = array<i32>} : memref<16x128xf32, #tpu.memory_space<vmem>>, vector<1x16xf32>,
    %swap3A_541 = arith.constant 11 : i32
    %swap3A_542 = arith.index_cast %swap3A_541 : i32 to index
    %swap3A_543 = arith.constant 32 : index
    %swap3A_544 = tpu.vector_load %arg9[%swap3A_542, %swap3A_543] {strides = array<i32>} : memref<16x128xf32, #tpu.memory_space<vmem>>, vector<1x16xf32>,
    %swap3A_545 = vector.shape_cast %swap3A_544 : vector<1x16xf32> to vector<16xf32>
    %swap3A_546 = vector.shape_cast %broadcast_in_dim3A_1 : vector<16xf32> to vector<1x16xf32>
    tpu.vector_store %arg9[%swap3A_542, %swap3A_543], %swap3A_546 {strides = array<i32>} : memref<16x128xf32, #tpu.memory_space<vmem>>, vector<1x16xf32>,
    %swap3A_547 = arith.constant 11 : i32
    %swap3A_548 = arith.index_cast %swap3A_547 : i32 to index
    %swap3A_549 = arith.constant 48 : index
    %swap3A_550 = tpu.vector_load %arg9[%swap3A_548, %swap3A_549] {strides = array<i32>} : memref<16x128xf32, #tpu.memory_space<vmem>>, vector<1x16xf32>,
    %swap3A_551 = vector.shape_cast %swap3A_550 : vector<1x16xf32> to vector<16xf32>
    %swap3A_552 = vector.shape_cast %broadcast_in_dim3A_1 : vector<16xf32> to vector<1x16xf32>
    tpu.vector_store %arg9[%swap3A_548, %swap3A_549], %swap3A_552 {strides = array<i32>} : memref<16x128xf32, #tpu.memory_space<vmem>>, vector<1x16xf32>,
    %swap3A_553 = arith.constant 11 : i32
    %swap3A_554 = arith.index_cast %swap3A_553 : i32 to index
    %swap3A_555 = arith.constant 64 : index
    %swap3A_556 = tpu.vector_load %arg9[%swap3A_554, %swap3A_555] {strides = array<i32>} : memref<16x128xf32, #tpu.memory_space<vmem>>, vector<1x16xf32>,
    %swap3A_557 = vector.shape_cast %swap3A_556 : vector<1x16xf32> to vector<16xf32>
    %swap3A_558 = vector.shape_cast %broadcast_in_dim3A_1 : vector<16xf32> to vector<1x16xf32>
    tpu.vector_store %arg9[%swap3A_554, %swap3A_555], %swap3A_558 {strides = array<i32>} : memref<16x128xf32, #tpu.memory_space<vmem>>, vector<1x16xf32>,
    %swap3A_559 = arith.constant 11 : i32
    %swap3A_560 = arith.index_cast %swap3A_559 : i32 to index
    %swap3A_561 = arith.constant 80 : index
    %swap3A_562 = tpu.vector_load %arg9[%swap3A_560, %swap3A_561] {strides = array<i32>} : memref<16x128xf32, #tpu.memory_space<vmem>>, vector<1x16xf32>,
    %swap3A_563 = vector.shape_cast %swap3A_562 : vector<1x16xf32> to vector<16xf32>
    %swap3A_564 = vector.shape_cast %broadcast_in_dim3A_1 : vector<16xf32> to vector<1x16xf32>
    tpu.vector_store %arg9[%swap3A_560, %swap3A_561], %swap3A_564 {strides = array<i32>} : memref<16x128xf32, #tpu.memory_space<vmem>>, vector<1x16xf32>,
    %swap3A_565 = arith.constant 11 : i32
    %swap3A_566 = arith.index_cast %swap3A_565 : i32 to index
    %swap3A_567 = arith.constant 96 : index
    %swap3A_568 = tpu.vector_load %arg9[%swap3A_566, %swap3A_567] {strides = array<i32>} : memref<16x128xf32, #tpu.memory_space<vmem>>, vector<1x16xf32>,
    %swap3A_569 = vector.shape_cast %swap3A_568 : vector<1x16xf32> to vector<16xf32>
    %swap3A_570 = vector.shape_cast %broadcast_in_dim3A_1 : vector<16xf32> to vector<1x16xf32>
    tpu.vector_store %arg9[%swap3A_566, %swap3A_567], %swap3A_570 {strides = array<i32>} : memref<16x128xf32, #tpu.memory_space<vmem>>, vector<1x16xf32>,
    %swap3A_571 = arith.constant 11 : i32
    %swap3A_572 = arith.index_cast %swap3A_571 : i32 to index
    %swap3A_573 = arith.constant 112 : index
    %swap3A_574 = tpu.vector_load %arg9[%swap3A_572, %swap3A_573] {strides = array<i32>} : memref<16x128xf32, #tpu.memory_space<vmem>>, vector<1x16xf32>,
    %swap3A_575 = vector.shape_cast %swap3A_574 : vector<1x16xf32> to vector<16xf32>
    %swap3A_576 = vector.shape_cast %broadcast_in_dim3A_1 : vector<16xf32> to vector<1x16xf32>
    tpu.vector_store %arg9[%swap3A_572, %swap3A_573], %swap3A_576 {strides = array<i32>} : memref<16x128xf32, #tpu.memory_space<vmem>>, vector<1x16xf32>,
    %swap3A_577 = arith.constant 12 : i32
    %swap3A_578 = arith.index_cast %swap3A_577 : i32 to index
    %swap3A_579 = arith.constant 0 : index
    %swap3A_580 = tpu.vector_load %arg9[%swap3A_578, %swap3A_579] {strides = array<i32>} : memref<16x128xf32, #tpu.memory_space<vmem>>, vector<1x16xf32>,
    %swap3A_581 = vector.shape_cast %swap3A_580 : vector<1x16xf32> to vector<16xf32>
    %swap3A_582 = vector.shape_cast %broadcast_in_dim3A_1 : vector<16xf32> to vector<1x16xf32>
    tpu.vector_store %arg9[%swap3A_578, %swap3A_579], %swap3A_582 {strides = array<i32>} : memref<16x128xf32, #tpu.memory_space<vmem>>, vector<1x16xf32>,
    %swap3A_583 = arith.constant 12 : i32
    %swap3A_584 = arith.index_cast %swap3A_583 : i32 to index
    %swap3A_585 = arith.constant 16 : index
    %swap3A_586 = tpu.vector_load %arg9[%swap3A_584, %swap3A_585] {strides = array<i32>} : memref<16x128xf32, #tpu.memory_space<vmem>>, vector<1x16xf32>,
    %swap3A_587 = vector.shape_cast %swap3A_586 : vector<1x16xf32> to vector<16xf32>
    %swap3A_588 = vector.shape_cast %broadcast_in_dim3A_1 : vector<16xf32> to vector<1x16xf32>
    tpu.vector_store %arg9[%swap3A_584, %swap3A_585], %swap3A_588 {strides = array<i32>} : memref<16x128xf32, #tpu.memory_space<vmem>>, vector<1x16xf32>,
    %swap3A_589 = arith.constant 12 : i32
    %swap3A_590 = arith.index_cast %swap3A_589 : i32 to index
    %swap3A_591 = arith.constant 32 : index
    %swap3A_592 = tpu.vector_load %arg9[%swap3A_590, %swap3A_591] {strides = array<i32>} : memref<16x128xf32, #tpu.memory_space<vmem>>, vector<1x16xf32>,
    %swap3A_593 = vector.shape_cast %swap3A_592 : vector<1x16xf32> to vector<16xf32>
    %swap3A_594 = vector.shape_cast %broadcast_in_dim3A_1 : vector<16xf32> to vector<1x16xf32>
    tpu.vector_store %arg9[%swap3A_590, %swap3A_591], %swap3A_594 {strides = array<i32>} : memref<16x128xf32, #tpu.memory_space<vmem>>, vector<1x16xf32>,
    %swap3A_595 = arith.constant 12 : i32
    %swap3A_596 = arith.index_cast %swap3A_595 : i32 to index
    %swap3A_597 = arith.constant 48 : index
    %swap3A_598 = tpu.vector_load %arg9[%swap3A_596, %swap3A_597] {strides = array<i32>} : memref<16x128xf32, #tpu.memory_space<vmem>>, vector<1x16xf32>,
    %swap3A_599 = vector.shape_cast %swap3A_598 : vector<1x16xf32> to vector<16xf32>
    %swap3A_600 = vector.shape_cast %broadcast_in_dim3A_1 : vector<16xf32> to vector<1x16xf32>
    tpu.vector_store %arg9[%swap3A_596, %swap3A_597], %swap3A_600 {strides = array<i32>} : memref<16x128xf32, #tpu.memory_space<vmem>>, vector<1x16xf32>,
    %swap3A_601 = arith.constant 12 : i32
    %swap3A_602 = arith.index_cast %swap3A_601 : i32 to index
    %swap3A_603 = arith.constant 64 : index
    %swap3A_604 = tpu.vector_load %arg9[%swap3A_602, %swap3A_603] {strides = array<i32>} : memref<16x128xf32, #tpu.memory_space<vmem>>, vector<1x16xf32>,
    %swap3A_605 = vector.shape_cast %swap3A_604 : vector<1x16xf32> to vector<16xf32>
    %swap3A_606 = vector.shape_cast %broadcast_in_dim3A_1 : vector<16xf32> to vector<1x16xf32>
    tpu.vector_store %arg9[%swap3A_602, %swap3A_603], %swap3A_606 {strides = array<i32>} : memref<16x128xf32, #tpu.memory_space<vmem>>, vector<1x16xf32>,
    %swap3A_607 = arith.constant 12 : i32
    %swap3A_608 = arith.index_cast %swap3A_607 : i32 to index
    %swap3A_609 = arith.constant 80 : index
    %swap3A_610 = tpu.vector_load %arg9[%swap3A_608, %swap3A_609] {strides = array<i32>} : memref<16x128xf32, #tpu.memory_space<vmem>>, vector<1x16xf32>,
    %swap3A_611 = vector.shape_cast %swap3A_610 : vector<1x16xf32> to vector<16xf32>
    %swap3A_612 = vector.shape_cast %broadcast_in_dim3A_1 : vector<16xf32> to vector<1x16xf32>
    tpu.vector_store %arg9[%swap3A_608, %swap3A_609], %swap3A_612 {strides = array<i32>} : memref<16x128xf32, #tpu.memory_space<vmem>>, vector<1x16xf32>,
    %swap3A_613 = arith.constant 12 : i32
    %swap3A_614 = arith.index_cast %swap3A_613 : i32 to index
    %swap3A_615 = arith.constant 96 : index
    %swap3A_616 = tpu.vector_load %arg9[%swap3A_614, %swap3A_615] {strides = array<i32>} : memref<16x128xf32, #tpu.memory_space<vmem>>, vector<1x16xf32>,
    %swap3A_617 = vector.shape_cast %swap3A_616 : vector<1x16xf32> to vector<16xf32>
    %swap3A_618 = vector.shape_cast %broadcast_in_dim3A_1 : vector<16xf32> to vector<1x16xf32>
    tpu.vector_store %arg9[%swap3A_614, %swap3A_615], %swap3A_618 {strides = array<i32>} : memref<16x128xf32, #tpu.memory_space<vmem>>, vector<1x16xf32>,
    %swap3A_619 = arith.constant 12 : i32
    %swap3A_620 = arith.index_cast %swap3A_619 : i32 to index
    %swap3A_621 = arith.constant 112 : index
    %swap3A_622 = tpu.vector_load %arg9[%swap3A_620, %swap3A_621] {strides = array<i32>} : memref<16x128xf32, #tpu.memory_space<vmem>>, vector<1x16xf32>,
    %swap3A_623 = vector.shape_cast %swap3A_622 : vector<1x16xf32> to vector<16xf32>
    %swap3A_624 = vector.shape_cast %broadcast_in_dim3A_1 : vector<16xf32> to vector<1x16xf32>
    tpu.vector_store %arg9[%swap3A_620, %swap3A_621], %swap3A_624 {strides = array<i32>} : memref<16x128xf32, #tpu.memory_space<vmem>>, vector<1x16xf32>,
    %swap3A_625 = arith.constant 13 : i32
    %swap3A_626 = arith.index_cast %swap3A_625 : i32 to index
    %swap3A_627 = arith.constant 0 : index
    %swap3A_628 = tpu.vector_load %arg9[%swap3A_626, %swap3A_627] {strides = array<i32>} : memref<16x128xf32, #tpu.memory_space<vmem>>, vector<1x16xf32>,
    %swap3A_629 = vector.shape_cast %swap3A_628 : vector<1x16xf32> to vector<16xf32>
    %swap3A_630 = vector.shape_cast %broadcast_in_dim3A_1 : vector<16xf32> to vector<1x16xf32>
    tpu.vector_store %arg9[%swap3A_626, %swap3A_627], %swap3A_630 {strides = array<i32>} : memref<16x128xf32, #tpu.memory_space<vmem>>, vector<1x16xf32>,
    %swap3A_631 = arith.constant 13 : i32
    %swap3A_632 = arith.index_cast %swap3A_631 : i32 to index
    %swap3A_633 = arith.constant 16 : index
    %swap3A_634 = tpu.vector_load %arg9[%swap3A_632, %swap3A_633] {strides = array<i32>} : memref<16x128xf32, #tpu.memory_space<vmem>>, vector<1x16xf32>,
    %swap3A_635 = vector.shape_cast %swap3A_634 : vector<1x16xf32> to vector<16xf32>
    %swap3A_636 = vector.shape_cast %broadcast_in_dim3A_1 : vector<16xf32> to vector<1x16xf32>
    tpu.vector_store %arg9[%swap3A_632, %swap3A_633], %swap3A_636 {strides = array<i32>} : memref<16x128xf32, #tpu.memory_space<vmem>>, vector<1x16xf32>,
    %swap3A_637 = arith.constant 13 : i32
    %swap3A_638 = arith.index_cast %swap3A_637 : i32 to index
    %swap3A_639 = arith.constant 32 : index
    %swap3A_640 = tpu.vector_load %arg9[%swap3A_638, %swap3A_639] {strides = array<i32>} : memref<16x128xf32, #tpu.memory_space<vmem>>, vector<1x16xf32>,
    %swap3A_641 = vector.shape_cast %swap3A_640 : vector<1x16xf32> to vector<16xf32>
    %swap3A_642 = vector.shape_cast %broadcast_in_dim3A_1 : vector<16xf32> to vector<1x16xf32>
    tpu.vector_store %arg9[%swap3A_638, %swap3A_639], %swap3A_642 {strides = array<i32>} : memref<16x128xf32, #tpu.memory_space<vmem>>, vector<1x16xf32>,
    %swap3A_643 = arith.constant 13 : i32
    %swap3A_644 = arith.index_cast %swap3A_643 : i32 to index
    %swap3A_645 = arith.constant 48 : index
    %swap3A_646 = tpu.vector_load %arg9[%swap3A_644, %swap3A_645] {strides = array<i32>} : memref<16x128xf32, #tpu.memory_space<vmem>>, vector<1x16xf32>,
    %swap3A_647 = vector.shape_cast %swap3A_646 : vector<1x16xf32> to vector<16xf32>
    %swap3A_648 = vector.shape_cast %broadcast_in_dim3A_1 : vector<16xf32> to vector<1x16xf32>
    tpu.vector_store %arg9[%swap3A_644, %swap3A_645], %swap3A_648 {strides = array<i32>} : memref<16x128xf32, #tpu.memory_space<vmem>>, vector<1x16xf32>,
    %swap3A_649 = arith.constant 13 : i32
    %swap3A_650 = arith.index_cast %swap3A_649 : i32 to index
    %swap3A_651 = arith.constant 64 : index
    %swap3A_652 = tpu.vector_load %arg9[%swap3A_650, %swap3A_651] {strides = array<i32>} : memref<16x128xf32, #tpu.memory_space<vmem>>, vector<1x16xf32>,
    %swap3A_653 = vector.shape_cast %swap3A_652 : vector<1x16xf32> to vector<16xf32>
    %swap3A_654 = vector.shape_cast %broadcast_in_dim3A_1 : vector<16xf32> to vector<1x16xf32>
    tpu.vector_store %arg9[%swap3A_650, %swap3A_651], %swap3A_654 {strides = array<i32>} : memref<16x128xf32, #tpu.memory_space<vmem>>, vector<1x16xf32>,
    %swap3A_655 = arith.constant 13 : i32
    %swap3A_656 = arith.index_cast %swap3A_655 : i32 to index
    %swap3A_657 = arith.constant 80 : index
    %swap3A_658 = tpu.vector_load %arg9[%swap3A_656, %swap3A_657] {strides = array<i32>} : memref<16x128xf32, #tpu.memory_space<vmem>>, vector<1x16xf32>,
    %swap3A_659 = vector.shape_cast %swap3A_658 : vector<1x16xf32> to vector<16xf32>
    %swap3A_660 = vector.shape_cast %broadcast_in_dim3A_1 : vector<16xf32> to vector<1x16xf32>
    tpu.vector_store %arg9[%swap3A_656, %swap3A_657], %swap3A_660 {strides = array<i32>} : memref<16x128xf32, #tpu.memory_space<vmem>>, vector<1x16xf32>,
    %swap3A_661 = arith.constant 13 : i32
    %swap3A_662 = arith.index_cast %swap3A_661 : i32 to index
    %swap3A_663 = arith.constant 96 : index
    %swap3A_664 = tpu.vector_load %arg9[%swap3A_662, %swap3A_663] {strides = array<i32>} : memref<16x128xf32, #tpu.memory_space<vmem>>, vector<1x16xf32>,
    %swap3A_665 = vector.shape_cast %swap3A_664 : vector<1x16xf32> to vector<16xf32>
    %swap3A_666 = vector.shape_cast %broadcast_in_dim3A_1 : vector<16xf32> to vector<1x16xf32>
    tpu.vector_store %arg9[%swap3A_662, %swap3A_663], %swap3A_666 {strides = array<i32>} : memref<16x128xf32, #tpu.memory_space<vmem>>, vector<1x16xf32>,
    %swap3A_667 = arith.constant 13 : i32
    %swap3A_668 = arith.index_cast %swap3A_667 : i32 to index
    %swap3A_669 = arith.constant 112 : index
    %swap3A_670 = tpu.vector_load %arg9[%swap3A_668, %swap3A_669] {strides = array<i32>} : memref<16x128xf32, #tpu.memory_space<vmem>>, vector<1x16xf32>,
    %swap3A_671 = vector.shape_cast %swap3A_670 : vector<1x16xf32> to vector<16xf32>
    %swap3A_672 = vector.shape_cast %broadcast_in_dim3A_1 : vector<16xf32> to vector<1x16xf32>
    tpu.vector_store %arg9[%swap3A_668, %swap3A_669], %swap3A_672 {strides = array<i32>} : memref<16x128xf32, #tpu.memory_space<vmem>>, vector<1x16xf32>,
    %swap3A_673 = arith.constant 14 : i32
    %swap3A_674 = arith.index_cast %swap3A_673 : i32 to index
    %swap3A_675 = arith.constant 0 : index
    %swap3A_676 = tpu.vector_load %arg9[%swap3A_674, %swap3A_675] {strides = array<i32>} : memref<16x128xf32, #tpu.memory_space<vmem>>, vector<1x16xf32>,
    %swap3A_677 = vector.shape_cast %swap3A_676 : vector<1x16xf32> to vector<16xf32>
    %swap3A_678 = vector.shape_cast %broadcast_in_dim3A_1 : vector<16xf32> to vector<1x16xf32>
    tpu.vector_store %arg9[%swap3A_674, %swap3A_675], %swap3A_678 {strides = array<i32>} : memref<16x128xf32, #tpu.memory_space<vmem>>, vector<1x16xf32>,
    %swap3A_679 = arith.constant 14 : i32
    %swap3A_680 = arith.index_cast %swap3A_679 : i32 to index
    %swap3A_681 = arith.constant 16 : index
    %swap3A_682 = tpu.vector_load %arg9[%swap3A_680, %swap3A_681] {strides = array<i32>} : memref<16x128xf32, #tpu.memory_space<vmem>>, vector<1x16xf32>,
    %swap3A_683 = vector.shape_cast %swap3A_682 : vector<1x16xf32> to vector<16xf32>
    %swap3A_684 = vector.shape_cast %broadcast_in_dim3A_1 : vector<16xf32> to vector<1x16xf32>
    tpu.vector_store %arg9[%swap3A_680, %swap3A_681], %swap3A_684 {strides = array<i32>} : memref<16x128xf32, #tpu.memory_space<vmem>>, vector<1x16xf32>,
    %swap3A_685 = arith.constant 14 : i32
    %swap3A_686 = arith.index_cast %swap3A_685 : i32 to index
    %swap3A_687 = arith.constant 32 : index
    %swap3A_688 = tpu.vector_load %arg9[%swap3A_686, %swap3A_687] {strides = array<i32>} : memref<16x128xf32, #tpu.memory_space<vmem>>, vector<1x16xf32>,
    %swap3A_689 = vector.shape_cast %swap3A_688 : vector<1x16xf32> to vector<16xf32>
    %swap3A_690 = vector.shape_cast %broadcast_in_dim3A_1 : vector<16xf32> to vector<1x16xf32>
    tpu.vector_store %arg9[%swap3A_686, %swap3A_687], %swap3A_690 {strides = array<i32>} : memref<16x128xf32, #tpu.memory_space<vmem>>, vector<1x16xf32>,
    %swap3A_691 = arith.constant 14 : i32
    %swap3A_692 = arith.index_cast %swap3A_691 : i32 to index
    %swap3A_693 = arith.constant 48 : index
    %swap3A_694 = tpu.vector_load %arg9[%swap3A_692, %swap3A_693] {strides = array<i32>} : memref<16x128xf32, #tpu.memory_space<vmem>>, vector<1x16xf32>,
    %swap3A_695 = vector.shape_cast %swap3A_694 : vector<1x16xf32> to vector<16xf32>
    %swap3A_696 = vector.shape_cast %broadcast_in_dim3A_1 : vector<16xf32> to vector<1x16xf32>
    tpu.vector_store %arg9[%swap3A_692, %swap3A_693], %swap3A_696 {strides = array<i32>} : memref<16x128xf32, #tpu.memory_space<vmem>>, vector<1x16xf32>,
    %swap3A_697 = arith.constant 14 : i32
    %swap3A_698 = arith.index_cast %swap3A_697 : i32 to index
    %swap3A_699 = arith.constant 64 : index
    %swap3A_700 = tpu.vector_load %arg9[%swap3A_698, %swap3A_699] {strides = array<i32>} : memref<16x128xf32, #tpu.memory_space<vmem>>, vector<1x16xf32>,
    %swap3A_701 = vector.shape_cast %swap3A_700 : vector<1x16xf32> to vector<16xf32>
    %swap3A_702 = vector.shape_cast %broadcast_in_dim3A_1 : vector<16xf32> to vector<1x16xf32>
    tpu.vector_store %arg9[%swap3A_698, %swap3A_699], %swap3A_702 {strides = array<i32>} : memref<16x128xf32, #tpu.memory_space<vmem>>, vector<1x16xf32>,
    %swap3A_703 = arith.constant 14 : i32
    %swap3A_704 = arith.index_cast %swap3A_703 : i32 to index
    %swap3A_705 = arith.constant 80 : index
    %swap3A_706 = tpu.vector_load %arg9[%swap3A_704, %swap3A_705] {strides = array<i32>} : memref<16x128xf32, #tpu.memory_space<vmem>>, vector<1x16xf32>,
    %swap3A_707 = vector.shape_cast %swap3A_706 : vector<1x16xf32> to vector<16xf32>
    %swap3A_708 = vector.shape_cast %broadcast_in_dim3A_1 : vector<16xf32> to vector<1x16xf32>
    tpu.vector_store %arg9[%swap3A_704, %swap3A_705], %swap3A_708 {strides = array<i32>} : memref<16x128xf32, #tpu.memory_space<vmem>>, vector<1x16xf32>,
    %swap3A_709 = arith.constant 14 : i32
    %swap3A_710 = arith.index_cast %swap3A_709 : i32 to index
    %swap3A_711 = arith.constant 96 : index
    %swap3A_712 = tpu.vector_load %arg9[%swap3A_710, %swap3A_711] {strides = array<i32>} : memref<16x128xf32, #tpu.memory_space<vmem>>, vector<1x16xf32>,
    %swap3A_713 = vector.shape_cast %swap3A_712 : vector<1x16xf32> to vector<16xf32>
    %swap3A_714 = vector.shape_cast %broadcast_in_dim3A_1 : vector<16xf32> to vector<1x16xf32>
    tpu.vector_store %arg9[%swap3A_710, %swap3A_711], %swap3A_714 {strides = array<i32>} : memref<16x128xf32, #tpu.memory_space<vmem>>, vector<1x16xf32>,
    %swap3A_715 = arith.constant 14 : i32
    %swap3A_716 = arith.index_cast %swap3A_715 : i32 to index
    %swap3A_717 = arith.constant 112 : index
    %swap3A_718 = tpu.vector_load %arg9[%swap3A_716, %swap3A_717] {strides = array<i32>} : memref<16x128xf32, #tpu.memory_space<vmem>>, vector<1x16xf32>,
    %swap3A_719 = vector.shape_cast %swap3A_718 : vector<1x16xf32> to vector<16xf32>
    %swap3A_720 = vector.shape_cast %broadcast_in_dim3A_1 : vector<16xf32> to vector<1x16xf32>
    tpu.vector_store %arg9[%swap3A_716, %swap3A_717], %swap3A_720 {strides = array<i32>} : memref<16x128xf32, #tpu.memory_space<vmem>>, vector<1x16xf32>,
    %swap3A_721 = arith.constant 15 : i32
    %swap3A_722 = arith.index_cast %swap3A_721 : i32 to index
    %swap3A_723 = arith.constant 0 : index
    %swap3A_724 = tpu.vector_load %arg9[%swap3A_722, %swap3A_723] {strides = array<i32>} : memref<16x128xf32, #tpu.memory_space<vmem>>, vector<1x16xf32>,
    %swap3A_725 = vector.shape_cast %swap3A_724 : vector<1x16xf32> to vector<16xf32>
    %swap3A_726 = vector.shape_cast %broadcast_in_dim3A_1 : vector<16xf32> to vector<1x16xf32>
    tpu.vector_store %arg9[%swap3A_722, %swap3A_723], %swap3A_726 {strides = array<i32>} : memref<16x128xf32, #tpu.memory_space<vmem>>, vector<1x16xf32>,
    %swap3A_727 = arith.constant 15 : i32
    %swap3A_728 = arith.index_cast %swap3A_727 : i32 to index
    %swap3A_729 = arith.constant 16 : index
    %swap3A_730 = tpu.vector_load %arg9[%swap3A_728, %swap3A_729] {strides = array<i32>} : memref<16x128xf32, #tpu.memory_space<vmem>>, vector<1x16xf32>,
    %swap3A_731 = vector.shape_cast %swap3A_730 : vector<1x16xf32> to vector<16xf32>
    %swap3A_732 = vector.shape_cast %broadcast_in_dim3A_1 : vector<16xf32> to vector<1x16xf32>
    tpu.vector_store %arg9[%swap3A_728, %swap3A_729], %swap3A_732 {strides = array<i32>} : memref<16x128xf32, #tpu.memory_space<vmem>>, vector<1x16xf32>,
    %swap3A_733 = arith.constant 15 : i32
    %swap3A_734 = arith.index_cast %swap3A_733 : i32 to index
    %swap3A_735 = arith.constant 32 : index
    %swap3A_736 = tpu.vector_load %arg9[%swap3A_734, %swap3A_735] {strides = array<i32>} : memref<16x128xf32, #tpu.memory_space<vmem>>, vector<1x16xf32>,
    %swap3A_737 = vector.shape_cast %swap3A_736 : vector<1x16xf32> to vector<16xf32>
    %swap3A_738 = vector.shape_cast %broadcast_in_dim3A_1 : vector<16xf32> to vector<1x16xf32>
    tpu.vector_store %arg9[%swap3A_734, %swap3A_735], %swap3A_738 {strides = array<i32>} : memref<16x128xf32, #tpu.memory_space<vmem>>, vector<1x16xf32>,
    %swap3A_739 = arith.constant 15 : i32
    %swap3A_740 = arith.index_cast %swap3A_739 : i32 to index
    %swap3A_741 = arith.constant 48 : index
    %swap3A_742 = tpu.vector_load %arg9[%swap3A_740, %swap3A_741] {strides = array<i32>} : memref<16x128xf32, #tpu.memory_space<vmem>>, vector<1x16xf32>,
    %swap3A_743 = vector.shape_cast %swap3A_742 : vector<1x16xf32> to vector<16xf32>
    %swap3A_744 = vector.shape_cast %broadcast_in_dim3A_1 : vector<16xf32> to vector<1x16xf32>
    tpu.vector_store %arg9[%swap3A_740, %swap3A_741], %swap3A_744 {strides = array<i32>} : memref<16x128xf32, #tpu.memory_space<vmem>>, vector<1x16xf32>,
    %swap3A_745 = arith.constant 15 : i32
    %swap3A_746 = arith.index_cast %swap3A_745 : i32 to index
    %swap3A_747 = arith.constant 64 : index
    %swap3A_748 = tpu.vector_load %arg9[%swap3A_746, %swap3A_747] {strides = array<i32>} : memref<16x128xf32, #tpu.memory_space<vmem>>, vector<1x16xf32>,
    %swap3A_749 = vector.shape_cast %swap3A_748 : vector<1x16xf32> to vector<16xf32>
    %swap3A_750 = vector.shape_cast %broadcast_in_dim3A_1 : vector<16xf32> to vector<1x16xf32>
    tpu.vector_store %arg9[%swap3A_746, %swap3A_747], %swap3A_750 {strides = array<i32>} : memref<16x128xf32, #tpu.memory_space<vmem>>, vector<1x16xf32>,
    %swap3A_751 = arith.constant 15 : i32
    %swap3A_752 = arith.index_cast %swap3A_751 : i32 to index
    %swap3A_753 = arith.constant 80 : index
    %swap3A_754 = tpu.vector_load %arg9[%swap3A_752, %swap3A_753] {strides = array<i32>} : memref<16x128xf32, #tpu.memory_space<vmem>>, vector<1x16xf32>,
    %swap3A_755 = vector.shape_cast %swap3A_754 : vector<1x16xf32> to vector<16xf32>
    %swap3A_756 = vector.shape_cast %broadcast_in_dim3A_1 : vector<16xf32> to vector<1x16xf32>
    tpu.vector_store %arg9[%swap3A_752, %swap3A_753], %swap3A_756 {strides = array<i32>} : memref<16x128xf32, #tpu.memory_space<vmem>>, vector<1x16xf32>,
    %swap3A_757 = arith.constant 15 : i32
    %swap3A_758 = arith.index_cast %swap3A_757 : i32 to index
    %swap3A_759 = arith.constant 96 : index
    %swap3A_760 = tpu.vector_load %arg9[%swap3A_758, %swap3A_759] {strides = array<i32>} : memref<16x128xf32, #tpu.memory_space<vmem>>, vector<1x16xf32>,
    %swap3A_761 = vector.shape_cast %swap3A_760 : vector<1x16xf32> to vector<16xf32>
    %swap3A_762 = vector.shape_cast %broadcast_in_dim3A_1 : vector<16xf32> to vector<1x16xf32>
    tpu.vector_store %arg9[%swap3A_758, %swap3A_759], %swap3A_762 {strides = array<i32>} : memref<16x128xf32, #tpu.memory_space<vmem>>, vector<1x16xf32>,
    %swap3A_763 = arith.constant 15 : i32
    %swap3A_764 = arith.index_cast %swap3A_763 : i32 to index
    %swap3A_765 = arith.constant 112 : index
    %swap3A_766 = tpu.vector_load %arg9[%swap3A_764, %swap3A_765] {strides = array<i32>} : memref<16x128xf32, #tpu.memory_space<vmem>>, vector<1x16xf32>,
    %swap3A_767 = vector.shape_cast %swap3A_766 : vector<1x16xf32> to vector<16xf32>
    %swap3A_768 = vector.shape_cast %broadcast_in_dim3A_1 : vector<16xf32> to vector<1x16xf32>
    tpu.vector_store %arg9[%swap3A_764, %swap3A_765], %swap3A_768 {strides = array<i32>} : memref<16x128xf32, #tpu.memory_space<vmem>>, vector<1x16xf32>,
    %mul3A_769 = arith.constant 640 : i32
    %mul3A_770 = arith.muli %arg1, %mul3A_769 : i32
    %scan3A = arith.constant 0 : i32
    %scan3A_771 = arith.constant 0 : i32
    %scan3A_772 = arith.constant 40 : i32
    %scan3A_773 = arith.addi %scan3A_771, %scan3A_772 : i32
    %scan3A_774 = arith.constant 1 : i32
    scf.for %scan3A_783 = %scan3A_771 to %scan3A_773 step %scan3A_774  : i32 {
      %mul3A_784 = arith.constant 16 : i32
      %mul3A_785 = arith.muli %scan3A_783, %mul3A_784 : i32
      %add3A_786 = arith.addi %mul3A_770, %mul3A_785 : i32
      "tpu.region"() ({
        %run_scoped3A = tpu.sem_alloc : memref<!tpu.dma_semaphore, #tpu.memory_space<semaphore_mem>>
        %dma_start3A = arith.constant 0 : i32
        %dma_start3A_787 = tpu.memref_slice %arg10[%add3A_786, %dma_start3A] : memref<10240x128xf32, #tpu.memory_space<vmem_shared>> -> memref<16x128xf32, #tpu.memory_space<vmem_shared>>
        %dma_start3A_788 = arith.constant 0 : i32
        %dma_start3A_789 = tpu.memref_slice %arg10[%add3A_786, %dma_start3A_788] : memref<10240x128xf32, #tpu.memory_space<vmem_shared>> -> memref<16x128xf32, #tpu.memory_space<vmem_shared>>
        tpu.enqueue_dma source(%arg9 : memref<16x128xf32, #tpu.memory_space<vmem>>) target(%dma_start3A_789 : memref<16x128xf32, #tpu.memory_space<vmem_shared>>) target_semaphore(%run_scoped3A : memref<!tpu.dma_semaphore, #tpu.memory_space<semaphore_mem>>)
        %dma_wait3A = arith.constant 0 : i32
        %dma_wait3A_790 = tpu.memref_slice %arg10[%add3A_786, %dma_wait3A] : memref<10240x128xf32, #tpu.memory_space<vmem_shared>> -> memref<16x128xf32, #tpu.memory_space<vmem_shared>>
        %dma_wait3A_791 = arith.constant 0 : i32
        %dma_wait3A_792 = tpu.memref_slice %arg10[%add3A_786, %dma_wait3A_791] : memref<10240x128xf32, #tpu.memory_space<vmem_shared>> -> memref<16x128xf32, #tpu.memory_space<vmem_shared>>
        tpu.wait_dma2 semaphore(%run_scoped3A : memref<!tpu.dma_semaphore, #tpu.memory_space<semaphore_mem>>) src(%arg9 : memref<16x128xf32, #tpu.memory_space<vmem>>) dst(%dma_wait3A_792 : memref<16x128xf32, #tpu.memory_space<vmem_shared>>)
        tpu.yield
      }) : () -> ()
    }
    %scan3A_775 = arith.constant 40 : i32
    %barrier3A = arith.constant 0 : index
    tpu.barrier barrier_id(%barrier3A)
    %scan3A_776 = arith.constant 0 : i32
    %scan3A_777 = arith.constant 0 : i32
    %scan3A_778 = arith.constant 10 : i32
    %scan3A_779 = arith.addi %scan3A_777, %scan3A_778 : i32
    %scan3A_780 = arith.constant 1 : i32
    scf.for %scan3A_783 = %scan3A_777 to %scan3A_779 step %scan3A_780  : i32 {
      %mul3A_784 = arith.constant 8 : i32
      %mul3A_785 = arith.muli %scan3A_783, %mul3A_784 : i32
      "tpu.region"() ({
        %run_scoped3A_803 = tpu.sem_alloc : memref<!tpu.dma_semaphore, #tpu.memory_space<semaphore_mem>>
        %dma_start3A = arith.constant 0 : i32
        %dma_start3A_804 = tpu.memref_slice %arg3[%add3A, %mul3A_785, %dma_start3A] : memref<32x80x128xi32, #tpu.memory_space<hbm>> -> memref<1x8x128xi32, #tpu.memory_space<hbm>>
        %dma_start3A_805 = tpu.memref_squeeze %dma_start3A_804 : memref<1x8x128xi32, #tpu.memory_space<hbm>> -> memref<8x128xi32, #tpu.memory_space<hbm>>
        %dma_start3A_806 = arith.constant 0 : i32
        %dma_start3A_807 = tpu.memref_slice %arg3[%add3A, %mul3A_785, %dma_start3A_806] : memref<32x80x128xi32, #tpu.memory_space<hbm>> -> memref<1x8x128xi32, #tpu.memory_space<hbm>>
        %dma_start3A_808 = tpu.memref_squeeze %dma_start3A_807 : memref<1x8x128xi32, #tpu.memory_space<hbm>> -> memref<8x128xi32, #tpu.memory_space<hbm>>
        tpu.enqueue_dma source(%dma_start3A_808 : memref<8x128xi32, #tpu.memory_space<hbm>>) target(%arg6 : memref<8x128xi32, #tpu.memory_space<vmem>>) target_semaphore(%run_scoped3A_803 : memref<!tpu.dma_semaphore, #tpu.memory_space<semaphore_mem>>)
        %dma_wait3A = arith.constant 0 : i32
        %dma_wait3A_809 = tpu.memref_slice %arg3[%add3A, %mul3A_785, %dma_wait3A] : memref<32x80x128xi32, #tpu.memory_space<hbm>> -> memref<1x8x128xi32, #tpu.memory_space<hbm>>
        %dma_wait3A_810 = tpu.memref_squeeze %dma_wait3A_809 : memref<1x8x128xi32, #tpu.memory_space<hbm>> -> memref<8x128xi32, #tpu.memory_space<hbm>>
        %dma_wait3A_811 = arith.constant 0 : i32
        %dma_wait3A_812 = tpu.memref_slice %arg3[%add3A, %mul3A_785, %dma_wait3A_811] : memref<32x80x128xi32, #tpu.memory_space<hbm>> -> memref<1x8x128xi32, #tpu.memory_space<hbm>>
        %dma_wait3A_813 = tpu.memref_squeeze %dma_wait3A_812 : memref<1x8x128xi32, #tpu.memory_space<hbm>> -> memref<8x128xi32, #tpu.memory_space<hbm>>
        tpu.wait_dma2 semaphore(%run_scoped3A_803 : memref<!tpu.dma_semaphore, #tpu.memory_space<semaphore_mem>>) src(%dma_wait3A_813 : memref<8x128xi32, #tpu.memory_space<hbm>>) dst(%arg6 : memref<8x128xi32, #tpu.memory_space<vmem>>)
        tpu.yield
      }) : () -> ()
      %mul3A_786 = arith.constant 8 : i32
      %mul3A_787 = arith.muli %scan3A_783, %mul3A_786 : i32
      "tpu.region"() ({
        %run_scoped3A_803 = tpu.sem_alloc : memref<!tpu.dma_semaphore, #tpu.memory_space<semaphore_mem>>
        %dma_start3A = arith.constant 0 : i32
        %dma_start3A_804 = tpu.memref_slice %arg4[%add3A, %mul3A_787, %dma_start3A] : memref<32x80x128xi32, #tpu.memory_space<hbm>> -> memref<1x8x128xi32, #tpu.memory_space<hbm>>
        %dma_start3A_805 = tpu.memref_squeeze %dma_start3A_804 : memref<1x8x128xi32, #tpu.memory_space<hbm>> -> memref<8x128xi32, #tpu.memory_space<hbm>>
        %dma_start3A_806 = arith.constant 0 : i32
        %dma_start3A_807 = tpu.memref_slice %arg4[%add3A, %mul3A_787, %dma_start3A_806] : memref<32x80x128xi32, #tpu.memory_space<hbm>> -> memref<1x8x128xi32, #tpu.memory_space<hbm>>
        %dma_start3A_808 = tpu.memref_squeeze %dma_start3A_807 : memref<1x8x128xi32, #tpu.memory_space<hbm>> -> memref<8x128xi32, #tpu.memory_space<hbm>>
        tpu.enqueue_dma source(%dma_start3A_808 : memref<8x128xi32, #tpu.memory_space<hbm>>) target(%arg7 : memref<8x128xi32, #tpu.memory_space<vmem>>) target_semaphore(%run_scoped3A_803 : memref<!tpu.dma_semaphore, #tpu.memory_space<semaphore_mem>>)
        %dma_wait3A = arith.constant 0 : i32
        %dma_wait3A_809 = tpu.memref_slice %arg4[%add3A, %mul3A_787, %dma_wait3A] : memref<32x80x128xi32, #tpu.memory_space<hbm>> -> memref<1x8x128xi32, #tpu.memory_space<hbm>>
        %dma_wait3A_810 = tpu.memref_squeeze %dma_wait3A_809 : memref<1x8x128xi32, #tpu.memory_space<hbm>> -> memref<8x128xi32, #tpu.memory_space<hbm>>
        %dma_wait3A_811 = arith.constant 0 : i32
        %dma_wait3A_812 = tpu.memref_slice %arg4[%add3A, %mul3A_787, %dma_wait3A_811] : memref<32x80x128xi32, #tpu.memory_space<hbm>> -> memref<1x8x128xi32, #tpu.memory_space<hbm>>
        %dma_wait3A_813 = tpu.memref_squeeze %dma_wait3A_812 : memref<1x8x128xi32, #tpu.memory_space<hbm>> -> memref<8x128xi32, #tpu.memory_space<hbm>>
        tpu.wait_dma2 semaphore(%run_scoped3A_803 : memref<!tpu.dma_semaphore, #tpu.memory_space<semaphore_mem>>) src(%dma_wait3A_813 : memref<8x128xi32, #tpu.memory_space<hbm>>) dst(%arg7 : memref<8x128xi32, #tpu.memory_space<vmem>>)
        tpu.yield
      }) : () -> ()
      %run_scoped3A = arith.constant 0 : i32
      "tpu.region"() ({
        %run_scoped3A_803 = tpu.sem_alloc : memref<!tpu.dma_semaphore, #tpu.memory_space<semaphore_mem>>
        %dma_start3A = arith.constant 0 : i32
        %dma_start3A_804 = tpu.memref_slice %arg6[%run_scoped3A, %dma_start3A] : memref<8x128xi32, #tpu.memory_space<vmem>> -> memref<1x128xi32, #tpu.memory_space<vmem>>
        %dma_start3A_805 = tpu.memref_squeeze %dma_start3A_804 : memref<1x128xi32, #tpu.memory_space<vmem>> -> memref<128xi32, #tpu.memory_space<vmem>>
        %dma_start3A_806 = arith.constant 0 : i32
        %dma_start3A_807 = arith.constant 0 : i32
        %dma_start3A_808 = tpu.memref_slice %arg2[%dma_start3A_806, %dma_start3A_807] : memref<10240x128xf32, #tpu.memory_space<hbm>> -> memref<10240x128xf32, #tpu.memory_space<hbm>>
        tpu.enqueue_indirect_dma source(%dma_start3A_808 : memref<10240x128xf32, #tpu.memory_space<hbm>>) target(%arg8 : memref<128x128xf32, #tpu.memory_space<vmem>>) offsets(%dma_start3A_805 : memref<128xi32, #tpu.memory_space<vmem>>) semaphore(%run_scoped3A_803 : memref<!tpu.dma_semaphore, #tpu.memory_space<semaphore_mem>>)
        %dma_wait3A = arith.constant 0 : i32
        %dma_wait3A_809 = tpu.memref_slice %arg6[%run_scoped3A, %dma_wait3A] : memref<8x128xi32, #tpu.memory_space<vmem>> -> memref<1x128xi32, #tpu.memory_space<vmem>>
        %dma_wait3A_810 = tpu.memref_squeeze %dma_wait3A_809 : memref<1x128xi32, #tpu.memory_space<vmem>> -> memref<128xi32, #tpu.memory_space<vmem>>
        %dma_wait3A_811 = arith.constant 0 : i32
        %dma_wait3A_812 = arith.constant 0 : i32
        %dma_wait3A_813 = tpu.memref_slice %arg2[%dma_wait3A_811, %dma_wait3A_812] : memref<10240x128xf32, #tpu.memory_space<hbm>> -> memref<10240x128xf32, #tpu.memory_space<hbm>>
        tpu.wait_indirect_dma semaphore(%run_scoped3A_803 : memref<!tpu.dma_semaphore, #tpu.memory_space<semaphore_mem>>) src(%dma_wait3A_813 : memref<10240x128xf32, #tpu.memory_space<hbm>>) dst(%arg8 : memref<128x128xf32, #tpu.memory_space<vmem>>)
        tpu.yield
      }) : () -> ()
      %run_scoped3A_788 = arith.constant 0 : i32
      "tpu.region"() ({
        %run_scoped3A_803 = tpu.sem_alloc : memref<!tpu.dma_semaphore, #tpu.memory_space<semaphore_mem>>
        %dma_start3A = arith.constant 0 : i32
        %dma_start3A_804 = tpu.memref_slice %arg7[%run_scoped3A_788, %dma_start3A] : memref<8x128xi32, #tpu.memory_space<vmem>> -> memref<1x128xi32, #tpu.memory_space<vmem>>
        %dma_start3A_805 = tpu.memref_squeeze %dma_start3A_804 : memref<1x128xi32, #tpu.memory_space<vmem>> -> memref<128xi32, #tpu.memory_space<vmem>>
        %dma_start3A_806 = arith.constant 0 : i32
        %dma_start3A_807 = arith.constant 0 : i32
        %dma_start3A_808 = tpu.memref_slice %arg10[%dma_start3A_806, %dma_start3A_807] : memref<10240x128xf32, #tpu.memory_space<vmem_shared>> -> memref<10240x128xf32, #tpu.memory_space<vmem_shared>>
        tpu.enqueue_indirect_dma source(%arg8 : memref<128x128xf32, #tpu.memory_space<vmem>>) target(%dma_start3A_808 : memref<10240x128xf32, #tpu.memory_space<vmem_shared>>) offsets(%dma_start3A_805 : memref<128xi32, #tpu.memory_space<vmem>>) semaphore(%run_scoped3A_803 : memref<!tpu.dma_semaphore, #tpu.memory_space<semaphore_mem>>) {add = true}
        %dma_wait3A = arith.constant 0 : i32
        %dma_wait3A_809 = tpu.memref_slice %arg7[%run_scoped3A_788, %dma_wait3A] : memref<8x128xi32, #tpu.memory_space<vmem>> -> memref<1x128xi32, #tpu.memory_space<vmem>>
        %dma_wait3A_810 = tpu.memref_squeeze %dma_wait3A_809 : memref<1x128xi32, #tpu.memory_space<vmem>> -> memref<128xi32, #tpu.memory_space<vmem>>
        %dma_wait3A_811 = arith.constant 0 : i32
        %dma_wait3A_812 = arith.constant 0 : i32
        %dma_wait3A_813 = tpu.memref_slice %arg10[%dma_wait3A_811, %dma_wait3A_812] : memref<10240x128xf32, #tpu.memory_space<vmem_shared>> -> memref<10240x128xf32, #tpu.memory_space<vmem_shared>>
        tpu.wait_indirect_dma semaphore(%run_scoped3A_803 : memref<!tpu.dma_semaphore, #tpu.memory_space<semaphore_mem>>) src(%arg8 : memref<128x128xf32, #tpu.memory_space<vmem>>) dst(%dma_wait3A_813 : memref<10240x128xf32, #tpu.memory_space<vmem_shared>>)
        tpu.yield
      }) : () -> ()
      %run_scoped3A_789 = arith.constant 1 : i32
      "tpu.region"() ({
        %run_scoped3A_803 = tpu.sem_alloc : memref<!tpu.dma_semaphore, #tpu.memory_space<semaphore_mem>>
        %dma_start3A = arith.constant 0 : i32
        %dma_start3A_804 = tpu.memref_slice %arg6[%run_scoped3A_789, %dma_start3A] : memref<8x128xi32, #tpu.memory_space<vmem>> -> memref<1x128xi32, #tpu.memory_space<vmem>>
        %dma_start3A_805 = tpu.memref_squeeze %dma_start3A_804 : memref<1x128xi32, #tpu.memory_space<vmem>> -> memref<128xi32, #tpu.memory_space<vmem>>
        %dma_start3A_806 = arith.constant 0 : i32
        %dma_start3A_807 = arith.constant 0 : i32
        %dma_start3A_808 = tpu.memref_slice %arg2[%dma_start3A_806, %dma_start3A_807] : memref<10240x128xf32, #tpu.memory_space<hbm>> -> memref<10240x128xf32, #tpu.memory_space<hbm>>
        tpu.enqueue_indirect_dma source(%dma_start3A_808 : memref<10240x128xf32, #tpu.memory_space<hbm>>) target(%arg8 : memref<128x128xf32, #tpu.memory_space<vmem>>) offsets(%dma_start3A_805 : memref<128xi32, #tpu.memory_space<vmem>>) semaphore(%run_scoped3A_803 : memref<!tpu.dma_semaphore, #tpu.memory_space<semaphore_mem>>)
        %dma_wait3A = arith.constant 0 : i32
        %dma_wait3A_809 = tpu.memref_slice %arg6[%run_scoped3A_789, %dma_wait3A] : memref<8x128xi32, #tpu.memory_space<vmem>> -> memref<1x128xi32, #tpu.memory_space<vmem>>
        %dma_wait3A_810 = tpu.memref_squeeze %dma_wait3A_809 : memref<1x128xi32, #tpu.memory_space<vmem>> -> memref<128xi32, #tpu.memory_space<vmem>>
        %dma_wait3A_811 = arith.constant 0 : i32
        %dma_wait3A_812 = arith.constant 0 : i32
        %dma_wait3A_813 = tpu.memref_slice %arg2[%dma_wait3A_811, %dma_wait3A_812] : memref<10240x128xf32, #tpu.memory_space<hbm>> -> memref<10240x128xf32, #tpu.memory_space<hbm>>
        tpu.wait_indirect_dma semaphore(%run_scoped3A_803 : memref<!tpu.dma_semaphore, #tpu.memory_space<semaphore_mem>>) src(%dma_wait3A_813 : memref<10240x128xf32, #tpu.memory_space<hbm>>) dst(%arg8 : memref<128x128xf32, #tpu.memory_space<vmem>>)
        tpu.yield
      }) : () -> ()
      %run_scoped3A_790 = arith.constant 1 : i32
      "tpu.region"() ({
        %run_scoped3A_803 = tpu.sem_alloc : memref<!tpu.dma_semaphore, #tpu.memory_space<semaphore_mem>>
        %dma_start3A = arith.constant 0 : i32
        %dma_start3A_804 = tpu.memref_slice %arg7[%run_scoped3A_790, %dma_start3A] : memref<8x128xi32, #tpu.memory_space<vmem>> -> memref<1x128xi32, #tpu.memory_space<vmem>>
        %dma_start3A_805 = tpu.memref_squeeze %dma_start3A_804 : memref<1x128xi32, #tpu.memory_space<vmem>> -> memref<128xi32, #tpu.memory_space<vmem>>
        %dma_start3A_806 = arith.constant 0 : i32
        %dma_start3A_807 = arith.constant 0 : i32
        %dma_start3A_808 = tpu.memref_slice %arg10[%dma_start3A_806, %dma_start3A_807] : memref<10240x128xf32, #tpu.memory_space<vmem_shared>> -> memref<10240x128xf32, #tpu.memory_space<vmem_shared>>
        tpu.enqueue_indirect_dma source(%arg8 : memref<128x128xf32, #tpu.memory_space<vmem>>) target(%dma_start3A_808 : memref<10240x128xf32, #tpu.memory_space<vmem_shared>>) offsets(%dma_start3A_805 : memref<128xi32, #tpu.memory_space<vmem>>) semaphore(%run_scoped3A_803 : memref<!tpu.dma_semaphore, #tpu.memory_space<semaphore_mem>>) {add = true}
        %dma_wait3A = arith.constant 0 : i32
        %dma_wait3A_809 = tpu.memref_slice %arg7[%run_scoped3A_790, %dma_wait3A] : memref<8x128xi32, #tpu.memory_space<vmem>> -> memref<1x128xi32, #tpu.memory_space<vmem>>
        %dma_wait3A_810 = tpu.memref_squeeze %dma_wait3A_809 : memref<1x128xi32, #tpu.memory_space<vmem>> -> memref<128xi32, #tpu.memory_space<vmem>>
        %dma_wait3A_811 = arith.constant 0 : i32
        %dma_wait3A_812 = arith.constant 0 : i32
        %dma_wait3A_813 = tpu.memref_slice %arg10[%dma_wait3A_811, %dma_wait3A_812] : memref<10240x128xf32, #tpu.memory_space<vmem_shared>> -> memref<10240x128xf32, #tpu.memory_space<vmem_shared>>
        tpu.wait_indirect_dma semaphore(%run_scoped3A_803 : memref<!tpu.dma_semaphore, #tpu.memory_space<semaphore_mem>>) src(%arg8 : memref<128x128xf32, #tpu.memory_space<vmem>>) dst(%dma_wait3A_813 : memref<10240x128xf32, #tpu.memory_space<vmem_shared>>)
        tpu.yield
      }) : () -> ()
      %run_scoped3A_791 = arith.constant 2 : i32
      "tpu.region"() ({
        %run_scoped3A_803 = tpu.sem_alloc : memref<!tpu.dma_semaphore, #tpu.memory_space<semaphore_mem>>
        %dma_start3A = arith.constant 0 : i32
        %dma_start3A_804 = tpu.memref_slice %arg6[%run_scoped3A_791, %dma_start3A] : memref<8x128xi32, #tpu.memory_space<vmem>> -> memref<1x128xi32, #tpu.memory_space<vmem>>
        %dma_start3A_805 = tpu.memref_squeeze %dma_start3A_804 : memref<1x128xi32, #tpu.memory_space<vmem>> -> memref<128xi32, #tpu.memory_space<vmem>>
        %dma_start3A_806 = arith.constant 0 : i32
        %dma_start3A_807 = arith.constant 0 : i32
        %dma_start3A_808 = tpu.memref_slice %arg2[%dma_start3A_806, %dma_start3A_807] : memref<10240x128xf32, #tpu.memory_space<hbm>> -> memref<10240x128xf32, #tpu.memory_space<hbm>>
        tpu.enqueue_indirect_dma source(%dma_start3A_808 : memref<10240x128xf32, #tpu.memory_space<hbm>>) target(%arg8 : memref<128x128xf32, #tpu.memory_space<vmem>>) offsets(%dma_start3A_805 : memref<128xi32, #tpu.memory_space<vmem>>) semaphore(%run_scoped3A_803 : memref<!tpu.dma_semaphore, #tpu.memory_space<semaphore_mem>>)
        %dma_wait3A = arith.constant 0 : i32
        %dma_wait3A_809 = tpu.memref_slice %arg6[%run_scoped3A_791, %dma_wait3A] : memref<8x128xi32, #tpu.memory_space<vmem>> -> memref<1x128xi32, #tpu.memory_space<vmem>>
        %dma_wait3A_810 = tpu.memref_squeeze %dma_wait3A_809 : memref<1x128xi32, #tpu.memory_space<vmem>> -> memref<128xi32, #tpu.memory_space<vmem>>
        %dma_wait3A_811 = arith.constant 0 : i32
        %dma_wait3A_812 = arith.constant 0 : i32
        %dma_wait3A_813 = tpu.memref_slice %arg2[%dma_wait3A_811, %dma_wait3A_812] : memref<10240x128xf32, #tpu.memory_space<hbm>> -> memref<10240x128xf32, #tpu.memory_space<hbm>>
        tpu.wait_indirect_dma semaphore(%run_scoped3A_803 : memref<!tpu.dma_semaphore, #tpu.memory_space<semaphore_mem>>) src(%dma_wait3A_813 : memref<10240x128xf32, #tpu.memory_space<hbm>>) dst(%arg8 : memref<128x128xf32, #tpu.memory_space<vmem>>)
        tpu.yield
      }) : () -> ()
      %run_scoped3A_792 = arith.constant 2 : i32
      "tpu.region"() ({
        %run_scoped3A_803 = tpu.sem_alloc : memref<!tpu.dma_semaphore, #tpu.memory_space<semaphore_mem>>
        %dma_start3A = arith.constant 0 : i32
        %dma_start3A_804 = tpu.memref_slice %arg7[%run_scoped3A_792, %dma_start3A] : memref<8x128xi32, #tpu.memory_space<vmem>> -> memref<1x128xi32, #tpu.memory_space<vmem>>
        %dma_start3A_805 = tpu.memref_squeeze %dma_start3A_804 : memref<1x128xi32, #tpu.memory_space<vmem>> -> memref<128xi32, #tpu.memory_space<vmem>>
        %dma_start3A_806 = arith.constant 0 : i32
        %dma_start3A_807 = arith.constant 0 : i32
        %dma_start3A_808 = tpu.memref_slice %arg10[%dma_start3A_806, %dma_start3A_807] : memref<10240x128xf32, #tpu.memory_space<vmem_shared>> -> memref<10240x128xf32, #tpu.memory_space<vmem_shared>>
        tpu.enqueue_indirect_dma source(%arg8 : memref<128x128xf32, #tpu.memory_space<vmem>>) target(%dma_start3A_808 : memref<10240x128xf32, #tpu.memory_space<vmem_shared>>) offsets(%dma_start3A_805 : memref<128xi32, #tpu.memory_space<vmem>>) semaphore(%run_scoped3A_803 : memref<!tpu.dma_semaphore, #tpu.memory_space<semaphore_mem>>) {add = true}
        %dma_wait3A = arith.constant 0 : i32
        %dma_wait3A_809 = tpu.memref_slice %arg7[%run_scoped3A_792, %dma_wait3A] : memref<8x128xi32, #tpu.memory_space<vmem>> -> memref<1x128xi32, #tpu.memory_space<vmem>>
        %dma_wait3A_810 = tpu.memref_squeeze %dma_wait3A_809 : memref<1x128xi32, #tpu.memory_space<vmem>> -> memref<128xi32, #tpu.memory_space<vmem>>
        %dma_wait3A_811 = arith.constant 0 : i32
        %dma_wait3A_812 = arith.constant 0 : i32
        %dma_wait3A_813 = tpu.memref_slice %arg10[%dma_wait3A_811, %dma_wait3A_812] : memref<10240x128xf32, #tpu.memory_space<vmem_shared>> -> memref<10240x128xf32, #tpu.memory_space<vmem_shared>>
        tpu.wait_indirect_dma semaphore(%run_scoped3A_803 : memref<!tpu.dma_semaphore, #tpu.memory_space<semaphore_mem>>) src(%arg8 : memref<128x128xf32, #tpu.memory_space<vmem>>) dst(%dma_wait3A_813 : memref<10240x128xf32, #tpu.memory_space<vmem_shared>>)
        tpu.yield
      }) : () -> ()
      %run_scoped3A_793 = arith.constant 3 : i32
      "tpu.region"() ({
        %run_scoped3A_803 = tpu.sem_alloc : memref<!tpu.dma_semaphore, #tpu.memory_space<semaphore_mem>>
        %dma_start3A = arith.constant 0 : i32
        %dma_start3A_804 = tpu.memref_slice %arg6[%run_scoped3A_793, %dma_start3A] : memref<8x128xi32, #tpu.memory_space<vmem>> -> memref<1x128xi32, #tpu.memory_space<vmem>>
        %dma_start3A_805 = tpu.memref_squeeze %dma_start3A_804 : memref<1x128xi32, #tpu.memory_space<vmem>> -> memref<128xi32, #tpu.memory_space<vmem>>
        %dma_start3A_806 = arith.constant 0 : i32
        %dma_start3A_807 = arith.constant 0 : i32
        %dma_start3A_808 = tpu.memref_slice %arg2[%dma_start3A_806, %dma_start3A_807] : memref<10240x128xf32, #tpu.memory_space<hbm>> -> memref<10240x128xf32, #tpu.memory_space<hbm>>
        tpu.enqueue_indirect_dma source(%dma_start3A_808 : memref<10240x128xf32, #tpu.memory_space<hbm>>) target(%arg8 : memref<128x128xf32, #tpu.memory_space<vmem>>) offsets(%dma_start3A_805 : memref<128xi32, #tpu.memory_space<vmem>>) semaphore(%run_scoped3A_803 : memref<!tpu.dma_semaphore, #tpu.memory_space<semaphore_mem>>)
        %dma_wait3A = arith.constant 0 : i32
        %dma_wait3A_809 = tpu.memref_slice %arg6[%run_scoped3A_793, %dma_wait3A] : memref<8x128xi32, #tpu.memory_space<vmem>> -> memref<1x128xi32, #tpu.memory_space<vmem>>
        %dma_wait3A_810 = tpu.memref_squeeze %dma_wait3A_809 : memref<1x128xi32, #tpu.memory_space<vmem>> -> memref<128xi32, #tpu.memory_space<vmem>>
        %dma_wait3A_811 = arith.constant 0 : i32
        %dma_wait3A_812 = arith.constant 0 : i32
        %dma_wait3A_813 = tpu.memref_slice %arg2[%dma_wait3A_811, %dma_wait3A_812] : memref<10240x128xf32, #tpu.memory_space<hbm>> -> memref<10240x128xf32, #tpu.memory_space<hbm>>
        tpu.wait_indirect_dma semaphore(%run_scoped3A_803 : memref<!tpu.dma_semaphore, #tpu.memory_space<semaphore_mem>>) src(%dma_wait3A_813 : memref<10240x128xf32, #tpu.memory_space<hbm>>) dst(%arg8 : memref<128x128xf32, #tpu.memory_space<vmem>>)
        tpu.yield
      }) : () -> ()
      %run_scoped3A_794 = arith.constant 3 : i32
      "tpu.region"() ({
        %run_scoped3A_803 = tpu.sem_alloc : memref<!tpu.dma_semaphore, #tpu.memory_space<semaphore_mem>>
        %dma_start3A = arith.constant 0 : i32
        %dma_start3A_804 = tpu.memref_slice %arg7[%run_scoped3A_794, %dma_start3A] : memref<8x128xi32, #tpu.memory_space<vmem>> -> memref<1x128xi32, #tpu.memory_space<vmem>>
        %dma_start3A_805 = tpu.memref_squeeze %dma_start3A_804 : memref<1x128xi32, #tpu.memory_space<vmem>> -> memref<128xi32, #tpu.memory_space<vmem>>
        %dma_start3A_806 = arith.constant 0 : i32
        %dma_start3A_807 = arith.constant 0 : i32
        %dma_start3A_808 = tpu.memref_slice %arg10[%dma_start3A_806, %dma_start3A_807] : memref<10240x128xf32, #tpu.memory_space<vmem_shared>> -> memref<10240x128xf32, #tpu.memory_space<vmem_shared>>
        tpu.enqueue_indirect_dma source(%arg8 : memref<128x128xf32, #tpu.memory_space<vmem>>) target(%dma_start3A_808 : memref<10240x128xf32, #tpu.memory_space<vmem_shared>>) offsets(%dma_start3A_805 : memref<128xi32, #tpu.memory_space<vmem>>) semaphore(%run_scoped3A_803 : memref<!tpu.dma_semaphore, #tpu.memory_space<semaphore_mem>>) {add = true}
        %dma_wait3A = arith.constant 0 : i32
        %dma_wait3A_809 = tpu.memref_slice %arg7[%run_scoped3A_794, %dma_wait3A] : memref<8x128xi32, #tpu.memory_space<vmem>> -> memref<1x128xi32, #tpu.memory_space<vmem>>
        %dma_wait3A_810 = tpu.memref_squeeze %dma_wait3A_809 : memref<1x128xi32, #tpu.memory_space<vmem>> -> memref<128xi32, #tpu.memory_space<vmem>>
        %dma_wait3A_811 = arith.constant 0 : i32
        %dma_wait3A_812 = arith.constant 0 : i32
        %dma_wait3A_813 = tpu.memref_slice %arg10[%dma_wait3A_811, %dma_wait3A_812] : memref<10240x128xf32, #tpu.memory_space<vmem_shared>> -> memref<10240x128xf32, #tpu.memory_space<vmem_shared>>
        tpu.wait_indirect_dma semaphore(%run_scoped3A_803 : memref<!tpu.dma_semaphore, #tpu.memory_space<semaphore_mem>>) src(%arg8 : memref<128x128xf32, #tpu.memory_space<vmem>>) dst(%dma_wait3A_813 : memref<10240x128xf32, #tpu.memory_space<vmem_shared>>)
        tpu.yield
      }) : () -> ()
      %run_scoped3A_795 = arith.constant 4 : i32
      "tpu.region"() ({
        %run_scoped3A_803 = tpu.sem_alloc : memref<!tpu.dma_semaphore, #tpu.memory_space<semaphore_mem>>
        %dma_start3A = arith.constant 0 : i32
        %dma_start3A_804 = tpu.memref_slice %arg6[%run_scoped3A_795, %dma_start3A] : memref<8x128xi32, #tpu.memory_space<vmem>> -> memref<1x128xi32, #tpu.memory_space<vmem>>
        %dma_start3A_805 = tpu.memref_squeeze %dma_start3A_804 : memref<1x128xi32, #tpu.memory_space<vmem>> -> memref<128xi32, #tpu.memory_space<vmem>>
        %dma_start3A_806 = arith.constant 0 : i32
        %dma_start3A_807 = arith.constant 0 : i32
        %dma_start3A_808 = tpu.memref_slice %arg2[%dma_start3A_806, %dma_start3A_807] : memref<10240x128xf32, #tpu.memory_space<hbm>> -> memref<10240x128xf32, #tpu.memory_space<hbm>>
        tpu.enqueue_indirect_dma source(%dma_start3A_808 : memref<10240x128xf32, #tpu.memory_space<hbm>>) target(%arg8 : memref<128x128xf32, #tpu.memory_space<vmem>>) offsets(%dma_start3A_805 : memref<128xi32, #tpu.memory_space<vmem>>) semaphore(%run_scoped3A_803 : memref<!tpu.dma_semaphore, #tpu.memory_space<semaphore_mem>>)
        %dma_wait3A = arith.constant 0 : i32
        %dma_wait3A_809 = tpu.memref_slice %arg6[%run_scoped3A_795, %dma_wait3A] : memref<8x128xi32, #tpu.memory_space<vmem>> -> memref<1x128xi32, #tpu.memory_space<vmem>>
        %dma_wait3A_810 = tpu.memref_squeeze %dma_wait3A_809 : memref<1x128xi32, #tpu.memory_space<vmem>> -> memref<128xi32, #tpu.memory_space<vmem>>
        %dma_wait3A_811 = arith.constant 0 : i32
        %dma_wait3A_812 = arith.constant 0 : i32
        %dma_wait3A_813 = tpu.memref_slice %arg2[%dma_wait3A_811, %dma_wait3A_812] : memref<10240x128xf32, #tpu.memory_space<hbm>> -> memref<10240x128xf32, #tpu.memory_space<hbm>>
        tpu.wait_indirect_dma semaphore(%run_scoped3A_803 : memref<!tpu.dma_semaphore, #tpu.memory_space<semaphore_mem>>) src(%dma_wait3A_813 : memref<10240x128xf32, #tpu.memory_space<hbm>>) dst(%arg8 : memref<128x128xf32, #tpu.memory_space<vmem>>)
        tpu.yield
      }) : () -> ()
      %run_scoped3A_796 = arith.constant 4 : i32
      "tpu.region"() ({
        %run_scoped3A_803 = tpu.sem_alloc : memref<!tpu.dma_semaphore, #tpu.memory_space<semaphore_mem>>
        %dma_start3A = arith.constant 0 : i32
        %dma_start3A_804 = tpu.memref_slice %arg7[%run_scoped3A_796, %dma_start3A] : memref<8x128xi32, #tpu.memory_space<vmem>> -> memref<1x128xi32, #tpu.memory_space<vmem>>
        %dma_start3A_805 = tpu.memref_squeeze %dma_start3A_804 : memref<1x128xi32, #tpu.memory_space<vmem>> -> memref<128xi32, #tpu.memory_space<vmem>>
        %dma_start3A_806 = arith.constant 0 : i32
        %dma_start3A_807 = arith.constant 0 : i32
        %dma_start3A_808 = tpu.memref_slice %arg10[%dma_start3A_806, %dma_start3A_807] : memref<10240x128xf32, #tpu.memory_space<vmem_shared>> -> memref<10240x128xf32, #tpu.memory_space<vmem_shared>>
        tpu.enqueue_indirect_dma source(%arg8 : memref<128x128xf32, #tpu.memory_space<vmem>>) target(%dma_start3A_808 : memref<10240x128xf32, #tpu.memory_space<vmem_shared>>) offsets(%dma_start3A_805 : memref<128xi32, #tpu.memory_space<vmem>>) semaphore(%run_scoped3A_803 : memref<!tpu.dma_semaphore, #tpu.memory_space<semaphore_mem>>) {add = true}
        %dma_wait3A = arith.constant 0 : i32
        %dma_wait3A_809 = tpu.memref_slice %arg7[%run_scoped3A_796, %dma_wait3A] : memref<8x128xi32, #tpu.memory_space<vmem>> -> memref<1x128xi32, #tpu.memory_space<vmem>>
        %dma_wait3A_810 = tpu.memref_squeeze %dma_wait3A_809 : memref<1x128xi32, #tpu.memory_space<vmem>> -> memref<128xi32, #tpu.memory_space<vmem>>
        %dma_wait3A_811 = arith.constant 0 : i32
        %dma_wait3A_812 = arith.constant 0 : i32
        %dma_wait3A_813 = tpu.memref_slice %arg10[%dma_wait3A_811, %dma_wait3A_812] : memref<10240x128xf32, #tpu.memory_space<vmem_shared>> -> memref<10240x128xf32, #tpu.memory_space<vmem_shared>>
        tpu.wait_indirect_dma semaphore(%run_scoped3A_803 : memref<!tpu.dma_semaphore, #tpu.memory_space<semaphore_mem>>) src(%arg8 : memref<128x128xf32, #tpu.memory_space<vmem>>) dst(%dma_wait3A_813 : memref<10240x128xf32, #tpu.memory_space<vmem_shared>>)
        tpu.yield
      }) : () -> ()
      %run_scoped3A_797 = arith.constant 5 : i32
      "tpu.region"() ({
        %run_scoped3A_803 = tpu.sem_alloc : memref<!tpu.dma_semaphore, #tpu.memory_space<semaphore_mem>>
        %dma_start3A = arith.constant 0 : i32
        %dma_start3A_804 = tpu.memref_slice %arg6[%run_scoped3A_797, %dma_start3A] : memref<8x128xi32, #tpu.memory_space<vmem>> -> memref<1x128xi32, #tpu.memory_space<vmem>>
        %dma_start3A_805 = tpu.memref_squeeze %dma_start3A_804 : memref<1x128xi32, #tpu.memory_space<vmem>> -> memref<128xi32, #tpu.memory_space<vmem>>
        %dma_start3A_806 = arith.constant 0 : i32
        %dma_start3A_807 = arith.constant 0 : i32
        %dma_start3A_808 = tpu.memref_slice %arg2[%dma_start3A_806, %dma_start3A_807] : memref<10240x128xf32, #tpu.memory_space<hbm>> -> memref<10240x128xf32, #tpu.memory_space<hbm>>
        tpu.enqueue_indirect_dma source(%dma_start3A_808 : memref<10240x128xf32, #tpu.memory_space<hbm>>) target(%arg8 : memref<128x128xf32, #tpu.memory_space<vmem>>) offsets(%dma_start3A_805 : memref<128xi32, #tpu.memory_space<vmem>>) semaphore(%run_scoped3A_803 : memref<!tpu.dma_semaphore, #tpu.memory_space<semaphore_mem>>)
        %dma_wait3A = arith.constant 0 : i32
        %dma_wait3A_809 = tpu.memref_slice %arg6[%run_scoped3A_797, %dma_wait3A] : memref<8x128xi32, #tpu.memory_space<vmem>> -> memref<1x128xi32, #tpu.memory_space<vmem>>
        %dma_wait3A_810 = tpu.memref_squeeze %dma_wait3A_809 : memref<1x128xi32, #tpu.memory_space<vmem>> -> memref<128xi32, #tpu.memory_space<vmem>>
        %dma_wait3A_811 = arith.constant 0 : i32
        %dma_wait3A_812 = arith.constant 0 : i32
        %dma_wait3A_813 = tpu.memref_slice %arg2[%dma_wait3A_811, %dma_wait3A_812] : memref<10240x128xf32, #tpu.memory_space<hbm>> -> memref<10240x128xf32, #tpu.memory_space<hbm>>
        tpu.wait_indirect_dma semaphore(%run_scoped3A_803 : memref<!tpu.dma_semaphore, #tpu.memory_space<semaphore_mem>>) src(%dma_wait3A_813 : memref<10240x128xf32, #tpu.memory_space<hbm>>) dst(%arg8 : memref<128x128xf32, #tpu.memory_space<vmem>>)
        tpu.yield
      }) : () -> ()
      %run_scoped3A_798 = arith.constant 5 : i32
      "tpu.region"() ({
        %run_scoped3A_803 = tpu.sem_alloc : memref<!tpu.dma_semaphore, #tpu.memory_space<semaphore_mem>>
        %dma_start3A = arith.constant 0 : i32
        %dma_start3A_804 = tpu.memref_slice %arg7[%run_scoped3A_798, %dma_start3A] : memref<8x128xi32, #tpu.memory_space<vmem>> -> memref<1x128xi32, #tpu.memory_space<vmem>>
        %dma_start3A_805 = tpu.memref_squeeze %dma_start3A_804 : memref<1x128xi32, #tpu.memory_space<vmem>> -> memref<128xi32, #tpu.memory_space<vmem>>
        %dma_start3A_806 = arith.constant 0 : i32
        %dma_start3A_807 = arith.constant 0 : i32
        %dma_start3A_808 = tpu.memref_slice %arg10[%dma_start3A_806, %dma_start3A_807] : memref<10240x128xf32, #tpu.memory_space<vmem_shared>> -> memref<10240x128xf32, #tpu.memory_space<vmem_shared>>
        tpu.enqueue_indirect_dma source(%arg8 : memref<128x128xf32, #tpu.memory_space<vmem>>) target(%dma_start3A_808 : memref<10240x128xf32, #tpu.memory_space<vmem_shared>>) offsets(%dma_start3A_805 : memref<128xi32, #tpu.memory_space<vmem>>) semaphore(%run_scoped3A_803 : memref<!tpu.dma_semaphore, #tpu.memory_space<semaphore_mem>>) {add = true}
        %dma_wait3A = arith.constant 0 : i32
        %dma_wait3A_809 = tpu.memref_slice %arg7[%run_scoped3A_798, %dma_wait3A] : memref<8x128xi32, #tpu.memory_space<vmem>> -> memref<1x128xi32, #tpu.memory_space<vmem>>
        %dma_wait3A_810 = tpu.memref_squeeze %dma_wait3A_809 : memref<1x128xi32, #tpu.memory_space<vmem>> -> memref<128xi32, #tpu.memory_space<vmem>>
        %dma_wait3A_811 = arith.constant 0 : i32
        %dma_wait3A_812 = arith.constant 0 : i32
        %dma_wait3A_813 = tpu.memref_slice %arg10[%dma_wait3A_811, %dma_wait3A_812] : memref<10240x128xf32, #tpu.memory_space<vmem_shared>> -> memref<10240x128xf32, #tpu.memory_space<vmem_shared>>
        tpu.wait_indirect_dma semaphore(%run_scoped3A_803 : memref<!tpu.dma_semaphore, #tpu.memory_space<semaphore_mem>>) src(%arg8 : memref<128x128xf32, #tpu.memory_space<vmem>>) dst(%dma_wait3A_813 : memref<10240x128xf32, #tpu.memory_space<vmem_shared>>)
        tpu.yield
      }) : () -> ()
      %run_scoped3A_799 = arith.constant 6 : i32
      "tpu.region"() ({
        %run_scoped3A_803 = tpu.sem_alloc : memref<!tpu.dma_semaphore, #tpu.memory_space<semaphore_mem>>
        %dma_start3A = arith.constant 0 : i32
        %dma_start3A_804 = tpu.memref_slice %arg6[%run_scoped3A_799, %dma_start3A] : memref<8x128xi32, #tpu.memory_space<vmem>> -> memref<1x128xi32, #tpu.memory_space<vmem>>
        %dma_start3A_805 = tpu.memref_squeeze %dma_start3A_804 : memref<1x128xi32, #tpu.memory_space<vmem>> -> memref<128xi32, #tpu.memory_space<vmem>>
        %dma_start3A_806 = arith.constant 0 : i32
        %dma_start3A_807 = arith.constant 0 : i32
        %dma_start3A_808 = tpu.memref_slice %arg2[%dma_start3A_806, %dma_start3A_807] : memref<10240x128xf32, #tpu.memory_space<hbm>> -> memref<10240x128xf32, #tpu.memory_space<hbm>>
        tpu.enqueue_indirect_dma source(%dma_start3A_808 : memref<10240x128xf32, #tpu.memory_space<hbm>>) target(%arg8 : memref<128x128xf32, #tpu.memory_space<vmem>>) offsets(%dma_start3A_805 : memref<128xi32, #tpu.memory_space<vmem>>) semaphore(%run_scoped3A_803 : memref<!tpu.dma_semaphore, #tpu.memory_space<semaphore_mem>>)
        %dma_wait3A = arith.constant 0 : i32
        %dma_wait3A_809 = tpu.memref_slice %arg6[%run_scoped3A_799, %dma_wait3A] : memref<8x128xi32, #tpu.memory_space<vmem>> -> memref<1x128xi32, #tpu.memory_space<vmem>>
        %dma_wait3A_810 = tpu.memref_squeeze %dma_wait3A_809 : memref<1x128xi32, #tpu.memory_space<vmem>> -> memref<128xi32, #tpu.memory_space<vmem>>
        %dma_wait3A_811 = arith.constant 0 : i32
        %dma_wait3A_812 = arith.constant 0 : i32
        %dma_wait3A_813 = tpu.memref_slice %arg2[%dma_wait3A_811, %dma_wait3A_812] : memref<10240x128xf32, #tpu.memory_space<hbm>> -> memref<10240x128xf32, #tpu.memory_space<hbm>>
        tpu.wait_indirect_dma semaphore(%run_scoped3A_803 : memref<!tpu.dma_semaphore, #tpu.memory_space<semaphore_mem>>) src(%dma_wait3A_813 : memref<10240x128xf32, #tpu.memory_space<hbm>>) dst(%arg8 : memref<128x128xf32, #tpu.memory_space<vmem>>)
        tpu.yield
      }) : () -> ()
      %run_scoped3A_800 = arith.constant 6 : i32
      "tpu.region"() ({
        %run_scoped3A_803 = tpu.sem_alloc : memref<!tpu.dma_semaphore, #tpu.memory_space<semaphore_mem>>
        %dma_start3A = arith.constant 0 : i32
        %dma_start3A_804 = tpu.memref_slice %arg7[%run_scoped3A_800, %dma_start3A] : memref<8x128xi32, #tpu.memory_space<vmem>> -> memref<1x128xi32, #tpu.memory_space<vmem>>
        %dma_start3A_805 = tpu.memref_squeeze %dma_start3A_804 : memref<1x128xi32, #tpu.memory_space<vmem>> -> memref<128xi32, #tpu.memory_space<vmem>>
        %dma_start3A_806 = arith.constant 0 : i32
        %dma_start3A_807 = arith.constant 0 : i32
        %dma_start3A_808 = tpu.memref_slice %arg10[%dma_start3A_806, %dma_start3A_807] : memref<10240x128xf32, #tpu.memory_space<vmem_shared>> -> memref<10240x128xf32, #tpu.memory_space<vmem_shared>>
        tpu.enqueue_indirect_dma source(%arg8 : memref<128x128xf32, #tpu.memory_space<vmem>>) target(%dma_start3A_808 : memref<10240x128xf32, #tpu.memory_space<vmem_shared>>) offsets(%dma_start3A_805 : memref<128xi32, #tpu.memory_space<vmem>>) semaphore(%run_scoped3A_803 : memref<!tpu.dma_semaphore, #tpu.memory_space<semaphore_mem>>) {add = true}
        %dma_wait3A = arith.constant 0 : i32
        %dma_wait3A_809 = tpu.memref_slice %arg7[%run_scoped3A_800, %dma_wait3A] : memref<8x128xi32, #tpu.memory_space<vmem>> -> memref<1x128xi32, #tpu.memory_space<vmem>>
        %dma_wait3A_810 = tpu.memref_squeeze %dma_wait3A_809 : memref<1x128xi32, #tpu.memory_space<vmem>> -> memref<128xi32, #tpu.memory_space<vmem>>
        %dma_wait3A_811 = arith.constant 0 : i32
        %dma_wait3A_812 = arith.constant 0 : i32
        %dma_wait3A_813 = tpu.memref_slice %arg10[%dma_wait3A_811, %dma_wait3A_812] : memref<10240x128xf32, #tpu.memory_space<vmem_shared>> -> memref<10240x128xf32, #tpu.memory_space<vmem_shared>>
        tpu.wait_indirect_dma semaphore(%run_scoped3A_803 : memref<!tpu.dma_semaphore, #tpu.memory_space<semaphore_mem>>) src(%arg8 : memref<128x128xf32, #tpu.memory_space<vmem>>) dst(%dma_wait3A_813 : memref<10240x128xf32, #tpu.memory_space<vmem_shared>>)
        tpu.yield
      }) : () -> ()
      %run_scoped3A_801 = arith.constant 7 : i32
      "tpu.region"() ({
        %run_scoped3A_803 = tpu.sem_alloc : memref<!tpu.dma_semaphore, #tpu.memory_space<semaphore_mem>>
        %dma_start3A = arith.constant 0 : i32
        %dma_start3A_804 = tpu.memref_slice %arg6[%run_scoped3A_801, %dma_start3A] : memref<8x128xi32, #tpu.memory_space<vmem>> -> memref<1x128xi32, #tpu.memory_space<vmem>>
        %dma_start3A_805 = tpu.memref_squeeze %dma_start3A_804 : memref<1x128xi32, #tpu.memory_space<vmem>> -> memref<128xi32, #tpu.memory_space<vmem>>
        %dma_start3A_806 = arith.constant 0 : i32
        %dma_start3A_807 = arith.constant 0 : i32
        %dma_start3A_808 = tpu.memref_slice %arg2[%dma_start3A_806, %dma_start3A_807] : memref<10240x128xf32, #tpu.memory_space<hbm>> -> memref<10240x128xf32, #tpu.memory_space<hbm>>
        tpu.enqueue_indirect_dma source(%dma_start3A_808 : memref<10240x128xf32, #tpu.memory_space<hbm>>) target(%arg8 : memref<128x128xf32, #tpu.memory_space<vmem>>) offsets(%dma_start3A_805 : memref<128xi32, #tpu.memory_space<vmem>>) semaphore(%run_scoped3A_803 : memref<!tpu.dma_semaphore, #tpu.memory_space<semaphore_mem>>)
        %dma_wait3A = arith.constant 0 : i32
        %dma_wait3A_809 = tpu.memref_slice %arg6[%run_scoped3A_801, %dma_wait3A] : memref<8x128xi32, #tpu.memory_space<vmem>> -> memref<1x128xi32, #tpu.memory_space<vmem>>
        %dma_wait3A_810 = tpu.memref_squeeze %dma_wait3A_809 : memref<1x128xi32, #tpu.memory_space<vmem>> -> memref<128xi32, #tpu.memory_space<vmem>>
        %dma_wait3A_811 = arith.constant 0 : i32
        %dma_wait3A_812 = arith.constant 0 : i32
        %dma_wait3A_813 = tpu.memref_slice %arg2[%dma_wait3A_811, %dma_wait3A_812] : memref<10240x128xf32, #tpu.memory_space<hbm>> -> memref<10240x128xf32, #tpu.memory_space<hbm>>
        tpu.wait_indirect_dma semaphore(%run_scoped3A_803 : memref<!tpu.dma_semaphore, #tpu.memory_space<semaphore_mem>>) src(%dma_wait3A_813 : memref<10240x128xf32, #tpu.memory_space<hbm>>) dst(%arg8 : memref<128x128xf32, #tpu.memory_space<vmem>>)
        tpu.yield
      }) : () -> ()
      %run_scoped3A_802 = arith.constant 7 : i32
      "tpu.region"() ({
        %run_scoped3A_803 = tpu.sem_alloc : memref<!tpu.dma_semaphore, #tpu.memory_space<semaphore_mem>>
        %dma_start3A = arith.constant 0 : i32
        %dma_start3A_804 = tpu.memref_slice %arg7[%run_scoped3A_802, %dma_start3A] : memref<8x128xi32, #tpu.memory_space<vmem>> -> memref<1x128xi32, #tpu.memory_space<vmem>>
        %dma_start3A_805 = tpu.memref_squeeze %dma_start3A_804 : memref<1x128xi32, #tpu.memory_space<vmem>> -> memref<128xi32, #tpu.memory_space<vmem>>
        %dma_start3A_806 = arith.constant 0 : i32
        %dma_start3A_807 = arith.constant 0 : i32
        %dma_start3A_808 = tpu.memref_slice %arg10[%dma_start3A_806, %dma_start3A_807] : memref<10240x128xf32, #tpu.memory_space<vmem_shared>> -> memref<10240x128xf32, #tpu.memory_space<vmem_shared>>
        tpu.enqueue_indirect_dma source(%arg8 : memref<128x128xf32, #tpu.memory_space<vmem>>) target(%dma_start3A_808 : memref<10240x128xf32, #tpu.memory_space<vmem_shared>>) offsets(%dma_start3A_805 : memref<128xi32, #tpu.memory_space<vmem>>) semaphore(%run_scoped3A_803 : memref<!tpu.dma_semaphore, #tpu.memory_space<semaphore_mem>>) {add = true}
        %dma_wait3A = arith.constant 0 : i32
        %dma_wait3A_809 = tpu.memref_slice %arg7[%run_scoped3A_802, %dma_wait3A] : memref<8x128xi32, #tpu.memory_space<vmem>> -> memref<1x128xi32, #tpu.memory_space<vmem>>
        %dma_wait3A_810 = tpu.memref_squeeze %dma_wait3A_809 : memref<1x128xi32, #tpu.memory_space<vmem>> -> memref<128xi32, #tpu.memory_space<vmem>>
        %dma_wait3A_811 = arith.constant 0 : i32
        %dma_wait3A_812 = arith.constant 0 : i32
        %dma_wait3A_813 = tpu.memref_slice %arg10[%dma_wait3A_811, %dma_wait3A_812] : memref<10240x128xf32, #tpu.memory_space<vmem_shared>> -> memref<10240x128xf32, #tpu.memory_space<vmem_shared>>
        tpu.wait_indirect_dma semaphore(%run_scoped3A_803 : memref<!tpu.dma_semaphore, #tpu.memory_space<semaphore_mem>>) src(%arg8 : memref<128x128xf32, #tpu.memory_space<vmem>>) dst(%dma_wait3A_813 : memref<10240x128xf32, #tpu.memory_space<vmem_shared>>)
        tpu.yield
      }) : () -> ()
    }
    %scan3A_781 = arith.constant 10 : i32
    %barrier3A_782 = arith.constant 0 : index
    tpu.barrier barrier_id(%barrier3A_782)
    "tpu.region"() ({
      %run_scoped3A = tpu.sem_alloc : memref<!tpu.dma_semaphore, #tpu.memory_space<semaphore_mem>>
      %dma_start3A = arith.constant 0 : i32
      %dma_start3A_783 = tpu.memref_slice %arg5[%arg0, %mul3A_770, %dma_start3A] : memref<2x10240x128xf32, #tpu.memory_space<hbm>> -> memref<1x640x128xf32, #tpu.memory_space<hbm>>
      %dma_start3A_784 = tpu.memref_squeeze %dma_start3A_783 : memref<1x640x128xf32, #tpu.memory_space<hbm>> -> memref<640x128xf32, #tpu.memory_space<hbm>>
      %dma_start3A_785 = arith.constant 0 : i32
      %dma_start3A_786 = tpu.memref_slice %arg10[%mul3A_770, %dma_start3A_785] : memref<10240x128xf32, #tpu.memory_space<vmem_shared>> -> memref<640x128xf32, #tpu.memory_space<vmem_shared>>
      tpu.enqueue_dma source(%dma_start3A_786 : memref<640x128xf32, #tpu.memory_space<vmem_shared>>) target(%dma_start3A_784 : memref<640x128xf32, #tpu.memory_space<hbm>>) target_semaphore(%run_scoped3A : memref<!tpu.dma_semaphore, #tpu.memory_space<semaphore_mem>>)
      %dma_wait3A = arith.constant 0 : i32
      %dma_wait3A_787 = tpu.memref_slice %arg5[%arg0, %mul3A_770, %dma_wait3A] : memref<2x10240x128xf32, #tpu.memory_space<hbm>> -> memref<1x640x128xf32, #tpu.memory_space<hbm>>
      %dma_wait3A_788 = tpu.memref_squeeze %dma_wait3A_787 : memref<1x640x128xf32, #tpu.memory_space<hbm>> -> memref<640x128xf32, #tpu.memory_space<hbm>>
      %dma_wait3A_789 = arith.constant 0 : i32
      %dma_wait3A_790 = tpu.memref_slice %arg10[%mul3A_770, %dma_wait3A_789] : memref<10240x128xf32, #tpu.memory_space<vmem_shared>> -> memref<640x128xf32, #tpu.memory_space<vmem_shared>>
      tpu.wait_dma2 semaphore(%run_scoped3A : memref<!tpu.dma_semaphore, #tpu.memory_space<semaphore_mem>>) src(%dma_wait3A_790 : memref<640x128xf32, #tpu.memory_space<vmem_shared>>) dst(%dma_wait3A_788 : memref<640x128xf32, #tpu.memory_space<hbm>>)
      tpu.yield
    }) : () -> ()
    return
  }
}

module attributes {stable_mosaic.version = 14 : i64} {
  func.func @_tc1_body(%arg0: i32, %arg1: memref<1024x128xf32, #tpu.memory_space<vmem>>, %arg2: memref<1024x128xf32, #tpu.memory_space<vmem>>, %arg3: memref<1024x32xf32, #tpu.memory_space<vmem>>, %arg4: memref<1024x128xf32, #tpu.memory_space<vmem>>, %arg5: memref<128x256xf32, #tpu.memory_space<vmem>>, %arg6: memref<1x256xf32, #tpu.memory_space<vmem>>, %arg7: memref<128x256xf32, #tpu.memory_space<vmem>>, %arg8: memref<256x128xf32, #tpu.memory_space<vmem>>, %arg9: memref<256x128xf32, #tpu.memory_space<vmem>>, %arg10: memref<1x128xf32, #tpu.memory_space<vmem>>, %arg11: memref<1024x128xf32, #tpu.memory_space<vmem>>, %arg12: memref<1024x128xf32, #tpu.memory_space<vmem>>) attributes {dimension_semantics = [#tpu.dimension_semantics<arbitrary>], iteration_bounds = array<i64: 10>, scalar_prefetch = 0 : i64, scratch_operands = 0 : i64, tpu.core_type = #tpu.core_type<tc>, window_params = [{transform_indices = @transform_0, window_bounds = array<i64: 1024, 128>}, {transform_indices = @transform_1, window_bounds = array<i64: 1024, 128>}, {transform_indices = @transform_2, window_bounds = array<i64: 1024, 32>}, {transform_indices = @transform_3, window_bounds = array<i64: 1024, 128>}, {pipeline_mode = #tpu.pipeline_mode<synchronous>, transform_indices = @transform_4, window_bounds = array<i64: 128, 256>}, {pipeline_mode = #tpu.pipeline_mode<synchronous>, transform_indices = @transform_5, window_bounds = array<i64: 1, 256>}, {pipeline_mode = #tpu.pipeline_mode<synchronous>, transform_indices = @transform_6, window_bounds = array<i64: 128, 256>}, {pipeline_mode = #tpu.pipeline_mode<synchronous>, transform_indices = @transform_7, window_bounds = array<i64: 256, 128>}, {pipeline_mode = #tpu.pipeline_mode<synchronous>, transform_indices = @transform_8, window_bounds = array<i64: 256, 128>}, {pipeline_mode = #tpu.pipeline_mode<synchronous>, transform_indices = @transform_9, window_bounds = array<i64: 1, 128>}, {transform_indices = @transform_10, window_bounds = array<i64: 1024, 128>}, {transform_indices = @transform_11, window_bounds = array<i64: 1024, 128>}]} {
    %get3A = arith.constant 0 : index
    %get3A_0 = arith.constant 0 : index
    %get3A_1 = vector.load %arg3[%get3A, %get3A_0] : memref<1024x32xf32, #tpu.memory_space<vmem>>, vector<1024x32xf32>
    %reduce_sum3A = arith.constant dense<0.000000e+00> : vector<1024xf32>
    %reduce_sum3A_2 = vector.multi_reduction <add>, %get3A_1, %reduce_sum3A [1] : vector<1024x32xf32> to vector<1024xf32>
    %broadcast_in_dim3A = vector.shape_cast %reduce_sum3A_2 : vector<1024xf32> to vector<1024x1xf32>
    %max3A = arith.constant 1.000000e+00 : f32
    %max3A_3 = vector.broadcast %max3A : f32 to vector<1024x1xf32>
    %max3A_4 = arith.maximumf %broadcast_in_dim3A, %max3A_3 : vector<1024x1xf32>
    %div3A = arith.constant 1.000000e+00 : f32
    %div3A_5 = vector.broadcast %div3A : f32 to vector<1024x1xf32>
    %div3A_6 = arith.divf %div3A_5, %max3A_4 : vector<1024x1xf32>
    %get3A_7 = arith.constant 0 : index
    %get3A_8 = arith.constant 0 : index
    %get3A_9 = vector.load %arg1[%get3A_7, %get3A_8] : memref<1024x128xf32, #tpu.memory_space<vmem>>, vector<1024x128xf32>
    %get3A_10 = arith.constant 0 : index
    %get3A_11 = arith.constant 0 : index
    %get3A_12 = vector.load %arg2[%get3A_10, %get3A_11] : memref<1024x128xf32, #tpu.memory_space<vmem>>, vector<1024x128xf32>
    %add3A = arith.addf %get3A_9, %get3A_12 : vector<1024x128xf32>
    %mul3A = vector.broadcast %div3A_6 : vector<1024x1xf32> to vector<1024x128xf32>
    %mul3A_13 = arith.mulf %add3A, %mul3A : vector<1024x128xf32>
    %get3A_14 = arith.constant 0 : index
    %get3A_15 = arith.constant 0 : index
    %get3A_16 = vector.load %arg5[%get3A_14, %get3A_15] : memref<128x256xf32, #tpu.memory_space<vmem>>, vector<128x256xf32>
    %dot_general3A = arith.constant dense<0.000000e+00> : vector<1024x256xf32>
    %dot_general3A_17 = tpu.matmul %mul3A_13, %get3A_16, %dot_general3A {dimension_numbers = #tpu.dot_dimension_numbers<[1], [0], [0], [1], [0, 0, 1, 1], [], []>, transpose_lhs_hint = false} : vector<1024x128xf32>, vector<128x256xf32>, vector<1024x256xf32> -> vector<1024x256xf32>
    %get3A_18 = arith.constant 0 : index
    %get3A_19 = arith.constant 0 : index
    %get3A_20 = vector.load %arg4[%get3A_18, %get3A_19] : memref<1024x128xf32, #tpu.memory_space<vmem>>, vector<1024x128xf32>
    %get3A_21 = arith.constant 0 : index
    %get3A_22 = arith.constant 0 : index
    %get3A_23 = vector.load %arg7[%get3A_21, %get3A_22] : memref<128x256xf32, #tpu.memory_space<vmem>>, vector<128x256xf32>
    %dot_general3A_24 = arith.constant dense<0.000000e+00> : vector<1024x256xf32>
    %dot_general3A_25 = tpu.matmul %get3A_20, %get3A_23, %dot_general3A_24 {dimension_numbers = #tpu.dot_dimension_numbers<[1], [0], [0], [1], [0, 0, 1, 1], [], []>, transpose_lhs_hint = false} : vector<1024x128xf32>, vector<128x256xf32>, vector<1024x256xf32> -> vector<1024x256xf32>
    %add3A_26 = arith.addf %dot_general3A_17, %dot_general3A_25 : vector<1024x256xf32>
    %get3A_27 = arith.constant 0 : index
    %get3A_28 = arith.constant 0 : index
    %get3A_29 = vector.load %arg6[%get3A_27, %get3A_28] : memref<1x256xf32, #tpu.memory_space<vmem>>, vector<1x256xf32>
    %add3A_30 = vector.broadcast %get3A_29 : vector<1x256xf32> to vector<1024x256xf32>
    %add3A_31 = arith.addf %add3A_26, %add3A_30 : vector<1024x256xf32>
    %max3A_32 = arith.constant 0.000000e+00 : f32
    %max3A_33 = vector.broadcast %max3A_32 : f32 to vector<1024x256xf32>
    %max3A_34 = arith.maximumf %add3A_31, %max3A_33 : vector<1024x256xf32>
    %get3A_35 = arith.constant 0 : index
    %get3A_36 = arith.constant 0 : index
    %get3A_37 = vector.load %arg8[%get3A_35, %get3A_36] : memref<256x128xf32, #tpu.memory_space<vmem>>, vector<256x128xf32>
    %dot_general3A_38 = arith.constant dense<0.000000e+00> : vector<1024x128xf32>
    %dot_general3A_39 = tpu.matmul %max3A_34, %get3A_37, %dot_general3A_38 {dimension_numbers = #tpu.dot_dimension_numbers<[1], [0], [0], [1], [0, 0, 1, 1], [], []>, transpose_lhs_hint = false} : vector<1024x256xf32>, vector<256x128xf32>, vector<1024x128xf32> -> vector<1024x128xf32>
    %swap3A = arith.constant 0 : index
    %swap3A_40 = arith.constant 0 : index
    %swap3A_41 = vector.load %arg11[%swap3A, %swap3A_40] : memref<1024x128xf32, #tpu.memory_space<vmem>>, vector<1024x128xf32>
    tpu.vector_store %arg11[%swap3A, %swap3A_40], %dot_general3A_39 {strides = array<i32>} : memref<1024x128xf32, #tpu.memory_space<vmem>>, vector<1024x128xf32>,
    %get3A_42 = arith.constant 0 : index
    %get3A_43 = arith.constant 0 : index
    %get3A_44 = vector.load %arg9[%get3A_42, %get3A_43] : memref<256x128xf32, #tpu.memory_space<vmem>>, vector<256x128xf32>
    %dot_general3A_45 = arith.constant dense<0.000000e+00> : vector<1024x128xf32>
    %dot_general3A_46 = tpu.matmul %max3A_34, %get3A_44, %dot_general3A_45 {dimension_numbers = #tpu.dot_dimension_numbers<[1], [0], [0], [1], [0, 0, 1, 1], [], []>, transpose_lhs_hint = false} : vector<1024x256xf32>, vector<256x128xf32>, vector<1024x128xf32> -> vector<1024x128xf32>
    %get3A_47 = arith.constant 0 : index
    %get3A_48 = arith.constant 0 : index
    %get3A_49 = vector.load %arg10[%get3A_47, %get3A_48] : memref<1x128xf32, #tpu.memory_space<vmem>>, vector<1x128xf32>
    %add3A_50 = vector.broadcast %get3A_49 : vector<1x128xf32> to vector<1024x128xf32>
    %add3A_51 = arith.addf %dot_general3A_46, %add3A_50 : vector<1024x128xf32>
    %swap3A_52 = arith.constant 0 : index
    %swap3A_53 = arith.constant 0 : index
    %swap3A_54 = vector.load %arg12[%swap3A_52, %swap3A_53] : memref<1024x128xf32, #tpu.memory_space<vmem>>, vector<1024x128xf32>
    tpu.vector_store %arg12[%swap3A_52, %swap3A_53], %add3A_51 {strides = array<i32>} : memref<1024x128xf32, #tpu.memory_space<vmem>>, vector<1024x128xf32>,
    return
  }
  func.func @transform_0(%arg0: i32) -> (i32, i32) {
    %c0_i32 = arith.constant 0 : i32
    %c0_i32_0 = arith.constant 0 : i32
    return %arg0, %c0_i32 : i32, i32
  }
  func.func @transform_1(%arg0: i32) -> (i32, i32) {
    %c0_i32 = arith.constant 0 : i32
    %c0_i32_0 = arith.constant 0 : i32
    return %arg0, %c0_i32 : i32, i32
  }
  func.func @transform_2(%arg0: i32) -> (i32, i32) {
    %c0_i32 = arith.constant 0 : i32
    %c0_i32_0 = arith.constant 0 : i32
    return %arg0, %c0_i32 : i32, i32
  }
  func.func @transform_3(%arg0: i32) -> (i32, i32) {
    %c0_i32 = arith.constant 0 : i32
    %c0_i32_0 = arith.constant 0 : i32
    return %arg0, %c0_i32 : i32, i32
  }
  func.func @transform_4(%arg0: i32) -> (i32, i32) {
    %c0_i32 = arith.constant 0 : i32
    %c0_i32_0 = arith.constant 0 : i32
    %c0_i32_1 = arith.constant 0 : i32
    return %c0_i32, %c0_i32_0 : i32, i32
  }
  func.func @transform_5(%arg0: i32) -> (i32, i32) {
    %c0_i32 = arith.constant 0 : i32
    %c0_i32_0 = arith.constant 0 : i32
    %c0_i32_1 = arith.constant 0 : i32
    return %c0_i32, %c0_i32_0 : i32, i32
  }
  func.func @transform_6(%arg0: i32) -> (i32, i32) {
    %c0_i32 = arith.constant 0 : i32
    %c0_i32_0 = arith.constant 0 : i32
    %c0_i32_1 = arith.constant 0 : i32
    return %c0_i32, %c0_i32_0 : i32, i32
  }
  func.func @transform_7(%arg0: i32) -> (i32, i32) {
    %c0_i32 = arith.constant 0 : i32
    %c0_i32_0 = arith.constant 0 : i32
    %c0_i32_1 = arith.constant 0 : i32
    return %c0_i32, %c0_i32_0 : i32, i32
  }
  func.func @transform_8(%arg0: i32) -> (i32, i32) {
    %c0_i32 = arith.constant 0 : i32
    %c0_i32_0 = arith.constant 0 : i32
    %c0_i32_1 = arith.constant 0 : i32
    return %c0_i32, %c0_i32_0 : i32, i32
  }
  func.func @transform_9(%arg0: i32) -> (i32, i32) {
    %c0_i32 = arith.constant 0 : i32
    %c0_i32_0 = arith.constant 0 : i32
    %c0_i32_1 = arith.constant 0 : i32
    return %c0_i32, %c0_i32_0 : i32, i32
  }
  func.func @transform_10(%arg0: i32) -> (i32, i32) {
    %c0_i32 = arith.constant 0 : i32
    %c0_i32_0 = arith.constant 0 : i32
    return %arg0, %c0_i32 : i32, i32
  }
  func.func @transform_11(%arg0: i32) -> (i32, i32) {
    %c0_i32 = arith.constant 0 : i32
    %c0_i32_0 = arith.constant 0 : i32
    return %arg0, %c0_i32 : i32, i32
  }
}

module attributes {stable_mosaic.version = 14 : i64} {
  func.func @_tc2_body(%arg0: i32, %arg1: memref<1024x128xf32, #tpu.memory_space<vmem>>, %arg2: memref<1024x128xf32, #tpu.memory_space<vmem>>, %arg3: memref<1024x32xf32, #tpu.memory_space<vmem>>, %arg4: memref<1024x128xf32, #tpu.memory_space<vmem>>, %arg5: memref<1024x128xf32, #tpu.memory_space<vmem>>) attributes {dimension_semantics = [#tpu.dimension_semantics<arbitrary>], iteration_bounds = array<i64: 10>, scalar_prefetch = 0 : i64, scratch_operands = 0 : i64, tpu.core_type = #tpu.core_type<tc>, window_params = [{transform_indices = @transform_0, window_bounds = array<i64: 1024, 128>}, {transform_indices = @transform_1, window_bounds = array<i64: 1024, 128>}, {transform_indices = @transform_2, window_bounds = array<i64: 1024, 32>}, {transform_indices = @transform_3, window_bounds = array<i64: 1024, 128>}, {transform_indices = @transform_4, window_bounds = array<i64: 1024, 128>}]} {
    %get3A = arith.constant 0 : index
    %get3A_0 = arith.constant 0 : index
    %get3A_1 = vector.load %arg3[%get3A, %get3A_0] : memref<1024x32xf32, #tpu.memory_space<vmem>>, vector<1024x32xf32>
    %reduce_sum3A = arith.constant dense<0.000000e+00> : vector<1024xf32>
    %reduce_sum3A_2 = vector.multi_reduction <add>, %get3A_1, %reduce_sum3A [1] : vector<1024x32xf32> to vector<1024xf32>
    %broadcast_in_dim3A = vector.shape_cast %reduce_sum3A_2 : vector<1024xf32> to vector<1024x1xf32>
    %max3A = arith.constant 1.000000e+00 : f32
    %max3A_3 = vector.broadcast %max3A : f32 to vector<1024x1xf32>
    %max3A_4 = arith.maximumf %broadcast_in_dim3A, %max3A_3 : vector<1024x1xf32>
    %div3A = arith.constant 1.000000e+00 : f32
    %div3A_5 = vector.broadcast %div3A : f32 to vector<1024x1xf32>
    %div3A_6 = arith.divf %div3A_5, %max3A_4 : vector<1024x1xf32>
    %get3A_7 = arith.constant 0 : index
    %get3A_8 = arith.constant 0 : index
    %get3A_9 = vector.load %arg1[%get3A_7, %get3A_8] : memref<1024x128xf32, #tpu.memory_space<vmem>>, vector<1024x128xf32>
    %get3A_10 = arith.constant 0 : index
    %get3A_11 = arith.constant 0 : index
    %get3A_12 = vector.load %arg2[%get3A_10, %get3A_11] : memref<1024x128xf32, #tpu.memory_space<vmem>>, vector<1024x128xf32>
    %add3A = arith.addf %get3A_9, %get3A_12 : vector<1024x128xf32>
    %mul3A = vector.broadcast %div3A_6 : vector<1024x1xf32> to vector<1024x128xf32>
    %mul3A_13 = arith.mulf %add3A, %mul3A : vector<1024x128xf32>
    %get3A_14 = arith.constant 0 : index
    %get3A_15 = arith.constant 0 : index
    %get3A_16 = vector.load %arg4[%get3A_14, %get3A_15] : memref<1024x128xf32, #tpu.memory_space<vmem>>, vector<1024x128xf32>
    %add3A_17 = arith.addf %mul3A_13, %get3A_16 : vector<1024x128xf32>
    %swap3A = arith.constant 0 : index
    %swap3A_18 = arith.constant 0 : index
    %swap3A_19 = vector.load %arg5[%swap3A, %swap3A_18] : memref<1024x128xf32, #tpu.memory_space<vmem>>, vector<1024x128xf32>
    tpu.vector_store %arg5[%swap3A, %swap3A_18], %add3A_17 {strides = array<i32>} : memref<1024x128xf32, #tpu.memory_space<vmem>>, vector<1024x128xf32>,
    return
  }
  func.func @transform_0(%arg0: i32) -> (i32, i32) {
    %c0_i32 = arith.constant 0 : i32
    %c0_i32_0 = arith.constant 0 : i32
    return %arg0, %c0_i32 : i32, i32
  }
  func.func @transform_1(%arg0: i32) -> (i32, i32) {
    %c0_i32 = arith.constant 0 : i32
    %c0_i32_0 = arith.constant 0 : i32
    return %arg0, %c0_i32 : i32, i32
  }
  func.func @transform_2(%arg0: i32) -> (i32, i32) {
    %c0_i32 = arith.constant 0 : i32
    %c0_i32_0 = arith.constant 0 : i32
    return %arg0, %c0_i32 : i32, i32
  }
  func.func @transform_3(%arg0: i32) -> (i32, i32) {
    %c0_i32 = arith.constant 0 : i32
    %c0_i32_0 = arith.constant 0 : i32
    return %arg0, %c0_i32 : i32, i32
  }
  func.func @transform_4(%arg0: i32) -> (i32, i32) {
    %c0_i32 = arith.constant 0 : i32
    %c0_i32_0 = arith.constant 0 : i32
    return %arg0, %c0_i32 : i32, i32
  }
}

</mosaic_0001>

<sc_bundles>
// kernel: kernel.10.cloned.1.call-start
scs
__scs_entry_jumppad:
0x0: {  	(pc) =	sbr.rel $0x88, $3  }
0x1: {  	(tag) =	ssettag $0x0;
	lr =	simm.s32 $0x1  }
0x2: {  	[smem:$0x3F99] =	sst lr;
	_ =	strace $0xD0000000  }
0x3: {  	_ = 	snop  }
0x4: {  	_ = 	snop  }
0x5: {  	_ = 	snop  }
0x6: {  	_ = 	snop  }
0x7: {  	_ = 	snop  }
__scs_overlays_trampoline_lowered:
0x8: {  	[smem:$0x3FA8] =	sst s0  }
0x9: {  	[smem:$0x3FA9] =	sst s1  }
0xa: {  	[smem:$0x3FAA] =	sst s2  }
0xb: {  	[smem:$0x3FAB] =	sst s3  }
0xc: {  	[smem:$0x3FAC] =	sst s4  }
0xd: {  	[smem:$0x3FAD] =	sst s5  }
0xe: {  	[smem:$0x3FAE] =	sst s6  }
0xf: {  	[smem:$0x3FAF] =	sst s7  }
0x10: {  	[smem:$0x3FB0] =	sst s8  }
0x11: {  	[smem:$0x3FB1] =	sst s9;
	s0 =	simm.s32 @!p0 $0x0  }
0x12: {  	s1 =	sld [smem:$0x3F97];
	s0 =	simm.s32 @p0 $0x1  }
0x13: {  	[smem:$0x3FB2] =	sst s0;
	s0 =	simm.s32 @!p1 $0x0  }
0x14: {  	s2 =	sld [smem:$0x3F96];
	s0 =	simm.s32 @p1 $0x1  }
0x15: {  	[smem:$0x3FB3] =	sst s0;
	s0 =	simm.s32 @!p2 $0x0  }
0x16: {  	s3 =	sld [smem:$0x3FDB];
	s0 =	simm.s32 @p2 $0x1  }
0x17: {  	s4 =	simm.s32 $0x1BF5;
	[smem:$0x3FB5] =	sst s0  }
0x18: {  	s0 =	sld [smem:$0x3F98];
	_ =	swait.ge [sflag:s4], $0x0  }
0x19: {  	s7 =	sld [smem:$0x3F99]  }
0x1a: {  	s8 =	sadd.s32 $0xFFFFE003, lr  }
0x1b: {  	s9 =	sadd.s32 $0xFFFFFEF7, lr;
	s5 =	simm.s32 $0xFFFFFFFF;
	p2 =	slt.u32 s8, $0xFFFFF086  }
0x1c: {  	p1 =	slt.u32 s9, $0xF7A;
	s5 =	simm.s32 @!p2 $0x0  }
0x1d: {  	s5 =	simm.s32 @p1 $0x1;
	p0 =	seq.s32 s7, s2  }
0x1e: {  	s7 =	smul.u32 @!p0 $0xF7A, s2;
	p2 =	seq.s32 @!p0 s5, $0x0  }
0x1f: {  	s9 =	smul.u32 $0xF7A, s1;
	s8 =	simm.s32 @!p0 $0x1BF5;
	p2 =	por !p2, p0  }
0x20: {  	[sflag:s8] =	ssyncset.s32 @!p0 $0xFFFFF086;
	s6 =	sadd.s32 @!p0 s3, s7;
	s7 =	simm.s32 @!p0 $0x108  }
0x21: {  	s3 =	sadd.s32 s3, s9;
	s6 =	sadd.s32 @!p0 $0x88, s6;
	s7 =	simm.s32 @p2 $0x1082  }
0x22: {  	[simem:s7], [sflag:s8] =	dma.local @!p0 [hbm:s6], $0xF7A  }
0x23: {  	s9 =	sor.u32 $0xD0000000, s2;
	s6 =	simm.s32 $0x108;
	_ =	swait.ge @!p0 [sflag:s8], $0x0  }
0x24: {  	s3 =	sadd.s32 $0x88, s3;
	s6 =	simm.s32 @!p1 $0x1082;
	[sflag:s4] =	ssyncset.s32 $0xFFFFF086  }
0x25: {  	[simem:s6], [sflag:s4] =	dma.local [hbm:s3], $0xF7A  }
0x26: {  	[smem:$0x3F99] =	sst s1;
	(tag) =	ssettag s2;
	_ =	strace s9  }
0x27: {  	s1 =	sld [smem:$0x3FA9]  }
0x28: {  	s2 =	sld [smem:$0x3FAA]  }
0x29: {  	s4 =	sld [smem:$0x3FAC]  }
0x2a: {  	p0 =	seq.s32 s5, $0x0;
	s5 =	sld [smem:$0x3FAD]  }
0x2b: {  	s6 =	sld [smem:$0x3FAE]  }
0x2c: {  	s7 =	sld [smem:$0x3FAF]  }
0x2d: {  	s3 =	simm.s32 $0x108;
	s8 =	sld [smem:$0x3FB0]  }
0x2e: {  	s3 =	simm.s32 @!p0 $0x1082;
	s9 =	sld [smem:$0x3FB1]  }
0x2f: {  	lr =	sadd.s32 s0, s3;
	s0 =	sld [smem:$0x3FA8]  }
0x30: {  	s3 =	sld [smem:$0x3FAB]  }
0x31: {  	[smem:$0x3FB4] =	sst s10  }
0x32: {  	s10 =	sld [smem:$0x3FB2];
	_ =	sdelay $0x3  }
0x33: {  	p0 =	seq.s32 s10, $0x1;
	s10 =	sld [smem:$0x3FB4];
	_ =	sdelay $0x3  }
0x34: {  	[smem:$0x3FB4] =	sst s10  }
0x35: {  	s10 =	sld [smem:$0x3FB3];
	_ =	sdelay $0x3  }
0x36: {  	p1 =	seq.s32 s10, $0x1;
	s10 =	sld [smem:$0x3FB4];
	_ =	sdelay $0x3  }
0x37: {  	[smem:$0x3FB4] =	sst s10  }
0x38: {  	s10 =	sld [smem:$0x3FB5]  }
0x39: {  	_ = 	snop;
	(pc) =	sbr.ind lr, $3  }
0x3a: {  	_ = 	snop  }
0x3b: {  	_ = 	snop  }
0x3c: {  	p2 =	seq.s32 s10, $0x1;
	s10 =	sld [smem:$0x3FB4]  }
0x3d: {  	_ =	shalt  }
0x3e: {  	_ =	shalt  }
0x3f: {  	_ =	shalt  }
0x40: {  	_ =	shalt  }
0x41: {  	_ =	shalt  }
0x42: {  	_ =	shalt  }
0x43: {  	_ =	shalt  }
0x44: {  	_ =	shalt  }
0x45: {  	_ =	shalt  }
0x46: {  	_ =	shalt  }
0x47: {  	_ =	shalt  }
0x48: {  	_ =	shalt  }
0x49: {  	_ =	shalt  }
0x4a: {  	_ =	shalt  }
0x4b: {  	_ =	shalt  }
0x4c: {  	_ =	shalt  }
0x4d: {  	_ =	shalt  }
0x4e: {  	_ =	shalt  }
0x4f: {  	_ =	shalt  }
0x50: {  	_ =	shalt  }
0x51: {  	_ =	shalt  }
0x52: {  	_ =	shalt  }
0x53: {  	_ =	shalt  }
0x54: {  	_ =	shalt  }
0x55: {  	_ =	shalt  }
0x56: {  	_ =	shalt  }
0x57: {  	_ =	shalt  }
0x58: {  	_ =	shalt  }
0x59: {  	_ =	shalt  }
0x5a: {  	_ =	shalt  }
0x5b: {  	_ =	shalt  }
0x5c: {  	_ =	shalt  }
0x5d: {  	_ =	shalt  }
0x5e: {  	_ =	shalt  }
0x5f: {  	_ =	shalt  }
0x60: {  	_ =	shalt  }
0x61: {  	_ =	shalt  }
0x62: {  	_ =	shalt  }
0x63: {  	_ =	shalt  }
0x64: {  	_ =	shalt  }
0x65: {  	_ =	shalt  }
0x66: {  	_ =	shalt  }
0x67: {  	_ =	shalt  }
0x68: {  	_ =	shalt  }
0x69: {  	_ =	shalt  }
0x6a: {  	_ =	shalt  }
0x6b: {  	_ =	shalt  }
0x6c: {  	_ =	shalt  }
0x6d: {  	_ =	shalt  }
0x6e: {  	_ =	shalt  }
0x6f: {  	_ =	shalt  }
0x70: {  	_ =	shalt  }
0x71: {  	_ =	shalt  }
0x72: {  	_ =	shalt  }
0x73: {  	_ =	shalt  }
0x74: {  	_ =	shalt  }
0x75: {  	_ =	shalt  }
0x76: {  	_ =	shalt  }
0x77: {  	_ =	shalt  }
0x78: {  	_ =	shalt  }
0x79: {  	_ =	shalt  }
0x7a: {  	_ =	shalt  }
0x7b: {  	_ =	shalt  }
0x7c: {  	_ =	shalt  }
0x7d: {  	_ =	shalt  }
0x7e: {  	_ =	shalt  }
0x7f: {  	_ =	shalt  }
0x80: {  	_ =	shalt  }
0x81: {  	_ =	shalt  }
0x82: {  	_ =	shalt  }
0x83: {  	_ =	shalt  }
0x84: {  	_ =	shalt  }
0x85: {  	_ =	shalt  }
0x86: {  	_ =	shalt  }
0x87: {  	_ =	shalt  }
.Lfunc_end0:
.L_simem_size_0:
called_computation.1_lowered:
.L_overlay_start_0:
0x88: {  	s2 =	sld [smem:$0x3FD9]  }
0x89: {  	s3 =	sld [smem:$0x3FFE];
	_ =	sdelay $0x1  }
0x8a: {  	s1 =	srdreg.scid  }
0x8b: {  	s0 =	sand.u32 $0x1, s1  }
0x8c: {  	s16 =	sshll.u32 s0, $0xA;
	s2 =	sadd.s32 s3, s2  }
0x8d: {  	s2 =	sadd.s32 s2, s16  }
0x8e: {  	[smem:$0x3FC0] =	sst s2  }
0x8f: {  	_ = 	snop  }
0x90: {  	(tm) =	ssettm $0x1  }
0x91: {  	s17 =	sld [smem:$0x3FFB];
	_ =	sdelay $0x3  }
0x92: {  	_ =	strace s17  }
0x93: {  	s2 =	sld [smem:$0x3FFC];
	_ =	sdelay $0x3  }
0x94: {  	_ =	strace s2  }
0x95: {  	s2 =	sld [smem:$0x3FFD];
	_ =	sdelay $0x3  }
0x96: {  	_ =	strace s2  }
0x97: {  	_ =	strace $0x8FFFFFFF  }
0x98: {  	s18 =	sld [smem:$0x3FDB];
	_ =	sdelay $0x1  }
0x99: {  	s19 =	simm.s32 $_scs_section_size  }
0x9a: {  	s4 =	simm.s32 $_size__tile_overlayer_lowered;
	s5 =	simm.s32 $_tile_overlayer_lowered  }
0x9b: {  	s22 =	simm.s32 $0x1BFF;
	s21 =	sshll.u32 s5, $0x1;
	s2 =	sadd.s32 s19, s18  }
0x9c: {  	s6 =	simm.s32 $0x0;
	s20 =	sshll.u32 s4, $0x1;
	s4 =	sadd.s32 s21, s2  }
0x9d: {  	[timem:s6], [sflag:s22] =	dma.local [hbm:s4], s20  }
0x9e: {  	_ =	swait.ge [sflag:s22], s20  }
0x9f: {  	s3 =	ssub.s32 $0x0, s20;
	[sflag:s22] =	ssyncset.done $0x0  }
0xa0: {  	[sflag:s22] =	ssyncadd.s32 s3;
	_ =	sdelay $0x1  }
0xa1: {  	s23 =	simm.s32 $0x1B8B  }
0xa2: {  	_ =	swait.ge [sflag:s23], $0x1  }
0xa3: {  	[sflag:s23] =	ssyncset.done $0x0  }
0xa4: {  	s25 =	simm.s32 $0x1B8E;
	s24 =	sld [smem:$0x3FFE];
	[sflag:s23] =	ssyncadd.s32 $0xFFFFFFFF  }
0xa5: {  	s26 =	simm.s32 $execute0_lowered;
	[smem:$0x3FD2] =	sst s25  }
0xa6: {  	s4 =	sshll.u32 s26, $0x1;
	_ =	strace $0x80000046;
	[dreg:$0x1] =	wrdreg $0xFFFFFFFF  }
0xa7: {  	s28 =	simm.s32 $_size_execute0_lowered;
	s2 =	sadd.s32 s2, s4;
	[dreg:$0x0] =	wrdreg $0x0  }
0xa8: {  	s4 =	sshll.u32 s28, $0x1;
	[dreg:$0x2] =	wrdreg s2  }
0xa9: {  	[dreg:$0x3] =	wrdreg s4  }
0xaa: {  	[dreg:$0x4] =	wrdreg $0xC0  }
0xab: {  	_ =	task [dreg:s6], $0x5FFFF  }
0xac: {  	[dreg:$0x1] =	wrdreg $0xFFFFFFFF  }
0xad: {  	[dreg:$0x0] =	wrdreg $0x60  }
0xae: {  	[dreg:$0x2] =	wrdreg s24  }
0xaf: {  	[dreg:$0x3] =	wrdreg $0xA  }
0xb0: {  	_ =	task.clear_ibuf [dreg:s6], $0x4FFFF;
	_ =	strace $0x90000046  }
0xb1: {  	s29 =	simm.s32 $0xA;
	_ =	strace $0x80000048  }
0xb2: {  	_ =	swait.ge [sflag:s29], $0x1  }
0xb3: {  	[sflag:s29] =	ssyncadd.s32 $0xFFFFFFFF  }
0xb4: {  	_ =	strace $0x90000048  }
0xb5: {  	_ =	sfence  }
0xb6: {  	s30 =	sld [smem:$0x0];
	_ =	sdelay $0x2  }
0xb7: {  	s31 =	sshll.u32 s1, $0xD;
	s1 =	sshrl.u32 s1, $0x2  }
0xb8: {  	s3 =	sand.u32 $0x4000, s31;
	s1 =	sadd.s32 s1, s30  }
0xb9: {  	s0 =	sor.u32 s3, s0;
	s1 =	sshll.u32 s1, $0x11  }
0xba: {  	s0 =	sor.u32 s1, s0  }
0xbb: {  	s0 =	sadd.s32 $0x8F2B, s0  }
0xbc: {  	[sflag:s0] =	ssyncadd.remote.s32 $0x1  }
0xbd: {  	_ =	sfence.sel $0xFFFF  }
0xbe: {  	[dreg:$0x0] =	wrdreg $0xFFFFFFFF;
	(pc) =	sbr.abs _section_cstart, $3  }
0xbf: {  	[dreg:$0x1] =	wrdreg $0xFFFFFFFF  }
0xc0: {  	_ =	task.clear_ibuf [dreg:s6], $0x2FFFF;
	_ =	strace $0x9FFFFFFF  }
0xc1: {  	(tm) =	ssettm $0x7FFFFFFF  }
tec
execute0_lowered:
.L_overlay_start_1:
0x0: {  	(tag) =	ssettag $0x1  }
0x1: {  	s0 =	srdreg.scid  }
0x2: {  	s3 =	sand.u32 $0x1, s0  }
0x3: {  	s0 =	stileid.u32;
	s1 =	sshll.u32 s3, $0x4  }
0x4: {  	s4 =	rddreg [dreg:$0x0];
	s2 =	simm.s32 $0x0;
	s5 =	sor.u32 s0, s1  }
0x5: {  	s9 =	simm.s32 $0x400;
	s10 =	simm.s32 $0x0;
	s6 =	sshrl.u32 s5, $0x3  }
0x6: {  	[smem:$0x7FF] =	sst s2;
	s7 =	sshll.u32 s0, $0x7;
	s6 =	smul.u32 $0x14000, s6  }
0x7: {  	s31 =	ssub.s32 $0x2, s3;
	s3 =	sadd.s32 $0x2A00, s4;
	s7 =	sand.u32 $0x380, s7  }
0x8: {  	s1 =	rddreg [dreg:$0x1];
	s8 =	sshrl.u32 s31, $0x1;
	s6 =	sor.u32 s7, s6  }
0x9: {  	_ =	strace $0x80000047;
	s7 =	ssub.s32 s31, s8;
	s6 =	sshrl.u32 s6, $0x3  }
0xa: {  	s8 =	simm.s32 $0x80;
	s6 =	sadd.s32 s6, s4;
	s4 =	smul.u32 $0x2800, s5  }
0xb: {  	v0 =	vimm.f32 $0.0e+00;
	v1 =	vimm.f32 $1.000000000e+00;
	s5 =	sadd.s32 $0xCA00, s6;
	s6 =	smax.u32 s7, $0x1;
	s7 =	simm.s32 $0x1  }
.LBB2_1:
0xc: {  	s11 =	simm.s32 $0x0  }
.LBB2_2:
0xd: {  	p0 =	sne.s32 s11, $0x9FC0  }
.Ltmp0:
0xe: {  	_ = 	snop;
	(pc) =	sbr.rel @p0 .LBB2_2-.Ltmp0, $3  }
0xf: {  	_ =	sdelay $0x1  }
0x10: {  	s12 =	sshra.s32 s11, $0x2  }
0x11: {  	s11 =	sadd.s32 $0x40, s11;
	[tilespmem:s12+$0x80] =	vst v0  }
0x12: {  	s11 =	simm.s32 $0x0  }
.LBB2_4:
0x13: {  	s12 =	sand.u32 $0x3C00, s11  }
0x14: {  	s13 =	sand.u32 $0x380, s11;
	s12 =	sadd.s32 s4, s12  }
0x15: {  	s12 =	sor.u32 s13, s12  }
0x16: {  	s12 =	sshrl.u32 s12, $0x3  }
0x17: {  	s12 =	sadd.s32 s3, s12  }
0x18: {  	[tilespmem:s2], [sflag:$0x1] =	stream.linear.gather [hbm4b:s12+s2], $0x80, $0x38;
	[tilespmem:$0x2880] =	vst v63  }
0x19: {  	_ =	swait.ge [sflag:s7], $0x80  }
0x1a: {  	[sflag:s7] =	ssyncset.done $0x0  }
0x1b: {  	[sflag:s7] =	ssyncadd.s32 $0xFFFFFF80  }
0x1c: {  	v2 =	vld [tilespmem:$0x0];
	_ =	sdelay $0x7  }
0x1d: {  	[tilespmem:v2+s8+$0x0] =	vst.idx.add.f32.msk $0xffff, v1  }
0x1e: {  	v2 =	vld [tilespmem:$0x10];
	_ =	sdelay $0x7  }
0x1f: {  	[tilespmem:v2+s8+$0x0] =	vst.idx.add.f32.msk $0xffff, v1  }
0x20: {  	v2 =	vld [tilespmem:$0x20];
	_ =	sdelay $0x7  }
0x21: {  	[tilespmem:v2+s8+$0x0] =	vst.idx.add.f32.msk $0xffff, v1  }
0x22: {  	v2 =	vld [tilespmem:$0x30];
	_ =	sdelay $0x7  }
0x23: {  	[tilespmem:v2+s8+$0x0] =	vst.idx.add.f32.msk $0xffff, v1  }
0x24: {  	v2 =	vld [tilespmem:$0x40];
	_ =	sdelay $0x7  }
0x25: {  	[tilespmem:v2+s8+$0x0] =	vst.idx.add.f32.msk $0xffff, v1  }
0x26: {  	v2 =	vld [tilespmem:$0x50];
	_ =	sdelay $0x7  }
0x27: {  	[tilespmem:v2+s8+$0x0] =	vst.idx.add.f32.msk $0xffff, v1  }
0x28: {  	v2 =	vld [tilespmem:$0x60];
	_ =	sdelay $0x7  }
0x29: {  	[tilespmem:v2+s8+$0x0] =	vst.idx.add.f32.msk $0xffff, v1  }
0x2a: {  	v2 =	vld [tilespmem:$0x70];
	_ =	sdelay $0x2  }
0x2b: {  	p0 =	sne.s32 s11, $0x2780  }
.Ltmp1:
0x2c: {  	_ = 	snop;
	(pc) =	sbr.rel @p0 .LBB2_4-.Ltmp1, $2  }
0x2d: {  	_ =	sdelay $0x2  }
0x2e: {  	s11 =	sadd.s32 $0x80, s11;
	[tilespmem:v2+s8+$0x0] =	vst.idx.add.f32.msk $0xffff, v1  }
0x2f: {  	s10 =	sadd.s32 $0x1, s10  }
0x30: {  	p0 =	sne.s32 s10, s6  }
.Ltmp2:
0x31: {  	_ = 	snop;
	(pc) =	sbr.rel @p0 .LBB2_1-.Ltmp2, $4  }
0x32: {  	[hbm4b:s5+s8] =	stream.strided.scatter [tilespmem:s8], [sflag:$0x1], $0x2800, s9, s8, $0x38;
	[tilespmem:$0x2880] =	vst v63  }
0x33: {  	_ =	swait.ge [sflag:s7], $0x2800  }
0x34: {  	[sflag:s7] =	ssyncset.done $0x0  }
0x35: {  	[sflag:s7] =	ssyncadd.s32 $0xFFFFD800  }
0x36: {  	_ =	sfence.sel $0x180000  }
0x37: {  	[bflag:$0x0] =	sbarrier.arrive $0xFFFF  }
0x38: {  	p0 =	sne.s32 s0, $0x0;
	_ =	strace $0x90000047  }
0x39: {  	s0 =	sadd.s32 @!p0 $0x100000, s1;
	[bflag:$0x2] =	sbarrier.arrive $0xFFFF  }
0x3a: {  	[sflag:s0] =	ssyncadd.tile.s32 @!p0 $0x1;
	_ =	shalt  }
.Lfunc_end2:
_tile_overlayer_lowered:
.L_overlay_start_2:
0x3b: {  	(tag) =	ssettag $0x2  }
0x3c: {  	s0 =	rddreg [dreg:$0x0];
	s2 =	stileid.u32  }
0x3d: {  	s1 =	rddreg [dreg:$0x1];
	p0 =	sne.s32 s2, $0x0  }
0x3e: {  	s3 =	rddreg [dreg:$0x2];
	[bflag:$0x3] =	sbarrier.arrive $0xFFFF;
	s2 =	simm.s32 @!p0 $0x1C01  }
0x3f: {  	[timem:s3], [sflag:s2] =	dma.local @!p0 [hbm:s0], s1  }
0x40: {  	s0 =	simm.s32 @!p0 $0x1  }
0x41: {  	_ =	swait.ge @!p0 [sflag:s0], s1  }
0x42: {  	s1 =	ssub.s32 @!p0 $0x0, s1;
	[sflag:s0] =	ssyncset.done @!p0 $0x0  }
0x43: {  	[sflag:s0] =	ssyncadd.s32 @!p0 s1  }
0x44: {  	[bflag:$0x3] =	sbarrier.arrive $0xFFFF  }
0x45: {  	_ =	shalt  }

// kernel: kernel.13.cloned.1.call-start
scs
__scs_entry_jumppad:
0x0: {  	(pc) =	sbr.rel $0x88, $3  }
0x1: {  	(tag) =	ssettag $0x0;
	lr =	simm.s32 $0x1  }
0x2: {  	[smem:$0x3F99] =	sst lr;
	_ =	strace $0xD0000000  }
0x3: {  	_ = 	snop  }
0x4: {  	_ = 	snop  }
0x5: {  	_ = 	snop  }
0x6: {  	_ = 	snop  }
0x7: {  	_ = 	snop  }
__scs_overlays_trampoline_lowered:
0x8: {  	[smem:$0x3FA8] =	sst s0  }
0x9: {  	[smem:$0x3FA9] =	sst s1  }
0xa: {  	[smem:$0x3FAA] =	sst s2  }
0xb: {  	[smem:$0x3FAB] =	sst s3  }
0xc: {  	[smem:$0x3FAC] =	sst s4  }
0xd: {  	[smem:$0x3FAD] =	sst s5  }
0xe: {  	[smem:$0x3FAE] =	sst s6  }
0xf: {  	[smem:$0x3FAF] =	sst s7  }
0x10: {  	[smem:$0x3FB0] =	sst s8  }
0x11: {  	[smem:$0x3FB1] =	sst s9;
	s0 =	simm.s32 @!p0 $0x0  }
0x12: {  	s1 =	sld [smem:$0x3F97];
	s0 =	simm.s32 @p0 $0x1  }
0x13: {  	[smem:$0x3FB2] =	sst s0;
	s0 =	simm.s32 @!p1 $0x0  }
0x14: {  	s2 =	sld [smem:$0x3F96];
	s0 =	simm.s32 @p1 $0x1  }
0x15: {  	[smem:$0x3FB3] =	sst s0;
	s0 =	simm.s32 @!p2 $0x0  }
0x16: {  	s3 =	sld [smem:$0x3FDB];
	s0 =	simm.s32 @p2 $0x1  }
0x17: {  	s4 =	simm.s32 $0x1BF5;
	[smem:$0x3FB5] =	sst s0  }
0x18: {  	s0 =	sld [smem:$0x3F98];
	_ =	swait.ge [sflag:s4], $0x0  }
0x19: {  	s7 =	sld [smem:$0x3F99]  }
0x1a: {  	s8 =	sadd.s32 $0xFFFFE003, lr  }
0x1b: {  	s9 =	sadd.s32 $0xFFFFFEF7, lr;
	s5 =	simm.s32 $0xFFFFFFFF;
	p2 =	slt.u32 s8, $0xFFFFF086  }
0x1c: {  	p1 =	slt.u32 s9, $0xF7A;
	s5 =	simm.s32 @!p2 $0x0  }
0x1d: {  	s5 =	simm.s32 @p1 $0x1;
	p0 =	seq.s32 s7, s2  }
0x1e: {  	s7 =	smul.u32 @!p0 $0xF7A, s2;
	p2 =	seq.s32 @!p0 s5, $0x0  }
0x1f: {  	s9 =	smul.u32 $0xF7A, s1;
	s8 =	simm.s32 @!p0 $0x1BF5;
	p2 =	por !p2, p0  }
0x20: {  	[sflag:s8] =	ssyncset.s32 @!p0 $0xFFFFF086;
	s6 =	sadd.s32 @!p0 s3, s7;
	s7 =	simm.s32 @!p0 $0x108  }
0x21: {  	s3 =	sadd.s32 s3, s9;
	s6 =	sadd.s32 @!p0 $0x88, s6;
	s7 =	simm.s32 @p2 $0x1082  }
0x22: {  	[simem:s7], [sflag:s8] =	dma.local @!p0 [hbm:s6], $0xF7A  }
0x23: {  	s9 =	sor.u32 $0xD0000000, s2;
	s6 =	simm.s32 $0x108;
	_ =	swait.ge @!p0 [sflag:s8], $0x0  }
0x24: {  	s3 =	sadd.s32 $0x88, s3;
	s6 =	simm.s32 @!p1 $0x1082;
	[sflag:s4] =	ssyncset.s32 $0xFFFFF086  }
0x25: {  	[simem:s6], [sflag:s4] =	dma.local [hbm:s3], $0xF7A  }
0x26: {  	[smem:$0x3F99] =	sst s1;
	(tag) =	ssettag s2;
	_ =	strace s9  }
0x27: {  	s1 =	sld [smem:$0x3FA9]  }
0x28: {  	s2 =	sld [smem:$0x3FAA]  }
0x29: {  	s4 =	sld [smem:$0x3FAC]  }
0x2a: {  	p0 =	seq.s32 s5, $0x0;
	s5 =	sld [smem:$0x3FAD]  }
0x2b: {  	s6 =	sld [smem:$0x3FAE]  }
0x2c: {  	s7 =	sld [smem:$0x3FAF]  }
0x2d: {  	s3 =	simm.s32 $0x108;
	s8 =	sld [smem:$0x3FB0]  }
0x2e: {  	s3 =	simm.s32 @!p0 $0x1082;
	s9 =	sld [smem:$0x3FB1]  }
0x2f: {  	lr =	sadd.s32 s0, s3;
	s0 =	sld [smem:$0x3FA8]  }
0x30: {  	s3 =	sld [smem:$0x3FAB]  }
0x31: {  	[smem:$0x3FB4] =	sst s10  }
0x32: {  	s10 =	sld [smem:$0x3FB2];
	_ =	sdelay $0x3  }
0x33: {  	p0 =	seq.s32 s10, $0x1;
	s10 =	sld [smem:$0x3FB4];
	_ =	sdelay $0x3  }
0x34: {  	[smem:$0x3FB4] =	sst s10  }
0x35: {  	s10 =	sld [smem:$0x3FB3];
	_ =	sdelay $0x3  }
0x36: {  	p1 =	seq.s32 s10, $0x1;
	s10 =	sld [smem:$0x3FB4];
	_ =	sdelay $0x3  }
0x37: {  	[smem:$0x3FB4] =	sst s10  }
0x38: {  	s10 =	sld [smem:$0x3FB5]  }
0x39: {  	_ = 	snop;
	(pc) =	sbr.ind lr, $3  }
0x3a: {  	_ = 	snop  }
0x3b: {  	_ = 	snop  }
0x3c: {  	p2 =	seq.s32 s10, $0x1;
	s10 =	sld [smem:$0x3FB4]  }
0x3d: {  	_ =	shalt  }
0x3e: {  	_ =	shalt  }
0x3f: {  	_ =	shalt  }
0x40: {  	_ =	shalt  }
0x41: {  	_ =	shalt  }
0x42: {  	_ =	shalt  }
0x43: {  	_ =	shalt  }
0x44: {  	_ =	shalt  }
0x45: {  	_ =	shalt  }
0x46: {  	_ =	shalt  }
0x47: {  	_ =	shalt  }
0x48: {  	_ =	shalt  }
0x49: {  	_ =	shalt  }
0x4a: {  	_ =	shalt  }
0x4b: {  	_ =	shalt  }
0x4c: {  	_ =	shalt  }
0x4d: {  	_ =	shalt  }
0x4e: {  	_ =	shalt  }
0x4f: {  	_ =	shalt  }
0x50: {  	_ =	shalt  }
0x51: {  	_ =	shalt  }
0x52: {  	_ =	shalt  }
0x53: {  	_ =	shalt  }
0x54: {  	_ =	shalt  }
0x55: {  	_ =	shalt  }
0x56: {  	_ =	shalt  }
0x57: {  	_ =	shalt  }
0x58: {  	_ =	shalt  }
0x59: {  	_ =	shalt  }
0x5a: {  	_ =	shalt  }
0x5b: {  	_ =	shalt  }
0x5c: {  	_ =	shalt  }
0x5d: {  	_ =	shalt  }
0x5e: {  	_ =	shalt  }
0x5f: {  	_ =	shalt  }
0x60: {  	_ =	shalt  }
0x61: {  	_ =	shalt  }
0x62: {  	_ =	shalt  }
0x63: {  	_ =	shalt  }
0x64: {  	_ =	shalt  }
0x65: {  	_ =	shalt  }
0x66: {  	_ =	shalt  }
0x67: {  	_ =	shalt  }
0x68: {  	_ =	shalt  }
0x69: {  	_ =	shalt  }
0x6a: {  	_ =	shalt  }
0x6b: {  	_ =	shalt  }
0x6c: {  	_ =	shalt  }
0x6d: {  	_ =	shalt  }
0x6e: {  	_ =	shalt  }
0x6f: {  	_ =	shalt  }
0x70: {  	_ =	shalt  }
0x71: {  	_ =	shalt  }
0x72: {  	_ =	shalt  }
0x73: {  	_ =	shalt  }
0x74: {  	_ =	shalt  }
0x75: {  	_ =	shalt  }
0x76: {  	_ =	shalt  }
0x77: {  	_ =	shalt  }
0x78: {  	_ =	shalt  }
0x79: {  	_ =	shalt  }
0x7a: {  	_ =	shalt  }
0x7b: {  	_ =	shalt  }
0x7c: {  	_ =	shalt  }
0x7d: {  	_ =	shalt  }
0x7e: {  	_ =	shalt  }
0x7f: {  	_ =	shalt  }
0x80: {  	_ =	shalt  }
0x81: {  	_ =	shalt  }
0x82: {  	_ =	shalt  }
0x83: {  	_ =	shalt  }
0x84: {  	_ =	shalt  }
0x85: {  	_ =	shalt  }
0x86: {  	_ =	shalt  }
0x87: {  	_ =	shalt  }
.Lfunc_end0:
.L_simem_size_0:
called_computation.2_lowered:
.L_overlay_start_0:
0x88: {  	s2 =	sld [smem:$0x3FD9]  }
0x89: {  	s3 =	sld [smem:$0x3FFE];
	_ =	sdelay $0x1  }
0x8a: {  	s1 =	srdreg.scid  }
0x8b: {  	s0 =	sand.u32 $0x1, s1  }
0x8c: {  	s17 =	sshll.u32 s0, $0xA;
	s2 =	sadd.s32 s3, s2  }
0x8d: {  	s2 =	sadd.s32 s2, s17  }
0x8e: {  	[smem:$0x3FC0] =	sst s2  }
0x8f: {  	_ = 	snop  }
0x90: {  	s2 =	sld [smem:$0x3FD0];
	(tm) =	ssettm $0x1  }
0x91: {  	s18 =	sld [smem:$0x3FFB];
	_ =	sdelay $0x3  }
0x92: {  	_ =	strace s18  }
0x93: {  	s3 =	sld [smem:$0x3FFC];
	_ =	sdelay $0x3  }
0x94: {  	_ =	strace s3  }
0x95: {  	s3 =	sld [smem:$0x3FFD];
	_ =	sdelay $0x3  }
0x96: {  	_ =	strace s3  }
0x97: {  	_ =	strace $0x8FFFFFFF  }
0x98: {  	s19 =	sld [smem:$0x3FDB];
	_ =	sdelay $0x1  }
0x99: {  	s4 =	simm.s32 $_scs_section_size  }
0x9a: {  	s5 =	simm.s32 $_size__tile_overlayer_lowered;
	s6 =	simm.s32 $_tile_overlayer_lowered  }
0x9b: {  	s22 =	simm.s32 $0x1BFF;
	s21 =	sshll.u32 s6, $0x1;
	s3 =	sadd.s32 s4, s19  }
0x9c: {  	s7 =	simm.s32 $0x0;
	s20 =	sshll.u32 s5, $0x1;
	s5 =	sadd.s32 s21, s3  }
0x9d: {  	[timem:s7], [sflag:s22] =	dma.local [hbm:s5], s20  }
0x9e: {  	_ =	swait.ge [sflag:s22], s20  }
0x9f: {  	s4 =	ssub.s32 $0x0, s20;
	[sflag:s22] =	ssyncset.done $0x0  }
0xa0: {  	[sflag:s22] =	ssyncadd.s32 s4;
	_ =	sdelay $0x1  }
0xa1: {  	s23 =	simm.s32 $0x1B8B  }
0xa2: {  	_ =	swait.ge [sflag:s23], $0x1  }
0xa3: {  	[sflag:s23] =	ssyncset.done $0x0  }
0xa4: {  	s25 =	simm.s32 $0x1B8E;
	s24 =	sld [smem:$0x3FFE];
	[sflag:s23] =	ssyncadd.s32 $0xFFFFFFFF  }
0xa5: {  	s26 =	simm.s32 $execute0_lowered;
	[smem:$0x3FD2] =	sst s25  }
0xa6: {  	s5 =	sshll.u32 s26, $0x1;
	_ =	strace $0x8000004C;
	[dreg:$0x1] =	wrdreg $0xFFFFFFFF  }
0xa7: {  	s28 =	simm.s32 $_size_execute0_lowered;
	s3 =	sadd.s32 s3, s5;
	[dreg:$0x0] =	wrdreg $0x0  }
0xa8: {  	s5 =	sshll.u32 s28, $0x1;
	[dreg:$0x2] =	wrdreg s3  }
0xa9: {  	[dreg:$0x3] =	wrdreg s5  }
0xaa: {  	[dreg:$0x4] =	wrdreg $0xC0  }
0xab: {  	_ =	task [dreg:s7], $0x5FFFF  }
0xac: {  	[dreg:$0x1] =	wrdreg $0xFFFFFFFF  }
0xad: {  	[dreg:$0x0] =	wrdreg $0x60  }
0xae: {  	[dreg:$0x2] =	wrdreg s24  }
0xaf: {  	[dreg:$0x3] =	wrdreg s2  }
0xb0: {  	[dreg:$0x4] =	wrdreg $0x50000  }
0xb1: {  	[dreg:$0x5] =	wrdreg $0x9  }
0xb2: {  	_ =	task.clear_ibuf [dreg:s7], $0x6FFFF;
	_ =	strace $0x9000004C  }
0xb3: {  	s29 =	simm.s32 $0x9;
	_ =	strace $0x8000004E  }
0xb4: {  	_ =	swait.ge [sflag:s29], $0x1  }
0xb5: {  	[sflag:s29] =	ssyncadd.s32 $0xFFFFFFFF  }
0xb6: {  	_ =	strace $0x9000004E  }
0xb7: {  	_ =	sfence  }
0xb8: {  	s30 =	sld [smem:$0x0];
	_ =	sdelay $0x2  }
0xb9: {  	s31 =	sshll.u32 s1, $0xD;
	s1 =	sshrl.u32 s1, $0x2  }
0xba: {  	s3 =	sand.u32 $0x4000, s31;
	s1 =	sadd.s32 s1, s30  }
0xbb: {  	s0 =	sor.u32 s3, s0;
	s1 =	sshll.u32 s1, $0x11  }
0xbc: {  	s0 =	sor.u32 s1, s0  }
0xbd: {  	s0 =	sadd.s32 $0x8F2B, s0  }
0xbe: {  	[sflag:s0] =	ssyncadd.remote.s32 $0x1  }
0xbf: {  	_ =	sfence.sel $0xFFFF  }
0xc0: {  	[dreg:$0x0] =	wrdreg $0xFFFFFFFF;
	(pc) =	sbr.abs _section_cstart, $3  }
0xc1: {  	[dreg:$0x1] =	wrdreg $0xFFFFFFFF  }
0xc2: {  	_ =	task.clear_ibuf [dreg:s7], $0x2FFFF;
	_ =	strace $0x9FFFFFFF  }
0xc3: {  	(tm) =	ssettm $0x7FFFFFFF  }
tec
execute0_lowered:
.L_overlay_start_1:
0x0: {  	(tag) =	ssettag $0x1  }
0x1: {  	s1 =	rddreg [dreg:$0x0]  }
0x2: {  	s0 =	srdreg.scid;
	s9 =	rddreg [dreg:$0x1]  }
0x3: {  	s23 =	stileid.u32;
	s2 =	rddreg [dreg:$0x2]  }
0x4: {  	s3 =	simm.s32 $0x0;
	s12 =	simm.s32 $0x400;
	s13 =	simm.s32 $0x80  }
0x5: {  	s14 =	simm.s32 $0x800;
	s15 =	simm.s32 $0x480;
	s16 =	simm.s32 $0x100  }
0x6: {  	s17 =	simm.s32 $0x500;
	s18 =	simm.s32 $0x180;
	s19 =	simm.s32 $0x580  }
0x7: {  	s20 =	simm.s32 $0x200;
	s21 =	simm.s32 $0x600;
	s6 =	smul.u32 $0x2800, s23  }
0x8: {  	s22 =	simm.s32 $0x280;
	s28 =	simm.s32 $0x780;
	s8 =	smul.u32 $0x14000, s23  }
0x9: {  	s29 =	simm.s32 $0x0;
	s5 =	sand.u32 $0x1, s0;
	s25 =	smul.u32 $0x50000, s23  }
0xa: {  	[smem:$0x7FF] =	sst s3;
	s23 =	simm.s32 $0x680;
	s4 =	smul.u32 $0x28000, s5  }
0xb: {  	s7 =	smul.u32 $0x140000, s5;
	_ =	strace $0x8000004D;
	s5 =	ssub.s32 $0x2, s5  }
0xc: {  	s11 =	sshrl.u32 s5, $0x1;
	s30 =	sshrl.u32 s25, $0x2;
	s25 =	simm.s32 $0x700  }
0xd: {  	s6 =	sadd.s32 s6, s4;
	s4 =	sadd.s32 $0xCA00, s1;
	s24 =	sadd.s32 s8, s7  }
0xe: {  	s11 =	ssub.s32 s5, s11;
	s5 =	sadd.s32 s30, s2;
	s10 =	sshrl.u32 s6, $0x3  }
0xf: {  	s6 =	sshrl.u32 s24, $0x3;
	s7 =	smax.u32 s11, $0x1;
	s11 =	simm.s32 $0x1  }
0x10: {  	s24 =	simm.s32 $0x300;
	s26 =	sadd.s32 s10, s1;
	s1 =	sadd.s32 s6, s1  }
0x11: {  	s9 =	sadd.s32 s10, s9;
	s10 =	simm.s32 $0x4800;
	s31 =	sadd.s32 $0xB6A00, s1  }
0x12: {  	v0 =	vimm.f32 $0.0e+00;
	s8 =	sadd.s32 $0x2A00, s26;
	s26 =	simm.s32 $0x380;
	[dreg:$0x4] =	wrdreg s31  }
.LBB2_1:
0x13: {  	[tilespmem:$0x4800] =	vst v0  }
0x14: {  	[tilespmem:$0x4810] =	vst v0  }
0x15: {  	[tilespmem:$0x4820] =	vst v0  }
0x16: {  	[tilespmem:$0x4830] =	vst v0  }
0x17: {  	[tilespmem:$0x4840] =	vst v0  }
0x18: {  	[tilespmem:$0x4850] =	vst v0  }
0x19: {  	[tilespmem:$0x4860] =	vst v0  }
0x1a: {  	[tilespmem:$0x4870] =	vst v0  }
0x1b: {  	[tilespmem:$0x4880] =	vst v0  }
0x1c: {  	[tilespmem:$0x4890] =	vst v0  }
0x1d: {  	[tilespmem:$0x48A0] =	vst v0  }
0x1e: {  	[tilespmem:$0x48B0] =	vst v0  }
0x1f: {  	[tilespmem:$0x48C0] =	vst v0  }
0x20: {  	[tilespmem:$0x48D0] =	vst v0  }
0x21: {  	[tilespmem:$0x48E0] =	vst v0  }
0x22: {  	[tilespmem:$0x48F0] =	vst v0  }
0x23: {  	[tilespmem:$0x4900] =	vst v0  }
0x24: {  	[tilespmem:$0x4910] =	vst v0  }
0x25: {  	[tilespmem:$0x4920] =	vst v0  }
0x26: {  	[tilespmem:$0x4930] =	vst v0  }
0x27: {  	[tilespmem:$0x4940] =	vst v0  }
0x28: {  	[tilespmem:$0x4950] =	vst v0  }
0x29: {  	[tilespmem:$0x4960] =	vst v0  }
0x2a: {  	[tilespmem:$0x4970] =	vst v0  }
0x2b: {  	[tilespmem:$0x4980] =	vst v0  }
0x2c: {  	[tilespmem:$0x4990] =	vst v0  }
0x2d: {  	[tilespmem:$0x49A0] =	vst v0  }
0x2e: {  	[tilespmem:$0x49B0] =	vst v0  }
0x2f: {  	[tilespmem:$0x49C0] =	vst v0  }
0x30: {  	[tilespmem:$0x49D0] =	vst v0  }
0x31: {  	[tilespmem:$0x49E0] =	vst v0  }
0x32: {  	[tilespmem:$0x49F0] =	vst v0  }
0x33: {  	[tilespmem:$0x4A00] =	vst v0  }
0x34: {  	[tilespmem:$0x4A10] =	vst v0  }
0x35: {  	[tilespmem:$0x4A20] =	vst v0  }
0x36: {  	[tilespmem:$0x4A30] =	vst v0  }
0x37: {  	[tilespmem:$0x4A40] =	vst v0  }
0x38: {  	[tilespmem:$0x4A50] =	vst v0  }
0x39: {  	[tilespmem:$0x4A60] =	vst v0  }
0x3a: {  	[tilespmem:$0x4A70] =	vst v0  }
0x3b: {  	[tilespmem:$0x4A80] =	vst v0  }
0x3c: {  	[tilespmem:$0x4A90] =	vst v0  }
0x3d: {  	[tilespmem:$0x4AA0] =	vst v0  }
0x3e: {  	[tilespmem:$0x4AB0] =	vst v0  }
0x3f: {  	[tilespmem:$0x4AC0] =	vst v0  }
0x40: {  	[tilespmem:$0x4AD0] =	vst v0  }
0x41: {  	[tilespmem:$0x4AE0] =	vst v0  }
0x42: {  	[tilespmem:$0x4AF0] =	vst v0  }
0x43: {  	[tilespmem:$0x4B00] =	vst v0  }
0x44: {  	[tilespmem:$0x4B10] =	vst v0  }
0x45: {  	[tilespmem:$0x4B20] =	vst v0  }
0x46: {  	[tilespmem:$0x4B30] =	vst v0  }
0x47: {  	[tilespmem:$0x4B40] =	vst v0  }
0x48: {  	[tilespmem:$0x4B50] =	vst v0  }
0x49: {  	[tilespmem:$0x4B60] =	vst v0  }
0x4a: {  	[tilespmem:$0x4B70] =	vst v0  }
0x4b: {  	[tilespmem:$0x4B80] =	vst v0  }
0x4c: {  	[tilespmem:$0x4B90] =	vst v0  }
0x4d: {  	[tilespmem:$0x4BA0] =	vst v0  }
0x4e: {  	[tilespmem:$0x4BB0] =	vst v0  }
0x4f: {  	[tilespmem:$0x4BC0] =	vst v0  }
0x50: {  	[tilespmem:$0x4BD0] =	vst v0  }
0x51: {  	[tilespmem:$0x4BE0] =	vst v0  }
0x52: {  	[tilespmem:$0x4BF0] =	vst v0  }
0x53: {  	[tilespmem:$0x4C00] =	vst v0  }
0x54: {  	[tilespmem:$0x4C10] =	vst v0  }
0x55: {  	[tilespmem:$0x4C20] =	vst v0  }
0x56: {  	[tilespmem:$0x4C30] =	vst v0  }
0x57: {  	[tilespmem:$0x4C40] =	vst v0  }
0x58: {  	[tilespmem:$0x4C50] =	vst v0  }
0x59: {  	[tilespmem:$0x4C60] =	vst v0  }
0x5a: {  	[tilespmem:$0x4C70] =	vst v0  }
0x5b: {  	[tilespmem:$0x4C80] =	vst v0  }
0x5c: {  	[tilespmem:$0x4C90] =	vst v0  }
0x5d: {  	[tilespmem:$0x4CA0] =	vst v0  }
0x5e: {  	[tilespmem:$0x4CB0] =	vst v0  }
0x5f: {  	[tilespmem:$0x4CC0] =	vst v0  }
0x60: {  	[tilespmem:$0x4CD0] =	vst v0  }
0x61: {  	[tilespmem:$0x4CE0] =	vst v0  }
0x62: {  	[tilespmem:$0x4CF0] =	vst v0  }
0x63: {  	[tilespmem:$0x4D00] =	vst v0  }
0x64: {  	[tilespmem:$0x4D10] =	vst v0  }
0x65: {  	[tilespmem:$0x4D20] =	vst v0  }
0x66: {  	[tilespmem:$0x4D30] =	vst v0  }
0x67: {  	[tilespmem:$0x4D40] =	vst v0  }
0x68: {  	[tilespmem:$0x4D50] =	vst v0  }
0x69: {  	[tilespmem:$0x4D60] =	vst v0  }
0x6a: {  	[tilespmem:$0x4D70] =	vst v0  }
0x6b: {  	[tilespmem:$0x4D80] =	vst v0  }
0x6c: {  	[tilespmem:$0x4D90] =	vst v0  }
0x6d: {  	[tilespmem:$0x4DA0] =	vst v0  }
0x6e: {  	[tilespmem:$0x4DB0] =	vst v0  }
0x6f: {  	[tilespmem:$0x4DC0] =	vst v0  }
0x70: {  	[tilespmem:$0x4DD0] =	vst v0  }
0x71: {  	[tilespmem:$0x4DE0] =	vst v0  }
0x72: {  	[tilespmem:$0x4DF0] =	vst v0  }
0x73: {  	[tilespmem:$0x4E00] =	vst v0  }
0x74: {  	[tilespmem:$0x4E10] =	vst v0  }
0x75: {  	[tilespmem:$0x4E20] =	vst v0  }
0x76: {  	[tilespmem:$0x4E30] =	vst v0  }
0x77: {  	[tilespmem:$0x4E40] =	vst v0  }
0x78: {  	[tilespmem:$0x4E50] =	vst v0  }
0x79: {  	[tilespmem:$0x4E60] =	vst v0  }
0x7a: {  	[tilespmem:$0x4E70] =	vst v0  }
0x7b: {  	[tilespmem:$0x4E80] =	vst v0  }
0x7c: {  	[tilespmem:$0x4E90] =	vst v0  }
0x7d: {  	[tilespmem:$0x4EA0] =	vst v0  }
0x7e: {  	[tilespmem:$0x4EB0] =	vst v0  }
0x7f: {  	[tilespmem:$0x4EC0] =	vst v0  }
0x80: {  	[tilespmem:$0x4ED0] =	vst v0  }
0x81: {  	[tilespmem:$0x4EE0] =	vst v0  }
0x82: {  	[tilespmem:$0x4EF0] =	vst v0  }
0x83: {  	[tilespmem:$0x4F00] =	vst v0  }
0x84: {  	[tilespmem:$0x4F10] =	vst v0  }
0x85: {  	[tilespmem:$0x4F20] =	vst v0  }
0x86: {  	[tilespmem:$0x4F30] =	vst v0  }
0x87: {  	[tilespmem:$0x4F40] =	vst v0  }
0x88: {  	[tilespmem:$0x4F50] =	vst v0  }
0x89: {  	[tilespmem:$0x4F60] =	vst v0  }
0x8a: {  	[tilespmem:$0x4F70] =	vst v0  }
0x8b: {  	[tilespmem:$0x4F80] =	vst v0  }
0x8c: {  	[tilespmem:$0x4F90] =	vst v0  }
0x8d: {  	[tilespmem:$0x4FA0] =	vst v0  }
0x8e: {  	[tilespmem:$0x4FB0] =	vst v0  }
0x8f: {  	[tilespmem:$0x4FC0] =	vst v0  }
0x90: {  	[tilespmem:$0x4FD0] =	vst v0  }
0x91: {  	[tilespmem:$0x4FE0] =	vst v0  }
0x92: {  	[tilespmem:$0x4FF0] =	vst v0;
	s1 =	sadd.s32 $0x0, s5  }
0x93: {  	[spmem:s1] =	stream.linear.scatter [tilespmem:s10], [sflag:$0x1], $0x800, $0x38;
	[tilespmem:$0x19000] =	vst v63  }
0x94: {  	s30 =	simm.s32 $0x2000;
	_ =	swait.ge [sflag:s11], $0x800  }
.LBB2_2:
0x95: {  	s1 =	sshra.s32 s30, $0x2;
	[sflag:s11] =	ssyncset.done $0x0;
	p0 =	sne.s32 s30, $0x4E000  }
.Ltmp0:
0x96: {  	s1 =	sadd.s32 s1, s5;
	[sflag:s11] =	ssyncadd.s32 $0xFFFFF800;
	(pc) =	sbr.rel @p0 .LBB2_2-.Ltmp0, $3  }
0x97: {  	[spmem:s1] =	stream.linear.scatter [tilespmem:s10], [sflag:$0x1], $0x800, $0x38;
	[tilespmem:$0x19000] =	vst v63  }
0x98: {  	s30 =	sadd.s32 $0x2000, s30;
	_ =	sdelay $0x1  }
0x99: {  	_ =	swait.ge [sflag:s11], $0x800  }
0x9a: {  	[sflag:s11] =	ssyncset.done $0x0  }
0x9b: {  	[sflag:s11] =	ssyncadd.s32 $0xFFFFF800  }
0x9c: {  	s1 =	sadd.s32 $0x0, s9;
	[bflag:$0x0] =	sbarrier.arrive $0xFFFF  }
0x9d: {  	[tilespmem:s3], [sflag:$0x1] =	stream.linear.gather [hbm4b:s1+s3], $0x400, $0x38;
	[tilespmem:$0x19000] =	vst v63  }
0x9e: {  	_ =	swait.ge [sflag:s11], $0x400  }
0x9f: {  	[sflag:s11] =	ssyncset.done $0x0  }
0xa0: {  	s6 =	sadd.s32 $0x0, s8;
	[sflag:s11] =	ssyncadd.s32 $0xFFFFFC00  }
0xa1: {  	[tilespmem:s12], [sflag:$0x1] =	stream.linear.gather [hbm4b:s6+s3], $0x400, $0x38;
	[tilespmem:$0x19000] =	vst v63  }
0xa2: {  	_ =	swait.ge [sflag:s11], $0x400  }
0xa3: {  	[sflag:s11] =	ssyncset.done $0x0  }
0xa4: {  	[sflag:s11] =	ssyncadd.s32 $0xFFFFFC00  }
0xa5: {  	[tilespmem:s14], [sflag:$0x1] =	stream.indirect.gather [hbm4b:s4+s13], $0x80, s3, s13, $0xb8;
	[tilespmem:$0x19000] =	vst v63  }
0xa6: {  	_ =	swait.ge [sflag:s11], $0x4000  }
0xa7: {  	[sflag:s11] =	ssyncset.done $0x0  }
0xa8: {  	[sflag:s11] =	ssyncadd.s32 $0xFFFFC000  }
0xa9: {  	[spmem:s2] =	stream.indirect.scatter.add.f32 [tilespmem:s14], [sflag:$0x1], $0x80, s12, s13, $0xb8;
	[tilespmem:$0x19000] =	vst v63  }
0xaa: {  	_ =	swait.ge [sflag:s11], $0x4000  }
0xab: {  	[sflag:s11] =	ssyncset.done $0x0  }
0xac: {  	[sflag:s11] =	ssyncadd.s32 $0xFFFFC000  }
0xad: {  	[tilespmem:s14], [sflag:$0x1] =	stream.indirect.gather [hbm4b:s4+s13], $0x80, s13, s13, $0xb8;
	[tilespmem:$0x19000] =	vst v63  }
0xae: {  	_ =	swait.ge [sflag:s11], $0x4000  }
0xaf: {  	[sflag:s11] =	ssyncset.done $0x0  }
0xb0: {  	[sflag:s11] =	ssyncadd.s32 $0xFFFFC000  }
0xb1: {  	[spmem:s2] =	stream.indirect.scatter.add.f32 [tilespmem:s14], [sflag:$0x1], $0x80, s15, s13, $0xb8;
	[tilespmem:$0x19000] =	vst v63  }
0xb2: {  	_ =	swait.ge [sflag:s11], $0x4000  }
0xb3: {  	[sflag:s11] =	ssyncset.done $0x0  }
0xb4: {  	[sflag:s11] =	ssyncadd.s32 $0xFFFFC000  }
0xb5: {  	[tilespmem:s14], [sflag:$0x1] =	stream.indirect.gather [hbm4b:s4+s13], $0x80, s16, s13, $0xb8;
	[tilespmem:$0x19000] =	vst v63  }
0xb6: {  	_ =	swait.ge [sflag:s11], $0x4000  }
0xb7: {  	[sflag:s11] =	ssyncset.done $0x0  }
0xb8: {  	[sflag:s11] =	ssyncadd.s32 $0xFFFFC000  }
0xb9: {  	[spmem:s2] =	stream.indirect.scatter.add.f32 [tilespmem:s14], [sflag:$0x1], $0x80, s17, s13, $0xb8;
	[tilespmem:$0x19000] =	vst v63  }
0xba: {  	_ =	swait.ge [sflag:s11], $0x4000  }
0xbb: {  	[sflag:s11] =	ssyncset.done $0x0  }
0xbc: {  	[sflag:s11] =	ssyncadd.s32 $0xFFFFC000  }
0xbd: {  	[tilespmem:s14], [sflag:$0x1] =	stream.indirect.gather [hbm4b:s4+s13], $0x80, s18, s13, $0xb8;
	[tilespmem:$0x19000] =	vst v63  }
0xbe: {  	_ =	swait.ge [sflag:s11], $0x4000  }
0xbf: {  	[sflag:s11] =	ssyncset.done $0x0  }
0xc0: {  	[sflag:s11] =	ssyncadd.s32 $0xFFFFC000  }
0xc1: {  	[spmem:s2] =	stream.indirect.scatter.add.f32 [tilespmem:s14], [sflag:$0x1], $0x80, s19, s13, $0xb8;
	[tilespmem:$0x19000] =	vst v63  }
0xc2: {  	_ =	swait.ge [sflag:s11], $0x4000  }
0xc3: {  	[sflag:s11] =	ssyncset.done $0x0  }
0xc4: {  	[sflag:s11] =	ssyncadd.s32 $0xFFFFC000  }
0xc5: {  	[tilespmem:s14], [sflag:$0x1] =	stream.indirect.gather [hbm4b:s4+s13], $0x80, s20, s13, $0xb8;
	[tilespmem:$0x19000] =	vst v63  }
0xc6: {  	_ =	swait.ge [sflag:s11], $0x4000  }
0xc7: {  	[sflag:s11] =	ssyncset.done $0x0  }
0xc8: {  	[sflag:s11] =	ssyncadd.s32 $0xFFFFC000  }
0xc9: {  	[spmem:s2] =	stream.indirect.scatter.add.f32 [tilespmem:s14], [sflag:$0x1], $0x80, s21, s13, $0xb8;
	[tilespmem:$0x19000] =	vst v63  }
0xca: {  	_ =	swait.ge [sflag:s11], $0x4000  }
0xcb: {  	[sflag:s11] =	ssyncset.done $0x0  }
0xcc: {  	[sflag:s11] =	ssyncadd.s32 $0xFFFFC000  }
0xcd: {  	[tilespmem:s14], [sflag:$0x1] =	stream.indirect.gather [hbm4b:s4+s13], $0x80, s22, s13, $0xb8;
	[tilespmem:$0x19000] =	vst v63  }
0xce: {  	_ =	swait.ge [sflag:s11], $0x4000  }
0xcf: {  	[sflag:s11] =	ssyncset.done $0x0  }
0xd0: {  	[sflag:s11] =	ssyncadd.s32 $0xFFFFC000  }
0xd1: {  	[spmem:s2] =	stream.indirect.scatter.add.f32 [tilespmem:s14], [sflag:$0x1], $0x80, s23, s13, $0xb8;
	[tilespmem:$0x19000] =	vst v63  }
0xd2: {  	_ =	swait.ge [sflag:s11], $0x4000  }
0xd3: {  	[sflag:s11] =	ssyncset.done $0x0  }
0xd4: {  	[sflag:s11] =	ssyncadd.s32 $0xFFFFC000  }
0xd5: {  	[tilespmem:s14], [sflag:$0x1] =	stream.indirect.gather [hbm4b:s4+s13], $0x80, s24, s13, $0xb8;
	[tilespmem:$0x19000] =	vst v63  }
0xd6: {  	_ =	swait.ge [sflag:s11], $0x4000  }
0xd7: {  	[sflag:s11] =	ssyncset.done $0x0  }
0xd8: {  	[sflag:s11] =	ssyncadd.s32 $0xFFFFC000  }
0xd9: {  	[spmem:s2] =	stream.indirect.scatter.add.f32 [tilespmem:s14], [sflag:$0x1], $0x80, s25, s13, $0xb8;
	[tilespmem:$0x19000] =	vst v63  }
0xda: {  	_ =	swait.ge [sflag:s11], $0x4000  }
0xdb: {  	[sflag:s11] =	ssyncset.done $0x0  }
0xdc: {  	[sflag:s11] =	ssyncadd.s32 $0xFFFFC000  }
0xdd: {  	[tilespmem:s14], [sflag:$0x1] =	stream.indirect.gather [hbm4b:s4+s13], $0x80, s26, s13, $0xb8;
	[tilespmem:$0x19000] =	vst v63  }
0xde: {  	_ =	swait.ge [sflag:s11], $0x4000  }
0xdf: {  	[sflag:s11] =	ssyncset.done $0x0  }
0xe0: {  	[sflag:s11] =	ssyncadd.s32 $0xFFFFC000  }
0xe1: {  	[spmem:s2] =	stream.indirect.scatter.add.f32 [tilespmem:s14], [sflag:$0x1], $0x80, s28, s13, $0xb8;
	[tilespmem:$0x19000] =	vst v63  }
0xe2: {  	_ =	swait.ge [sflag:s11], $0x4000  }
0xe3: {  	s30 =	simm.s32 $0x80;
	s31 =	simm.s32 $0x100;
	[sflag:s11] =	ssyncset.done $0x0  }
.LBB2_4:
0xe4: {  	s0 =	sadd.s32 s30, s9  }
0xe5: {  	[sflag:s11] =	ssyncadd.s32 $0xFFFFC000;
	s6 =	smov.u32 s31;
	s1 =	sadd.s32 $0x80, s31  }
0xe6: {  	[tilespmem:s3], [sflag:$0x1] =	stream.linear.gather [hbm4b:s0+s3], $0x400, $0x38;
	[tilespmem:$0x19000] =	vst v63  }
0xe7: {  	p0 =	sne.s32 s31, $0x480;
	_ =	swait.ge [sflag:s11], $0x400  }
0xe8: {  	[sflag:s11] =	ssyncset.done $0x0  }
0xe9: {  	s0 =	sadd.s32 s30, s8;
	s30 =	smov.u32 s6;
	[sflag:s11] =	ssyncadd.s32 $0xFFFFFC00  }
0xea: {  	[tilespmem:s12], [sflag:$0x1] =	stream.linear.gather [hbm4b:s0+s3], $0x400, $0x38;
	[tilespmem:$0x19000] =	vst v63  }
0xeb: {  	_ =	swait.ge [sflag:s11], $0x400  }
0xec: {  	[sflag:s11] =	ssyncset.done $0x0  }
0xed: {  	[sflag:s11] =	ssyncadd.s32 $0xFFFFFC00  }
0xee: {  	[tilespmem:s14], [sflag:$0x1] =	stream.indirect.gather [hbm4b:s4+s13], $0x80, s3, s13, $0xb8;
	[tilespmem:$0x19000] =	vst v63  }
0xef: {  	_ =	swait.ge [sflag:s11], $0x4000  }
0xf0: {  	[sflag:s11] =	ssyncset.done $0x0  }
0xf1: {  	[sflag:s11] =	ssyncadd.s32 $0xFFFFC000  }
0xf2: {  	[spmem:s2] =	stream.indirect.scatter.add.f32 [tilespmem:s14], [sflag:$0x1], $0x80, s12, s13, $0xb8;
	[tilespmem:$0x19000] =	vst v63  }
0xf3: {  	_ =	swait.ge [sflag:s11], $0x4000  }
0xf4: {  	[sflag:s11] =	ssyncset.done $0x0  }
0xf5: {  	[sflag:s11] =	ssyncadd.s32 $0xFFFFC000  }
0xf6: {  	[tilespmem:s14], [sflag:$0x1] =	stream.indirect.gather [hbm4b:s4+s13], $0x80, s13, s13, $0xb8;
	[tilespmem:$0x19000] =	vst v63  }
0xf7: {  	_ =	swait.ge [sflag:s11], $0x4000  }
0xf8: {  	[sflag:s11] =	ssyncset.done $0x0  }
0xf9: {  	[sflag:s11] =	ssyncadd.s32 $0xFFFFC000  }
0xfa: {  	[spmem:s2] =	stream.indirect.scatter.add.f32 [tilespmem:s14], [sflag:$0x1], $0x80, s15, s13, $0xb8;
	[tilespmem:$0x19000] =	vst v63  }
0xfb: {  	_ =	swait.ge [sflag:s11], $0x4000  }
0xfc: {  	[sflag:s11] =	ssyncset.done $0x0  }
0xfd: {  	[sflag:s11] =	ssyncadd.s32 $0xFFFFC000  }
0xfe: {  	[tilespmem:s14], [sflag:$0x1] =	stream.indirect.gather [hbm4b:s4+s13], $0x80, s16, s13, $0xb8;
	[tilespmem:$0x19000] =	vst v63  }
0xff: {  	_ =	swait.ge [sflag:s11], $0x4000  }
0x100: {  	[sflag:s11] =	ssyncset.done $0x0  }
0x101: {  	[sflag:s11] =	ssyncadd.s32 $0xFFFFC000  }
0x102: {  	[spmem:s2] =	stream.indirect.scatter.add.f32 [tilespmem:s14], [sflag:$0x1], $0x80, s17, s13, $0xb8;
	[tilespmem:$0x19000] =	vst v63  }
0x103: {  	_ =	swait.ge [sflag:s11], $0x4000  }
0x104: {  	[sflag:s11] =	ssyncset.done $0x0  }
0x105: {  	[sflag:s11] =	ssyncadd.s32 $0xFFFFC000  }
0x106: {  	[tilespmem:s14], [sflag:$0x1] =	stream.indirect.gather [hbm4b:s4+s13], $0x80, s18, s13, $0xb8;
	[tilespmem:$0x19000] =	vst v63  }
0x107: {  	_ =	swait.ge [sflag:s11], $0x4000  }
0x108: {  	[sflag:s11] =	ssyncset.done $0x0  }
0x109: {  	[sflag:s11] =	ssyncadd.s32 $0xFFFFC000  }
0x10a: {  	[spmem:s2] =	stream.indirect.scatter.add.f32 [tilespmem:s14], [sflag:$0x1], $0x80, s19, s13, $0xb8;
	[tilespmem:$0x19000] =	vst v63  }
0x10b: {  	_ =	swait.ge [sflag:s11], $0x4000  }
0x10c: {  	[sflag:s11] =	ssyncset.done $0x0  }
0x10d: {  	[sflag:s11] =	ssyncadd.s32 $0xFFFFC000  }
0x10e: {  	[tilespmem:s14], [sflag:$0x1] =	stream.indirect.gather [hbm4b:s4+s13], $0x80, s20, s13, $0xb8;
	[tilespmem:$0x19000] =	vst v63  }
0x10f: {  	_ =	swait.ge [sflag:s11], $0x4000  }
0x110: {  	[sflag:s11] =	ssyncset.done $0x0  }
0x111: {  	[sflag:s11] =	ssyncadd.s32 $0xFFFFC000  }
0x112: {  	[spmem:s2] =	stream.indirect.scatter.add.f32 [tilespmem:s14], [sflag:$0x1], $0x80, s21, s13, $0xb8;
	[tilespmem:$0x19000] =	vst v63  }
0x113: {  	_ =	swait.ge [sflag:s11], $0x4000  }
0x114: {  	[sflag:s11] =	ssyncset.done $0x0  }
0x115: {  	[sflag:s11] =	ssyncadd.s32 $0xFFFFC000  }
0x116: {  	[tilespmem:s14], [sflag:$0x1] =	stream.indirect.gather [hbm4b:s4+s13], $0x80, s22, s13, $0xb8;
	[tilespmem:$0x19000] =	vst v63  }
0x117: {  	_ =	swait.ge [sflag:s11], $0x4000  }
0x118: {  	[sflag:s11] =	ssyncset.done $0x0  }
0x119: {  	[sflag:s11] =	ssyncadd.s32 $0xFFFFC000  }
0x11a: {  	[spmem:s2] =	stream.indirect.scatter.add.f32 [tilespmem:s14], [sflag:$0x1], $0x80, s23, s13, $0xb8;
	[tilespmem:$0x19000] =	vst v63  }
0x11b: {  	_ =	swait.ge [sflag:s11], $0x4000  }
0x11c: {  	[sflag:s11] =	ssyncset.done $0x0  }
0x11d: {  	[sflag:s11] =	ssyncadd.s32 $0xFFFFC000  }
0x11e: {  	[tilespmem:s14], [sflag:$0x1] =	stream.indirect.gather [hbm4b:s4+s13], $0x80, s24, s13, $0xb8;
	[tilespmem:$0x19000] =	vst v63  }
0x11f: {  	_ =	swait.ge [sflag:s11], $0x4000  }
0x120: {  	[sflag:s11] =	ssyncset.done $0x0  }
0x121: {  	[sflag:s11] =	ssyncadd.s32 $0xFFFFC000  }
0x122: {  	[spmem:s2] =	stream.indirect.scatter.add.f32 [tilespmem:s14], [sflag:$0x1], $0x80, s25, s13, $0xb8;
	[tilespmem:$0x19000] =	vst v63  }
0x123: {  	_ =	swait.ge [sflag:s11], $0x4000  }
0x124: {  	[sflag:s11] =	ssyncset.done $0x0  }
0x125: {  	[sflag:s11] =	ssyncadd.s32 $0xFFFFC000  }
0x126: {  	[tilespmem:s14], [sflag:$0x1] =	stream.indirect.gather [hbm4b:s4+s13], $0x80, s26, s13, $0xb8;
	[tilespmem:$0x19000] =	vst v63  }
0x127: {  	_ =	swait.ge [sflag:s11], $0x4000  }
.Ltmp1:
0x128: {  	[sflag:s11] =	ssyncset.done $0x0;
	(pc) =	sbr.rel @p0 .LBB2_4-.Ltmp1, $4  }
0x129: {  	[sflag:s11] =	ssyncadd.s32 $0xFFFFC000  }
0x12a: {  	[spmem:s2] =	stream.indirect.scatter.add.f32 [tilespmem:s14], [sflag:$0x1], $0x80, s28, s13, $0xb8;
	[tilespmem:$0x19000] =	vst v63  }
0x12b: {  	_ =	swait.ge [sflag:s11], $0x4000  }
0x12c: {  	s31 =	smov.u32 s1;
	[sflag:s11] =	ssyncset.done $0x0  }
0x12d: {  	s0 =	sadd.s32 s30, s9;
	[sflag:s11] =	ssyncadd.s32 $0xFFFFC000  }
0x12e: {  	[tilespmem:s3], [sflag:$0x1] =	stream.linear.gather [hbm4b:s0+s3], $0x400, $0x38;
	[tilespmem:$0x19000] =	vst v63  }
0x12f: {  	_ =	swait.ge [sflag:s11], $0x400  }
0x130: {  	[sflag:s11] =	ssyncset.done $0x0  }
0x131: {  	s30 =	sadd.s32 s30, s8;
	[sflag:s11] =	ssyncadd.s32 $0xFFFFFC00  }
0x132: {  	[tilespmem:s12], [sflag:$0x1] =	stream.linear.gather [hbm4b:s30+s3], $0x400, $0x38;
	[tilespmem:$0x19000] =	vst v63  }
0x133: {  	_ =	swait.ge [sflag:s11], $0x400  }
0x134: {  	[sflag:s11] =	ssyncset.done $0x0  }
0x135: {  	[sflag:s11] =	ssyncadd.s32 $0xFFFFFC00  }
0x136: {  	[tilespmem:s14], [sflag:$0x1] =	stream.indirect.gather [hbm4b:s4+s13], $0x80, s3, s13, $0xb8;
	[tilespmem:$0x19000] =	vst v63  }
0x137: {  	_ =	swait.ge [sflag:s11], $0x4000  }
0x138: {  	[sflag:s11] =	ssyncset.done $0x0  }
0x139: {  	[sflag:s11] =	ssyncadd.s32 $0xFFFFC000  }
0x13a: {  	[spmem:s2] =	stream.indirect.scatter.add.f32 [tilespmem:s14], [sflag:$0x1], $0x80, s12, s13, $0xb8;
	[tilespmem:$0x19000] =	vst v63  }
0x13b: {  	_ =	swait.ge [sflag:s11], $0x4000  }
0x13c: {  	[sflag:s11] =	ssyncset.done $0x0  }
0x13d: {  	[sflag:s11] =	ssyncadd.s32 $0xFFFFC000  }
0x13e: {  	[tilespmem:s14], [sflag:$0x1] =	stream.indirect.gather [hbm4b:s4+s13], $0x80, s13, s13, $0xb8;
	[tilespmem:$0x19000] =	vst v63  }
0x13f: {  	_ =	swait.ge [sflag:s11], $0x4000  }
0x140: {  	[sflag:s11] =	ssyncset.done $0x0  }
0x141: {  	[sflag:s11] =	ssyncadd.s32 $0xFFFFC000  }
0x142: {  	[spmem:s2] =	stream.indirect.scatter.add.f32 [tilespmem:s14], [sflag:$0x1], $0x80, s15, s13, $0xb8;
	[tilespmem:$0x19000] =	vst v63  }
0x143: {  	_ =	swait.ge [sflag:s11], $0x4000  }
0x144: {  	[sflag:s11] =	ssyncset.done $0x0  }
0x145: {  	[sflag:s11] =	ssyncadd.s32 $0xFFFFC000  }
0x146: {  	[tilespmem:s14], [sflag:$0x1] =	stream.indirect.gather [hbm4b:s4+s13], $0x80, s16, s13, $0xb8;
	[tilespmem:$0x19000] =	vst v63  }
0x147: {  	_ =	swait.ge [sflag:s11], $0x4000  }
0x148: {  	[sflag:s11] =	ssyncset.done $0x0  }
0x149: {  	[sflag:s11] =	ssyncadd.s32 $0xFFFFC000  }
0x14a: {  	[spmem:s2] =	stream.indirect.scatter.add.f32 [tilespmem:s14], [sflag:$0x1], $0x80, s17, s13, $0xb8;
	[tilespmem:$0x19000] =	vst v63  }
0x14b: {  	_ =	swait.ge [sflag:s11], $0x4000  }
0x14c: {  	[sflag:s11] =	ssyncset.done $0x0  }
0x14d: {  	[sflag:s11] =	ssyncadd.s32 $0xFFFFC000  }
0x14e: {  	[tilespmem:s14], [sflag:$0x1] =	stream.indirect.gather [hbm4b:s4+s13], $0x80, s18, s13, $0xb8;
	[tilespmem:$0x19000] =	vst v63  }
0x14f: {  	_ =	swait.ge [sflag:s11], $0x4000  }
0x150: {  	[sflag:s11] =	ssyncset.done $0x0  }
0x151: {  	[sflag:s11] =	ssyncadd.s32 $0xFFFFC000  }
0x152: {  	[spmem:s2] =	stream.indirect.scatter.add.f32 [tilespmem:s14], [sflag:$0x1], $0x80, s19, s13, $0xb8;
	[tilespmem:$0x19000] =	vst v63  }
0x153: {  	_ =	swait.ge [sflag:s11], $0x4000  }
0x154: {  	[sflag:s11] =	ssyncset.done $0x0  }
0x155: {  	[sflag:s11] =	ssyncadd.s32 $0xFFFFC000  }
0x156: {  	[tilespmem:s14], [sflag:$0x1] =	stream.indirect.gather [hbm4b:s4+s13], $0x80, s20, s13, $0xb8;
	[tilespmem:$0x19000] =	vst v63  }
0x157: {  	_ =	swait.ge [sflag:s11], $0x4000  }
0x158: {  	[sflag:s11] =	ssyncset.done $0x0  }
0x159: {  	[sflag:s11] =	ssyncadd.s32 $0xFFFFC000  }
0x15a: {  	[spmem:s2] =	stream.indirect.scatter.add.f32 [tilespmem:s14], [sflag:$0x1], $0x80, s21, s13, $0xb8;
	[tilespmem:$0x19000] =	vst v63  }
0x15b: {  	_ =	swait.ge [sflag:s11], $0x4000  }
0x15c: {  	[sflag:s11] =	ssyncset.done $0x0  }
0x15d: {  	[sflag:s11] =	ssyncadd.s32 $0xFFFFC000  }
0x15e: {  	[tilespmem:s14], [sflag:$0x1] =	stream.indirect.gather [hbm4b:s4+s13], $0x80, s22, s13, $0xb8;
	[tilespmem:$0x19000] =	vst v63  }
0x15f: {  	_ =	swait.ge [sflag:s11], $0x4000  }
0x160: {  	[sflag:s11] =	ssyncset.done $0x0  }
0x161: {  	[sflag:s11] =	ssyncadd.s32 $0xFFFFC000  }
0x162: {  	[spmem:s2] =	stream.indirect.scatter.add.f32 [tilespmem:s14], [sflag:$0x1], $0x80, s23, s13, $0xb8;
	[tilespmem:$0x19000] =	vst v63  }
0x163: {  	_ =	swait.ge [sflag:s11], $0x4000  }
0x164: {  	[sflag:s11] =	ssyncset.done $0x0  }
0x165: {  	[sflag:s11] =	ssyncadd.s32 $0xFFFFC000  }
0x166: {  	[tilespmem:s14], [sflag:$0x1] =	stream.indirect.gather [hbm4b:s4+s13], $0x80, s24, s13, $0xb8;
	[tilespmem:$0x19000] =	vst v63  }
0x167: {  	_ =	swait.ge [sflag:s11], $0x4000  }
0x168: {  	[sflag:s11] =	ssyncset.done $0x0  }
0x169: {  	[sflag:s11] =	ssyncadd.s32 $0xFFFFC000  }
0x16a: {  	[spmem:s2] =	stream.indirect.scatter.add.f32 [tilespmem:s14], [sflag:$0x1], $0x80, s25, s13, $0xb8;
	[tilespmem:$0x19000] =	vst v63  }
0x16b: {  	_ =	swait.ge [sflag:s11], $0x4000  }
0x16c: {  	[sflag:s11] =	ssyncset.done $0x0  }
0x16d: {  	[sflag:s11] =	ssyncadd.s32 $0xFFFFC000  }
0x16e: {  	[tilespmem:s14], [sflag:$0x1] =	stream.indirect.gather [hbm4b:s4+s13], $0x80, s26, s13, $0xb8;
	[tilespmem:$0x19000] =	vst v63  }
0x16f: {  	_ =	swait.ge [sflag:s11], $0x4000  }
0x170: {  	[sflag:s11] =	ssyncset.done $0x0  }
0x171: {  	[sflag:s11] =	ssyncadd.s32 $0xFFFFC000  }
0x172: {  	[spmem:s2] =	stream.indirect.scatter.add.f32 [tilespmem:s14], [sflag:$0x1], $0x80, s28, s13, $0xb8;
	[tilespmem:$0x19000] =	vst v63  }
0x173: {  	_ =	swait.ge [sflag:s11], $0x4000  }
0x174: {  	s31 =	stileid.u32;
	[sflag:s11] =	ssyncset.done $0x0  }
0x175: {  	s1 =	sshrl.u32 s5, $0x3;
	s29 =	sadd.s32 $0x1, s29;
	[sflag:s11] =	ssyncadd.s32 $0xFFFFC000  }
0x176: {  	s0 =	sshll.u32 s31, $0x6;
	p0 =	sne.s32 s29, s7;
	[bflag:$0x0] =	sbarrier.arrive $0xFFFF  }
.Ltmp2:
0x177: {  	s0 =	sor.u32 $0x1C01, s0;
	s6 =	rddreg [dreg:$0x4];
	(pc) =	sbr.rel @p0 .LBB2_1-.Ltmp2, $4  }
0x178: {  	[hbm:s6], [sflag:s0] =	dma.local [spmem:s1], $0x2800  }
0x179: {  	_ =	swait.ge [sflag:s11], $0x2800  }
0x17a: {  	[sflag:s11] =	ssyncset.done $0x0  }
0x17b: {  	[sflag:s11] =	ssyncadd.s32 $0xFFFFD800  }
0x17c: {  	_ =	sfence.sel $0x180000  }
0x17d: {  	[bflag:$0x0] =	sbarrier.arrive $0xFFFF  }
0x17e: {  	_ =	strace $0x9000004D  }
0x17f: {  	s0 =	stileid.u32;
	[bflag:$0x2] =	sbarrier.arrive $0xFFFF  }
0x180: {  	p0 =	sne.s32 s0, $0x0;
	s0 =	rddreg [dreg:$0x3]  }
0x181: {  	s0 =	sadd.s32 @!p0 $0x100000, s0  }
0x182: {  	[sflag:s0] =	ssyncadd.tile.s32 @!p0 $0x1;
	_ =	shalt  }
.Lfunc_end2:
_tile_overlayer_lowered:
.L_overlay_start_2:
0x183: {  	(tag) =	ssettag $0x2  }
0x184: {  	s0 =	rddreg [dreg:$0x0];
	s2 =	stileid.u32  }
0x185: {  	s1 =	rddreg [dreg:$0x1];
	p0 =	sne.s32 s2, $0x0  }
0x186: {  	s3 =	rddreg [dreg:$0x2];
	[bflag:$0x3] =	sbarrier.arrive $0xFFFF;
	s2 =	simm.s32 @!p0 $0x1C01  }
0x187: {  	[timem:s3], [sflag:s2] =	dma.local @!p0 [hbm:s0], s1  }
0x188: {  	s0 =	simm.s32 @!p0 $0x1  }
0x189: {  	_ =	swait.ge @!p0 [sflag:s0], s1  }
0x18a: {  	s1 =	ssub.s32 @!p0 $0x0, s1;
	[sflag:s0] =	ssyncset.done @!p0 $0x0  }
0x18b: {  	[sflag:s0] =	ssyncadd.s32 @!p0 s1  }
0x18c: {  	[bflag:$0x3] =	sbarrier.arrive $0xFFFF  }
0x18d: {  	_ =	shalt  }

// kernel: kernel.7.cloned.1.call-start
scs
__scs_entry_jumppad:
0x0: {  	(pc) =	sbr.rel $0x88, $3  }
0x1: {  	(tag) =	ssettag $0x0;
	lr =	simm.s32 $0x1  }
0x2: {  	[smem:$0x3F99] =	sst lr;
	_ =	strace $0xD0000000  }
0x3: {  	_ = 	snop  }
0x4: {  	_ = 	snop  }
0x5: {  	_ = 	snop  }
0x6: {  	_ = 	snop  }
0x7: {  	_ = 	snop  }
__scs_overlays_trampoline_lowered:
0x8: {  	[smem:$0x3FA8] =	sst s0  }
0x9: {  	[smem:$0x3FA9] =	sst s1  }
0xa: {  	[smem:$0x3FAA] =	sst s2  }
0xb: {  	[smem:$0x3FAB] =	sst s3  }
0xc: {  	[smem:$0x3FAC] =	sst s4  }
0xd: {  	[smem:$0x3FAD] =	sst s5  }
0xe: {  	[smem:$0x3FAE] =	sst s6  }
0xf: {  	[smem:$0x3FAF] =	sst s7  }
0x10: {  	[smem:$0x3FB0] =	sst s8  }
0x11: {  	[smem:$0x3FB1] =	sst s9;
	s0 =	simm.s32 @!p0 $0x0  }
0x12: {  	s1 =	sld [smem:$0x3F97];
	s0 =	simm.s32 @p0 $0x1  }
0x13: {  	[smem:$0x3FB2] =	sst s0;
	s0 =	simm.s32 @!p1 $0x0  }
0x14: {  	s2 =	sld [smem:$0x3F96];
	s0 =	simm.s32 @p1 $0x1  }
0x15: {  	[smem:$0x3FB3] =	sst s0;
	s0 =	simm.s32 @!p2 $0x0  }
0x16: {  	s3 =	sld [smem:$0x3FDB];
	s0 =	simm.s32 @p2 $0x1  }
0x17: {  	s4 =	simm.s32 $0x1BF5;
	[smem:$0x3FB5] =	sst s0  }
0x18: {  	s0 =	sld [smem:$0x3F98];
	_ =	swait.ge [sflag:s4], $0x0  }
0x19: {  	s7 =	sld [smem:$0x3F99]  }
0x1a: {  	s8 =	sadd.s32 $0xFFFFE003, lr  }
0x1b: {  	s9 =	sadd.s32 $0xFFFFFEF7, lr;
	s5 =	simm.s32 $0xFFFFFFFF;
	p2 =	slt.u32 s8, $0xFFFFF086  }
0x1c: {  	p1 =	slt.u32 s9, $0xF7A;
	s5 =	simm.s32 @!p2 $0x0  }
0x1d: {  	s5 =	simm.s32 @p1 $0x1;
	p0 =	seq.s32 s7, s2  }
0x1e: {  	s7 =	smul.u32 @!p0 $0xF7A, s2;
	p2 =	seq.s32 @!p0 s5, $0x0  }
0x1f: {  	s9 =	smul.u32 $0xF7A, s1;
	s8 =	simm.s32 @!p0 $0x1BF5;
	p2 =	por !p2, p0  }
0x20: {  	[sflag:s8] =	ssyncset.s32 @!p0 $0xFFFFF086;
	s6 =	sadd.s32 @!p0 s3, s7;
	s7 =	simm.s32 @!p0 $0x108  }
0x21: {  	s3 =	sadd.s32 s3, s9;
	s6 =	sadd.s32 @!p0 $0x88, s6;
	s7 =	simm.s32 @p2 $0x1082  }
0x22: {  	[simem:s7], [sflag:s8] =	dma.local @!p0 [hbm:s6], $0xF7A  }
0x23: {  	s9 =	sor.u32 $0xD0000000, s2;
	s6 =	simm.s32 $0x108;
	_ =	swait.ge @!p0 [sflag:s8], $0x0  }
0x24: {  	s3 =	sadd.s32 $0x88, s3;
	s6 =	simm.s32 @!p1 $0x1082;
	[sflag:s4] =	ssyncset.s32 $0xFFFFF086  }
0x25: {  	[simem:s6], [sflag:s4] =	dma.local [hbm:s3], $0xF7A  }
0x26: {  	[smem:$0x3F99] =	sst s1;
	(tag) =	ssettag s2;
	_ =	strace s9  }
0x27: {  	s1 =	sld [smem:$0x3FA9]  }
0x28: {  	s2 =	sld [smem:$0x3FAA]  }
0x29: {  	s4 =	sld [smem:$0x3FAC]  }
0x2a: {  	p0 =	seq.s32 s5, $0x0;
	s5 =	sld [smem:$0x3FAD]  }
0x2b: {  	s6 =	sld [smem:$0x3FAE]  }
0x2c: {  	s7 =	sld [smem:$0x3FAF]  }
0x2d: {  	s3 =	simm.s32 $0x108;
	s8 =	sld [smem:$0x3FB0]  }
0x2e: {  	s3 =	simm.s32 @!p0 $0x1082;
	s9 =	sld [smem:$0x3FB1]  }
0x2f: {  	lr =	sadd.s32 s0, s3;
	s0 =	sld [smem:$0x3FA8]  }
0x30: {  	s3 =	sld [smem:$0x3FAB]  }
0x31: {  	[smem:$0x3FB4] =	sst s10  }
0x32: {  	s10 =	sld [smem:$0x3FB2];
	_ =	sdelay $0x3  }
0x33: {  	p0 =	seq.s32 s10, $0x1;
	s10 =	sld [smem:$0x3FB4];
	_ =	sdelay $0x3  }
0x34: {  	[smem:$0x3FB4] =	sst s10  }
0x35: {  	s10 =	sld [smem:$0x3FB3];
	_ =	sdelay $0x3  }
0x36: {  	p1 =	seq.s32 s10, $0x1;
	s10 =	sld [smem:$0x3FB4];
	_ =	sdelay $0x3  }
0x37: {  	[smem:$0x3FB4] =	sst s10  }
0x38: {  	s10 =	sld [smem:$0x3FB5]  }
0x39: {  	_ = 	snop;
	(pc) =	sbr.ind lr, $3  }
0x3a: {  	_ = 	snop  }
0x3b: {  	_ = 	snop  }
0x3c: {  	p2 =	seq.s32 s10, $0x1;
	s10 =	sld [smem:$0x3FB4]  }
0x3d: {  	_ =	shalt  }
0x3e: {  	_ =	shalt  }
0x3f: {  	_ =	shalt  }
0x40: {  	_ =	shalt  }
0x41: {  	_ =	shalt  }
0x42: {  	_ =	shalt  }
0x43: {  	_ =	shalt  }
0x44: {  	_ =	shalt  }
0x45: {  	_ =	shalt  }
0x46: {  	_ =	shalt  }
0x47: {  	_ =	shalt  }
0x48: {  	_ =	shalt  }
0x49: {  	_ =	shalt  }
0x4a: {  	_ =	shalt  }
0x4b: {  	_ =	shalt  }
0x4c: {  	_ =	shalt  }
0x4d: {  	_ =	shalt  }
0x4e: {  	_ =	shalt  }
0x4f: {  	_ =	shalt  }
0x50: {  	_ =	shalt  }
0x51: {  	_ =	shalt  }
0x52: {  	_ =	shalt  }
0x53: {  	_ =	shalt  }
0x54: {  	_ =	shalt  }
0x55: {  	_ =	shalt  }
0x56: {  	_ =	shalt  }
0x57: {  	_ =	shalt  }
0x58: {  	_ =	shalt  }
0x59: {  	_ =	shalt  }
0x5a: {  	_ =	shalt  }
0x5b: {  	_ =	shalt  }
0x5c: {  	_ =	shalt  }
0x5d: {  	_ =	shalt  }
0x5e: {  	_ =	shalt  }
0x5f: {  	_ =	shalt  }
0x60: {  	_ =	shalt  }
0x61: {  	_ =	shalt  }
0x62: {  	_ =	shalt  }
0x63: {  	_ =	shalt  }
0x64: {  	_ =	shalt  }
0x65: {  	_ =	shalt  }
0x66: {  	_ =	shalt  }
0x67: {  	_ =	shalt  }
0x68: {  	_ =	shalt  }
0x69: {  	_ =	shalt  }
0x6a: {  	_ =	shalt  }
0x6b: {  	_ =	shalt  }
0x6c: {  	_ =	shalt  }
0x6d: {  	_ =	shalt  }
0x6e: {  	_ =	shalt  }
0x6f: {  	_ =	shalt  }
0x70: {  	_ =	shalt  }
0x71: {  	_ =	shalt  }
0x72: {  	_ =	shalt  }
0x73: {  	_ =	shalt  }
0x74: {  	_ =	shalt  }
0x75: {  	_ =	shalt  }
0x76: {  	_ =	shalt  }
0x77: {  	_ =	shalt  }
0x78: {  	_ =	shalt  }
0x79: {  	_ =	shalt  }
0x7a: {  	_ =	shalt  }
0x7b: {  	_ =	shalt  }
0x7c: {  	_ =	shalt  }
0x7d: {  	_ =	shalt  }
0x7e: {  	_ =	shalt  }
0x7f: {  	_ =	shalt  }
0x80: {  	_ =	shalt  }
0x81: {  	_ =	shalt  }
0x82: {  	_ =	shalt  }
0x83: {  	_ =	shalt  }
0x84: {  	_ =	shalt  }
0x85: {  	_ =	shalt  }
0x86: {  	_ =	shalt  }
0x87: {  	_ =	shalt  }
.Lfunc_end0:
.L_simem_size_0:
called_computation_lowered:
.L_overlay_start_0:
0x88: {  	s2 =	sld [smem:$0x3FD9]  }
0x89: {  	s3 =	sld [smem:$0x3FFE];
	_ =	sdelay $0x1  }
0x8a: {  	s1 =	srdreg.scid  }
0x8b: {  	s0 =	sand.u32 $0x1, s1  }
0x8c: {  	s17 =	sshll.u32 s0, $0xA;
	s2 =	sadd.s32 s3, s2  }
0x8d: {  	s2 =	sadd.s32 s2, s17  }
0x8e: {  	[smem:$0x3FC0] =	sst s2  }
0x8f: {  	_ = 	snop  }
0x90: {  	s18 =	sld [smem:$0x3FD0];
	(tm) =	ssettm $0x1  }
0x91: {  	s19 =	sld [smem:$0x3FFB];
	_ =	sdelay $0x3  }
0x92: {  	_ =	strace s19  }
0x93: {  	s2 =	sld [smem:$0x3FFC];
	_ =	sdelay $0x3  }
0x94: {  	_ =	strace s2  }
0x95: {  	s2 =	sld [smem:$0x3FFD];
	_ =	sdelay $0x3  }
0x96: {  	_ =	strace s2  }
0x97: {  	_ =	strace $0x8FFFFFFF  }
0x98: {  	s20 =	sld [smem:$0x3FDB];
	_ =	sdelay $0x1  }
0x99: {  	s4 =	simm.s32 $_scs_section_size  }
0x9a: {  	s5 =	simm.s32 $_size__tile_overlayer_lowered;
	s6 =	simm.s32 $_tile_overlayer_lowered  }
0x9b: {  	s7 =	simm.s32 $0x1BFF;
	s21 =	sshll.u32 s6, $0x1;
	s4 =	sadd.s32 s4, s20  }
0x9c: {  	s22 =	simm.s32 $0x0;
	s5 =	sshll.u32 s5, $0x1;
	s6 =	sadd.s32 s21, s4  }
0x9d: {  	[timem:s22], [sflag:s7] =	dma.local [hbm:s6], s5  }
0x9e: {  	_ =	swait.ge [sflag:s7], s5  }
0x9f: {  	s5 =	ssub.s32 $0x0, s5;
	[sflag:s7] =	ssyncset.done $0x0  }
0xa0: {  	[sflag:s7] =	ssyncadd.s32 s5;
	_ =	sdelay $0x1  }
0xa1: {  	s23 =	simm.s32 $0x1B8B  }
0xa2: {  	_ =	swait.ge [sflag:s23], $0x1  }
0xa3: {  	[sflag:s23] =	ssyncset.done $0x0  }
0xa4: {  	[sflag:s23] =	ssyncadd.s32 $0xFFFFFFFF  }
0xa5: {  	s5 =	sld [smem:$0x0]  }
0xa6: {  	s6 =	sand.u32 $0xFFFFFFFE, s1  }
0xa7: {  	p0 =	sne.s32 s1, s6  }
0xa8: {  	s6 =	sshll.u32 @p0 s6, $0xE  }
0xa9: {  	s6 =	sadd.s32 @p0 $0x11B8D, s6;
	s7 =	sshll.u32 @p0 s5, $0x11  }
0xaa: {  	s6 =	sor.u32 @p0 s7, s6  }
0xab: {  	[sflag:s6] =	ssyncadd.remote.s32 @p0 $0x1;
	_ =	sdelay $0x1  }
0xac: {  	s6 =	simm.s32 @p0 $0x1B8D  }
0xad: {  	_ =	swait.eq @p0 [sflag:s6], $0x1  }
0xae: {  	[sflag:s6] =	ssyncadd.s32 @p0 $0xFFFFFFFF  }
0xaf: {  	s7 =	sshll.u32 @!p0 s1, $0xE  }
0xb0: {  	s7 =	sor.u32 @!p0 $0x4000, s7;
	s6 =	simm.s32 @!p0 $0x1B8D  }
0xb1: {  	s5 =	sshll.u32 @!p0 s5, $0x11;
	s7 =	sadd.s32 @!p0 $0x11B8D, s7;
	_ =	swait.eq @!p0 [sflag:s6], $0x1  }
0xb2: {  	s5 =	sor.u32 @!p0 s5, s7;
	[sflag:s6] =	ssyncadd.s32 @!p0 $0xFFFFFFFF  }
0xb3: {  	s25 =	simm.s32 $0x1B8E;
	s24 =	sld [smem:$0x3FFE];
	[sflag:s5] =	ssyncadd.remote.s32 @!p0 $0x1  }
0xb4: {  	s26 =	simm.s32 $execute0_lowered;
	[smem:$0x3FD2] =	sst s25  }
0xb5: {  	s6 =	sshll.u32 s26, $0x1;
	_ =	strace $0x80000049;
	[dreg:$0x1] =	wrdreg $0xFFFFFFFF  }
0xb6: {  	s28 =	simm.s32 $_size_execute0_lowered;
	s4 =	sadd.s32 s4, s6;
	[dreg:$0x0] =	wrdreg $0x0  }
0xb7: {  	s6 =	sshll.u32 s28, $0x1;
	[dreg:$0x2] =	wrdreg s4  }
0xb8: {  	[dreg:$0x3] =	wrdreg s6  }
0xb9: {  	[dreg:$0x4] =	wrdreg $0xC0  }
0xba: {  	_ =	task [dreg:s22], $0x5FFFF  }
0xbb: {  	[dreg:$0x1] =	wrdreg $0xFFFFFFFF  }
0xbc: {  	[dreg:$0x0] =	wrdreg $0x60  }
0xbd: {  	[dreg:$0x2] =	wrdreg s24  }
0xbe: {  	[dreg:$0x3] =	wrdreg s18  }
0xbf: {  	[dreg:$0x4] =	wrdreg $0x50000  }
0xc0: {  	[dreg:$0x5] =	wrdreg $0x9  }
0xc1: {  	_ =	task.clear_ibuf [dreg:s22], $0x6FFFF;
	_ =	strace $0x90000049  }
0xc2: {  	s29 =	simm.s32 $0x9;
	_ =	strace $0x8000004B  }
0xc3: {  	_ =	swait.ge [sflag:s29], $0x1  }
0xc4: {  	[sflag:s29] =	ssyncadd.s32 $0xFFFFFFFF  }
0xc5: {  	_ =	strace $0x9000004B  }
0xc6: {  	_ =	sfence  }
0xc7: {  	s30 =	sld [smem:$0x0];
	_ =	sdelay $0x2  }
0xc8: {  	s31 =	sshll.u32 s1, $0xD;
	s1 =	sshrl.u32 s1, $0x2  }
0xc9: {  	s4 =	sand.u32 $0x4000, s31;
	s1 =	sadd.s32 s1, s30  }
0xca: {  	s0 =	sor.u32 s4, s0;
	s1 =	sshll.u32 s1, $0x11  }
0xcb: {  	s0 =	sor.u32 s1, s0  }
0xcc: {  	s0 =	sadd.s32 $0x8F2B, s0  }
0xcd: {  	[sflag:s0] =	ssyncadd.remote.s32 $0x1  }
0xce: {  	_ =	sfence.sel $0xFFFF  }
0xcf: {  	[dreg:$0x0] =	wrdreg $0xFFFFFFFF;
	(pc) =	sbr.abs _section_cstart, $3  }
0xd0: {  	[dreg:$0x1] =	wrdreg $0xFFFFFFFF  }
0xd1: {  	_ =	task.clear_ibuf [dreg:s22], $0x2FFFF;
	_ =	strace $0x9FFFFFFF  }
0xd2: {  	(tm) =	ssettm $0x7FFFFFFF  }
0xd3: {  	_ =	shalt  }
tec
execute0_lowered:
.L_overlay_start_1:
0x0: {  	(tag) =	ssettag $0x1  }
0x1: {  	s1 =	rddreg [dreg:$0x0]  }
0x2: {  	s0 =	srdreg.scid;
	s9 =	rddreg [dreg:$0x1]  }
0x3: {  	s23 =	stileid.u32;
	s2 =	rddreg [dreg:$0x2]  }
0x4: {  	s3 =	simm.s32 $0x0;
	s12 =	simm.s32 $0x400;
	s13 =	simm.s32 $0x80  }
0x5: {  	s14 =	simm.s32 $0x800;
	s15 =	simm.s32 $0x480;
	s16 =	simm.s32 $0x100  }
0x6: {  	s17 =	simm.s32 $0x500;
	s18 =	simm.s32 $0x180;
	s19 =	simm.s32 $0x580  }
0x7: {  	s20 =	simm.s32 $0x200;
	s21 =	simm.s32 $0x600;
	s6 =	smul.u32 $0x2800, s23  }
0x8: {  	s22 =	simm.s32 $0x280;
	s28 =	simm.s32 $0x780;
	s8 =	smul.u32 $0x14000, s23  }
0x9: {  	s29 =	simm.s32 $0x0;
	s5 =	sand.u32 $0x1, s0;
	s25 =	smul.u32 $0x50000, s23  }
0xa: {  	[smem:$0x7FF] =	sst s3;
	s23 =	simm.s32 $0x680;
	s4 =	smul.u32 $0x28000, s5  }
0xb: {  	s7 =	smul.u32 $0x140000, s5;
	_ =	strace $0x8000004A;
	s5 =	ssub.s32 $0x2, s5  }
0xc: {  	s11 =	sshrl.u32 s5, $0x1;
	s30 =	sshrl.u32 s25, $0x2;
	s25 =	simm.s32 $0x700  }
0xd: {  	s6 =	sadd.s32 s6, s4;
	s4 =	sadd.s32 $0x16A00, s1;
	s24 =	sadd.s32 s8, s7  }
0xe: {  	s11 =	ssub.s32 s5, s11;
	s5 =	sadd.s32 s30, s2;
	s10 =	sshrl.u32 s6, $0x3  }
0xf: {  	s6 =	sshrl.u32 s24, $0x3;
	s7 =	smax.u32 s11, $0x1;
	s11 =	simm.s32 $0x1  }
0x10: {  	s24 =	simm.s32 $0x300;
	s26 =	sadd.s32 s10, s1;
	s1 =	sadd.s32 s6, s1  }
0x11: {  	s9 =	sadd.s32 s10, s9;
	s10 =	simm.s32 $0x4800;
	s31 =	sadd.s32 $0x3EA00, s1  }
0x12: {  	v0 =	vimm.f32 $0.0e+00;
	s8 =	sadd.s32 $0x2A00, s26;
	s26 =	simm.s32 $0x380;
	[dreg:$0x4] =	wrdreg s31  }
.LBB2_1:
0x13: {  	[tilespmem:$0x4800] =	vst v0  }
0x14: {  	[tilespmem:$0x4810] =	vst v0  }
0x15: {  	[tilespmem:$0x4820] =	vst v0  }
0x16: {  	[tilespmem:$0x4830] =	vst v0  }
0x17: {  	[tilespmem:$0x4840] =	vst v0  }
0x18: {  	[tilespmem:$0x4850] =	vst v0  }
0x19: {  	[tilespmem:$0x4860] =	vst v0  }
0x1a: {  	[tilespmem:$0x4870] =	vst v0  }
0x1b: {  	[tilespmem:$0x4880] =	vst v0  }
0x1c: {  	[tilespmem:$0x4890] =	vst v0  }
0x1d: {  	[tilespmem:$0x48A0] =	vst v0  }
0x1e: {  	[tilespmem:$0x48B0] =	vst v0  }
0x1f: {  	[tilespmem:$0x48C0] =	vst v0  }
0x20: {  	[tilespmem:$0x48D0] =	vst v0  }
0x21: {  	[tilespmem:$0x48E0] =	vst v0  }
0x22: {  	[tilespmem:$0x48F0] =	vst v0  }
0x23: {  	[tilespmem:$0x4900] =	vst v0  }
0x24: {  	[tilespmem:$0x4910] =	vst v0  }
0x25: {  	[tilespmem:$0x4920] =	vst v0  }
0x26: {  	[tilespmem:$0x4930] =	vst v0  }
0x27: {  	[tilespmem:$0x4940] =	vst v0  }
0x28: {  	[tilespmem:$0x4950] =	vst v0  }
0x29: {  	[tilespmem:$0x4960] =	vst v0  }
0x2a: {  	[tilespmem:$0x4970] =	vst v0  }
0x2b: {  	[tilespmem:$0x4980] =	vst v0  }
0x2c: {  	[tilespmem:$0x4990] =	vst v0  }
0x2d: {  	[tilespmem:$0x49A0] =	vst v0  }
0x2e: {  	[tilespmem:$0x49B0] =	vst v0  }
0x2f: {  	[tilespmem:$0x49C0] =	vst v0  }
0x30: {  	[tilespmem:$0x49D0] =	vst v0  }
0x31: {  	[tilespmem:$0x49E0] =	vst v0  }
0x32: {  	[tilespmem:$0x49F0] =	vst v0  }
0x33: {  	[tilespmem:$0x4A00] =	vst v0  }
0x34: {  	[tilespmem:$0x4A10] =	vst v0  }
0x35: {  	[tilespmem:$0x4A20] =	vst v0  }
0x36: {  	[tilespmem:$0x4A30] =	vst v0  }
0x37: {  	[tilespmem:$0x4A40] =	vst v0  }
0x38: {  	[tilespmem:$0x4A50] =	vst v0  }
0x39: {  	[tilespmem:$0x4A60] =	vst v0  }
0x3a: {  	[tilespmem:$0x4A70] =	vst v0  }
0x3b: {  	[tilespmem:$0x4A80] =	vst v0  }
0x3c: {  	[tilespmem:$0x4A90] =	vst v0  }
0x3d: {  	[tilespmem:$0x4AA0] =	vst v0  }
0x3e: {  	[tilespmem:$0x4AB0] =	vst v0  }
0x3f: {  	[tilespmem:$0x4AC0] =	vst v0  }
0x40: {  	[tilespmem:$0x4AD0] =	vst v0  }
0x41: {  	[tilespmem:$0x4AE0] =	vst v0  }
0x42: {  	[tilespmem:$0x4AF0] =	vst v0  }
0x43: {  	[tilespmem:$0x4B00] =	vst v0  }
0x44: {  	[tilespmem:$0x4B10] =	vst v0  }
0x45: {  	[tilespmem:$0x4B20] =	vst v0  }
0x46: {  	[tilespmem:$0x4B30] =	vst v0  }
0x47: {  	[tilespmem:$0x4B40] =	vst v0  }
0x48: {  	[tilespmem:$0x4B50] =	vst v0  }
0x49: {  	[tilespmem:$0x4B60] =	vst v0  }
0x4a: {  	[tilespmem:$0x4B70] =	vst v0  }
0x4b: {  	[tilespmem:$0x4B80] =	vst v0  }
0x4c: {  	[tilespmem:$0x4B90] =	vst v0  }
0x4d: {  	[tilespmem:$0x4BA0] =	vst v0  }
0x4e: {  	[tilespmem:$0x4BB0] =	vst v0  }
0x4f: {  	[tilespmem:$0x4BC0] =	vst v0  }
0x50: {  	[tilespmem:$0x4BD0] =	vst v0  }
0x51: {  	[tilespmem:$0x4BE0] =	vst v0  }
0x52: {  	[tilespmem:$0x4BF0] =	vst v0  }
0x53: {  	[tilespmem:$0x4C00] =	vst v0  }
0x54: {  	[tilespmem:$0x4C10] =	vst v0  }
0x55: {  	[tilespmem:$0x4C20] =	vst v0  }
0x56: {  	[tilespmem:$0x4C30] =	vst v0  }
0x57: {  	[tilespmem:$0x4C40] =	vst v0  }
0x58: {  	[tilespmem:$0x4C50] =	vst v0  }
0x59: {  	[tilespmem:$0x4C60] =	vst v0  }
0x5a: {  	[tilespmem:$0x4C70] =	vst v0  }
0x5b: {  	[tilespmem:$0x4C80] =	vst v0  }
0x5c: {  	[tilespmem:$0x4C90] =	vst v0  }
0x5d: {  	[tilespmem:$0x4CA0] =	vst v0  }
0x5e: {  	[tilespmem:$0x4CB0] =	vst v0  }
0x5f: {  	[tilespmem:$0x4CC0] =	vst v0  }
0x60: {  	[tilespmem:$0x4CD0] =	vst v0  }
0x61: {  	[tilespmem:$0x4CE0] =	vst v0  }
0x62: {  	[tilespmem:$0x4CF0] =	vst v0  }
0x63: {  	[tilespmem:$0x4D00] =	vst v0  }
0x64: {  	[tilespmem:$0x4D10] =	vst v0  }
0x65: {  	[tilespmem:$0x4D20] =	vst v0  }
0x66: {  	[tilespmem:$0x4D30] =	vst v0  }
0x67: {  	[tilespmem:$0x4D40] =	vst v0  }
0x68: {  	[tilespmem:$0x4D50] =	vst v0  }
0x69: {  	[tilespmem:$0x4D60] =	vst v0  }
0x6a: {  	[tilespmem:$0x4D70] =	vst v0  }
0x6b: {  	[tilespmem:$0x4D80] =	vst v0  }
0x6c: {  	[tilespmem:$0x4D90] =	vst v0  }
0x6d: {  	[tilespmem:$0x4DA0] =	vst v0  }
0x6e: {  	[tilespmem:$0x4DB0] =	vst v0  }
0x6f: {  	[tilespmem:$0x4DC0] =	vst v0  }
0x70: {  	[tilespmem:$0x4DD0] =	vst v0  }
0x71: {  	[tilespmem:$0x4DE0] =	vst v0  }
0x72: {  	[tilespmem:$0x4DF0] =	vst v0  }
0x73: {  	[tilespmem:$0x4E00] =	vst v0  }
0x74: {  	[tilespmem:$0x4E10] =	vst v0  }
0x75: {  	[tilespmem:$0x4E20] =	vst v0  }
0x76: {  	[tilespmem:$0x4E30] =	vst v0  }
0x77: {  	[tilespmem:$0x4E40] =	vst v0  }
0x78: {  	[tilespmem:$0x4E50] =	vst v0  }
0x79: {  	[tilespmem:$0x4E60] =	vst v0  }
0x7a: {  	[tilespmem:$0x4E70] =	vst v0  }
0x7b: {  	[tilespmem:$0x4E80] =	vst v0  }
0x7c: {  	[tilespmem:$0x4E90] =	vst v0  }
0x7d: {  	[tilespmem:$0x4EA0] =	vst v0  }
0x7e: {  	[tilespmem:$0x4EB0] =	vst v0  }
0x7f: {  	[tilespmem:$0x4EC0] =	vst v0  }
0x80: {  	[tilespmem:$0x4ED0] =	vst v0  }
0x81: {  	[tilespmem:$0x4EE0] =	vst v0  }
0x82: {  	[tilespmem:$0x4EF0] =	vst v0  }
0x83: {  	[tilespmem:$0x4F00] =	vst v0  }
0x84: {  	[tilespmem:$0x4F10] =	vst v0  }
0x85: {  	[tilespmem:$0x4F20] =	vst v0  }
0x86: {  	[tilespmem:$0x4F30] =	vst v0  }
0x87: {  	[tilespmem:$0x4F40] =	vst v0  }
0x88: {  	[tilespmem:$0x4F50] =	vst v0  }
0x89: {  	[tilespmem:$0x4F60] =	vst v0  }
0x8a: {  	[tilespmem:$0x4F70] =	vst v0  }
0x8b: {  	[tilespmem:$0x4F80] =	vst v0  }
0x8c: {  	[tilespmem:$0x4F90] =	vst v0  }
0x8d: {  	[tilespmem:$0x4FA0] =	vst v0  }
0x8e: {  	[tilespmem:$0x4FB0] =	vst v0  }
0x8f: {  	[tilespmem:$0x4FC0] =	vst v0  }
0x90: {  	[tilespmem:$0x4FD0] =	vst v0  }
0x91: {  	[tilespmem:$0x4FE0] =	vst v0  }
0x92: {  	[tilespmem:$0x4FF0] =	vst v0;
	s1 =	sadd.s32 $0x0, s5  }
0x93: {  	[spmem:s1] =	stream.linear.scatter [tilespmem:s10], [sflag:$0x1], $0x800, $0x38;
	[tilespmem:$0x19000] =	vst v63  }
0x94: {  	s30 =	simm.s32 $0x2000;
	_ =	swait.ge [sflag:s11], $0x800  }
.LBB2_2:
0x95: {  	s1 =	sshra.s32 s30, $0x2;
	[sflag:s11] =	ssyncset.done $0x0;
	p0 =	sne.s32 s30, $0x4E000  }
.Ltmp0:
0x96: {  	s1 =	sadd.s32 s1, s5;
	[sflag:s11] =	ssyncadd.s32 $0xFFFFF800;
	(pc) =	sbr.rel @p0 .LBB2_2-.Ltmp0, $3  }
0x97: {  	[spmem:s1] =	stream.linear.scatter [tilespmem:s10], [sflag:$0x1], $0x800, $0x38;
	[tilespmem:$0x19000] =	vst v63  }
0x98: {  	s30 =	sadd.s32 $0x2000, s30;
	_ =	sdelay $0x1  }
0x99: {  	_ =	swait.ge [sflag:s11], $0x800  }
0x9a: {  	[sflag:s11] =	ssyncset.done $0x0  }
0x9b: {  	[sflag:s11] =	ssyncadd.s32 $0xFFFFF800  }
0x9c: {  	s1 =	sadd.s32 $0x0, s9;
	[bflag:$0x0] =	sbarrier.arrive $0xFFFF  }
0x9d: {  	[tilespmem:s3], [sflag:$0x1] =	stream.linear.gather [hbm4b:s1+s3], $0x400, $0x38;
	[tilespmem:$0x19000] =	vst v63  }
0x9e: {  	_ =	swait.ge [sflag:s11], $0x400  }
0x9f: {  	[sflag:s11] =	ssyncset.done $0x0  }
0xa0: {  	s6 =	sadd.s32 $0x0, s8;
	[sflag:s11] =	ssyncadd.s32 $0xFFFFFC00  }
0xa1: {  	[tilespmem:s12], [sflag:$0x1] =	stream.linear.gather [hbm4b:s6+s3], $0x400, $0x38;
	[tilespmem:$0x19000] =	vst v63  }
0xa2: {  	_ =	swait.ge [sflag:s11], $0x400  }
0xa3: {  	[sflag:s11] =	ssyncset.done $0x0  }
0xa4: {  	[sflag:s11] =	ssyncadd.s32 $0xFFFFFC00  }
0xa5: {  	[tilespmem:s14], [sflag:$0x1] =	stream.indirect.gather [hbm4b:s4+s13], $0x80, s3, s13, $0xb8;
	[tilespmem:$0x19000] =	vst v63  }
0xa6: {  	_ =	swait.ge [sflag:s11], $0x4000  }
0xa7: {  	[sflag:s11] =	ssyncset.done $0x0  }
0xa8: {  	[sflag:s11] =	ssyncadd.s32 $0xFFFFC000  }
0xa9: {  	[spmem:s2] =	stream.indirect.scatter.add.f32 [tilespmem:s14], [sflag:$0x1], $0x80, s12, s13, $0xb8;
	[tilespmem:$0x19000] =	vst v63  }
0xaa: {  	_ =	swait.ge [sflag:s11], $0x4000  }
0xab: {  	[sflag:s11] =	ssyncset.done $0x0  }
0xac: {  	[sflag:s11] =	ssyncadd.s32 $0xFFFFC000  }
0xad: {  	[tilespmem:s14], [sflag:$0x1] =	stream.indirect.gather [hbm4b:s4+s13], $0x80, s13, s13, $0xb8;
	[tilespmem:$0x19000] =	vst v63  }
0xae: {  	_ =	swait.ge [sflag:s11], $0x4000  }
0xaf: {  	[sflag:s11] =	ssyncset.done $0x0  }
0xb0: {  	[sflag:s11] =	ssyncadd.s32 $0xFFFFC000  }
0xb1: {  	[spmem:s2] =	stream.indirect.scatter.add.f32 [tilespmem:s14], [sflag:$0x1], $0x80, s15, s13, $0xb8;
	[tilespmem:$0x19000] =	vst v63  }
0xb2: {  	_ =	swait.ge [sflag:s11], $0x4000  }
0xb3: {  	[sflag:s11] =	ssyncset.done $0x0  }
0xb4: {  	[sflag:s11] =	ssyncadd.s32 $0xFFFFC000  }
0xb5: {  	[tilespmem:s14], [sflag:$0x1] =	stream.indirect.gather [hbm4b:s4+s13], $0x80, s16, s13, $0xb8;
	[tilespmem:$0x19000] =	vst v63  }
0xb6: {  	_ =	swait.ge [sflag:s11], $0x4000  }
0xb7: {  	[sflag:s11] =	ssyncset.done $0x0  }
0xb8: {  	[sflag:s11] =	ssyncadd.s32 $0xFFFFC000  }
0xb9: {  	[spmem:s2] =	stream.indirect.scatter.add.f32 [tilespmem:s14], [sflag:$0x1], $0x80, s17, s13, $0xb8;
	[tilespmem:$0x19000] =	vst v63  }
0xba: {  	_ =	swait.ge [sflag:s11], $0x4000  }
0xbb: {  	[sflag:s11] =	ssyncset.done $0x0  }
0xbc: {  	[sflag:s11] =	ssyncadd.s32 $0xFFFFC000  }
0xbd: {  	[tilespmem:s14], [sflag:$0x1] =	stream.indirect.gather [hbm4b:s4+s13], $0x80, s18, s13, $0xb8;
	[tilespmem:$0x19000] =	vst v63  }
0xbe: {  	_ =	swait.ge [sflag:s11], $0x4000  }
0xbf: {  	[sflag:s11] =	ssyncset.done $0x0  }
0xc0: {  	[sflag:s11] =	ssyncadd.s32 $0xFFFFC000  }
0xc1: {  	[spmem:s2] =	stream.indirect.scatter.add.f32 [tilespmem:s14], [sflag:$0x1], $0x80, s19, s13, $0xb8;
	[tilespmem:$0x19000] =	vst v63  }
0xc2: {  	_ =	swait.ge [sflag:s11], $0x4000  }
0xc3: {  	[sflag:s11] =	ssyncset.done $0x0  }
0xc4: {  	[sflag:s11] =	ssyncadd.s32 $0xFFFFC000  }
0xc5: {  	[tilespmem:s14], [sflag:$0x1] =	stream.indirect.gather [hbm4b:s4+s13], $0x80, s20, s13, $0xb8;
	[tilespmem:$0x19000] =	vst v63  }
0xc6: {  	_ =	swait.ge [sflag:s11], $0x4000  }
0xc7: {  	[sflag:s11] =	ssyncset.done $0x0  }
0xc8: {  	[sflag:s11] =	ssyncadd.s32 $0xFFFFC000  }
0xc9: {  	[spmem:s2] =	stream.indirect.scatter.add.f32 [tilespmem:s14], [sflag:$0x1], $0x80, s21, s13, $0xb8;
	[tilespmem:$0x19000] =	vst v63  }
0xca: {  	_ =	swait.ge [sflag:s11], $0x4000  }
0xcb: {  	[sflag:s11] =	ssyncset.done $0x0  }
0xcc: {  	[sflag:s11] =	ssyncadd.s32 $0xFFFFC000  }
0xcd: {  	[tilespmem:s14], [sflag:$0x1] =	stream.indirect.gather [hbm4b:s4+s13], $0x80, s22, s13, $0xb8;
	[tilespmem:$0x19000] =	vst v63  }
0xce: {  	_ =	swait.ge [sflag:s11], $0x4000  }
0xcf: {  	[sflag:s11] =	ssyncset.done $0x0  }
0xd0: {  	[sflag:s11] =	ssyncadd.s32 $0xFFFFC000  }
0xd1: {  	[spmem:s2] =	stream.indirect.scatter.add.f32 [tilespmem:s14], [sflag:$0x1], $0x80, s23, s13, $0xb8;
	[tilespmem:$0x19000] =	vst v63  }
0xd2: {  	_ =	swait.ge [sflag:s11], $0x4000  }
0xd3: {  	[sflag:s11] =	ssyncset.done $0x0  }
0xd4: {  	[sflag:s11] =	ssyncadd.s32 $0xFFFFC000  }
0xd5: {  	[tilespmem:s14], [sflag:$0x1] =	stream.indirect.gather [hbm4b:s4+s13], $0x80, s24, s13, $0xb8;
	[tilespmem:$0x19000] =	vst v63  }
0xd6: {  	_ =	swait.ge [sflag:s11], $0x4000  }
0xd7: {  	[sflag:s11] =	ssyncset.done $0x0  }
0xd8: {  	[sflag:s11] =	ssyncadd.s32 $0xFFFFC000  }
0xd9: {  	[spmem:s2] =	stream.indirect.scatter.add.f32 [tilespmem:s14], [sflag:$0x1], $0x80, s25, s13, $0xb8;
	[tilespmem:$0x19000] =	vst v63  }
0xda: {  	_ =	swait.ge [sflag:s11], $0x4000  }
0xdb: {  	[sflag:s11] =	ssyncset.done $0x0  }
0xdc: {  	[sflag:s11] =	ssyncadd.s32 $0xFFFFC000  }
0xdd: {  	[tilespmem:s14], [sflag:$0x1] =	stream.indirect.gather [hbm4b:s4+s13], $0x80, s26, s13, $0xb8;
	[tilespmem:$0x19000] =	vst v63  }
0xde: {  	_ =	swait.ge [sflag:s11], $0x4000  }
0xdf: {  	[sflag:s11] =	ssyncset.done $0x0  }
0xe0: {  	[sflag:s11] =	ssyncadd.s32 $0xFFFFC000  }
0xe1: {  	[spmem:s2] =	stream.indirect.scatter.add.f32 [tilespmem:s14], [sflag:$0x1], $0x80, s28, s13, $0xb8;
	[tilespmem:$0x19000] =	vst v63  }
0xe2: {  	_ =	swait.ge [sflag:s11], $0x4000  }
0xe3: {  	s30 =	simm.s32 $0x80;
	s31 =	simm.s32 $0x100;
	[sflag:s11] =	ssyncset.done $0x0  }
.LBB2_4:
0xe4: {  	s0 =	sadd.s32 s30, s9  }
0xe5: {  	[sflag:s11] =	ssyncadd.s32 $0xFFFFC000;
	s6 =	smov.u32 s31;
	s1 =	sadd.s32 $0x80, s31  }
0xe6: {  	[tilespmem:s3], [sflag:$0x1] =	stream.linear.gather [hbm4b:s0+s3], $0x400, $0x38;
	[tilespmem:$0x19000] =	vst v63  }
0xe7: {  	p0 =	sne.s32 s31, $0x480;
	_ =	swait.ge [sflag:s11], $0x400  }
0xe8: {  	[sflag:s11] =	ssyncset.done $0x0  }
0xe9: {  	s0 =	sadd.s32 s30, s8;
	s30 =	smov.u32 s6;
	[sflag:s11] =	ssyncadd.s32 $0xFFFFFC00  }
0xea: {  	[tilespmem:s12], [sflag:$0x1] =	stream.linear.gather [hbm4b:s0+s3], $0x400, $0x38;
	[tilespmem:$0x19000] =	vst v63  }
0xeb: {  	_ =	swait.ge [sflag:s11], $0x400  }
0xec: {  	[sflag:s11] =	ssyncset.done $0x0  }
0xed: {  	[sflag:s11] =	ssyncadd.s32 $0xFFFFFC00  }
0xee: {  	[tilespmem:s14], [sflag:$0x1] =	stream.indirect.gather [hbm4b:s4+s13], $0x80, s3, s13, $0xb8;
	[tilespmem:$0x19000] =	vst v63  }
0xef: {  	_ =	swait.ge [sflag:s11], $0x4000  }
0xf0: {  	[sflag:s11] =	ssyncset.done $0x0  }
0xf1: {  	[sflag:s11] =	ssyncadd.s32 $0xFFFFC000  }
0xf2: {  	[spmem:s2] =	stream.indirect.scatter.add.f32 [tilespmem:s14], [sflag:$0x1], $0x80, s12, s13, $0xb8;
	[tilespmem:$0x19000] =	vst v63  }
0xf3: {  	_ =	swait.ge [sflag:s11], $0x4000  }
0xf4: {  	[sflag:s11] =	ssyncset.done $0x0  }
0xf5: {  	[sflag:s11] =	ssyncadd.s32 $0xFFFFC000  }
0xf6: {  	[tilespmem:s14], [sflag:$0x1] =	stream.indirect.gather [hbm4b:s4+s13], $0x80, s13, s13, $0xb8;
	[tilespmem:$0x19000] =	vst v63  }
0xf7: {  	_ =	swait.ge [sflag:s11], $0x4000  }
0xf8: {  	[sflag:s11] =	ssyncset.done $0x0  }
0xf9: {  	[sflag:s11] =	ssyncadd.s32 $0xFFFFC000  }
0xfa: {  	[spmem:s2] =	stream.indirect.scatter.add.f32 [tilespmem:s14], [sflag:$0x1], $0x80, s15, s13, $0xb8;
	[tilespmem:$0x19000] =	vst v63  }
0xfb: {  	_ =	swait.ge [sflag:s11], $0x4000  }
0xfc: {  	[sflag:s11] =	ssyncset.done $0x0  }
0xfd: {  	[sflag:s11] =	ssyncadd.s32 $0xFFFFC000  }
0xfe: {  	[tilespmem:s14], [sflag:$0x1] =	stream.indirect.gather [hbm4b:s4+s13], $0x80, s16, s13, $0xb8;
	[tilespmem:$0x19000] =	vst v63  }
0xff: {  	_ =	swait.ge [sflag:s11], $0x4000  }
0x100: {  	[sflag:s11] =	ssyncset.done $0x0  }
0x101: {  	[sflag:s11] =	ssyncadd.s32 $0xFFFFC000  }
0x102: {  	[spmem:s2] =	stream.indirect.scatter.add.f32 [tilespmem:s14], [sflag:$0x1], $0x80, s17, s13, $0xb8;
	[tilespmem:$0x19000] =	vst v63  }
0x103: {  	_ =	swait.ge [sflag:s11], $0x4000  }
0x104: {  	[sflag:s11] =	ssyncset.done $0x0  }
0x105: {  	[sflag:s11] =	ssyncadd.s32 $0xFFFFC000  }
0x106: {  	[tilespmem:s14], [sflag:$0x1] =	stream.indirect.gather [hbm4b:s4+s13], $0x80, s18, s13, $0xb8;
	[tilespmem:$0x19000] =	vst v63  }
0x107: {  	_ =	swait.ge [sflag:s11], $0x4000  }
0x108: {  	[sflag:s11] =	ssyncset.done $0x0  }
0x109: {  	[sflag:s11] =	ssyncadd.s32 $0xFFFFC000  }
0x10a: {  	[spmem:s2] =	stream.indirect.scatter.add.f32 [tilespmem:s14], [sflag:$0x1], $0x80, s19, s13, $0xb8;
	[tilespmem:$0x19000] =	vst v63  }
0x10b: {  	_ =	swait.ge [sflag:s11], $0x4000  }
0x10c: {  	[sflag:s11] =	ssyncset.done $0x0  }
0x10d: {  	[sflag:s11] =	ssyncadd.s32 $0xFFFFC000  }
0x10e: {  	[tilespmem:s14], [sflag:$0x1] =	stream.indirect.gather [hbm4b:s4+s13], $0x80, s20, s13, $0xb8;
	[tilespmem:$0x19000] =	vst v63  }
0x10f: {  	_ =	swait.ge [sflag:s11], $0x4000  }
0x110: {  	[sflag:s11] =	ssyncset.done $0x0  }
0x111: {  	[sflag:s11] =	ssyncadd.s32 $0xFFFFC000  }
0x112: {  	[spmem:s2] =	stream.indirect.scatter.add.f32 [tilespmem:s14], [sflag:$0x1], $0x80, s21, s13, $0xb8;
	[tilespmem:$0x19000] =	vst v63  }
0x113: {  	_ =	swait.ge [sflag:s11], $0x4000  }
0x114: {  	[sflag:s11] =	ssyncset.done $0x0  }
0x115: {  	[sflag:s11] =	ssyncadd.s32 $0xFFFFC000  }
0x116: {  	[tilespmem:s14], [sflag:$0x1] =	stream.indirect.gather [hbm4b:s4+s13], $0x80, s22, s13, $0xb8;
	[tilespmem:$0x19000] =	vst v63  }
0x117: {  	_ =	swait.ge [sflag:s11], $0x4000  }
0x118: {  	[sflag:s11] =	ssyncset.done $0x0  }
0x119: {  	[sflag:s11] =	ssyncadd.s32 $0xFFFFC000  }
0x11a: {  	[spmem:s2] =	stream.indirect.scatter.add.f32 [tilespmem:s14], [sflag:$0x1], $0x80, s23, s13, $0xb8;
	[tilespmem:$0x19000] =	vst v63  }
0x11b: {  	_ =	swait.ge [sflag:s11], $0x4000  }
0x11c: {  	[sflag:s11] =	ssyncset.done $0x0  }
0x11d: {  	[sflag:s11] =	ssyncadd.s32 $0xFFFFC000  }
0x11e: {  	[tilespmem:s14], [sflag:$0x1] =	stream.indirect.gather [hbm4b:s4+s13], $0x80, s24, s13, $0xb8;
	[tilespmem:$0x19000] =	vst v63  }
0x11f: {  	_ =	swait.ge [sflag:s11], $0x4000  }
0x120: {  	[sflag:s11] =	ssyncset.done $0x0  }
0x121: {  	[sflag:s11] =	ssyncadd.s32 $0xFFFFC000  }
0x122: {  	[spmem:s2] =	stream.indirect.scatter.add.f32 [tilespmem:s14], [sflag:$0x1], $0x80, s25, s13, $0xb8;
	[tilespmem:$0x19000] =	vst v63  }
0x123: {  	_ =	swait.ge [sflag:s11], $0x4000  }
0x124: {  	[sflag:s11] =	ssyncset.done $0x0  }
0x125: {  	[sflag:s11] =	ssyncadd.s32 $0xFFFFC000  }
0x126: {  	[tilespmem:s14], [sflag:$0x1] =	stream.indirect.gather [hbm4b:s4+s13], $0x80, s26, s13, $0xb8;
	[tilespmem:$0x19000] =	vst v63  }
0x127: {  	_ =	swait.ge [sflag:s11], $0x4000  }
.Ltmp1:
0x128: {  	[sflag:s11] =	ssyncset.done $0x0;
	(pc) =	sbr.rel @p0 .LBB2_4-.Ltmp1, $4  }
0x129: {  	[sflag:s11] =	ssyncadd.s32 $0xFFFFC000  }
0x12a: {  	[spmem:s2] =	stream.indirect.scatter.add.f32 [tilespmem:s14], [sflag:$0x1], $0x80, s28, s13, $0xb8;
	[tilespmem:$0x19000] =	vst v63  }
0x12b: {  	_ =	swait.ge [sflag:s11], $0x4000  }
0x12c: {  	s31 =	smov.u32 s1;
	[sflag:s11] =	ssyncset.done $0x0  }
0x12d: {  	s0 =	sadd.s32 s30, s9;
	[sflag:s11] =	ssyncadd.s32 $0xFFFFC000  }
0x12e: {  	[tilespmem:s3], [sflag:$0x1] =	stream.linear.gather [hbm4b:s0+s3], $0x400, $0x38;
	[tilespmem:$0x19000] =	vst v63  }
0x12f: {  	_ =	swait.ge [sflag:s11], $0x400  }
0x130: {  	[sflag:s11] =	ssyncset.done $0x0  }
0x131: {  	s30 =	sadd.s32 s30, s8;
	[sflag:s11] =	ssyncadd.s32 $0xFFFFFC00  }
0x132: {  	[tilespmem:s12], [sflag:$0x1] =	stream.linear.gather [hbm4b:s30+s3], $0x400, $0x38;
	[tilespmem:$0x19000] =	vst v63  }
0x133: {  	_ =	swait.ge [sflag:s11], $0x400  }
0x134: {  	[sflag:s11] =	ssyncset.done $0x0  }
0x135: {  	[sflag:s11] =	ssyncadd.s32 $0xFFFFFC00  }
0x136: {  	[tilespmem:s14], [sflag:$0x1] =	stream.indirect.gather [hbm4b:s4+s13], $0x80, s3, s13, $0xb8;
	[tilespmem:$0x19000] =	vst v63  }
0x137: {  	_ =	swait.ge [sflag:s11], $0x4000  }
0x138: {  	[sflag:s11] =	ssyncset.done $0x0  }
0x139: {  	[sflag:s11] =	ssyncadd.s32 $0xFFFFC000  }
0x13a: {  	[spmem:s2] =	stream.indirect.scatter.add.f32 [tilespmem:s14], [sflag:$0x1], $0x80, s12, s13, $0xb8;
	[tilespmem:$0x19000] =	vst v63  }
0x13b: {  	_ =	swait.ge [sflag:s11], $0x4000  }
0x13c: {  	[sflag:s11] =	ssyncset.done $0x0  }
0x13d: {  	[sflag:s11] =	ssyncadd.s32 $0xFFFFC000  }
0x13e: {  	[tilespmem:s14], [sflag:$0x1] =	stream.indirect.gather [hbm4b:s4+s13], $0x80, s13, s13, $0xb8;
	[tilespmem:$0x19000] =	vst v63  }
0x13f: {  	_ =	swait.ge [sflag:s11], $0x4000  }
0x140: {  	[sflag:s11] =	ssyncset.done $0x0  }
0x141: {  	[sflag:s11] =	ssyncadd.s32 $0xFFFFC000  }
0x142: {  	[spmem:s2] =	stream.indirect.scatter.add.f32 [tilespmem:s14], [sflag:$0x1], $0x80, s15, s13, $0xb8;
	[tilespmem:$0x19000] =	vst v63  }
0x143: {  	_ =	swait.ge [sflag:s11], $0x4000  }
0x144: {  	[sflag:s11] =	ssyncset.done $0x0  }
0x145: {  	[sflag:s11] =	ssyncadd.s32 $0xFFFFC000  }
0x146: {  	[tilespmem:s14], [sflag:$0x1] =	stream.indirect.gather [hbm4b:s4+s13], $0x80, s16, s13, $0xb8;
	[tilespmem:$0x19000] =	vst v63  }
0x147: {  	_ =	swait.ge [sflag:s11], $0x4000  }
0x148: {  	[sflag:s11] =	ssyncset.done $0x0  }
0x149: {  	[sflag:s11] =	ssyncadd.s32 $0xFFFFC000  }
0x14a: {  	[spmem:s2] =	stream.indirect.scatter.add.f32 [tilespmem:s14], [sflag:$0x1], $0x80, s17, s13, $0xb8;
	[tilespmem:$0x19000] =	vst v63  }
0x14b: {  	_ =	swait.ge [sflag:s11], $0x4000  }
0x14c: {  	[sflag:s11] =	ssyncset.done $0x0  }
0x14d: {  	[sflag:s11] =	ssyncadd.s32 $0xFFFFC000  }
0x14e: {  	[tilespmem:s14], [sflag:$0x1] =	stream.indirect.gather [hbm4b:s4+s13], $0x80, s18, s13, $0xb8;
	[tilespmem:$0x19000] =	vst v63  }
0x14f: {  	_ =	swait.ge [sflag:s11], $0x4000  }
0x150: {  	[sflag:s11] =	ssyncset.done $0x0  }
0x151: {  	[sflag:s11] =	ssyncadd.s32 $0xFFFFC000  }
0x152: {  	[spmem:s2] =	stream.indirect.scatter.add.f32 [tilespmem:s14], [sflag:$0x1], $0x80, s19, s13, $0xb8;
	[tilespmem:$0x19000] =	vst v63  }
0x153: {  	_ =	swait.ge [sflag:s11], $0x4000  }
0x154: {  	[sflag:s11] =	ssyncset.done $0x0  }
0x155: {  	[sflag:s11] =	ssyncadd.s32 $0xFFFFC000  }
0x156: {  	[tilespmem:s14], [sflag:$0x1] =	stream.indirect.gather [hbm4b:s4+s13], $0x80, s20, s13, $0xb8;
	[tilespmem:$0x19000] =	vst v63  }
0x157: {  	_ =	swait.ge [sflag:s11], $0x4000  }
0x158: {  	[sflag:s11] =	ssyncset.done $0x0  }
0x159: {  	[sflag:s11] =	ssyncadd.s32 $0xFFFFC000  }
0x15a: {  	[spmem:s2] =	stream.indirect.scatter.add.f32 [tilespmem:s14], [sflag:$0x1], $0x80, s21, s13, $0xb8;
	[tilespmem:$0x19000] =	vst v63  }
0x15b: {  	_ =	swait.ge [sflag:s11], $0x4000  }
0x15c: {  	[sflag:s11] =	ssyncset.done $0x0  }
0x15d: {  	[sflag:s11] =	ssyncadd.s32 $0xFFFFC000  }
0x15e: {  	[tilespmem:s14], [sflag:$0x1] =	stream.indirect.gather [hbm4b:s4+s13], $0x80, s22, s13, $0xb8;
	[tilespmem:$0x19000] =	vst v63  }
0x15f: {  	_ =	swait.ge [sflag:s11], $0x4000  }
0x160: {  	[sflag:s11] =	ssyncset.done $0x0  }
0x161: {  	[sflag:s11] =	ssyncadd.s32 $0xFFFFC000  }
0x162: {  	[spmem:s2] =	stream.indirect.scatter.add.f32 [tilespmem:s14], [sflag:$0x1], $0x80, s23, s13, $0xb8;
	[tilespmem:$0x19000] =	vst v63  }
0x163: {  	_ =	swait.ge [sflag:s11], $0x4000  }
0x164: {  	[sflag:s11] =	ssyncset.done $0x0  }
0x165: {  	[sflag:s11] =	ssyncadd.s32 $0xFFFFC000  }
0x166: {  	[tilespmem:s14], [sflag:$0x1] =	stream.indirect.gather [hbm4b:s4+s13], $0x80, s24, s13, $0xb8;
	[tilespmem:$0x19000] =	vst v63  }
0x167: {  	_ =	swait.ge [sflag:s11], $0x4000  }
0x168: {  	[sflag:s11] =	ssyncset.done $0x0  }
0x169: {  	[sflag:s11] =	ssyncadd.s32 $0xFFFFC000  }
0x16a: {  	[spmem:s2] =	stream.indirect.scatter.add.f32 [tilespmem:s14], [sflag:$0x1], $0x80, s25, s13, $0xb8;
	[tilespmem:$0x19000] =	vst v63  }
0x16b: {  	_ =	swait.ge [sflag:s11], $0x4000  }
0x16c: {  	[sflag:s11] =	ssyncset.done $0x0  }
0x16d: {  	[sflag:s11] =	ssyncadd.s32 $0xFFFFC000  }
0x16e: {  	[tilespmem:s14], [sflag:$0x1] =	stream.indirect.gather [hbm4b:s4+s13], $0x80, s26, s13, $0xb8;
	[tilespmem:$0x19000] =	vst v63  }
0x16f: {  	_ =	swait.ge [sflag:s11], $0x4000  }
0x170: {  	[sflag:s11] =	ssyncset.done $0x0  }
0x171: {  	[sflag:s11] =	ssyncadd.s32 $0xFFFFC000  }
0x172: {  	[spmem:s2] =	stream.indirect.scatter.add.f32 [tilespmem:s14], [sflag:$0x1], $0x80, s28, s13, $0xb8;
	[tilespmem:$0x19000] =	vst v63  }
0x173: {  	_ =	swait.ge [sflag:s11], $0x4000  }
0x174: {  	s31 =	stileid.u32;
	[sflag:s11] =	ssyncset.done $0x0  }
0x175: {  	s1 =	sshrl.u32 s5, $0x3;
	s29 =	sadd.s32 $0x1, s29;
	[sflag:s11] =	ssyncadd.s32 $0xFFFFC000  }
0x176: {  	s0 =	sshll.u32 s31, $0x6;
	p0 =	sne.s32 s29, s7;
	[bflag:$0x0] =	sbarrier.arrive $0xFFFF  }
.Ltmp2:
0x177: {  	s0 =	sor.u32 $0x1C01, s0;
	s6 =	rddreg [dreg:$0x4];
	(pc) =	sbr.rel @p0 .LBB2_1-.Ltmp2, $4  }
0x178: {  	[hbm:s6], [sflag:s0] =	dma.local [spmem:s1], $0x2800  }
0x179: {  	_ =	swait.ge [sflag:s11], $0x2800  }
0x17a: {  	[sflag:s11] =	ssyncset.done $0x0  }
0x17b: {  	[sflag:s11] =	ssyncadd.s32 $0xFFFFD800  }
0x17c: {  	_ =	sfence.sel $0x180000  }
0x17d: {  	[bflag:$0x0] =	sbarrier.arrive $0xFFFF  }
0x17e: {  	_ =	strace $0x9000004A  }
0x17f: {  	s0 =	stileid.u32;
	[bflag:$0x2] =	sbarrier.arrive $0xFFFF  }
0x180: {  	p0 =	sne.s32 s0, $0x0;
	s0 =	rddreg [dreg:$0x3]  }
0x181: {  	s0 =	sadd.s32 @!p0 $0x100000, s0  }
0x182: {  	[sflag:s0] =	ssyncadd.tile.s32 @!p0 $0x1;
	_ =	shalt  }
.Lfunc_end2:
_tile_overlayer_lowered:
.L_overlay_start_2:
0x183: {  	(tag) =	ssettag $0x2  }
0x184: {  	s0 =	rddreg [dreg:$0x0];
	s2 =	stileid.u32  }
0x185: {  	s1 =	rddreg [dreg:$0x1];
	p0 =	sne.s32 s2, $0x0  }
0x186: {  	s3 =	rddreg [dreg:$0x2];
	[bflag:$0x3] =	sbarrier.arrive $0xFFFF;
	s2 =	simm.s32 @!p0 $0x1C01  }
0x187: {  	[timem:s3], [sflag:s2] =	dma.local @!p0 [hbm:s0], s1  }
0x188: {  	s0 =	simm.s32 @!p0 $0x1  }
0x189: {  	_ =	swait.ge @!p0 [sflag:s0], s1  }
0x18a: {  	s1 =	ssub.s32 @!p0 $0x0, s1;
	[sflag:s0] =	ssyncset.done @!p0 $0x0  }
0x18b: {  	[sflag:s0] =	ssyncadd.s32 @!p0 s1  }
0x18c: {  	[bflag:$0x3] =	sbarrier.arrive $0xFFFF  }
0x18d: {  	_ =	shalt  }

</sc_bundles>
